<compile_context>
chip_gen: v7x
topology: tpu7x:2x2x1
jax: 0.10.2.dev20260603
libtpu: 0.0.44.dev20260713+nightly
codegen_flags: <defaults>
</compile_context>

<pallas_src>
import functools

import jax
import jax.numpy as jnp
from jax import lax
from jax.experimental import pallas as pl
from jax.experimental.pallas import tpu as pltpu
from jax.experimental.pallas import tpu_sc as plsc

_NC = 2
_NS = 16
_NW = _NC * _NS
_CHUNK = 128
_F = 8
_INNER = 12


def _round_up(v, m):
    return (v + m - 1) // m * m


def _make_deg_kernel(n_pad, e_pad):
    nb = e_pad // (_CHUNK * _NW)
    ng = nb // _INNER
    rpt = n_pad // _NS
    mesh = plsc.VectorSubcoreMesh(core_axis_name="c", subcore_axis_name="s",
                                  num_cores=_NC, num_subcores=_NS)

    @functools.partial(
        pl.kernel,
        out_type=jax.ShapeDtypeStruct((_NC * n_pad, _F), jnp.float32),
        mesh=mesh,
        scratch_types=[
            pltpu.VMEM((2, _INNER, _CHUNK), jnp.int32),
            pltpu.VMEM((_CHUNK, _F), jnp.float32),
            pltpu.VMEM_SHARED((n_pad, _F), jnp.float32),
            pltpu.SemaphoreType.DMA,
            pltpu.SemaphoreType.DMA,
        ],
        compiler_params=pltpu.CompilerParams(use_tc_tiling_on_sc=False),
    )
    def deg_kernel(dst_hbm, zeros_hbm, ones_hbm, out_hbm, didx, obuf, acc,
                   isem, ssem):
        c = lax.axis_index("c")
        s = lax.axis_index("s")
        wid = c * _NS + s
        pltpu.sync_copy(ones_hbm, obuf)
        pltpu.sync_copy(zeros_hbm, acc.at[pl.ds(s * rpt, rpt)])
        plsc.subcore_barrier()
        base = wid * nb
        pltpu.async_copy(dst_hbm.at[pl.ds(base, _INNER)], didx.at[0], isem)

        def group(g, _):
            p = lax.rem(g, 2)

            @pl.when(g >= 1)
            def _drain_prev():
                for j in range(_INNER):
                    pltpu.make_async_copy(
                        obuf, acc.at[didx.at[1 - p, j]], ssem).wait()

            @pl.when(g + 1 < ng)
            def _prefetch():
                pltpu.async_copy(
                    dst_hbm.at[pl.ds(base + (g + 1) * _INNER, _INNER)],
                    didx.at[1 - p], isem)

            pltpu.make_async_copy(
                dst_hbm.at[pl.ds(base, _INNER)], didx.at[p], isem).wait()
            for j in range(_INNER):
                pltpu.async_copy(obuf, acc.at[didx.at[p, j]], ssem, add=True)
            return _

        lax.fori_loop(0, ng, group, None)
        pf = lax.rem(ng - 1, 2)
        for j in range(_INNER):
            pltpu.make_async_copy(obuf, acc.at[didx.at[pf, j]], ssem).wait()
        plsc.subcore_barrier()
        pltpu.sync_copy(acc.at[pl.ds(s * rpt, rpt)],
                        out_hbm.at[pl.ds((c * _NS + s) * rpt, rpt)])

    return deg_kernel


def _make_edge_kernel(n_pad, e_pad):
    nb = e_pad // (_CHUNK * _NW)
    ng = nb // _INNER
    rpt = n_pad // _NS
    mesh = plsc.VectorSubcoreMesh(core_axis_name="c", subcore_axis_name="s",
                                  num_cores=_NC, num_subcores=_NS)

    @functools.partial(
        pl.kernel,
        out_type=jax.ShapeDtypeStruct((_NC * n_pad, _F), jnp.float32),
        mesh=mesh,
        scratch_types=[
            pltpu.VMEM((2, _INNER, _CHUNK), jnp.int32),
            pltpu.VMEM((2, _INNER, _CHUNK), jnp.int32),
            pltpu.VMEM((2, _INNER, _CHUNK, _F), jnp.float32),
            pltpu.VMEM_SHARED((n_pad, _F), jnp.float32),
            pltpu.VMEM_SHARED((n_pad, _F), jnp.float32),
            pltpu.SemaphoreType.DMA,
            pltpu.SemaphoreType.DMA,
            pltpu.SemaphoreType.DMA,
        ],
        compiler_params=pltpu.CompilerParams(use_tc_tiling_on_sc=False),
    )
    def edge_kernel(vals_hbm, src_hbm, dst_hbm, zeros_hbm, out_hbm,
                    sidx, didx, grows, acc, shvals, isem, gsem, ssem):
        c = lax.axis_index("c")
        s = lax.axis_index("s")
        wid = c * _NS + s
        pltpu.sync_copy(vals_hbm.at[pl.ds(s * rpt, rpt)],
                        shvals.at[pl.ds(s * rpt, rpt)])
        pltpu.sync_copy(zeros_hbm, acc.at[pl.ds(s * rpt, rpt)])
        plsc.subcore_barrier()
        base = wid * nb
        pltpu.async_copy(src_hbm.at[pl.ds(base, _INNER)], sidx.at[0], isem)
        pltpu.async_copy(dst_hbm.at[pl.ds(base, _INNER)], didx.at[0], isem)

        def group(g, _):
            p = lax.rem(g, 2)

            @pl.when(g >= 1)
            def _drain_prev():
                for j in range(_INNER):
                    pltpu.make_async_copy(
                        grows.at[1 - p, j], acc.at[didx.at[1 - p, j]],
                        ssem).wait()

            @pl.when(g + 1 < ng)
            def _prefetch():
                off = base + (g + 1) * _INNER
                pltpu.async_copy(src_hbm.at[pl.ds(off, _INNER)],
                                 sidx.at[1 - p], isem)
                pltpu.async_copy(dst_hbm.at[pl.ds(off, _INNER)],
                                 didx.at[1 - p], isem)

            pltpu.make_async_copy(
                src_hbm.at[pl.ds(base, _INNER)], sidx.at[p], isem).wait()
            pltpu.make_async_copy(
                dst_hbm.at[pl.ds(base, _INNER)], didx.at[p], isem).wait()
            for j in range(_INNER):
                pltpu.async_copy(shvals.at[sidx.at[p, j]],
                                 grows.at[p, j], gsem)
            for j in range(_INNER):
                pltpu.make_async_copy(shvals.at[sidx.at[p, j]],
                                      grows.at[p, j], gsem).wait()
                pltpu.async_copy(grows.at[p, j], acc.at[didx.at[p, j]],
                                 ssem, add=True)
            return _

        lax.fori_loop(0, ng, group, None)
        pf = lax.rem(ng - 1, 2)
        for j in range(_INNER):
            pltpu.make_async_copy(
                grows.at[pf, j], acc.at[didx.at[pf, j]], ssem).wait()
        plsc.subcore_barrier()
        pltpu.sync_copy(acc.at[pl.ds(s * rpt, rpt)],
                        out_hbm.at[pl.ds((c * _NS + s) * rpt, rpt)])

    return edge_kernel


def _tc_norm(d0_ref, d1_ref, x8_ref, dinv_ref, ys_ref):
    deg = d0_ref[...] + d1_ref[...] + 1.0
    dinv = lax.rsqrt(deg)
    dinv_ref[...] = dinv
    ys_ref[...] = x8_ref[...] * dinv


def _tc_mid(a0_ref, a1_ref, ys_ref, dinv_ref, bd1_ref, b1t_ref, bd2_ref,
            qs_ref):
    agg = (a0_ref[...] + a1_ref[...] + ys_ref[...]) * dinv_ref[...]
    h = jnp.maximum(
        jnp.dot(agg, bd1_ref[...], preferred_element_type=jnp.float32)
        + b1t_ref[...], 0.0)
    q = jnp.dot(h, bd2_ref[...], preferred_element_type=jnp.float32)
    qs_ref[...] = q * dinv_ref[...]


def _tc_final(c0_ref, c1_ref, qs_ref, dinv_ref, b2t_ref, out_ref):
    out_ref[...] = ((c0_ref[...] + c1_ref[...] + qs_ref[...])
                    * dinv_ref[...] + b2t_ref[...])


def kernel(x, edge_index, W1, b1, W2, b2):
    n = x.shape[0]
    e = edge_index.shape[1]
    f_in = x.shape[1]
    f_hid = W1.shape[1]
    f_out = W2.shape[1]
    n_pad = _round_up(n, 2048)
    e_pad = _round_up(e, _CHUNK * _INNER * _NW)
    rpt = n_pad // _NS
    m = n_pad * _F // 128
    npl = 128 // _F

    src = edge_index[0].astype(jnp.int32)
    dst = edge_index[1].astype(jnp.int32)
    src_p = jnp.concatenate(
        [src, jnp.zeros((e_pad - e,), jnp.int32)]).reshape(e_pad // _CHUNK, _CHUNK)
    dst_p = jnp.concatenate(
        [dst, jnp.full((e_pad - e,), n, jnp.int32)]).reshape(e_pad // _CHUNK, _CHUNK)
    x8 = jnp.zeros((n_pad, _F), jnp.float32).at[:n, :f_in].set(x)

    zeros8 = jnp.zeros((rpt, _F), jnp.float32)
    ones8 = jnp.ones((_CHUNK, _F), jnp.float32)

    w1p = jnp.zeros((_F, f_hid), jnp.float32).at[:f_in].set(W1)
    w2p = jnp.zeros((f_hid, _F), jnp.float32).at[:, :f_out].set(W2)
    bd1 = jnp.kron(jnp.eye(npl, dtype=jnp.float32), w1p)
    bd2 = jnp.kron(jnp.eye(npl, dtype=jnp.float32), w2p)
    b1t = jnp.tile(b1, npl).reshape(1, npl * f_hid)
    b2t = jnp.tile(jnp.zeros((_F,), jnp.float32).at[:f_out].set(b2),
                   npl).reshape(1, 128)

    def _half(i):
        return pl.BlockSpec((m, 128), lambda g, i=i: (i, 0))

    def _fb(shape):
        return pl.BlockSpec(shape, lambda g: (0, 0))

    deg_parts = _make_deg_kernel(n_pad, e_pad)(dst_p, zeros8, ones8)
    degf = deg_parts.reshape(2 * m, 128)

    dinvf, ysf = pl.pallas_call(
        _tc_norm,
        grid=(1,),
        in_specs=[_half(0), _half(1), _fb((m, 128))],
        out_specs=[_fb((m, 128)), _fb((m, 128))],
        out_shape=[jax.ShapeDtypeStruct((m, 128), jnp.float32),
                   jax.ShapeDtypeStruct((m, 128), jnp.float32)],
    )(degf, degf, x8.reshape(m, 128))

    a_parts = _make_edge_kernel(n_pad, e_pad)(ysf.reshape(n_pad, _F),
                                              src_p, dst_p, zeros8)

    qsf = pl.pallas_call(
        _tc_mid,
        grid=(1,),
        in_specs=[_half(0), _half(1), _fb((m, 128)), _fb((m, 128)),
                  _fb(bd1.shape), _fb(b1t.shape), _fb(bd2.shape)],
        out_specs=_fb((m, 128)),
        out_shape=jax.ShapeDtypeStruct((m, 128), jnp.float32),
    )(a_parts.reshape(2 * m, 128), a_parts.reshape(2 * m, 128), ysf, dinvf,
      bd1, b1t, bd2)

    c_parts = _make_edge_kernel(n_pad, e_pad)(qsf.reshape(n_pad, _F),
                                              src_p, dst_p, zeros8)

    outf = pl.pallas_call(
        _tc_final,
        grid=(1,),
        in_specs=[_half(0), _half(1), _fb((m, 128)), _fb((m, 128)),
                  _fb(b2t.shape)],
        out_specs=_fb((m, 128)),
        out_shape=jax.ShapeDtypeStruct((m, 128), jnp.float32),
    )(c_parts.reshape(2 * m, 128), c_parts.reshape(2 * m, 128), qsf, dinvf,
      b2t)
    return outf.reshape(n_pad, _F)[:n, :f_out]

# --- scband reference (transcript-rebuilt; emitter-appended) ---
"""Pipeline reference for scband-gcn-17600775979857 (READ-ONLY COPY).

The authoritative reference and input builder live on the scoring server;
editing this copy changes nothing except your own understanding.
"""

import jax, jax.numpy as jnp
import numpy as np


def gcn_conv(x, edge_index, W, b):
    # PyG-style GCNConv: add self-loops, symmetric normalization, linear transform, scatter-add aggregation
    N = x.shape[0]
    loop = jnp.arange(N, dtype=edge_index.dtype)
    src = jnp.concatenate([edge_index[0], loop])
    dst = jnp.concatenate([edge_index[1], loop])
    ones = jnp.ones(src.shape[0], dtype=x.dtype)
    deg = jax.ops.segment_sum(ones, dst, num_segments=N)
    deg_inv_sqrt = jnp.where(deg > 0, 1.0 / jnp.sqrt(deg), 0.0)
    norm = deg_inv_sqrt[src] * deg_inv_sqrt[dst]
    h = x @ W
    msgs = h[src] * norm[:, None]
    out = jax.ops.segment_sum(msgs, dst, num_segments=N)
    return out + b


def setup_inputs(seed: int = 0) -> dict:
    key = jax.random.key(seed)
    ks = jax.random.split(key, 6)
    N, E = 100000, 3200000
    x = jax.random.normal(ks[0], (N, 4), dtype=jnp.float32)
    edge_index = jax.random.randint(ks[1], (2, E), 0, N, dtype=jnp.int32)
    # GCNConv(4, 16) params (glorot init)
    W1 = jax.random.normal(ks[2], (4, 16), dtype=jnp.float32) * (2.0 / (4 + 16)) ** 0.5
    b1 = jnp.zeros((16,), dtype=jnp.float32)
    # GCNConv(16, 2) params
    W2 = jax.random.normal(ks[3], (16, 2), dtype=jnp.float32) * (2.0 / (16 + 2)) ** 0.5
    b2 = jnp.zeros((2,), dtype=jnp.float32)
    return {"x": x, "edge_index": edge_index, "W1": W1, "b1": b1, "W2": W2, "b2": b2}


def reference(x, edge_index, W1, b1, W2, b2):
    h = jax.nn.relu(gcn_conv(x, edge_index, W1, b1))
    out = gcn_conv(h, edge_index, W2, b2)
    return out

if __name__ == "__main__":
    import jax
    _d = setup_inputs()
    print(jax.jit(kernel)(*tuple(_d.values())))

</pallas_src>

<mosaic_0001>
#map = affine_map<(d0, d1) -> (0, 0)>
module attributes {stable_mosaic.version = 14 : i64} {
  func.func @deg_kernel(%arg0: i32, %arg1: i32, %arg2: memref<25344x128xi32, #tpu.memory_space<hbm>>, %arg3: memref<6272x8xf32, #tpu.memory_space<hbm>>, %arg4: memref<128x8xf32, #tpu.memory_space<hbm>>, %arg5: memref<200704x8xf32, #tpu.memory_space<hbm>>, %arg6: memref<2x12x128xi32, #tpu.memory_space<vmem>>, %arg7: memref<128x8xf32, #tpu.memory_space<vmem>>, %arg8: memref<100352x8xf32, #tpu.memory_space<vmem_shared>>, %arg9: memref<!tpu.dma_semaphore, #tpu.memory_space<semaphore_mem>>, %arg10: memref<!tpu.dma_semaphore, #tpu.memory_space<semaphore_mem>>) attributes {dimension_semantics = [#tpu.dimension_semantics<core_parallel>, #tpu.dimension_semantics<subcore_parallel>], iteration_bounds = array<i64: 2, 16>, scalar_prefetch = 0 : i64, scratch_operands = 5 : i64, tpu.core_type = #tpu.core_type<sc_vector_subcore>, window_params = [{transform_indices = #map}, {transform_indices = #map}, {transform_indices = #map}, {transform_indices = #map}]} {
    %mul3A = arith.constant 16 : i32
    %mul3A_0 = arith.muli %arg0, %mul3A : i32
    %add3A = arith.addi %mul3A_0, %arg1 : i32
    "tpu.region"() ({
      %run_scoped3A = tpu.sem_alloc : memref<!tpu.dma_semaphore, #tpu.memory_space<semaphore_mem>>
      tpu.enqueue_dma source(%arg4 : memref<128x8xf32, #tpu.memory_space<hbm>>) target(%arg7 : memref<128x8xf32, #tpu.memory_space<vmem>>) target_semaphore(%run_scoped3A : memref<!tpu.dma_semaphore, #tpu.memory_space<semaphore_mem>>)
      tpu.wait_dma2 semaphore(%run_scoped3A : memref<!tpu.dma_semaphore, #tpu.memory_space<semaphore_mem>>) src(%arg4 : memref<128x8xf32, #tpu.memory_space<hbm>>) dst(%arg7 : memref<128x8xf32, #tpu.memory_space<vmem>>)
      tpu.yield
    }) : () -> ()
    %mul3A_1 = arith.constant 6272 : i32
    %mul3A_2 = arith.muli %arg1, %mul3A_1 : i32
    "tpu.region"() ({
      %run_scoped3A = tpu.sem_alloc : memref<!tpu.dma_semaphore, #tpu.memory_space<semaphore_mem>>
      %dma_start3A_114 = arith.constant 0 : i32
      %dma_start3A_115 = tpu.memref_slice %arg8[%mul3A_2, %dma_start3A_114] : memref<100352x8xf32, #tpu.memory_space<vmem_shared>> -> memref<6272x8xf32, #tpu.memory_space<vmem_shared>>
      tpu.enqueue_dma source(%arg3 : memref<6272x8xf32, #tpu.memory_space<hbm>>) target(%dma_start3A_115 : memref<6272x8xf32, #tpu.memory_space<vmem_shared>>) target_semaphore(%run_scoped3A : memref<!tpu.dma_semaphore, #tpu.memory_space<semaphore_mem>>)
      %dma_wait3A_116 = arith.constant 0 : i32
      %dma_wait3A_117 = tpu.memref_slice %arg8[%mul3A_2, %dma_wait3A_116] : memref<100352x8xf32, #tpu.memory_space<vmem_shared>> -> memref<6272x8xf32, #tpu.memory_space<vmem_shared>>
      tpu.wait_dma2 semaphore(%run_scoped3A : memref<!tpu.dma_semaphore, #tpu.memory_space<semaphore_mem>>) src(%arg3 : memref<6272x8xf32, #tpu.memory_space<hbm>>) dst(%dma_wait3A_117 : memref<6272x8xf32, #tpu.memory_space<vmem_shared>>)
      tpu.yield
    }) : () -> ()
    %barrier3A = arith.constant 0 : index
    tpu.barrier barrier_id(%barrier3A)
    %mul3A_3 = arith.constant 792 : i32
    %mul3A_4 = arith.muli %add3A, %mul3A_3 : i32
    %dma_start3A = arith.constant 0 : i32
    %dma_start3A_5 = arith.constant 0 : i32
    %dma_start3A_6 = arith.constant 0 : i32
    %dma_start3A_7 = tpu.memref_slice %arg6[%dma_start3A, %dma_start3A_5, %dma_start3A_6] : memref<2x12x128xi32, #tpu.memory_space<vmem>> -> memref<1x12x128xi32, #tpu.memory_space<vmem>>
    %dma_start3A_8 = tpu.memref_squeeze %dma_start3A_7 : memref<1x12x128xi32, #tpu.memory_space<vmem>> -> memref<12x128xi32, #tpu.memory_space<vmem>>
    %dma_start3A_9 = arith.constant 0 : i32
    %dma_start3A_10 = tpu.memref_slice %arg2[%mul3A_4, %dma_start3A_9] : memref<25344x128xi32, #tpu.memory_space<hbm>> -> memref<12x128xi32, #tpu.memory_space<hbm>>
    %dma_start3A_11 = arith.constant 0 : i32
    %dma_start3A_12 = arith.constant 0 : i32
    %dma_start3A_13 = tpu.memref_slice %arg6[%dma_start3A, %dma_start3A_11, %dma_start3A_12] : memref<2x12x128xi32, #tpu.memory_space<vmem>> -> memref<1x12x128xi32, #tpu.memory_space<vmem>>
    %dma_start3A_14 = tpu.memref_squeeze %dma_start3A_13 : memref<1x12x128xi32, #tpu.memory_space<vmem>> -> memref<12x128xi32, #tpu.memory_space<vmem>>
    %dma_start3A_15 = arith.constant 0 : i32
    %dma_start3A_16 = tpu.memref_slice %arg2[%mul3A_4, %dma_start3A_15] : memref<25344x128xi32, #tpu.memory_space<hbm>> -> memref<12x128xi32, #tpu.memory_space<hbm>>
    tpu.enqueue_dma source(%dma_start3A_16 : memref<12x128xi32, #tpu.memory_space<hbm>>) target(%dma_start3A_14 : memref<12x128xi32, #tpu.memory_space<vmem>>) target_semaphore(%arg9 : memref<!tpu.dma_semaphore, #tpu.memory_space<semaphore_mem>>)
    %scan3A = arith.constant 0 : i32
    %scan3A_17 = arith.constant 66 : i32
    %scan3A_18 = arith.addi %scan3A, %scan3A_17 : i32
    %scan3A_19 = arith.constant 1 : i32
    scf.for %scan3A_114 = %scan3A to %scan3A_18 step %scan3A_19  : i32 {
      %rem3A_115 = arith.constant 2 : i32
      %rem3A_116 = arith.remsi %scan3A_114, %rem3A_115 : i32
      %ge3A = arith.constant 1 : i32
      %ge3A_117 = arith.cmpi sge, %scan3A_114, %ge3A : i32
      %convert_element_type3A = arith.extui %ge3A_117 : i1 to i32
      %cond3A = arith.constant 0 : i32
      %cond3A_118 = arith.cmpi ne, %convert_element_type3A, %cond3A : i32
      scf.if %cond3A_118 {
        %sub3A = arith.constant 1 : i32
        %sub3A_221 = arith.subi %sub3A, %rem3A_116 : i32
        %dma_wait3A_222 = arith.constant 0 : i32
        %dma_wait3A_223 = arith.constant 0 : i32
        %dma_wait3A_224 = tpu.memref_slice %arg6[%sub3A_221, %dma_wait3A_222, %dma_wait3A_223] : memref<2x12x128xi32, #tpu.memory_space<vmem>> -> memref<1x1x128xi32, #tpu.memory_space<vmem>>
        %dma_wait3A_225 = tpu.memref_squeeze %dma_wait3A_224 : memref<1x1x128xi32, #tpu.memory_space<vmem>> -> memref<128xi32, #tpu.memory_space<vmem>>
        %dma_wait3A_226 = arith.constant 0 : i32
        %dma_wait3A_227 = arith.constant 0 : i32
        %dma_wait3A_228 = tpu.memref_slice %arg8[%dma_wait3A_226, %dma_wait3A_227] : memref<100352x8xf32, #tpu.memory_space<vmem_shared>> -> memref<100352x8xf32, #tpu.memory_space<vmem_shared>>
        tpu.wait_indirect_dma semaphore(%arg10 : memref<!tpu.dma_semaphore, #tpu.memory_space<semaphore_mem>>) src(%arg7 : memref<128x8xf32, #tpu.memory_space<vmem>>) dst(%dma_wait3A_228 : memref<100352x8xf32, #tpu.memory_space<vmem_shared>>)
        %sub3A_229 = arith.constant 1 : i32
        %sub3A_230 = arith.subi %sub3A_229, %rem3A_116 : i32
        %dma_wait3A_231 = arith.constant 1 : i32
        %dma_wait3A_232 = arith.constant 0 : i32
        %dma_wait3A_233 = tpu.memref_slice %arg6[%sub3A_230, %dma_wait3A_231, %dma_wait3A_232] : memref<2x12x128xi32, #tpu.memory_space<vmem>> -> memref<1x1x128xi32, #tpu.memory_space<vmem>>
        %dma_wait3A_234 = tpu.memref_squeeze %dma_wait3A_233 : memref<1x1x128xi32, #tpu.memory_space<vmem>> -> memref<128xi32, #tpu.memory_space<vmem>>
        %dma_wait3A_235 = arith.constant 0 : i32
        %dma_wait3A_236 = arith.constant 0 : i32
        %dma_wait3A_237 = tpu.memref_slice %arg8[%dma_wait3A_235, %dma_wait3A_236] : memref<100352x8xf32, #tpu.memory_space<vmem_shared>> -> memref<100352x8xf32, #tpu.memory_space<vmem_shared>>
        tpu.wait_indirect_dma semaphore(%arg10 : memref<!tpu.dma_semaphore, #tpu.memory_space<semaphore_mem>>) src(%arg7 : memref<128x8xf32, #tpu.memory_space<vmem>>) dst(%dma_wait3A_237 : memref<100352x8xf32, #tpu.memory_space<vmem_shared>>)
        %sub3A_238 = arith.constant 1 : i32
        %sub3A_239 = arith.subi %sub3A_238, %rem3A_116 : i32
        %dma_wait3A_240 = arith.constant 2 : i32
        %dma_wait3A_241 = arith.constant 0 : i32
        %dma_wait3A_242 = tpu.memref_slice %arg6[%sub3A_239, %dma_wait3A_240, %dma_wait3A_241] : memref<2x12x128xi32, #tpu.memory_space<vmem>> -> memref<1x1x128xi32, #tpu.memory_space<vmem>>
        %dma_wait3A_243 = tpu.memref_squeeze %dma_wait3A_242 : memref<1x1x128xi32, #tpu.memory_space<vmem>> -> memref<128xi32, #tpu.memory_space<vmem>>
        %dma_wait3A_244 = arith.constant 0 : i32
        %dma_wait3A_245 = arith.constant 0 : i32
        %dma_wait3A_246 = tpu.memref_slice %arg8[%dma_wait3A_244, %dma_wait3A_245] : memref<100352x8xf32, #tpu.memory_space<vmem_shared>> -> memref<100352x8xf32, #tpu.memory_space<vmem_shared>>
        tpu.wait_indirect_dma semaphore(%arg10 : memref<!tpu.dma_semaphore, #tpu.memory_space<semaphore_mem>>) src(%arg7 : memref<128x8xf32, #tpu.memory_space<vmem>>) dst(%dma_wait3A_246 : memref<100352x8xf32, #tpu.memory_space<vmem_shared>>)
        %sub3A_247 = arith.constant 1 : i32
        %sub3A_248 = arith.subi %sub3A_247, %rem3A_116 : i32
        %dma_wait3A_249 = arith.constant 3 : i32
        %dma_wait3A_250 = arith.constant 0 : i32
        %dma_wait3A_251 = tpu.memref_slice %arg6[%sub3A_248, %dma_wait3A_249, %dma_wait3A_250] : memref<2x12x128xi32, #tpu.memory_space<vmem>> -> memref<1x1x128xi32, #tpu.memory_space<vmem>>
        %dma_wait3A_252 = tpu.memref_squeeze %dma_wait3A_251 : memref<1x1x128xi32, #tpu.memory_space<vmem>> -> memref<128xi32, #tpu.memory_space<vmem>>
        %dma_wait3A_253 = arith.constant 0 : i32
        %dma_wait3A_254 = arith.constant 0 : i32
        %dma_wait3A_255 = tpu.memref_slice %arg8[%dma_wait3A_253, %dma_wait3A_254] : memref<100352x8xf32, #tpu.memory_space<vmem_shared>> -> memref<100352x8xf32, #tpu.memory_space<vmem_shared>>
        tpu.wait_indirect_dma semaphore(%arg10 : memref<!tpu.dma_semaphore, #tpu.memory_space<semaphore_mem>>) src(%arg7 : memref<128x8xf32, #tpu.memory_space<vmem>>) dst(%dma_wait3A_255 : memref<100352x8xf32, #tpu.memory_space<vmem_shared>>)
        %sub3A_256 = arith.constant 1 : i32
        %sub3A_257 = arith.subi %sub3A_256, %rem3A_116 : i32
        %dma_wait3A_258 = arith.constant 4 : i32
        %dma_wait3A_259 = arith.constant 0 : i32
        %dma_wait3A_260 = tpu.memref_slice %arg6[%sub3A_257, %dma_wait3A_258, %dma_wait3A_259] : memref<2x12x128xi32, #tpu.memory_space<vmem>> -> memref<1x1x128xi32, #tpu.memory_space<vmem>>
        %dma_wait3A_261 = tpu.memref_squeeze %dma_wait3A_260 : memref<1x1x128xi32, #tpu.memory_space<vmem>> -> memref<128xi32, #tpu.memory_space<vmem>>
        %dma_wait3A_262 = arith.constant 0 : i32
        %dma_wait3A_263 = arith.constant 0 : i32
        %dma_wait3A_264 = tpu.memref_slice %arg8[%dma_wait3A_262, %dma_wait3A_263] : memref<100352x8xf32, #tpu.memory_space<vmem_shared>> -> memref<100352x8xf32, #tpu.memory_space<vmem_shared>>
        tpu.wait_indirect_dma semaphore(%arg10 : memref<!tpu.dma_semaphore, #tpu.memory_space<semaphore_mem>>) src(%arg7 : memref<128x8xf32, #tpu.memory_space<vmem>>) dst(%dma_wait3A_264 : memref<100352x8xf32, #tpu.memory_space<vmem_shared>>)
        %sub3A_265 = arith.constant 1 : i32
        %sub3A_266 = arith.subi %sub3A_265, %rem3A_116 : i32
        %dma_wait3A_267 = arith.constant 5 : i32
        %dma_wait3A_268 = arith.constant 0 : i32
        %dma_wait3A_269 = tpu.memref_slice %arg6[%sub3A_266, %dma_wait3A_267, %dma_wait3A_268] : memref<2x12x128xi32, #tpu.memory_space<vmem>> -> memref<1x1x128xi32, #tpu.memory_space<vmem>>
        %dma_wait3A_270 = tpu.memref_squeeze %dma_wait3A_269 : memref<1x1x128xi32, #tpu.memory_space<vmem>> -> memref<128xi32, #tpu.memory_space<vmem>>
        %dma_wait3A_271 = arith.constant 0 : i32
        %dma_wait3A_272 = arith.constant 0 : i32
        %dma_wait3A_273 = tpu.memref_slice %arg8[%dma_wait3A_271, %dma_wait3A_272] : memref<100352x8xf32, #tpu.memory_space<vmem_shared>> -> memref<100352x8xf32, #tpu.memory_space<vmem_shared>>
        tpu.wait_indirect_dma semaphore(%arg10 : memref<!tpu.dma_semaphore, #tpu.memory_space<semaphore_mem>>) src(%arg7 : memref<128x8xf32, #tpu.memory_space<vmem>>) dst(%dma_wait3A_273 : memref<100352x8xf32, #tpu.memory_space<vmem_shared>>)
        %sub3A_274 = arith.constant 1 : i32
        %sub3A_275 = arith.subi %sub3A_274, %rem3A_116 : i32
        %dma_wait3A_276 = arith.constant 6 : i32
        %dma_wait3A_277 = arith.constant 0 : i32
        %dma_wait3A_278 = tpu.memref_slice %arg6[%sub3A_275, %dma_wait3A_276, %dma_wait3A_277] : memref<2x12x128xi32, #tpu.memory_space<vmem>> -> memref<1x1x128xi32, #tpu.memory_space<vmem>>
        %dma_wait3A_279 = tpu.memref_squeeze %dma_wait3A_278 : memref<1x1x128xi32, #tpu.memory_space<vmem>> -> memref<128xi32, #tpu.memory_space<vmem>>
        %dma_wait3A_280 = arith.constant 0 : i32
        %dma_wait3A_281 = arith.constant 0 : i32
        %dma_wait3A_282 = tpu.memref_slice %arg8[%dma_wait3A_280, %dma_wait3A_281] : memref<100352x8xf32, #tpu.memory_space<vmem_shared>> -> memref<100352x8xf32, #tpu.memory_space<vmem_shared>>
        tpu.wait_indirect_dma semaphore(%arg10 : memref<!tpu.dma_semaphore, #tpu.memory_space<semaphore_mem>>) src(%arg7 : memref<128x8xf32, #tpu.memory_space<vmem>>) dst(%dma_wait3A_282 : memref<100352x8xf32, #tpu.memory_space<vmem_shared>>)
        %sub3A_283 = arith.constant 1 : i32
        %sub3A_284 = arith.subi %sub3A_283, %rem3A_116 : i32
        %dma_wait3A_285 = arith.constant 7 : i32
        %dma_wait3A_286 = arith.constant 0 : i32
        %dma_wait3A_287 = tpu.memref_slice %arg6[%sub3A_284, %dma_wait3A_285, %dma_wait3A_286] : memref<2x12x128xi32, #tpu.memory_space<vmem>> -> memref<1x1x128xi32, #tpu.memory_space<vmem>>
        %dma_wait3A_288 = tpu.memref_squeeze %dma_wait3A_287 : memref<1x1x128xi32, #tpu.memory_space<vmem>> -> memref<128xi32, #tpu.memory_space<vmem>>
        %dma_wait3A_289 = arith.constant 0 : i32
        %dma_wait3A_290 = arith.constant 0 : i32
        %dma_wait3A_291 = tpu.memref_slice %arg8[%dma_wait3A_289, %dma_wait3A_290] : memref<100352x8xf32, #tpu.memory_space<vmem_shared>> -> memref<100352x8xf32, #tpu.memory_space<vmem_shared>>
        tpu.wait_indirect_dma semaphore(%arg10 : memref<!tpu.dma_semaphore, #tpu.memory_space<semaphore_mem>>) src(%arg7 : memref<128x8xf32, #tpu.memory_space<vmem>>) dst(%dma_wait3A_291 : memref<100352x8xf32, #tpu.memory_space<vmem_shared>>)
        %sub3A_292 = arith.constant 1 : i32
        %sub3A_293 = arith.subi %sub3A_292, %rem3A_116 : i32
        %dma_wait3A_294 = arith.constant 8 : i32
        %dma_wait3A_295 = arith.constant 0 : i32
        %dma_wait3A_296 = tpu.memref_slice %arg6[%sub3A_293, %dma_wait3A_294, %dma_wait3A_295] : memref<2x12x128xi32, #tpu.memory_space<vmem>> -> memref<1x1x128xi32, #tpu.memory_space<vmem>>
        %dma_wait3A_297 = tpu.memref_squeeze %dma_wait3A_296 : memref<1x1x128xi32, #tpu.memory_space<vmem>> -> memref<128xi32, #tpu.memory_space<vmem>>
        %dma_wait3A_298 = arith.constant 0 : i32
        %dma_wait3A_299 = arith.constant 0 : i32
        %dma_wait3A_300 = tpu.memref_slice %arg8[%dma_wait3A_298, %dma_wait3A_299] : memref<100352x8xf32, #tpu.memory_space<vmem_shared>> -> memref<100352x8xf32, #tpu.memory_space<vmem_shared>>
        tpu.wait_indirect_dma semaphore(%arg10 : memref<!tpu.dma_semaphore, #tpu.memory_space<semaphore_mem>>) src(%arg7 : memref<128x8xf32, #tpu.memory_space<vmem>>) dst(%dma_wait3A_300 : memref<100352x8xf32, #tpu.memory_space<vmem_shared>>)
        %sub3A_301 = arith.constant 1 : i32
        %sub3A_302 = arith.subi %sub3A_301, %rem3A_116 : i32
        %dma_wait3A_303 = arith.constant 9 : i32
        %dma_wait3A_304 = arith.constant 0 : i32
        %dma_wait3A_305 = tpu.memref_slice %arg6[%sub3A_302, %dma_wait3A_303, %dma_wait3A_304] : memref<2x12x128xi32, #tpu.memory_space<vmem>> -> memref<1x1x128xi32, #tpu.memory_space<vmem>>
        %dma_wait3A_306 = tpu.memref_squeeze %dma_wait3A_305 : memref<1x1x128xi32, #tpu.memory_space<vmem>> -> memref<128xi32, #tpu.memory_space<vmem>>
        %dma_wait3A_307 = arith.constant 0 : i32
        %dma_wait3A_308 = arith.constant 0 : i32
        %dma_wait3A_309 = tpu.memref_slice %arg8[%dma_wait3A_307, %dma_wait3A_308] : memref<100352x8xf32, #tpu.memory_space<vmem_shared>> -> memref<100352x8xf32, #tpu.memory_space<vmem_shared>>
        tpu.wait_indirect_dma semaphore(%arg10 : memref<!tpu.dma_semaphore, #tpu.memory_space<semaphore_mem>>) src(%arg7 : memref<128x8xf32, #tpu.memory_space<vmem>>) dst(%dma_wait3A_309 : memref<100352x8xf32, #tpu.memory_space<vmem_shared>>)
        %sub3A_310 = arith.constant 1 : i32
        %sub3A_311 = arith.subi %sub3A_310, %rem3A_116 : i32
        %dma_wait3A_312 = arith.constant 10 : i32
        %dma_wait3A_313 = arith.constant 0 : i32
        %dma_wait3A_314 = tpu.memref_slice %arg6[%sub3A_311, %dma_wait3A_312, %dma_wait3A_313] : memref<2x12x128xi32, #tpu.memory_space<vmem>> -> memref<1x1x128xi32, #tpu.memory_space<vmem>>
        %dma_wait3A_315 = tpu.memref_squeeze %dma_wait3A_314 : memref<1x1x128xi32, #tpu.memory_space<vmem>> -> memref<128xi32, #tpu.memory_space<vmem>>
        %dma_wait3A_316 = arith.constant 0 : i32
        %dma_wait3A_317 = arith.constant 0 : i32
        %dma_wait3A_318 = tpu.memref_slice %arg8[%dma_wait3A_316, %dma_wait3A_317] : memref<100352x8xf32, #tpu.memory_space<vmem_shared>> -> memref<100352x8xf32, #tpu.memory_space<vmem_shared>>
        tpu.wait_indirect_dma semaphore(%arg10 : memref<!tpu.dma_semaphore, #tpu.memory_space<semaphore_mem>>) src(%arg7 : memref<128x8xf32, #tpu.memory_space<vmem>>) dst(%dma_wait3A_318 : memref<100352x8xf32, #tpu.memory_space<vmem_shared>>)
        %sub3A_319 = arith.constant 1 : i32
        %sub3A_320 = arith.subi %sub3A_319, %rem3A_116 : i32
        %dma_wait3A_321 = arith.constant 11 : i32
        %dma_wait3A_322 = arith.constant 0 : i32
        %dma_wait3A_323 = tpu.memref_slice %arg6[%sub3A_320, %dma_wait3A_321, %dma_wait3A_322] : memref<2x12x128xi32, #tpu.memory_space<vmem>> -> memref<1x1x128xi32, #tpu.memory_space<vmem>>
        %dma_wait3A_324 = tpu.memref_squeeze %dma_wait3A_323 : memref<1x1x128xi32, #tpu.memory_space<vmem>> -> memref<128xi32, #tpu.memory_space<vmem>>
        %dma_wait3A_325 = arith.constant 0 : i32
        %dma_wait3A_326 = arith.constant 0 : i32
        %dma_wait3A_327 = tpu.memref_slice %arg8[%dma_wait3A_325, %dma_wait3A_326] : memref<100352x8xf32, #tpu.memory_space<vmem_shared>> -> memref<100352x8xf32, #tpu.memory_space<vmem_shared>>
        tpu.wait_indirect_dma semaphore(%arg10 : memref<!tpu.dma_semaphore, #tpu.memory_space<semaphore_mem>>) src(%arg7 : memref<128x8xf32, #tpu.memory_space<vmem>>) dst(%dma_wait3A_327 : memref<100352x8xf32, #tpu.memory_space<vmem_shared>>)
      } else {
      }
      %add3A_119 = arith.constant 1 : i32
      %add3A_120 = arith.addi %scan3A_114, %add3A_119 : i32
      %lt3A = arith.constant 66 : i32
      %lt3A_121 = arith.cmpi slt, %add3A_120, %lt3A : i32
      %convert_element_type3A_122 = arith.extui %lt3A_121 : i1 to i32
      %cond3A_123 = arith.constant 0 : i32
      %cond3A_124 = arith.cmpi ne, %convert_element_type3A_122, %cond3A_123 : i32
      scf.if %cond3A_124 {
        %add3A_221 = arith.constant 1 : i32
        %add3A_222 = arith.addi %scan3A_114, %add3A_221 : i32
        %mul3A_223 = arith.constant 12 : i32
        %mul3A_224 = arith.muli %add3A_222, %mul3A_223 : i32
        %add3A_225 = arith.addi %mul3A_4, %mul3A_224 : i32
        %sub3A = arith.constant 1 : i32
        %sub3A_226 = arith.subi %sub3A, %rem3A_116 : i32
        %dma_start3A_227 = arith.constant 0 : i32
        %dma_start3A_228 = arith.constant 0 : i32
        %dma_start3A_229 = tpu.memref_slice %arg6[%sub3A_226, %dma_start3A_227, %dma_start3A_228] : memref<2x12x128xi32, #tpu.memory_space<vmem>> -> memref<1x12x128xi32, #tpu.memory_space<vmem>>
        %dma_start3A_230 = tpu.memref_squeeze %dma_start3A_229 : memref<1x12x128xi32, #tpu.memory_space<vmem>> -> memref<12x128xi32, #tpu.memory_space<vmem>>
        %dma_start3A_231 = arith.constant 0 : i32
        %dma_start3A_232 = tpu.memref_slice %arg2[%add3A_225, %dma_start3A_231] : memref<25344x128xi32, #tpu.memory_space<hbm>> -> memref<12x128xi32, #tpu.memory_space<hbm>>
        %dma_start3A_233 = arith.constant 0 : i32
        %dma_start3A_234 = arith.constant 0 : i32
        %dma_start3A_235 = tpu.memref_slice %arg6[%sub3A_226, %dma_start3A_233, %dma_start3A_234] : memref<2x12x128xi32, #tpu.memory_space<vmem>> -> memref<1x12x128xi32, #tpu.memory_space<vmem>>
        %dma_start3A_236 = tpu.memref_squeeze %dma_start3A_235 : memref<1x12x128xi32, #tpu.memory_space<vmem>> -> memref<12x128xi32, #tpu.memory_space<vmem>>
        %dma_start3A_237 = arith.constant 0 : i32
        %dma_start3A_238 = tpu.memref_slice %arg2[%add3A_225, %dma_start3A_237] : memref<25344x128xi32, #tpu.memory_space<hbm>> -> memref<12x128xi32, #tpu.memory_space<hbm>>
        tpu.enqueue_dma source(%dma_start3A_238 : memref<12x128xi32, #tpu.memory_space<hbm>>) target(%dma_start3A_236 : memref<12x128xi32, #tpu.memory_space<vmem>>) target_semaphore(%arg9 : memref<!tpu.dma_semaphore, #tpu.memory_space<semaphore_mem>>)
      } else {
      }
      %dma_wait3A_125 = arith.constant 0 : i32
      %dma_wait3A_126 = arith.constant 0 : i32
      %dma_wait3A_127 = tpu.memref_slice %arg6[%rem3A_116, %dma_wait3A_125, %dma_wait3A_126] : memref<2x12x128xi32, #tpu.memory_space<vmem>> -> memref<1x12x128xi32, #tpu.memory_space<vmem>>
      %dma_wait3A_128 = tpu.memref_squeeze %dma_wait3A_127 : memref<1x12x128xi32, #tpu.memory_space<vmem>> -> memref<12x128xi32, #tpu.memory_space<vmem>>
      %dma_wait3A_129 = arith.constant 0 : i32
      %dma_wait3A_130 = tpu.memref_slice %arg2[%mul3A_4, %dma_wait3A_129] : memref<25344x128xi32, #tpu.memory_space<hbm>> -> memref<12x128xi32, #tpu.memory_space<hbm>>
      %dma_wait3A_131 = arith.constant 0 : i32
      %dma_wait3A_132 = arith.constant 0 : i32
      %dma_wait3A_133 = tpu.memref_slice %arg6[%rem3A_116, %dma_wait3A_131, %dma_wait3A_132] : memref<2x12x128xi32, #tpu.memory_space<vmem>> -> memref<1x12x128xi32, #tpu.memory_space<vmem>>
      %dma_wait3A_134 = tpu.memref_squeeze %dma_wait3A_133 : memref<1x12x128xi32, #tpu.memory_space<vmem>> -> memref<12x128xi32, #tpu.memory_space<vmem>>
      %dma_wait3A_135 = arith.constant 0 : i32
      %dma_wait3A_136 = tpu.memref_slice %arg2[%mul3A_4, %dma_wait3A_135] : memref<25344x128xi32, #tpu.memory_space<hbm>> -> memref<12x128xi32, #tpu.memory_space<hbm>>
      tpu.wait_dma2 semaphore(%arg9 : memref<!tpu.dma_semaphore, #tpu.memory_space<semaphore_mem>>) src(%dma_wait3A_136 : memref<12x128xi32, #tpu.memory_space<hbm>>) dst(%dma_wait3A_134 : memref<12x128xi32, #tpu.memory_space<vmem>>)
      %dma_start3A_137 = arith.constant 0 : i32
      %dma_start3A_138 = arith.constant 0 : i32
      %dma_start3A_139 = tpu.memref_slice %arg6[%rem3A_116, %dma_start3A_137, %dma_start3A_138] : memref<2x12x128xi32, #tpu.memory_space<vmem>> -> memref<1x1x128xi32, #tpu.memory_space<vmem>>
      %dma_start3A_140 = tpu.memref_squeeze %dma_start3A_139 : memref<1x1x128xi32, #tpu.memory_space<vmem>> -> memref<128xi32, #tpu.memory_space<vmem>>
      %dma_start3A_141 = arith.constant 0 : i32
      %dma_start3A_142 = arith.constant 0 : i32
      %dma_start3A_143 = tpu.memref_slice %arg8[%dma_start3A_141, %dma_start3A_142] : memref<100352x8xf32, #tpu.memory_space<vmem_shared>> -> memref<100352x8xf32, #tpu.memory_space<vmem_shared>>
      tpu.enqueue_indirect_dma source(%arg7 : memref<128x8xf32, #tpu.memory_space<vmem>>) target(%dma_start3A_143 : memref<100352x8xf32, #tpu.memory_space<vmem_shared>>) offsets(%dma_start3A_140 : memref<128xi32, #tpu.memory_space<vmem>>) semaphore(%arg10 : memref<!tpu.dma_semaphore, #tpu.memory_space<semaphore_mem>>) {add = true}
      %dma_start3A_144 = arith.constant 1 : i32
      %dma_start3A_145 = arith.constant 0 : i32
      %dma_start3A_146 = tpu.memref_slice %arg6[%rem3A_116, %dma_start3A_144, %dma_start3A_145] : memref<2x12x128xi32, #tpu.memory_space<vmem>> -> memref<1x1x128xi32, #tpu.memory_space<vmem>>
      %dma_start3A_147 = tpu.memref_squeeze %dma_start3A_146 : memref<1x1x128xi32, #tpu.memory_space<vmem>> -> memref<128xi32, #tpu.memory_space<vmem>>
      %dma_start3A_148 = arith.constant 0 : i32
      %dma_start3A_149 = arith.constant 0 : i32
      %dma_start3A_150 = tpu.memref_slice %arg8[%dma_start3A_148, %dma_start3A_149] : memref<100352x8xf32, #tpu.memory_space<vmem_shared>> -> memref<100352x8xf32, #tpu.memory_space<vmem_shared>>
      tpu.enqueue_indirect_dma source(%arg7 : memref<128x8xf32, #tpu.memory_space<vmem>>) target(%dma_start3A_150 : memref<100352x8xf32, #tpu.memory_space<vmem_shared>>) offsets(%dma_start3A_147 : memref<128xi32, #tpu.memory_space<vmem>>) semaphore(%arg10 : memref<!tpu.dma_semaphore, #tpu.memory_space<semaphore_mem>>) {add = true}
      %dma_start3A_151 = arith.constant 2 : i32
      %dma_start3A_152 = arith.constant 0 : i32
      %dma_start3A_153 = tpu.memref_slice %arg6[%rem3A_116, %dma_start3A_151, %dma_start3A_152] : memref<2x12x128xi32, #tpu.memory_space<vmem>> -> memref<1x1x128xi32, #tpu.memory_space<vmem>>
      %dma_start3A_154 = tpu.memref_squeeze %dma_start3A_153 : memref<1x1x128xi32, #tpu.memory_space<vmem>> -> memref<128xi32, #tpu.memory_space<vmem>>
      %dma_start3A_155 = arith.constant 0 : i32
      %dma_start3A_156 = arith.constant 0 : i32
      %dma_start3A_157 = tpu.memref_slice %arg8[%dma_start3A_155, %dma_start3A_156] : memref<100352x8xf32, #tpu.memory_space<vmem_shared>> -> memref<100352x8xf32, #tpu.memory_space<vmem_shared>>
      tpu.enqueue_indirect_dma source(%arg7 : memref<128x8xf32, #tpu.memory_space<vmem>>) target(%dma_start3A_157 : memref<100352x8xf32, #tpu.memory_space<vmem_shared>>) offsets(%dma_start3A_154 : memref<128xi32, #tpu.memory_space<vmem>>) semaphore(%arg10 : memref<!tpu.dma_semaphore, #tpu.memory_space<semaphore_mem>>) {add = true}
      %dma_start3A_158 = arith.constant 3 : i32
      %dma_start3A_159 = arith.constant 0 : i32
      %dma_start3A_160 = tpu.memref_slice %arg6[%rem3A_116, %dma_start3A_158, %dma_start3A_159] : memref<2x12x128xi32, #tpu.memory_space<vmem>> -> memref<1x1x128xi32, #tpu.memory_space<vmem>>
      %dma_start3A_161 = tpu.memref_squeeze %dma_start3A_160 : memref<1x1x128xi32, #tpu.memory_space<vmem>> -> memref<128xi32, #tpu.memory_space<vmem>>
      %dma_start3A_162 = arith.constant 0 : i32
      %dma_start3A_163 = arith.constant 0 : i32
      %dma_start3A_164 = tpu.memref_slice %arg8[%dma_start3A_162, %dma_start3A_163] : memref<100352x8xf32, #tpu.memory_space<vmem_shared>> -> memref<100352x8xf32, #tpu.memory_space<vmem_shared>>
      tpu.enqueue_indirect_dma source(%arg7 : memref<128x8xf32, #tpu.memory_space<vmem>>) target(%dma_start3A_164 : memref<100352x8xf32, #tpu.memory_space<vmem_shared>>) offsets(%dma_start3A_161 : memref<128xi32, #tpu.memory_space<vmem>>) semaphore(%arg10 : memref<!tpu.dma_semaphore, #tpu.memory_space<semaphore_mem>>) {add = true}
      %dma_start3A_165 = arith.constant 4 : i32
      %dma_start3A_166 = arith.constant 0 : i32
      %dma_start3A_167 = tpu.memref_slice %arg6[%rem3A_116, %dma_start3A_165, %dma_start3A_166] : memref<2x12x128xi32, #tpu.memory_space<vmem>> -> memref<1x1x128xi32, #tpu.memory_space<vmem>>
      %dma_start3A_168 = tpu.memref_squeeze %dma_start3A_167 : memref<1x1x128xi32, #tpu.memory_space<vmem>> -> memref<128xi32, #tpu.memory_space<vmem>>
      %dma_start3A_169 = arith.constant 0 : i32
      %dma_start3A_170 = arith.constant 0 : i32
      %dma_start3A_171 = tpu.memref_slice %arg8[%dma_start3A_169, %dma_start3A_170] : memref<100352x8xf32, #tpu.memory_space<vmem_shared>> -> memref<100352x8xf32, #tpu.memory_space<vmem_shared>>
      tpu.enqueue_indirect_dma source(%arg7 : memref<128x8xf32, #tpu.memory_space<vmem>>) target(%dma_start3A_171 : memref<100352x8xf32, #tpu.memory_space<vmem_shared>>) offsets(%dma_start3A_168 : memref<128xi32, #tpu.memory_space<vmem>>) semaphore(%arg10 : memref<!tpu.dma_semaphore, #tpu.memory_space<semaphore_mem>>) {add = true}
      %dma_start3A_172 = arith.constant 5 : i32
      %dma_start3A_173 = arith.constant 0 : i32
      %dma_start3A_174 = tpu.memref_slice %arg6[%rem3A_116, %dma_start3A_172, %dma_start3A_173] : memref<2x12x128xi32, #tpu.memory_space<vmem>> -> memref<1x1x128xi32, #tpu.memory_space<vmem>>
      %dma_start3A_175 = tpu.memref_squeeze %dma_start3A_174 : memref<1x1x128xi32, #tpu.memory_space<vmem>> -> memref<128xi32, #tpu.memory_space<vmem>>
      %dma_start3A_176 = arith.constant 0 : i32
      %dma_start3A_177 = arith.constant 0 : i32
      %dma_start3A_178 = tpu.memref_slice %arg8[%dma_start3A_176, %dma_start3A_177] : memref<100352x8xf32, #tpu.memory_space<vmem_shared>> -> memref<100352x8xf32, #tpu.memory_space<vmem_shared>>
      tpu.enqueue_indirect_dma source(%arg7 : memref<128x8xf32, #tpu.memory_space<vmem>>) target(%dma_start3A_178 : memref<100352x8xf32, #tpu.memory_space<vmem_shared>>) offsets(%dma_start3A_175 : memref<128xi32, #tpu.memory_space<vmem>>) semaphore(%arg10 : memref<!tpu.dma_semaphore, #tpu.memory_space<semaphore_mem>>) {add = true}
      %dma_start3A_179 = arith.constant 6 : i32
      %dma_start3A_180 = arith.constant 0 : i32
      %dma_start3A_181 = tpu.memref_slice %arg6[%rem3A_116, %dma_start3A_179, %dma_start3A_180] : memref<2x12x128xi32, #tpu.memory_space<vmem>> -> memref<1x1x128xi32, #tpu.memory_space<vmem>>
      %dma_start3A_182 = tpu.memref_squeeze %dma_start3A_181 : memref<1x1x128xi32, #tpu.memory_space<vmem>> -> memref<128xi32, #tpu.memory_space<vmem>>
      %dma_start3A_183 = arith.constant 0 : i32
      %dma_start3A_184 = arith.constant 0 : i32
      %dma_start3A_185 = tpu.memref_slice %arg8[%dma_start3A_183, %dma_start3A_184] : memref<100352x8xf32, #tpu.memory_space<vmem_shared>> -> memref<100352x8xf32, #tpu.memory_space<vmem_shared>>
      tpu.enqueue_indirect_dma source(%arg7 : memref<128x8xf32, #tpu.memory_space<vmem>>) target(%dma_start3A_185 : memref<100352x8xf32, #tpu.memory_space<vmem_shared>>) offsets(%dma_start3A_182 : memref<128xi32, #tpu.memory_space<vmem>>) semaphore(%arg10 : memref<!tpu.dma_semaphore, #tpu.memory_space<semaphore_mem>>) {add = true}
      %dma_start3A_186 = arith.constant 7 : i32
      %dma_start3A_187 = arith.constant 0 : i32
      %dma_start3A_188 = tpu.memref_slice %arg6[%rem3A_116, %dma_start3A_186, %dma_start3A_187] : memref<2x12x128xi32, #tpu.memory_space<vmem>> -> memref<1x1x128xi32, #tpu.memory_space<vmem>>
      %dma_start3A_189 = tpu.memref_squeeze %dma_start3A_188 : memref<1x1x128xi32, #tpu.memory_space<vmem>> -> memref<128xi32, #tpu.memory_space<vmem>>
      %dma_start3A_190 = arith.constant 0 : i32
      %dma_start3A_191 = arith.constant 0 : i32
      %dma_start3A_192 = tpu.memref_slice %arg8[%dma_start3A_190, %dma_start3A_191] : memref<100352x8xf32, #tpu.memory_space<vmem_shared>> -> memref<100352x8xf32, #tpu.memory_space<vmem_shared>>
      tpu.enqueue_indirect_dma source(%arg7 : memref<128x8xf32, #tpu.memory_space<vmem>>) target(%dma_start3A_192 : memref<100352x8xf32, #tpu.memory_space<vmem_shared>>) offsets(%dma_start3A_189 : memref<128xi32, #tpu.memory_space<vmem>>) semaphore(%arg10 : memref<!tpu.dma_semaphore, #tpu.memory_space<semaphore_mem>>) {add = true}
      %dma_start3A_193 = arith.constant 8 : i32
      %dma_start3A_194 = arith.constant 0 : i32
      %dma_start3A_195 = tpu.memref_slice %arg6[%rem3A_116, %dma_start3A_193, %dma_start3A_194] : memref<2x12x128xi32, #tpu.memory_space<vmem>> -> memref<1x1x128xi32, #tpu.memory_space<vmem>>
      %dma_start3A_196 = tpu.memref_squeeze %dma_start3A_195 : memref<1x1x128xi32, #tpu.memory_space<vmem>> -> memref<128xi32, #tpu.memory_space<vmem>>
      %dma_start3A_197 = arith.constant 0 : i32
      %dma_start3A_198 = arith.constant 0 : i32
      %dma_start3A_199 = tpu.memref_slice %arg8[%dma_start3A_197, %dma_start3A_198] : memref<100352x8xf32, #tpu.memory_space<vmem_shared>> -> memref<100352x8xf32, #tpu.memory_space<vmem_shared>>
      tpu.enqueue_indirect_dma source(%arg7 : memref<128x8xf32, #tpu.memory_space<vmem>>) target(%dma_start3A_199 : memref<100352x8xf32, #tpu.memory_space<vmem_shared>>) offsets(%dma_start3A_196 : memref<128xi32, #tpu.memory_space<vmem>>) semaphore(%arg10 : memref<!tpu.dma_semaphore, #tpu.memory_space<semaphore_mem>>) {add = true}
      %dma_start3A_200 = arith.constant 9 : i32
      %dma_start3A_201 = arith.constant 0 : i32
      %dma_start3A_202 = tpu.memref_slice %arg6[%rem3A_116, %dma_start3A_200, %dma_start3A_201] : memref<2x12x128xi32, #tpu.memory_space<vmem>> -> memref<1x1x128xi32, #tpu.memory_space<vmem>>
      %dma_start3A_203 = tpu.memref_squeeze %dma_start3A_202 : memref<1x1x128xi32, #tpu.memory_space<vmem>> -> memref<128xi32, #tpu.memory_space<vmem>>
      %dma_start3A_204 = arith.constant 0 : i32
      %dma_start3A_205 = arith.constant 0 : i32
      %dma_start3A_206 = tpu.memref_slice %arg8[%dma_start3A_204, %dma_start3A_205] : memref<100352x8xf32, #tpu.memory_space<vmem_shared>> -> memref<100352x8xf32, #tpu.memory_space<vmem_shared>>
      tpu.enqueue_indirect_dma source(%arg7 : memref<128x8xf32, #tpu.memory_space<vmem>>) target(%dma_start3A_206 : memref<100352x8xf32, #tpu.memory_space<vmem_shared>>) offsets(%dma_start3A_203 : memref<128xi32, #tpu.memory_space<vmem>>) semaphore(%arg10 : memref<!tpu.dma_semaphore, #tpu.memory_space<semaphore_mem>>) {add = true}
      %dma_start3A_207 = arith.constant 10 : i32
      %dma_start3A_208 = arith.constant 0 : i32
      %dma_start3A_209 = tpu.memref_slice %arg6[%rem3A_116, %dma_start3A_207, %dma_start3A_208] : memref<2x12x128xi32, #tpu.memory_space<vmem>> -> memref<1x1x128xi32, #tpu.memory_space<vmem>>
      %dma_start3A_210 = tpu.memref_squeeze %dma_start3A_209 : memref<1x1x128xi32, #tpu.memory_space<vmem>> -> memref<128xi32, #tpu.memory_space<vmem>>
      %dma_start3A_211 = arith.constant 0 : i32
      %dma_start3A_212 = arith.constant 0 : i32
      %dma_start3A_213 = tpu.memref_slice %arg8[%dma_start3A_211, %dma_start3A_212] : memref<100352x8xf32, #tpu.memory_space<vmem_shared>> -> memref<100352x8xf32, #tpu.memory_space<vmem_shared>>
      tpu.enqueue_indirect_dma source(%arg7 : memref<128x8xf32, #tpu.memory_space<vmem>>) target(%dma_start3A_213 : memref<100352x8xf32, #tpu.memory_space<vmem_shared>>) offsets(%dma_start3A_210 : memref<128xi32, #tpu.memory_space<vmem>>) semaphore(%arg10 : memref<!tpu.dma_semaphore, #tpu.memory_space<semaphore_mem>>) {add = true}
      %dma_start3A_214 = arith.constant 11 : i32
      %dma_start3A_215 = arith.constant 0 : i32
      %dma_start3A_216 = tpu.memref_slice %arg6[%rem3A_116, %dma_start3A_214, %dma_start3A_215] : memref<2x12x128xi32, #tpu.memory_space<vmem>> -> memref<1x1x128xi32, #tpu.memory_space<vmem>>
      %dma_start3A_217 = tpu.memref_squeeze %dma_start3A_216 : memref<1x1x128xi32, #tpu.memory_space<vmem>> -> memref<128xi32, #tpu.memory_space<vmem>>
      %dma_start3A_218 = arith.constant 0 : i32
      %dma_start3A_219 = arith.constant 0 : i32
      %dma_start3A_220 = tpu.memref_slice %arg8[%dma_start3A_218, %dma_start3A_219] : memref<100352x8xf32, #tpu.memory_space<vmem_shared>> -> memref<100352x8xf32, #tpu.memory_space<vmem_shared>>
      tpu.enqueue_indirect_dma source(%arg7 : memref<128x8xf32, #tpu.memory_space<vmem>>) target(%dma_start3A_220 : memref<100352x8xf32, #tpu.memory_space<vmem_shared>>) offsets(%dma_start3A_217 : memref<128xi32, #tpu.memory_space<vmem>>) semaphore(%arg10 : memref<!tpu.dma_semaphore, #tpu.memory_space<semaphore_mem>>) {add = true}
    }
    %scan3A_20 = arith.constant 66 : i32
    %rem3A = arith.constant 65 : i32
    %rem3A_21 = arith.constant 2 : i32
    %rem3A_22 = arith.remsi %rem3A, %rem3A_21 : i32
    %dma_wait3A = arith.constant 0 : i32
    %dma_wait3A_23 = arith.constant 0 : i32
    %dma_wait3A_24 = tpu.memref_slice %arg6[%rem3A_22, %dma_wait3A, %dma_wait3A_23] : memref<2x12x128xi32, #tpu.memory_space<vmem>> -> memref<1x1x128xi32, #tpu.memory_space<vmem>>
    %dma_wait3A_25 = tpu.memref_squeeze %dma_wait3A_24 : memref<1x1x128xi32, #tpu.memory_space<vmem>> -> memref<128xi32, #tpu.memory_space<vmem>>
    %dma_wait3A_26 = arith.constant 0 : i32
    %dma_wait3A_27 = arith.constant 0 : i32
    %dma_wait3A_28 = tpu.memref_slice %arg8[%dma_wait3A_26, %dma_wait3A_27] : memref<100352x8xf32, #tpu.memory_space<vmem_shared>> -> memref<100352x8xf32, #tpu.memory_space<vmem_shared>>
    tpu.wait_indirect_dma semaphore(%arg10 : memref<!tpu.dma_semaphore, #tpu.memory_space<semaphore_mem>>) src(%arg7 : memref<128x8xf32, #tpu.memory_space<vmem>>) dst(%dma_wait3A_28 : memref<100352x8xf32, #tpu.memory_space<vmem_shared>>)
    %dma_wait3A_29 = arith.constant 1 : i32
    %dma_wait3A_30 = arith.constant 0 : i32
    %dma_wait3A_31 = tpu.memref_slice %arg6[%rem3A_22, %dma_wait3A_29, %dma_wait3A_30] : memref<2x12x128xi32, #tpu.memory_space<vmem>> -> memref<1x1x128xi32, #tpu.memory_space<vmem>>
    %dma_wait3A_32 = tpu.memref_squeeze %dma_wait3A_31 : memref<1x1x128xi32, #tpu.memory_space<vmem>> -> memref<128xi32, #tpu.memory_space<vmem>>
    %dma_wait3A_33 = arith.constant 0 : i32
    %dma_wait3A_34 = arith.constant 0 : i32
    %dma_wait3A_35 = tpu.memref_slice %arg8[%dma_wait3A_33, %dma_wait3A_34] : memref<100352x8xf32, #tpu.memory_space<vmem_shared>> -> memref<100352x8xf32, #tpu.memory_space<vmem_shared>>
    tpu.wait_indirect_dma semaphore(%arg10 : memref<!tpu.dma_semaphore, #tpu.memory_space<semaphore_mem>>) src(%arg7 : memref<128x8xf32, #tpu.memory_space<vmem>>) dst(%dma_wait3A_35 : memref<100352x8xf32, #tpu.memory_space<vmem_shared>>)
    %dma_wait3A_36 = arith.constant 2 : i32
    %dma_wait3A_37 = arith.constant 0 : i32
    %dma_wait3A_38 = tpu.memref_slice %arg6[%rem3A_22, %dma_wait3A_36, %dma_wait3A_37] : memref<2x12x128xi32, #tpu.memory_space<vmem>> -> memref<1x1x128xi32, #tpu.memory_space<vmem>>
    %dma_wait3A_39 = tpu.memref_squeeze %dma_wait3A_38 : memref<1x1x128xi32, #tpu.memory_space<vmem>> -> memref<128xi32, #tpu.memory_space<vmem>>
    %dma_wait3A_40 = arith.constant 0 : i32
    %dma_wait3A_41 = arith.constant 0 : i32
    %dma_wait3A_42 = tpu.memref_slice %arg8[%dma_wait3A_40, %dma_wait3A_41] : memref<100352x8xf32, #tpu.memory_space<vmem_shared>> -> memref<100352x8xf32, #tpu.memory_space<vmem_shared>>
    tpu.wait_indirect_dma semaphore(%arg10 : memref<!tpu.dma_semaphore, #tpu.memory_space<semaphore_mem>>) src(%arg7 : memref<128x8xf32, #tpu.memory_space<vmem>>) dst(%dma_wait3A_42 : memref<100352x8xf32, #tpu.memory_space<vmem_shared>>)
    %dma_wait3A_43 = arith.constant 3 : i32
    %dma_wait3A_44 = arith.constant 0 : i32
    %dma_wait3A_45 = tpu.memref_slice %arg6[%rem3A_22, %dma_wait3A_43, %dma_wait3A_44] : memref<2x12x128xi32, #tpu.memory_space<vmem>> -> memref<1x1x128xi32, #tpu.memory_space<vmem>>
    %dma_wait3A_46 = tpu.memref_squeeze %dma_wait3A_45 : memref<1x1x128xi32, #tpu.memory_space<vmem>> -> memref<128xi32, #tpu.memory_space<vmem>>
    %dma_wait3A_47 = arith.constant 0 : i32
    %dma_wait3A_48 = arith.constant 0 : i32
    %dma_wait3A_49 = tpu.memref_slice %arg8[%dma_wait3A_47, %dma_wait3A_48] : memref<100352x8xf32, #tpu.memory_space<vmem_shared>> -> memref<100352x8xf32, #tpu.memory_space<vmem_shared>>
    tpu.wait_indirect_dma semaphore(%arg10 : memref<!tpu.dma_semaphore, #tpu.memory_space<semaphore_mem>>) src(%arg7 : memref<128x8xf32, #tpu.memory_space<vmem>>) dst(%dma_wait3A_49 : memref<100352x8xf32, #tpu.memory_space<vmem_shared>>)
    %dma_wait3A_50 = arith.constant 4 : i32
    %dma_wait3A_51 = arith.constant 0 : i32
    %dma_wait3A_52 = tpu.memref_slice %arg6[%rem3A_22, %dma_wait3A_50, %dma_wait3A_51] : memref<2x12x128xi32, #tpu.memory_space<vmem>> -> memref<1x1x128xi32, #tpu.memory_space<vmem>>
    %dma_wait3A_53 = tpu.memref_squeeze %dma_wait3A_52 : memref<1x1x128xi32, #tpu.memory_space<vmem>> -> memref<128xi32, #tpu.memory_space<vmem>>
    %dma_wait3A_54 = arith.constant 0 : i32
    %dma_wait3A_55 = arith.constant 0 : i32
    %dma_wait3A_56 = tpu.memref_slice %arg8[%dma_wait3A_54, %dma_wait3A_55] : memref<100352x8xf32, #tpu.memory_space<vmem_shared>> -> memref<100352x8xf32, #tpu.memory_space<vmem_shared>>
    tpu.wait_indirect_dma semaphore(%arg10 : memref<!tpu.dma_semaphore, #tpu.memory_space<semaphore_mem>>) src(%arg7 : memref<128x8xf32, #tpu.memory_space<vmem>>) dst(%dma_wait3A_56 : memref<100352x8xf32, #tpu.memory_space<vmem_shared>>)
    %dma_wait3A_57 = arith.constant 5 : i32
    %dma_wait3A_58 = arith.constant 0 : i32
    %dma_wait3A_59 = tpu.memref_slice %arg6[%rem3A_22, %dma_wait3A_57, %dma_wait3A_58] : memref<2x12x128xi32, #tpu.memory_space<vmem>> -> memref<1x1x128xi32, #tpu.memory_space<vmem>>
    %dma_wait3A_60 = tpu.memref_squeeze %dma_wait3A_59 : memref<1x1x128xi32, #tpu.memory_space<vmem>> -> memref<128xi32, #tpu.memory_space<vmem>>
    %dma_wait3A_61 = arith.constant 0 : i32
    %dma_wait3A_62 = arith.constant 0 : i32
    %dma_wait3A_63 = tpu.memref_slice %arg8[%dma_wait3A_61, %dma_wait3A_62] : memref<100352x8xf32, #tpu.memory_space<vmem_shared>> -> memref<100352x8xf32, #tpu.memory_space<vmem_shared>>
    tpu.wait_indirect_dma semaphore(%arg10 : memref<!tpu.dma_semaphore, #tpu.memory_space<semaphore_mem>>) src(%arg7 : memref<128x8xf32, #tpu.memory_space<vmem>>) dst(%dma_wait3A_63 : memref<100352x8xf32, #tpu.memory_space<vmem_shared>>)
    %dma_wait3A_64 = arith.constant 6 : i32
    %dma_wait3A_65 = arith.constant 0 : i32
    %dma_wait3A_66 = tpu.memref_slice %arg6[%rem3A_22, %dma_wait3A_64, %dma_wait3A_65] : memref<2x12x128xi32, #tpu.memory_space<vmem>> -> memref<1x1x128xi32, #tpu.memory_space<vmem>>
    %dma_wait3A_67 = tpu.memref_squeeze %dma_wait3A_66 : memref<1x1x128xi32, #tpu.memory_space<vmem>> -> memref<128xi32, #tpu.memory_space<vmem>>
    %dma_wait3A_68 = arith.constant 0 : i32
    %dma_wait3A_69 = arith.constant 0 : i32
    %dma_wait3A_70 = tpu.memref_slice %arg8[%dma_wait3A_68, %dma_wait3A_69] : memref<100352x8xf32, #tpu.memory_space<vmem_shared>> -> memref<100352x8xf32, #tpu.memory_space<vmem_shared>>
    tpu.wait_indirect_dma semaphore(%arg10 : memref<!tpu.dma_semaphore, #tpu.memory_space<semaphore_mem>>) src(%arg7 : memref<128x8xf32, #tpu.memory_space<vmem>>) dst(%dma_wait3A_70 : memref<100352x8xf32, #tpu.memory_space<vmem_shared>>)
    %dma_wait3A_71 = arith.constant 7 : i32
    %dma_wait3A_72 = arith.constant 0 : i32
    %dma_wait3A_73 = tpu.memref_slice %arg6[%rem3A_22, %dma_wait3A_71, %dma_wait3A_72] : memref<2x12x128xi32, #tpu.memory_space<vmem>> -> memref<1x1x128xi32, #tpu.memory_space<vmem>>
    %dma_wait3A_74 = tpu.memref_squeeze %dma_wait3A_73 : memref<1x1x128xi32, #tpu.memory_space<vmem>> -> memref<128xi32, #tpu.memory_space<vmem>>
    %dma_wait3A_75 = arith.constant 0 : i32
    %dma_wait3A_76 = arith.constant 0 : i32
    %dma_wait3A_77 = tpu.memref_slice %arg8[%dma_wait3A_75, %dma_wait3A_76] : memref<100352x8xf32, #tpu.memory_space<vmem_shared>> -> memref<100352x8xf32, #tpu.memory_space<vmem_shared>>
    tpu.wait_indirect_dma semaphore(%arg10 : memref<!tpu.dma_semaphore, #tpu.memory_space<semaphore_mem>>) src(%arg7 : memref<128x8xf32, #tpu.memory_space<vmem>>) dst(%dma_wait3A_77 : memref<100352x8xf32, #tpu.memory_space<vmem_shared>>)
    %dma_wait3A_78 = arith.constant 8 : i32
    %dma_wait3A_79 = arith.constant 0 : i32
    %dma_wait3A_80 = tpu.memref_slice %arg6[%rem3A_22, %dma_wait3A_78, %dma_wait3A_79] : memref<2x12x128xi32, #tpu.memory_space<vmem>> -> memref<1x1x128xi32, #tpu.memory_space<vmem>>
    %dma_wait3A_81 = tpu.memref_squeeze %dma_wait3A_80 : memref<1x1x128xi32, #tpu.memory_space<vmem>> -> memref<128xi32, #tpu.memory_space<vmem>>
    %dma_wait3A_82 = arith.constant 0 : i32
    %dma_wait3A_83 = arith.constant 0 : i32
    %dma_wait3A_84 = tpu.memref_slice %arg8[%dma_wait3A_82, %dma_wait3A_83] : memref<100352x8xf32, #tpu.memory_space<vmem_shared>> -> memref<100352x8xf32, #tpu.memory_space<vmem_shared>>
    tpu.wait_indirect_dma semaphore(%arg10 : memref<!tpu.dma_semaphore, #tpu.memory_space<semaphore_mem>>) src(%arg7 : memref<128x8xf32, #tpu.memory_space<vmem>>) dst(%dma_wait3A_84 : memref<100352x8xf32, #tpu.memory_space<vmem_shared>>)
    %dma_wait3A_85 = arith.constant 9 : i32
    %dma_wait3A_86 = arith.constant 0 : i32
    %dma_wait3A_87 = tpu.memref_slice %arg6[%rem3A_22, %dma_wait3A_85, %dma_wait3A_86] : memref<2x12x128xi32, #tpu.memory_space<vmem>> -> memref<1x1x128xi32, #tpu.memory_space<vmem>>
    %dma_wait3A_88 = tpu.memref_squeeze %dma_wait3A_87 : memref<1x1x128xi32, #tpu.memory_space<vmem>> -> memref<128xi32, #tpu.memory_space<vmem>>
    %dma_wait3A_89 = arith.constant 0 : i32
    %dma_wait3A_90 = arith.constant 0 : i32
    %dma_wait3A_91 = tpu.memref_slice %arg8[%dma_wait3A_89, %dma_wait3A_90] : memref<100352x8xf32, #tpu.memory_space<vmem_shared>> -> memref<100352x8xf32, #tpu.memory_space<vmem_shared>>
    tpu.wait_indirect_dma semaphore(%arg10 : memref<!tpu.dma_semaphore, #tpu.memory_space<semaphore_mem>>) src(%arg7 : memref<128x8xf32, #tpu.memory_space<vmem>>) dst(%dma_wait3A_91 : memref<100352x8xf32, #tpu.memory_space<vmem_shared>>)
    %dma_wait3A_92 = arith.constant 10 : i32
    %dma_wait3A_93 = arith.constant 0 : i32
    %dma_wait3A_94 = tpu.memref_slice %arg6[%rem3A_22, %dma_wait3A_92, %dma_wait3A_93] : memref<2x12x128xi32, #tpu.memory_space<vmem>> -> memref<1x1x128xi32, #tpu.memory_space<vmem>>
    %dma_wait3A_95 = tpu.memref_squeeze %dma_wait3A_94 : memref<1x1x128xi32, #tpu.memory_space<vmem>> -> memref<128xi32, #tpu.memory_space<vmem>>
    %dma_wait3A_96 = arith.constant 0 : i32
    %dma_wait3A_97 = arith.constant 0 : i32
    %dma_wait3A_98 = tpu.memref_slice %arg8[%dma_wait3A_96, %dma_wait3A_97] : memref<100352x8xf32, #tpu.memory_space<vmem_shared>> -> memref<100352x8xf32, #tpu.memory_space<vmem_shared>>
    tpu.wait_indirect_dma semaphore(%arg10 : memref<!tpu.dma_semaphore, #tpu.memory_space<semaphore_mem>>) src(%arg7 : memref<128x8xf32, #tpu.memory_space<vmem>>) dst(%dma_wait3A_98 : memref<100352x8xf32, #tpu.memory_space<vmem_shared>>)
    %dma_wait3A_99 = arith.constant 11 : i32
    %dma_wait3A_100 = arith.constant 0 : i32
    %dma_wait3A_101 = tpu.memref_slice %arg6[%rem3A_22, %dma_wait3A_99, %dma_wait3A_100] : memref<2x12x128xi32, #tpu.memory_space<vmem>> -> memref<1x1x128xi32, #tpu.memory_space<vmem>>
    %dma_wait3A_102 = tpu.memref_squeeze %dma_wait3A_101 : memref<1x1x128xi32, #tpu.memory_space<vmem>> -> memref<128xi32, #tpu.memory_space<vmem>>
    %dma_wait3A_103 = arith.constant 0 : i32
    %dma_wait3A_104 = arith.constant 0 : i32
    %dma_wait3A_105 = tpu.memref_slice %arg8[%dma_wait3A_103, %dma_wait3A_104] : memref<100352x8xf32, #tpu.memory_space<vmem_shared>> -> memref<100352x8xf32, #tpu.memory_space<vmem_shared>>
    tpu.wait_indirect_dma semaphore(%arg10 : memref<!tpu.dma_semaphore, #tpu.memory_space<semaphore_mem>>) src(%arg7 : memref<128x8xf32, #tpu.memory_space<vmem>>) dst(%dma_wait3A_105 : memref<100352x8xf32, #tpu.memory_space<vmem_shared>>)
    %barrier3A_106 = arith.constant 0 : index
    tpu.barrier barrier_id(%barrier3A_106)
    %mul3A_107 = arith.constant 6272 : i32
    %mul3A_108 = arith.muli %arg1, %mul3A_107 : i32
    %mul3A_109 = arith.constant 16 : i32
    %mul3A_110 = arith.muli %arg0, %mul3A_109 : i32
    %add3A_111 = arith.addi %mul3A_110, %arg1 : i32
    %mul3A_112 = arith.constant 6272 : i32
    %mul3A_113 = arith.muli %add3A_111, %mul3A_112 : i32
    "tpu.region"() ({
      %run_scoped3A = tpu.sem_alloc : memref<!tpu.dma_semaphore, #tpu.memory_space<semaphore_mem>>
      %dma_start3A_114 = arith.constant 0 : i32
      %dma_start3A_115 = tpu.memref_slice %arg5[%mul3A_113, %dma_start3A_114] : memref<200704x8xf32, #tpu.memory_space<hbm>> -> memref<6272x8xf32, #tpu.memory_space<hbm>>
      %dma_start3A_116 = arith.constant 0 : i32
      %dma_start3A_117 = tpu.memref_slice %arg8[%mul3A_108, %dma_start3A_116] : memref<100352x8xf32, #tpu.memory_space<vmem_shared>> -> memref<6272x8xf32, #tpu.memory_space<vmem_shared>>
      tpu.enqueue_dma source(%dma_start3A_117 : memref<6272x8xf32, #tpu.memory_space<vmem_shared>>) target(%dma_start3A_115 : memref<6272x8xf32, #tpu.memory_space<hbm>>) target_semaphore(%run_scoped3A : memref<!tpu.dma_semaphore, #tpu.memory_space<semaphore_mem>>)
      %dma_wait3A_118 = arith.constant 0 : i32
      %dma_wait3A_119 = tpu.memref_slice %arg5[%mul3A_113, %dma_wait3A_118] : memref<200704x8xf32, #tpu.memory_space<hbm>> -> memref<6272x8xf32, #tpu.memory_space<hbm>>
      %dma_wait3A_120 = arith.constant 0 : i32
      %dma_wait3A_121 = tpu.memref_slice %arg8[%mul3A_108, %dma_wait3A_120] : memref<100352x8xf32, #tpu.memory_space<vmem_shared>> -> memref<6272x8xf32, #tpu.memory_space<vmem_shared>>
      tpu.wait_dma2 semaphore(%run_scoped3A : memref<!tpu.dma_semaphore, #tpu.memory_space<semaphore_mem>>) src(%dma_wait3A_121 : memref<6272x8xf32, #tpu.memory_space<vmem_shared>>) dst(%dma_wait3A_119 : memref<6272x8xf32, #tpu.memory_space<hbm>>)
      tpu.yield
    }) : () -> ()
    return
  }
}

#map = affine_map<(d0, d1) -> (0, 0)>
module attributes {stable_mosaic.version = 14 : i64} {
  func.func @edge_kernel(%arg0: i32, %arg1: i32, %arg2: memref<100352x8xf32, #tpu.memory_space<hbm>>, %arg3: memref<25344x128xi32, #tpu.memory_space<hbm>>, %arg4: memref<25344x128xi32, #tpu.memory_space<hbm>>, %arg5: memref<6272x8xf32, #tpu.memory_space<hbm>>, %arg6: memref<200704x8xf32, #tpu.memory_space<hbm>>, %arg7: memref<2x12x128xi32, #tpu.memory_space<vmem>>, %arg8: memref<2x12x128xi32, #tpu.memory_space<vmem>>, %arg9: memref<2x12x128x8xf32, #tpu.memory_space<vmem>>, %arg10: memref<100352x8xf32, #tpu.memory_space<vmem_shared>>, %arg11: memref<100352x8xf32, #tpu.memory_space<vmem_shared>>, %arg12: memref<!tpu.dma_semaphore, #tpu.memory_space<semaphore_mem>>, %arg13: memref<!tpu.dma_semaphore, #tpu.memory_space<semaphore_mem>>, %arg14: memref<!tpu.dma_semaphore, #tpu.memory_space<semaphore_mem>>) attributes {dimension_semantics = [#tpu.dimension_semantics<core_parallel>, #tpu.dimension_semantics<subcore_parallel>], iteration_bounds = array<i64: 2, 16>, scalar_prefetch = 0 : i64, scratch_operands = 8 : i64, tpu.core_type = #tpu.core_type<sc_vector_subcore>, window_params = [{transform_indices = #map}, {transform_indices = #map}, {transform_indices = #map}, {transform_indices = #map}, {transform_indices = #map}]} {
    %mul3A = arith.constant 16 : i32
    %mul3A_0 = arith.muli %arg0, %mul3A : i32
    %add3A = arith.addi %mul3A_0, %arg1 : i32
    %mul3A_1 = arith.constant 6272 : i32
    %mul3A_2 = arith.muli %arg1, %mul3A_1 : i32
    %mul3A_3 = arith.constant 6272 : i32
    %mul3A_4 = arith.muli %arg1, %mul3A_3 : i32
    "tpu.region"() ({
      %run_scoped3A = tpu.sem_alloc : memref<!tpu.dma_semaphore, #tpu.memory_space<semaphore_mem>>
      %dma_start3A_191 = arith.constant 0 : i32
      %dma_start3A_192 = tpu.memref_slice %arg11[%mul3A_4, %dma_start3A_191] : memref<100352x8xf32, #tpu.memory_space<vmem_shared>> -> memref<6272x8xf32, #tpu.memory_space<vmem_shared>>
      %dma_start3A_193 = arith.constant 0 : i32
      %dma_start3A_194 = tpu.memref_slice %arg2[%mul3A_2, %dma_start3A_193] : memref<100352x8xf32, #tpu.memory_space<hbm>> -> memref<6272x8xf32, #tpu.memory_space<hbm>>
      tpu.enqueue_dma source(%dma_start3A_194 : memref<6272x8xf32, #tpu.memory_space<hbm>>) target(%dma_start3A_192 : memref<6272x8xf32, #tpu.memory_space<vmem_shared>>) target_semaphore(%run_scoped3A : memref<!tpu.dma_semaphore, #tpu.memory_space<semaphore_mem>>)
      %dma_wait3A_195 = arith.constant 0 : i32
      %dma_wait3A_196 = tpu.memref_slice %arg11[%mul3A_4, %dma_wait3A_195] : memref<100352x8xf32, #tpu.memory_space<vmem_shared>> -> memref<6272x8xf32, #tpu.memory_space<vmem_shared>>
      %dma_wait3A_197 = arith.constant 0 : i32
      %dma_wait3A_198 = tpu.memref_slice %arg2[%mul3A_2, %dma_wait3A_197] : memref<100352x8xf32, #tpu.memory_space<hbm>> -> memref<6272x8xf32, #tpu.memory_space<hbm>>
      tpu.wait_dma2 semaphore(%run_scoped3A : memref<!tpu.dma_semaphore, #tpu.memory_space<semaphore_mem>>) src(%dma_wait3A_198 : memref<6272x8xf32, #tpu.memory_space<hbm>>) dst(%dma_wait3A_196 : memref<6272x8xf32, #tpu.memory_space<vmem_shared>>)
      tpu.yield
    }) : () -> ()
    %mul3A_5 = arith.constant 6272 : i32
    %mul3A_6 = arith.muli %arg1, %mul3A_5 : i32
    "tpu.region"() ({
      %run_scoped3A = tpu.sem_alloc : memref<!tpu.dma_semaphore, #tpu.memory_space<semaphore_mem>>
      %dma_start3A_191 = arith.constant 0 : i32
      %dma_start3A_192 = tpu.memref_slice %arg10[%mul3A_6, %dma_start3A_191] : memref<100352x8xf32, #tpu.memory_space<vmem_shared>> -> memref<6272x8xf32, #tpu.memory_space<vmem_shared>>
      tpu.enqueue_dma source(%arg5 : memref<6272x8xf32, #tpu.memory_space<hbm>>) target(%dma_start3A_192 : memref<6272x8xf32, #tpu.memory_space<vmem_shared>>) target_semaphore(%run_scoped3A : memref<!tpu.dma_semaphore, #tpu.memory_space<semaphore_mem>>)
      %dma_wait3A_193 = arith.constant 0 : i32
      %dma_wait3A_194 = tpu.memref_slice %arg10[%mul3A_6, %dma_wait3A_193] : memref<100352x8xf32, #tpu.memory_space<vmem_shared>> -> memref<6272x8xf32, #tpu.memory_space<vmem_shared>>
      tpu.wait_dma2 semaphore(%run_scoped3A : memref<!tpu.dma_semaphore, #tpu.memory_space<semaphore_mem>>) src(%arg5 : memref<6272x8xf32, #tpu.memory_space<hbm>>) dst(%dma_wait3A_194 : memref<6272x8xf32, #tpu.memory_space<vmem_shared>>)
      tpu.yield
    }) : () -> ()
    %barrier3A = arith.constant 0 : index
    tpu.barrier barrier_id(%barrier3A)
    %mul3A_7 = arith.constant 792 : i32
    %mul3A_8 = arith.muli %add3A, %mul3A_7 : i32
    %dma_start3A = arith.constant 0 : i32
    %dma_start3A_9 = arith.constant 0 : i32
    %dma_start3A_10 = arith.constant 0 : i32
    %dma_start3A_11 = tpu.memref_slice %arg7[%dma_start3A, %dma_start3A_9, %dma_start3A_10] : memref<2x12x128xi32, #tpu.memory_space<vmem>> -> memref<1x12x128xi32, #tpu.memory_space<vmem>>
    %dma_start3A_12 = tpu.memref_squeeze %dma_start3A_11 : memref<1x12x128xi32, #tpu.memory_space<vmem>> -> memref<12x128xi32, #tpu.memory_space<vmem>>
    %dma_start3A_13 = arith.constant 0 : i32
    %dma_start3A_14 = tpu.memref_slice %arg3[%mul3A_8, %dma_start3A_13] : memref<25344x128xi32, #tpu.memory_space<hbm>> -> memref<12x128xi32, #tpu.memory_space<hbm>>
    %dma_start3A_15 = arith.constant 0 : i32
    %dma_start3A_16 = arith.constant 0 : i32
    %dma_start3A_17 = tpu.memref_slice %arg7[%dma_start3A, %dma_start3A_15, %dma_start3A_16] : memref<2x12x128xi32, #tpu.memory_space<vmem>> -> memref<1x12x128xi32, #tpu.memory_space<vmem>>
    %dma_start3A_18 = tpu.memref_squeeze %dma_start3A_17 : memref<1x12x128xi32, #tpu.memory_space<vmem>> -> memref<12x128xi32, #tpu.memory_space<vmem>>
    %dma_start3A_19 = arith.constant 0 : i32
    %dma_start3A_20 = tpu.memref_slice %arg3[%mul3A_8, %dma_start3A_19] : memref<25344x128xi32, #tpu.memory_space<hbm>> -> memref<12x128xi32, #tpu.memory_space<hbm>>
    tpu.enqueue_dma source(%dma_start3A_20 : memref<12x128xi32, #tpu.memory_space<hbm>>) target(%dma_start3A_18 : memref<12x128xi32, #tpu.memory_space<vmem>>) target_semaphore(%arg12 : memref<!tpu.dma_semaphore, #tpu.memory_space<semaphore_mem>>)
    %dma_start3A_21 = arith.constant 0 : i32
    %dma_start3A_22 = arith.constant 0 : i32
    %dma_start3A_23 = arith.constant 0 : i32
    %dma_start3A_24 = tpu.memref_slice %arg8[%dma_start3A_21, %dma_start3A_22, %dma_start3A_23] : memref<2x12x128xi32, #tpu.memory_space<vmem>> -> memref<1x12x128xi32, #tpu.memory_space<vmem>>
    %dma_start3A_25 = tpu.memref_squeeze %dma_start3A_24 : memref<1x12x128xi32, #tpu.memory_space<vmem>> -> memref<12x128xi32, #tpu.memory_space<vmem>>
    %dma_start3A_26 = arith.constant 0 : i32
    %dma_start3A_27 = tpu.memref_slice %arg4[%mul3A_8, %dma_start3A_26] : memref<25344x128xi32, #tpu.memory_space<hbm>> -> memref<12x128xi32, #tpu.memory_space<hbm>>
    %dma_start3A_28 = arith.constant 0 : i32
    %dma_start3A_29 = arith.constant 0 : i32
    %dma_start3A_30 = tpu.memref_slice %arg8[%dma_start3A_21, %dma_start3A_28, %dma_start3A_29] : memref<2x12x128xi32, #tpu.memory_space<vmem>> -> memref<1x12x128xi32, #tpu.memory_space<vmem>>
    %dma_start3A_31 = tpu.memref_squeeze %dma_start3A_30 : memref<1x12x128xi32, #tpu.memory_space<vmem>> -> memref<12x128xi32, #tpu.memory_space<vmem>>
    %dma_start3A_32 = arith.constant 0 : i32
    %dma_start3A_33 = tpu.memref_slice %arg4[%mul3A_8, %dma_start3A_32] : memref<25344x128xi32, #tpu.memory_space<hbm>> -> memref<12x128xi32, #tpu.memory_space<hbm>>
    tpu.enqueue_dma source(%dma_start3A_33 : memref<12x128xi32, #tpu.memory_space<hbm>>) target(%dma_start3A_31 : memref<12x128xi32, #tpu.memory_space<vmem>>) target_semaphore(%arg12 : memref<!tpu.dma_semaphore, #tpu.memory_space<semaphore_mem>>)
    %scan3A = arith.constant 0 : i32
    %scan3A_34 = arith.constant 66 : i32
    %scan3A_35 = arith.addi %scan3A, %scan3A_34 : i32
    %scan3A_36 = arith.constant 1 : i32
    scf.for %scan3A_191 = %scan3A to %scan3A_35 step %scan3A_36  : i32 {
      %rem3A_192 = arith.constant 2 : i32
      %rem3A_193 = arith.remsi %scan3A_191, %rem3A_192 : i32
      %ge3A = arith.constant 1 : i32
      %ge3A_194 = arith.cmpi sge, %scan3A_191, %ge3A : i32
      %convert_element_type3A = arith.extui %ge3A_194 : i1 to i32
      %cond3A = arith.constant 0 : i32
      %cond3A_195 = arith.cmpi ne, %convert_element_type3A, %cond3A : i32
      scf.if %cond3A_195 {
        %sub3A = arith.constant 1 : i32
        %sub3A_658 = arith.subi %sub3A, %rem3A_193 : i32
        %sub3A_659 = arith.constant 1 : i32
        %sub3A_660 = arith.subi %sub3A_659, %rem3A_193 : i32
        %dma_wait3A_661 = arith.constant 0 : i32
        %dma_wait3A_662 = arith.constant 0 : i32
        %dma_wait3A_663 = arith.constant 0 : i32
        %dma_wait3A_664 = arith.constant 0 : i32
        %dma_wait3A_665 = tpu.memref_slice %arg9[%sub3A_658, %dma_wait3A_661, %dma_wait3A_663, %dma_wait3A_664] : memref<2x12x128x8xf32, #tpu.memory_space<vmem>> -> memref<1x1x128x8xf32, #tpu.memory_space<vmem>>
        %dma_wait3A_666 = tpu.memref_squeeze %dma_wait3A_665 : memref<1x1x128x8xf32, #tpu.memory_space<vmem>> -> memref<128x8xf32, #tpu.memory_space<vmem>>
        %dma_wait3A_667 = arith.constant 0 : i32
        %dma_wait3A_668 = tpu.memref_slice %arg8[%sub3A_660, %dma_wait3A_662, %dma_wait3A_667] : memref<2x12x128xi32, #tpu.memory_space<vmem>> -> memref<1x1x128xi32, #tpu.memory_space<vmem>>
        %dma_wait3A_669 = tpu.memref_squeeze %dma_wait3A_668 : memref<1x1x128xi32, #tpu.memory_space<vmem>> -> memref<128xi32, #tpu.memory_space<vmem>>
        %dma_wait3A_670 = arith.constant 0 : i32
        %dma_wait3A_671 = arith.constant 0 : i32
        %dma_wait3A_672 = tpu.memref_slice %arg10[%dma_wait3A_670, %dma_wait3A_671] : memref<100352x8xf32, #tpu.memory_space<vmem_shared>> -> memref<100352x8xf32, #tpu.memory_space<vmem_shared>>
        tpu.wait_indirect_dma semaphore(%arg14 : memref<!tpu.dma_semaphore, #tpu.memory_space<semaphore_mem>>) src(%dma_wait3A_666 : memref<128x8xf32, #tpu.memory_space<vmem>>) dst(%dma_wait3A_672 : memref<100352x8xf32, #tpu.memory_space<vmem_shared>>)
        %sub3A_673 = arith.constant 1 : i32
        %sub3A_674 = arith.subi %sub3A_673, %rem3A_193 : i32
        %sub3A_675 = arith.constant 1 : i32
        %sub3A_676 = arith.subi %sub3A_675, %rem3A_193 : i32
        %dma_wait3A_677 = arith.constant 1 : i32
        %dma_wait3A_678 = arith.constant 1 : i32
        %dma_wait3A_679 = arith.constant 0 : i32
        %dma_wait3A_680 = arith.constant 0 : i32
        %dma_wait3A_681 = tpu.memref_slice %arg9[%sub3A_674, %dma_wait3A_677, %dma_wait3A_679, %dma_wait3A_680] : memref<2x12x128x8xf32, #tpu.memory_space<vmem>> -> memref<1x1x128x8xf32, #tpu.memory_space<vmem>>
        %dma_wait3A_682 = tpu.memref_squeeze %dma_wait3A_681 : memref<1x1x128x8xf32, #tpu.memory_space<vmem>> -> memref<128x8xf32, #tpu.memory_space<vmem>>
        %dma_wait3A_683 = arith.constant 0 : i32
        %dma_wait3A_684 = tpu.memref_slice %arg8[%sub3A_676, %dma_wait3A_678, %dma_wait3A_683] : memref<2x12x128xi32, #tpu.memory_space<vmem>> -> memref<1x1x128xi32, #tpu.memory_space<vmem>>
        %dma_wait3A_685 = tpu.memref_squeeze %dma_wait3A_684 : memref<1x1x128xi32, #tpu.memory_space<vmem>> -> memref<128xi32, #tpu.memory_space<vmem>>
        %dma_wait3A_686 = arith.constant 0 : i32
        %dma_wait3A_687 = arith.constant 0 : i32
        %dma_wait3A_688 = tpu.memref_slice %arg10[%dma_wait3A_686, %dma_wait3A_687] : memref<100352x8xf32, #tpu.memory_space<vmem_shared>> -> memref<100352x8xf32, #tpu.memory_space<vmem_shared>>
        tpu.wait_indirect_dma semaphore(%arg14 : memref<!tpu.dma_semaphore, #tpu.memory_space<semaphore_mem>>) src(%dma_wait3A_682 : memref<128x8xf32, #tpu.memory_space<vmem>>) dst(%dma_wait3A_688 : memref<100352x8xf32, #tpu.memory_space<vmem_shared>>)
        %sub3A_689 = arith.constant 1 : i32
        %sub3A_690 = arith.subi %sub3A_689, %rem3A_193 : i32
        %sub3A_691 = arith.constant 1 : i32
        %sub3A_692 = arith.subi %sub3A_691, %rem3A_193 : i32
        %dma_wait3A_693 = arith.constant 2 : i32
        %dma_wait3A_694 = arith.constant 2 : i32
        %dma_wait3A_695 = arith.constant 0 : i32
        %dma_wait3A_696 = arith.constant 0 : i32
        %dma_wait3A_697 = tpu.memref_slice %arg9[%sub3A_690, %dma_wait3A_693, %dma_wait3A_695, %dma_wait3A_696] : memref<2x12x128x8xf32, #tpu.memory_space<vmem>> -> memref<1x1x128x8xf32, #tpu.memory_space<vmem>>
        %dma_wait3A_698 = tpu.memref_squeeze %dma_wait3A_697 : memref<1x1x128x8xf32, #tpu.memory_space<vmem>> -> memref<128x8xf32, #tpu.memory_space<vmem>>
        %dma_wait3A_699 = arith.constant 0 : i32
        %dma_wait3A_700 = tpu.memref_slice %arg8[%sub3A_692, %dma_wait3A_694, %dma_wait3A_699] : memref<2x12x128xi32, #tpu.memory_space<vmem>> -> memref<1x1x128xi32, #tpu.memory_space<vmem>>
        %dma_wait3A_701 = tpu.memref_squeeze %dma_wait3A_700 : memref<1x1x128xi32, #tpu.memory_space<vmem>> -> memref<128xi32, #tpu.memory_space<vmem>>
        %dma_wait3A_702 = arith.constant 0 : i32
        %dma_wait3A_703 = arith.constant 0 : i32
        %dma_wait3A_704 = tpu.memref_slice %arg10[%dma_wait3A_702, %dma_wait3A_703] : memref<100352x8xf32, #tpu.memory_space<vmem_shared>> -> memref<100352x8xf32, #tpu.memory_space<vmem_shared>>
        tpu.wait_indirect_dma semaphore(%arg14 : memref<!tpu.dma_semaphore, #tpu.memory_space<semaphore_mem>>) src(%dma_wait3A_698 : memref<128x8xf32, #tpu.memory_space<vmem>>) dst(%dma_wait3A_704 : memref<100352x8xf32, #tpu.memory_space<vmem_shared>>)
        %sub3A_705 = arith.constant 1 : i32
        %sub3A_706 = arith.subi %sub3A_705, %rem3A_193 : i32
        %sub3A_707 = arith.constant 1 : i32
        %sub3A_708 = arith.subi %sub3A_707, %rem3A_193 : i32
        %dma_wait3A_709 = arith.constant 3 : i32
        %dma_wait3A_710 = arith.constant 3 : i32
        %dma_wait3A_711 = arith.constant 0 : i32
        %dma_wait3A_712 = arith.constant 0 : i32
        %dma_wait3A_713 = tpu.memref_slice %arg9[%sub3A_706, %dma_wait3A_709, %dma_wait3A_711, %dma_wait3A_712] : memref<2x12x128x8xf32, #tpu.memory_space<vmem>> -> memref<1x1x128x8xf32, #tpu.memory_space<vmem>>
        %dma_wait3A_714 = tpu.memref_squeeze %dma_wait3A_713 : memref<1x1x128x8xf32, #tpu.memory_space<vmem>> -> memref<128x8xf32, #tpu.memory_space<vmem>>
        %dma_wait3A_715 = arith.constant 0 : i32
        %dma_wait3A_716 = tpu.memref_slice %arg8[%sub3A_708, %dma_wait3A_710, %dma_wait3A_715] : memref<2x12x128xi32, #tpu.memory_space<vmem>> -> memref<1x1x128xi32, #tpu.memory_space<vmem>>
        %dma_wait3A_717 = tpu.memref_squeeze %dma_wait3A_716 : memref<1x1x128xi32, #tpu.memory_space<vmem>> -> memref<128xi32, #tpu.memory_space<vmem>>
        %dma_wait3A_718 = arith.constant 0 : i32
        %dma_wait3A_719 = arith.constant 0 : i32
        %dma_wait3A_720 = tpu.memref_slice %arg10[%dma_wait3A_718, %dma_wait3A_719] : memref<100352x8xf32, #tpu.memory_space<vmem_shared>> -> memref<100352x8xf32, #tpu.memory_space<vmem_shared>>
        tpu.wait_indirect_dma semaphore(%arg14 : memref<!tpu.dma_semaphore, #tpu.memory_space<semaphore_mem>>) src(%dma_wait3A_714 : memref<128x8xf32, #tpu.memory_space<vmem>>) dst(%dma_wait3A_720 : memref<100352x8xf32, #tpu.memory_space<vmem_shared>>)
        %sub3A_721 = arith.constant 1 : i32
        %sub3A_722 = arith.subi %sub3A_721, %rem3A_193 : i32
        %sub3A_723 = arith.constant 1 : i32
        %sub3A_724 = arith.subi %sub3A_723, %rem3A_193 : i32
        %dma_wait3A_725 = arith.constant 4 : i32
        %dma_wait3A_726 = arith.constant 4 : i32
        %dma_wait3A_727 = arith.constant 0 : i32
        %dma_wait3A_728 = arith.constant 0 : i32
        %dma_wait3A_729 = tpu.memref_slice %arg9[%sub3A_722, %dma_wait3A_725, %dma_wait3A_727, %dma_wait3A_728] : memref<2x12x128x8xf32, #tpu.memory_space<vmem>> -> memref<1x1x128x8xf32, #tpu.memory_space<vmem>>
        %dma_wait3A_730 = tpu.memref_squeeze %dma_wait3A_729 : memref<1x1x128x8xf32, #tpu.memory_space<vmem>> -> memref<128x8xf32, #tpu.memory_space<vmem>>
        %dma_wait3A_731 = arith.constant 0 : i32
        %dma_wait3A_732 = tpu.memref_slice %arg8[%sub3A_724, %dma_wait3A_726, %dma_wait3A_731] : memref<2x12x128xi32, #tpu.memory_space<vmem>> -> memref<1x1x128xi32, #tpu.memory_space<vmem>>
        %dma_wait3A_733 = tpu.memref_squeeze %dma_wait3A_732 : memref<1x1x128xi32, #tpu.memory_space<vmem>> -> memref<128xi32, #tpu.memory_space<vmem>>
        %dma_wait3A_734 = arith.constant 0 : i32
        %dma_wait3A_735 = arith.constant 0 : i32
        %dma_wait3A_736 = tpu.memref_slice %arg10[%dma_wait3A_734, %dma_wait3A_735] : memref<100352x8xf32, #tpu.memory_space<vmem_shared>> -> memref<100352x8xf32, #tpu.memory_space<vmem_shared>>
        tpu.wait_indirect_dma semaphore(%arg14 : memref<!tpu.dma_semaphore, #tpu.memory_space<semaphore_mem>>) src(%dma_wait3A_730 : memref<128x8xf32, #tpu.memory_space<vmem>>) dst(%dma_wait3A_736 : memref<100352x8xf32, #tpu.memory_space<vmem_shared>>)
        %sub3A_737 = arith.constant 1 : i32
        %sub3A_738 = arith.subi %sub3A_737, %rem3A_193 : i32
        %sub3A_739 = arith.constant 1 : i32
        %sub3A_740 = arith.subi %sub3A_739, %rem3A_193 : i32
        %dma_wait3A_741 = arith.constant 5 : i32
        %dma_wait3A_742 = arith.constant 5 : i32
        %dma_wait3A_743 = arith.constant 0 : i32
        %dma_wait3A_744 = arith.constant 0 : i32
        %dma_wait3A_745 = tpu.memref_slice %arg9[%sub3A_738, %dma_wait3A_741, %dma_wait3A_743, %dma_wait3A_744] : memref<2x12x128x8xf32, #tpu.memory_space<vmem>> -> memref<1x1x128x8xf32, #tpu.memory_space<vmem>>
        %dma_wait3A_746 = tpu.memref_squeeze %dma_wait3A_745 : memref<1x1x128x8xf32, #tpu.memory_space<vmem>> -> memref<128x8xf32, #tpu.memory_space<vmem>>
        %dma_wait3A_747 = arith.constant 0 : i32
        %dma_wait3A_748 = tpu.memref_slice %arg8[%sub3A_740, %dma_wait3A_742, %dma_wait3A_747] : memref<2x12x128xi32, #tpu.memory_space<vmem>> -> memref<1x1x128xi32, #tpu.memory_space<vmem>>
        %dma_wait3A_749 = tpu.memref_squeeze %dma_wait3A_748 : memref<1x1x128xi32, #tpu.memory_space<vmem>> -> memref<128xi32, #tpu.memory_space<vmem>>
        %dma_wait3A_750 = arith.constant 0 : i32
        %dma_wait3A_751 = arith.constant 0 : i32
        %dma_wait3A_752 = tpu.memref_slice %arg10[%dma_wait3A_750, %dma_wait3A_751] : memref<100352x8xf32, #tpu.memory_space<vmem_shared>> -> memref<100352x8xf32, #tpu.memory_space<vmem_shared>>
        tpu.wait_indirect_dma semaphore(%arg14 : memref<!tpu.dma_semaphore, #tpu.memory_space<semaphore_mem>>) src(%dma_wait3A_746 : memref<128x8xf32, #tpu.memory_space<vmem>>) dst(%dma_wait3A_752 : memref<100352x8xf32, #tpu.memory_space<vmem_shared>>)
        %sub3A_753 = arith.constant 1 : i32
        %sub3A_754 = arith.subi %sub3A_753, %rem3A_193 : i32
        %sub3A_755 = arith.constant 1 : i32
        %sub3A_756 = arith.subi %sub3A_755, %rem3A_193 : i32
        %dma_wait3A_757 = arith.constant 6 : i32
        %dma_wait3A_758 = arith.constant 6 : i32
        %dma_wait3A_759 = arith.constant 0 : i32
        %dma_wait3A_760 = arith.constant 0 : i32
        %dma_wait3A_761 = tpu.memref_slice %arg9[%sub3A_754, %dma_wait3A_757, %dma_wait3A_759, %dma_wait3A_760] : memref<2x12x128x8xf32, #tpu.memory_space<vmem>> -> memref<1x1x128x8xf32, #tpu.memory_space<vmem>>
        %dma_wait3A_762 = tpu.memref_squeeze %dma_wait3A_761 : memref<1x1x128x8xf32, #tpu.memory_space<vmem>> -> memref<128x8xf32, #tpu.memory_space<vmem>>
        %dma_wait3A_763 = arith.constant 0 : i32
        %dma_wait3A_764 = tpu.memref_slice %arg8[%sub3A_756, %dma_wait3A_758, %dma_wait3A_763] : memref<2x12x128xi32, #tpu.memory_space<vmem>> -> memref<1x1x128xi32, #tpu.memory_space<vmem>>
        %dma_wait3A_765 = tpu.memref_squeeze %dma_wait3A_764 : memref<1x1x128xi32, #tpu.memory_space<vmem>> -> memref<128xi32, #tpu.memory_space<vmem>>
        %dma_wait3A_766 = arith.constant 0 : i32
        %dma_wait3A_767 = arith.constant 0 : i32
        %dma_wait3A_768 = tpu.memref_slice %arg10[%dma_wait3A_766, %dma_wait3A_767] : memref<100352x8xf32, #tpu.memory_space<vmem_shared>> -> memref<100352x8xf32, #tpu.memory_space<vmem_shared>>
        tpu.wait_indirect_dma semaphore(%arg14 : memref<!tpu.dma_semaphore, #tpu.memory_space<semaphore_mem>>) src(%dma_wait3A_762 : memref<128x8xf32, #tpu.memory_space<vmem>>) dst(%dma_wait3A_768 : memref<100352x8xf32, #tpu.memory_space<vmem_shared>>)
        %sub3A_769 = arith.constant 1 : i32
        %sub3A_770 = arith.subi %sub3A_769, %rem3A_193 : i32
        %sub3A_771 = arith.constant 1 : i32
        %sub3A_772 = arith.subi %sub3A_771, %rem3A_193 : i32
        %dma_wait3A_773 = arith.constant 7 : i32
        %dma_wait3A_774 = arith.constant 7 : i32
        %dma_wait3A_775 = arith.constant 0 : i32
        %dma_wait3A_776 = arith.constant 0 : i32
        %dma_wait3A_777 = tpu.memref_slice %arg9[%sub3A_770, %dma_wait3A_773, %dma_wait3A_775, %dma_wait3A_776] : memref<2x12x128x8xf32, #tpu.memory_space<vmem>> -> memref<1x1x128x8xf32, #tpu.memory_space<vmem>>
        %dma_wait3A_778 = tpu.memref_squeeze %dma_wait3A_777 : memref<1x1x128x8xf32, #tpu.memory_space<vmem>> -> memref<128x8xf32, #tpu.memory_space<vmem>>
        %dma_wait3A_779 = arith.constant 0 : i32
        %dma_wait3A_780 = tpu.memref_slice %arg8[%sub3A_772, %dma_wait3A_774, %dma_wait3A_779] : memref<2x12x128xi32, #tpu.memory_space<vmem>> -> memref<1x1x128xi32, #tpu.memory_space<vmem>>
        %dma_wait3A_781 = tpu.memref_squeeze %dma_wait3A_780 : memref<1x1x128xi32, #tpu.memory_space<vmem>> -> memref<128xi32, #tpu.memory_space<vmem>>
        %dma_wait3A_782 = arith.constant 0 : i32
        %dma_wait3A_783 = arith.constant 0 : i32
        %dma_wait3A_784 = tpu.memref_slice %arg10[%dma_wait3A_782, %dma_wait3A_783] : memref<100352x8xf32, #tpu.memory_space<vmem_shared>> -> memref<100352x8xf32, #tpu.memory_space<vmem_shared>>
        tpu.wait_indirect_dma semaphore(%arg14 : memref<!tpu.dma_semaphore, #tpu.memory_space<semaphore_mem>>) src(%dma_wait3A_778 : memref<128x8xf32, #tpu.memory_space<vmem>>) dst(%dma_wait3A_784 : memref<100352x8xf32, #tpu.memory_space<vmem_shared>>)
        %sub3A_785 = arith.constant 1 : i32
        %sub3A_786 = arith.subi %sub3A_785, %rem3A_193 : i32
        %sub3A_787 = arith.constant 1 : i32
        %sub3A_788 = arith.subi %sub3A_787, %rem3A_193 : i32
        %dma_wait3A_789 = arith.constant 8 : i32
        %dma_wait3A_790 = arith.constant 8 : i32
        %dma_wait3A_791 = arith.constant 0 : i32
        %dma_wait3A_792 = arith.constant 0 : i32
        %dma_wait3A_793 = tpu.memref_slice %arg9[%sub3A_786, %dma_wait3A_789, %dma_wait3A_791, %dma_wait3A_792] : memref<2x12x128x8xf32, #tpu.memory_space<vmem>> -> memref<1x1x128x8xf32, #tpu.memory_space<vmem>>
        %dma_wait3A_794 = tpu.memref_squeeze %dma_wait3A_793 : memref<1x1x128x8xf32, #tpu.memory_space<vmem>> -> memref<128x8xf32, #tpu.memory_space<vmem>>
        %dma_wait3A_795 = arith.constant 0 : i32
        %dma_wait3A_796 = tpu.memref_slice %arg8[%sub3A_788, %dma_wait3A_790, %dma_wait3A_795] : memref<2x12x128xi32, #tpu.memory_space<vmem>> -> memref<1x1x128xi32, #tpu.memory_space<vmem>>
        %dma_wait3A_797 = tpu.memref_squeeze %dma_wait3A_796 : memref<1x1x128xi32, #tpu.memory_space<vmem>> -> memref<128xi32, #tpu.memory_space<vmem>>
        %dma_wait3A_798 = arith.constant 0 : i32
        %dma_wait3A_799 = arith.constant 0 : i32
        %dma_wait3A_800 = tpu.memref_slice %arg10[%dma_wait3A_798, %dma_wait3A_799] : memref<100352x8xf32, #tpu.memory_space<vmem_shared>> -> memref<100352x8xf32, #tpu.memory_space<vmem_shared>>
        tpu.wait_indirect_dma semaphore(%arg14 : memref<!tpu.dma_semaphore, #tpu.memory_space<semaphore_mem>>) src(%dma_wait3A_794 : memref<128x8xf32, #tpu.memory_space<vmem>>) dst(%dma_wait3A_800 : memref<100352x8xf32, #tpu.memory_space<vmem_shared>>)
        %sub3A_801 = arith.constant 1 : i32
        %sub3A_802 = arith.subi %sub3A_801, %rem3A_193 : i32
        %sub3A_803 = arith.constant 1 : i32
        %sub3A_804 = arith.subi %sub3A_803, %rem3A_193 : i32
        %dma_wait3A_805 = arith.constant 9 : i32
        %dma_wait3A_806 = arith.constant 9 : i32
        %dma_wait3A_807 = arith.constant 0 : i32
        %dma_wait3A_808 = arith.constant 0 : i32
        %dma_wait3A_809 = tpu.memref_slice %arg9[%sub3A_802, %dma_wait3A_805, %dma_wait3A_807, %dma_wait3A_808] : memref<2x12x128x8xf32, #tpu.memory_space<vmem>> -> memref<1x1x128x8xf32, #tpu.memory_space<vmem>>
        %dma_wait3A_810 = tpu.memref_squeeze %dma_wait3A_809 : memref<1x1x128x8xf32, #tpu.memory_space<vmem>> -> memref<128x8xf32, #tpu.memory_space<vmem>>
        %dma_wait3A_811 = arith.constant 0 : i32
        %dma_wait3A_812 = tpu.memref_slice %arg8[%sub3A_804, %dma_wait3A_806, %dma_wait3A_811] : memref<2x12x128xi32, #tpu.memory_space<vmem>> -> memref<1x1x128xi32, #tpu.memory_space<vmem>>
        %dma_wait3A_813 = tpu.memref_squeeze %dma_wait3A_812 : memref<1x1x128xi32, #tpu.memory_space<vmem>> -> memref<128xi32, #tpu.memory_space<vmem>>
        %dma_wait3A_814 = arith.constant 0 : i32
        %dma_wait3A_815 = arith.constant 0 : i32
        %dma_wait3A_816 = tpu.memref_slice %arg10[%dma_wait3A_814, %dma_wait3A_815] : memref<100352x8xf32, #tpu.memory_space<vmem_shared>> -> memref<100352x8xf32, #tpu.memory_space<vmem_shared>>
        tpu.wait_indirect_dma semaphore(%arg14 : memref<!tpu.dma_semaphore, #tpu.memory_space<semaphore_mem>>) src(%dma_wait3A_810 : memref<128x8xf32, #tpu.memory_space<vmem>>) dst(%dma_wait3A_816 : memref<100352x8xf32, #tpu.memory_space<vmem_shared>>)
        %sub3A_817 = arith.constant 1 : i32
        %sub3A_818 = arith.subi %sub3A_817, %rem3A_193 : i32
        %sub3A_819 = arith.constant 1 : i32
        %sub3A_820 = arith.subi %sub3A_819, %rem3A_193 : i32
        %dma_wait3A_821 = arith.constant 10 : i32
        %dma_wait3A_822 = arith.constant 10 : i32
        %dma_wait3A_823 = arith.constant 0 : i32
        %dma_wait3A_824 = arith.constant 0 : i32
        %dma_wait3A_825 = tpu.memref_slice %arg9[%sub3A_818, %dma_wait3A_821, %dma_wait3A_823, %dma_wait3A_824] : memref<2x12x128x8xf32, #tpu.memory_space<vmem>> -> memref<1x1x128x8xf32, #tpu.memory_space<vmem>>
        %dma_wait3A_826 = tpu.memref_squeeze %dma_wait3A_825 : memref<1x1x128x8xf32, #tpu.memory_space<vmem>> -> memref<128x8xf32, #tpu.memory_space<vmem>>
        %dma_wait3A_827 = arith.constant 0 : i32
        %dma_wait3A_828 = tpu.memref_slice %arg8[%sub3A_820, %dma_wait3A_822, %dma_wait3A_827] : memref<2x12x128xi32, #tpu.memory_space<vmem>> -> memref<1x1x128xi32, #tpu.memory_space<vmem>>
        %dma_wait3A_829 = tpu.memref_squeeze %dma_wait3A_828 : memref<1x1x128xi32, #tpu.memory_space<vmem>> -> memref<128xi32, #tpu.memory_space<vmem>>
        %dma_wait3A_830 = arith.constant 0 : i32
        %dma_wait3A_831 = arith.constant 0 : i32
        %dma_wait3A_832 = tpu.memref_slice %arg10[%dma_wait3A_830, %dma_wait3A_831] : memref<100352x8xf32, #tpu.memory_space<vmem_shared>> -> memref<100352x8xf32, #tpu.memory_space<vmem_shared>>
        tpu.wait_indirect_dma semaphore(%arg14 : memref<!tpu.dma_semaphore, #tpu.memory_space<semaphore_mem>>) src(%dma_wait3A_826 : memref<128x8xf32, #tpu.memory_space<vmem>>) dst(%dma_wait3A_832 : memref<100352x8xf32, #tpu.memory_space<vmem_shared>>)
        %sub3A_833 = arith.constant 1 : i32
        %sub3A_834 = arith.subi %sub3A_833, %rem3A_193 : i32
        %sub3A_835 = arith.constant 1 : i32
        %sub3A_836 = arith.subi %sub3A_835, %rem3A_193 : i32
        %dma_wait3A_837 = arith.constant 11 : i32
        %dma_wait3A_838 = arith.constant 11 : i32
        %dma_wait3A_839 = arith.constant 0 : i32
        %dma_wait3A_840 = arith.constant 0 : i32
        %dma_wait3A_841 = tpu.memref_slice %arg9[%sub3A_834, %dma_wait3A_837, %dma_wait3A_839, %dma_wait3A_840] : memref<2x12x128x8xf32, #tpu.memory_space<vmem>> -> memref<1x1x128x8xf32, #tpu.memory_space<vmem>>
        %dma_wait3A_842 = tpu.memref_squeeze %dma_wait3A_841 : memref<1x1x128x8xf32, #tpu.memory_space<vmem>> -> memref<128x8xf32, #tpu.memory_space<vmem>>
        %dma_wait3A_843 = arith.constant 0 : i32
        %dma_wait3A_844 = tpu.memref_slice %arg8[%sub3A_836, %dma_wait3A_838, %dma_wait3A_843] : memref<2x12x128xi32, #tpu.memory_space<vmem>> -> memref<1x1x128xi32, #tpu.memory_space<vmem>>
        %dma_wait3A_845 = tpu.memref_squeeze %dma_wait3A_844 : memref<1x1x128xi32, #tpu.memory_space<vmem>> -> memref<128xi32, #tpu.memory_space<vmem>>
        %dma_wait3A_846 = arith.constant 0 : i32
        %dma_wait3A_847 = arith.constant 0 : i32
        %dma_wait3A_848 = tpu.memref_slice %arg10[%dma_wait3A_846, %dma_wait3A_847] : memref<100352x8xf32, #tpu.memory_space<vmem_shared>> -> memref<100352x8xf32, #tpu.memory_space<vmem_shared>>
        tpu.wait_indirect_dma semaphore(%arg14 : memref<!tpu.dma_semaphore, #tpu.memory_space<semaphore_mem>>) src(%dma_wait3A_842 : memref<128x8xf32, #tpu.memory_space<vmem>>) dst(%dma_wait3A_848 : memref<100352x8xf32, #tpu.memory_space<vmem_shared>>)
      } else {
      }
      %add3A_196 = arith.constant 1 : i32
      %add3A_197 = arith.addi %scan3A_191, %add3A_196 : i32
      %lt3A = arith.constant 66 : i32
      %lt3A_198 = arith.cmpi slt, %add3A_197, %lt3A : i32
      %convert_element_type3A_199 = arith.extui %lt3A_198 : i1 to i32
      %cond3A_200 = arith.constant 0 : i32
      %cond3A_201 = arith.cmpi ne, %convert_element_type3A_199, %cond3A_200 : i32
      scf.if %cond3A_201 {
        %add3A_658 = arith.constant 1 : i32
        %add3A_659 = arith.addi %scan3A_191, %add3A_658 : i32
        %mul3A_660 = arith.constant 12 : i32
        %mul3A_661 = arith.muli %add3A_659, %mul3A_660 : i32
        %add3A_662 = arith.addi %mul3A_8, %mul3A_661 : i32
        %sub3A = arith.constant 1 : i32
        %sub3A_663 = arith.subi %sub3A, %rem3A_193 : i32
        %dma_start3A_664 = arith.constant 0 : i32
        %dma_start3A_665 = arith.constant 0 : i32
        %dma_start3A_666 = tpu.memref_slice %arg7[%sub3A_663, %dma_start3A_664, %dma_start3A_665] : memref<2x12x128xi32, #tpu.memory_space<vmem>> -> memref<1x12x128xi32, #tpu.memory_space<vmem>>
        %dma_start3A_667 = tpu.memref_squeeze %dma_start3A_666 : memref<1x12x128xi32, #tpu.memory_space<vmem>> -> memref<12x128xi32, #tpu.memory_space<vmem>>
        %dma_start3A_668 = arith.constant 0 : i32
        %dma_start3A_669 = tpu.memref_slice %arg3[%add3A_662, %dma_start3A_668] : memref<25344x128xi32, #tpu.memory_space<hbm>> -> memref<12x128xi32, #tpu.memory_space<hbm>>
        %dma_start3A_670 = arith.constant 0 : i32
        %dma_start3A_671 = arith.constant 0 : i32
        %dma_start3A_672 = tpu.memref_slice %arg7[%sub3A_663, %dma_start3A_670, %dma_start3A_671] : memref<2x12x128xi32, #tpu.memory_space<vmem>> -> memref<1x12x128xi32, #tpu.memory_space<vmem>>
        %dma_start3A_673 = tpu.memref_squeeze %dma_start3A_672 : memref<1x12x128xi32, #tpu.memory_space<vmem>> -> memref<12x128xi32, #tpu.memory_space<vmem>>
        %dma_start3A_674 = arith.constant 0 : i32
        %dma_start3A_675 = tpu.memref_slice %arg3[%add3A_662, %dma_start3A_674] : memref<25344x128xi32, #tpu.memory_space<hbm>> -> memref<12x128xi32, #tpu.memory_space<hbm>>
        tpu.enqueue_dma source(%dma_start3A_675 : memref<12x128xi32, #tpu.memory_space<hbm>>) target(%dma_start3A_673 : memref<12x128xi32, #tpu.memory_space<vmem>>) target_semaphore(%arg12 : memref<!tpu.dma_semaphore, #tpu.memory_space<semaphore_mem>>)
        %sub3A_676 = arith.constant 1 : i32
        %sub3A_677 = arith.subi %sub3A_676, %rem3A_193 : i32
        %dma_start3A_678 = arith.constant 0 : i32
        %dma_start3A_679 = arith.constant 0 : i32
        %dma_start3A_680 = tpu.memref_slice %arg8[%sub3A_677, %dma_start3A_678, %dma_start3A_679] : memref<2x12x128xi32, #tpu.memory_space<vmem>> -> memref<1x12x128xi32, #tpu.memory_space<vmem>>
        %dma_start3A_681 = tpu.memref_squeeze %dma_start3A_680 : memref<1x12x128xi32, #tpu.memory_space<vmem>> -> memref<12x128xi32, #tpu.memory_space<vmem>>
        %dma_start3A_682 = arith.constant 0 : i32
        %dma_start3A_683 = tpu.memref_slice %arg4[%add3A_662, %dma_start3A_682] : memref<25344x128xi32, #tpu.memory_space<hbm>> -> memref<12x128xi32, #tpu.memory_space<hbm>>
        %dma_start3A_684 = arith.constant 0 : i32
        %dma_start3A_685 = arith.constant 0 : i32
        %dma_start3A_686 = tpu.memref_slice %arg8[%sub3A_677, %dma_start3A_684, %dma_start3A_685] : memref<2x12x128xi32, #tpu.memory_space<vmem>> -> memref<1x12x128xi32, #tpu.memory_space<vmem>>
        %dma_start3A_687 = tpu.memref_squeeze %dma_start3A_686 : memref<1x12x128xi32, #tpu.memory_space<vmem>> -> memref<12x128xi32, #tpu.memory_space<vmem>>
        %dma_start3A_688 = arith.constant 0 : i32
        %dma_start3A_689 = tpu.memref_slice %arg4[%add3A_662, %dma_start3A_688] : memref<25344x128xi32, #tpu.memory_space<hbm>> -> memref<12x128xi32, #tpu.memory_space<hbm>>
        tpu.enqueue_dma source(%dma_start3A_689 : memref<12x128xi32, #tpu.memory_space<hbm>>) target(%dma_start3A_687 : memref<12x128xi32, #tpu.memory_space<vmem>>) target_semaphore(%arg12 : memref<!tpu.dma_semaphore, #tpu.memory_space<semaphore_mem>>)
      } else {
      }
      %dma_wait3A_202 = arith.constant 0 : i32
      %dma_wait3A_203 = arith.constant 0 : i32
      %dma_wait3A_204 = tpu.memref_slice %arg7[%rem3A_193, %dma_wait3A_202, %dma_wait3A_203] : memref<2x12x128xi32, #tpu.memory_space<vmem>> -> memref<1x12x128xi32, #tpu.memory_space<vmem>>
      %dma_wait3A_205 = tpu.memref_squeeze %dma_wait3A_204 : memref<1x12x128xi32, #tpu.memory_space<vmem>> -> memref<12x128xi32, #tpu.memory_space<vmem>>
      %dma_wait3A_206 = arith.constant 0 : i32
      %dma_wait3A_207 = tpu.memref_slice %arg3[%mul3A_8, %dma_wait3A_206] : memref<25344x128xi32, #tpu.memory_space<hbm>> -> memref<12x128xi32, #tpu.memory_space<hbm>>
      %dma_wait3A_208 = arith.constant 0 : i32
      %dma_wait3A_209 = arith.constant 0 : i32
      %dma_wait3A_210 = tpu.memref_slice %arg7[%rem3A_193, %dma_wait3A_208, %dma_wait3A_209] : memref<2x12x128xi32, #tpu.memory_space<vmem>> -> memref<1x12x128xi32, #tpu.memory_space<vmem>>
      %dma_wait3A_211 = tpu.memref_squeeze %dma_wait3A_210 : memref<1x12x128xi32, #tpu.memory_space<vmem>> -> memref<12x128xi32, #tpu.memory_space<vmem>>
      %dma_wait3A_212 = arith.constant 0 : i32
      %dma_wait3A_213 = tpu.memref_slice %arg3[%mul3A_8, %dma_wait3A_212] : memref<25344x128xi32, #tpu.memory_space<hbm>> -> memref<12x128xi32, #tpu.memory_space<hbm>>
      tpu.wait_dma2 semaphore(%arg12 : memref<!tpu.dma_semaphore, #tpu.memory_space<semaphore_mem>>) src(%dma_wait3A_213 : memref<12x128xi32, #tpu.memory_space<hbm>>) dst(%dma_wait3A_211 : memref<12x128xi32, #tpu.memory_space<vmem>>)
      %dma_wait3A_214 = arith.constant 0 : i32
      %dma_wait3A_215 = arith.constant 0 : i32
      %dma_wait3A_216 = tpu.memref_slice %arg8[%rem3A_193, %dma_wait3A_214, %dma_wait3A_215] : memref<2x12x128xi32, #tpu.memory_space<vmem>> -> memref<1x12x128xi32, #tpu.memory_space<vmem>>
      %dma_wait3A_217 = tpu.memref_squeeze %dma_wait3A_216 : memref<1x12x128xi32, #tpu.memory_space<vmem>> -> memref<12x128xi32, #tpu.memory_space<vmem>>
      %dma_wait3A_218 = arith.constant 0 : i32
      %dma_wait3A_219 = tpu.memref_slice %arg4[%mul3A_8, %dma_wait3A_218] : memref<25344x128xi32, #tpu.memory_space<hbm>> -> memref<12x128xi32, #tpu.memory_space<hbm>>
      %dma_wait3A_220 = arith.constant 0 : i32
      %dma_wait3A_221 = arith.constant 0 : i32
      %dma_wait3A_222 = tpu.memref_slice %arg8[%rem3A_193, %dma_wait3A_220, %dma_wait3A_221] : memref<2x12x128xi32, #tpu.memory_space<vmem>> -> memref<1x12x128xi32, #tpu.memory_space<vmem>>
      %dma_wait3A_223 = tpu.memref_squeeze %dma_wait3A_222 : memref<1x12x128xi32, #tpu.memory_space<vmem>> -> memref<12x128xi32, #tpu.memory_space<vmem>>
      %dma_wait3A_224 = arith.constant 0 : i32
      %dma_wait3A_225 = tpu.memref_slice %arg4[%mul3A_8, %dma_wait3A_224] : memref<25344x128xi32, #tpu.memory_space<hbm>> -> memref<12x128xi32, #tpu.memory_space<hbm>>
      tpu.wait_dma2 semaphore(%arg12 : memref<!tpu.dma_semaphore, #tpu.memory_space<semaphore_mem>>) src(%dma_wait3A_225 : memref<12x128xi32, #tpu.memory_space<hbm>>) dst(%dma_wait3A_223 : memref<12x128xi32, #tpu.memory_space<vmem>>)
      %dma_start3A_226 = arith.constant 0 : i32
      %dma_start3A_227 = arith.constant 0 : i32
      %dma_start3A_228 = arith.constant 0 : i32
      %dma_start3A_229 = arith.constant 0 : i32
      %dma_start3A_230 = tpu.memref_slice %arg9[%rem3A_193, %dma_start3A_227, %dma_start3A_228, %dma_start3A_229] : memref<2x12x128x8xf32, #tpu.memory_space<vmem>> -> memref<1x1x128x8xf32, #tpu.memory_space<vmem>>
      %dma_start3A_231 = tpu.memref_squeeze %dma_start3A_230 : memref<1x1x128x8xf32, #tpu.memory_space<vmem>> -> memref<128x8xf32, #tpu.memory_space<vmem>>
      %dma_start3A_232 = arith.constant 0 : i32
      %dma_start3A_233 = tpu.memref_slice %arg7[%rem3A_193, %dma_start3A_226, %dma_start3A_232] : memref<2x12x128xi32, #tpu.memory_space<vmem>> -> memref<1x1x128xi32, #tpu.memory_space<vmem>>
      %dma_start3A_234 = tpu.memref_squeeze %dma_start3A_233 : memref<1x1x128xi32, #tpu.memory_space<vmem>> -> memref<128xi32, #tpu.memory_space<vmem>>
      %dma_start3A_235 = arith.constant 0 : i32
      %dma_start3A_236 = arith.constant 0 : i32
      %dma_start3A_237 = tpu.memref_slice %arg11[%dma_start3A_235, %dma_start3A_236] : memref<100352x8xf32, #tpu.memory_space<vmem_shared>> -> memref<100352x8xf32, #tpu.memory_space<vmem_shared>>
      tpu.enqueue_indirect_dma source(%dma_start3A_237 : memref<100352x8xf32, #tpu.memory_space<vmem_shared>>) target(%dma_start3A_231 : memref<128x8xf32, #tpu.memory_space<vmem>>) offsets(%dma_start3A_234 : memref<128xi32, #tpu.memory_space<vmem>>) semaphore(%arg13 : memref<!tpu.dma_semaphore, #tpu.memory_space<semaphore_mem>>)
      %dma_start3A_238 = arith.constant 1 : i32
      %dma_start3A_239 = arith.constant 1 : i32
      %dma_start3A_240 = arith.constant 0 : i32
      %dma_start3A_241 = arith.constant 0 : i32
      %dma_start3A_242 = tpu.memref_slice %arg9[%rem3A_193, %dma_start3A_239, %dma_start3A_240, %dma_start3A_241] : memref<2x12x128x8xf32, #tpu.memory_space<vmem>> -> memref<1x1x128x8xf32, #tpu.memory_space<vmem>>
      %dma_start3A_243 = tpu.memref_squeeze %dma_start3A_242 : memref<1x1x128x8xf32, #tpu.memory_space<vmem>> -> memref<128x8xf32, #tpu.memory_space<vmem>>
      %dma_start3A_244 = arith.constant 0 : i32
      %dma_start3A_245 = tpu.memref_slice %arg7[%rem3A_193, %dma_start3A_238, %dma_start3A_244] : memref<2x12x128xi32, #tpu.memory_space<vmem>> -> memref<1x1x128xi32, #tpu.memory_space<vmem>>
      %dma_start3A_246 = tpu.memref_squeeze %dma_start3A_245 : memref<1x1x128xi32, #tpu.memory_space<vmem>> -> memref<128xi32, #tpu.memory_space<vmem>>
      %dma_start3A_247 = arith.constant 0 : i32
      %dma_start3A_248 = arith.constant 0 : i32
      %dma_start3A_249 = tpu.memref_slice %arg11[%dma_start3A_247, %dma_start3A_248] : memref<100352x8xf32, #tpu.memory_space<vmem_shared>> -> memref<100352x8xf32, #tpu.memory_space<vmem_shared>>
      tpu.enqueue_indirect_dma source(%dma_start3A_249 : memref<100352x8xf32, #tpu.memory_space<vmem_shared>>) target(%dma_start3A_243 : memref<128x8xf32, #tpu.memory_space<vmem>>) offsets(%dma_start3A_246 : memref<128xi32, #tpu.memory_space<vmem>>) semaphore(%arg13 : memref<!tpu.dma_semaphore, #tpu.memory_space<semaphore_mem>>)
      %dma_start3A_250 = arith.constant 2 : i32
      %dma_start3A_251 = arith.constant 2 : i32
      %dma_start3A_252 = arith.constant 0 : i32
      %dma_start3A_253 = arith.constant 0 : i32
      %dma_start3A_254 = tpu.memref_slice %arg9[%rem3A_193, %dma_start3A_251, %dma_start3A_252, %dma_start3A_253] : memref<2x12x128x8xf32, #tpu.memory_space<vmem>> -> memref<1x1x128x8xf32, #tpu.memory_space<vmem>>
      %dma_start3A_255 = tpu.memref_squeeze %dma_start3A_254 : memref<1x1x128x8xf32, #tpu.memory_space<vmem>> -> memref<128x8xf32, #tpu.memory_space<vmem>>
      %dma_start3A_256 = arith.constant 0 : i32
      %dma_start3A_257 = tpu.memref_slice %arg7[%rem3A_193, %dma_start3A_250, %dma_start3A_256] : memref<2x12x128xi32, #tpu.memory_space<vmem>> -> memref<1x1x128xi32, #tpu.memory_space<vmem>>
      %dma_start3A_258 = tpu.memref_squeeze %dma_start3A_257 : memref<1x1x128xi32, #tpu.memory_space<vmem>> -> memref<128xi32, #tpu.memory_space<vmem>>
      %dma_start3A_259 = arith.constant 0 : i32
      %dma_start3A_260 = arith.constant 0 : i32
      %dma_start3A_261 = tpu.memref_slice %arg11[%dma_start3A_259, %dma_start3A_260] : memref<100352x8xf32, #tpu.memory_space<vmem_shared>> -> memref<100352x8xf32, #tpu.memory_space<vmem_shared>>
      tpu.enqueue_indirect_dma source(%dma_start3A_261 : memref<100352x8xf32, #tpu.memory_space<vmem_shared>>) target(%dma_start3A_255 : memref<128x8xf32, #tpu.memory_space<vmem>>) offsets(%dma_start3A_258 : memref<128xi32, #tpu.memory_space<vmem>>) semaphore(%arg13 : memref<!tpu.dma_semaphore, #tpu.memory_space<semaphore_mem>>)
      %dma_start3A_262 = arith.constant 3 : i32
      %dma_start3A_263 = arith.constant 3 : i32
      %dma_start3A_264 = arith.constant 0 : i32
      %dma_start3A_265 = arith.constant 0 : i32
      %dma_start3A_266 = tpu.memref_slice %arg9[%rem3A_193, %dma_start3A_263, %dma_start3A_264, %dma_start3A_265] : memref<2x12x128x8xf32, #tpu.memory_space<vmem>> -> memref<1x1x128x8xf32, #tpu.memory_space<vmem>>
      %dma_start3A_267 = tpu.memref_squeeze %dma_start3A_266 : memref<1x1x128x8xf32, #tpu.memory_space<vmem>> -> memref<128x8xf32, #tpu.memory_space<vmem>>
      %dma_start3A_268 = arith.constant 0 : i32
      %dma_start3A_269 = tpu.memref_slice %arg7[%rem3A_193, %dma_start3A_262, %dma_start3A_268] : memref<2x12x128xi32, #tpu.memory_space<vmem>> -> memref<1x1x128xi32, #tpu.memory_space<vmem>>
      %dma_start3A_270 = tpu.memref_squeeze %dma_start3A_269 : memref<1x1x128xi32, #tpu.memory_space<vmem>> -> memref<128xi32, #tpu.memory_space<vmem>>
      %dma_start3A_271 = arith.constant 0 : i32
      %dma_start3A_272 = arith.constant 0 : i32
      %dma_start3A_273 = tpu.memref_slice %arg11[%dma_start3A_271, %dma_start3A_272] : memref<100352x8xf32, #tpu.memory_space<vmem_shared>> -> memref<100352x8xf32, #tpu.memory_space<vmem_shared>>
      tpu.enqueue_indirect_dma source(%dma_start3A_273 : memref<100352x8xf32, #tpu.memory_space<vmem_shared>>) target(%dma_start3A_267 : memref<128x8xf32, #tpu.memory_space<vmem>>) offsets(%dma_start3A_270 : memref<128xi32, #tpu.memory_space<vmem>>) semaphore(%arg13 : memref<!tpu.dma_semaphore, #tpu.memory_space<semaphore_mem>>)
      %dma_start3A_274 = arith.constant 4 : i32
      %dma_start3A_275 = arith.constant 4 : i32
      %dma_start3A_276 = arith.constant 0 : i32
      %dma_start3A_277 = arith.constant 0 : i32
      %dma_start3A_278 = tpu.memref_slice %arg9[%rem3A_193, %dma_start3A_275, %dma_start3A_276, %dma_start3A_277] : memref<2x12x128x8xf32, #tpu.memory_space<vmem>> -> memref<1x1x128x8xf32, #tpu.memory_space<vmem>>
      %dma_start3A_279 = tpu.memref_squeeze %dma_start3A_278 : memref<1x1x128x8xf32, #tpu.memory_space<vmem>> -> memref<128x8xf32, #tpu.memory_space<vmem>>
      %dma_start3A_280 = arith.constant 0 : i32
      %dma_start3A_281 = tpu.memref_slice %arg7[%rem3A_193, %dma_start3A_274, %dma_start3A_280] : memref<2x12x128xi32, #tpu.memory_space<vmem>> -> memref<1x1x128xi32, #tpu.memory_space<vmem>>
      %dma_start3A_282 = tpu.memref_squeeze %dma_start3A_281 : memref<1x1x128xi32, #tpu.memory_space<vmem>> -> memref<128xi32, #tpu.memory_space<vmem>>
      %dma_start3A_283 = arith.constant 0 : i32
      %dma_start3A_284 = arith.constant 0 : i32
      %dma_start3A_285 = tpu.memref_slice %arg11[%dma_start3A_283, %dma_start3A_284] : memref<100352x8xf32, #tpu.memory_space<vmem_shared>> -> memref<100352x8xf32, #tpu.memory_space<vmem_shared>>
      tpu.enqueue_indirect_dma source(%dma_start3A_285 : memref<100352x8xf32, #tpu.memory_space<vmem_shared>>) target(%dma_start3A_279 : memref<128x8xf32, #tpu.memory_space<vmem>>) offsets(%dma_start3A_282 : memref<128xi32, #tpu.memory_space<vmem>>) semaphore(%arg13 : memref<!tpu.dma_semaphore, #tpu.memory_space<semaphore_mem>>)
      %dma_start3A_286 = arith.constant 5 : i32
      %dma_start3A_287 = arith.constant 5 : i32
      %dma_start3A_288 = arith.constant 0 : i32
      %dma_start3A_289 = arith.constant 0 : i32
      %dma_start3A_290 = tpu.memref_slice %arg9[%rem3A_193, %dma_start3A_287, %dma_start3A_288, %dma_start3A_289] : memref<2x12x128x8xf32, #tpu.memory_space<vmem>> -> memref<1x1x128x8xf32, #tpu.memory_space<vmem>>
      %dma_start3A_291 = tpu.memref_squeeze %dma_start3A_290 : memref<1x1x128x8xf32, #tpu.memory_space<vmem>> -> memref<128x8xf32, #tpu.memory_space<vmem>>
      %dma_start3A_292 = arith.constant 0 : i32
      %dma_start3A_293 = tpu.memref_slice %arg7[%rem3A_193, %dma_start3A_286, %dma_start3A_292] : memref<2x12x128xi32, #tpu.memory_space<vmem>> -> memref<1x1x128xi32, #tpu.memory_space<vmem>>
      %dma_start3A_294 = tpu.memref_squeeze %dma_start3A_293 : memref<1x1x128xi32, #tpu.memory_space<vmem>> -> memref<128xi32, #tpu.memory_space<vmem>>
      %dma_start3A_295 = arith.constant 0 : i32
      %dma_start3A_296 = arith.constant 0 : i32
      %dma_start3A_297 = tpu.memref_slice %arg11[%dma_start3A_295, %dma_start3A_296] : memref<100352x8xf32, #tpu.memory_space<vmem_shared>> -> memref<100352x8xf32, #tpu.memory_space<vmem_shared>>
      tpu.enqueue_indirect_dma source(%dma_start3A_297 : memref<100352x8xf32, #tpu.memory_space<vmem_shared>>) target(%dma_start3A_291 : memref<128x8xf32, #tpu.memory_space<vmem>>) offsets(%dma_start3A_294 : memref<128xi32, #tpu.memory_space<vmem>>) semaphore(%arg13 : memref<!tpu.dma_semaphore, #tpu.memory_space<semaphore_mem>>)
      %dma_start3A_298 = arith.constant 6 : i32
      %dma_start3A_299 = arith.constant 6 : i32
      %dma_start3A_300 = arith.constant 0 : i32
      %dma_start3A_301 = arith.constant 0 : i32
      %dma_start3A_302 = tpu.memref_slice %arg9[%rem3A_193, %dma_start3A_299, %dma_start3A_300, %dma_start3A_301] : memref<2x12x128x8xf32, #tpu.memory_space<vmem>> -> memref<1x1x128x8xf32, #tpu.memory_space<vmem>>
      %dma_start3A_303 = tpu.memref_squeeze %dma_start3A_302 : memref<1x1x128x8xf32, #tpu.memory_space<vmem>> -> memref<128x8xf32, #tpu.memory_space<vmem>>
      %dma_start3A_304 = arith.constant 0 : i32
      %dma_start3A_305 = tpu.memref_slice %arg7[%rem3A_193, %dma_start3A_298, %dma_start3A_304] : memref<2x12x128xi32, #tpu.memory_space<vmem>> -> memref<1x1x128xi32, #tpu.memory_space<vmem>>
      %dma_start3A_306 = tpu.memref_squeeze %dma_start3A_305 : memref<1x1x128xi32, #tpu.memory_space<vmem>> -> memref<128xi32, #tpu.memory_space<vmem>>
      %dma_start3A_307 = arith.constant 0 : i32
      %dma_start3A_308 = arith.constant 0 : i32
      %dma_start3A_309 = tpu.memref_slice %arg11[%dma_start3A_307, %dma_start3A_308] : memref<100352x8xf32, #tpu.memory_space<vmem_shared>> -> memref<100352x8xf32, #tpu.memory_space<vmem_shared>>
      tpu.enqueue_indirect_dma source(%dma_start3A_309 : memref<100352x8xf32, #tpu.memory_space<vmem_shared>>) target(%dma_start3A_303 : memref<128x8xf32, #tpu.memory_space<vmem>>) offsets(%dma_start3A_306 : memref<128xi32, #tpu.memory_space<vmem>>) semaphore(%arg13 : memref<!tpu.dma_semaphore, #tpu.memory_space<semaphore_mem>>)
      %dma_start3A_310 = arith.constant 7 : i32
      %dma_start3A_311 = arith.constant 7 : i32
      %dma_start3A_312 = arith.constant 0 : i32
      %dma_start3A_313 = arith.constant 0 : i32
      %dma_start3A_314 = tpu.memref_slice %arg9[%rem3A_193, %dma_start3A_311, %dma_start3A_312, %dma_start3A_313] : memref<2x12x128x8xf32, #tpu.memory_space<vmem>> -> memref<1x1x128x8xf32, #tpu.memory_space<vmem>>
      %dma_start3A_315 = tpu.memref_squeeze %dma_start3A_314 : memref<1x1x128x8xf32, #tpu.memory_space<vmem>> -> memref<128x8xf32, #tpu.memory_space<vmem>>
      %dma_start3A_316 = arith.constant 0 : i32
      %dma_start3A_317 = tpu.memref_slice %arg7[%rem3A_193, %dma_start3A_310, %dma_start3A_316] : memref<2x12x128xi32, #tpu.memory_space<vmem>> -> memref<1x1x128xi32, #tpu.memory_space<vmem>>
      %dma_start3A_318 = tpu.memref_squeeze %dma_start3A_317 : memref<1x1x128xi32, #tpu.memory_space<vmem>> -> memref<128xi32, #tpu.memory_space<vmem>>
      %dma_start3A_319 = arith.constant 0 : i32
      %dma_start3A_320 = arith.constant 0 : i32
      %dma_start3A_321 = tpu.memref_slice %arg11[%dma_start3A_319, %dma_start3A_320] : memref<100352x8xf32, #tpu.memory_space<vmem_shared>> -> memref<100352x8xf32, #tpu.memory_space<vmem_shared>>
      tpu.enqueue_indirect_dma source(%dma_start3A_321 : memref<100352x8xf32, #tpu.memory_space<vmem_shared>>) target(%dma_start3A_315 : memref<128x8xf32, #tpu.memory_space<vmem>>) offsets(%dma_start3A_318 : memref<128xi32, #tpu.memory_space<vmem>>) semaphore(%arg13 : memref<!tpu.dma_semaphore, #tpu.memory_space<semaphore_mem>>)
      %dma_start3A_322 = arith.constant 8 : i32
      %dma_start3A_323 = arith.constant 8 : i32
      %dma_start3A_324 = arith.constant 0 : i32
      %dma_start3A_325 = arith.constant 0 : i32
      %dma_start3A_326 = tpu.memref_slice %arg9[%rem3A_193, %dma_start3A_323, %dma_start3A_324, %dma_start3A_325] : memref<2x12x128x8xf32, #tpu.memory_space<vmem>> -> memref<1x1x128x8xf32, #tpu.memory_space<vmem>>
      %dma_start3A_327 = tpu.memref_squeeze %dma_start3A_326 : memref<1x1x128x8xf32, #tpu.memory_space<vmem>> -> memref<128x8xf32, #tpu.memory_space<vmem>>
      %dma_start3A_328 = arith.constant 0 : i32
      %dma_start3A_329 = tpu.memref_slice %arg7[%rem3A_193, %dma_start3A_322, %dma_start3A_328] : memref<2x12x128xi32, #tpu.memory_space<vmem>> -> memref<1x1x128xi32, #tpu.memory_space<vmem>>
      %dma_start3A_330 = tpu.memref_squeeze %dma_start3A_329 : memref<1x1x128xi32, #tpu.memory_space<vmem>> -> memref<128xi32, #tpu.memory_space<vmem>>
      %dma_start3A_331 = arith.constant 0 : i32
      %dma_start3A_332 = arith.constant 0 : i32
      %dma_start3A_333 = tpu.memref_slice %arg11[%dma_start3A_331, %dma_start3A_332] : memref<100352x8xf32, #tpu.memory_space<vmem_shared>> -> memref<100352x8xf32, #tpu.memory_space<vmem_shared>>
      tpu.enqueue_indirect_dma source(%dma_start3A_333 : memref<100352x8xf32, #tpu.memory_space<vmem_shared>>) target(%dma_start3A_327 : memref<128x8xf32, #tpu.memory_space<vmem>>) offsets(%dma_start3A_330 : memref<128xi32, #tpu.memory_space<vmem>>) semaphore(%arg13 : memref<!tpu.dma_semaphore, #tpu.memory_space<semaphore_mem>>)
      %dma_start3A_334 = arith.constant 9 : i32
      %dma_start3A_335 = arith.constant 9 : i32
      %dma_start3A_336 = arith.constant 0 : i32
      %dma_start3A_337 = arith.constant 0 : i32
      %dma_start3A_338 = tpu.memref_slice %arg9[%rem3A_193, %dma_start3A_335, %dma_start3A_336, %dma_start3A_337] : memref<2x12x128x8xf32, #tpu.memory_space<vmem>> -> memref<1x1x128x8xf32, #tpu.memory_space<vmem>>
      %dma_start3A_339 = tpu.memref_squeeze %dma_start3A_338 : memref<1x1x128x8xf32, #tpu.memory_space<vmem>> -> memref<128x8xf32, #tpu.memory_space<vmem>>
      %dma_start3A_340 = arith.constant 0 : i32
      %dma_start3A_341 = tpu.memref_slice %arg7[%rem3A_193, %dma_start3A_334, %dma_start3A_340] : memref<2x12x128xi32, #tpu.memory_space<vmem>> -> memref<1x1x128xi32, #tpu.memory_space<vmem>>
      %dma_start3A_342 = tpu.memref_squeeze %dma_start3A_341 : memref<1x1x128xi32, #tpu.memory_space<vmem>> -> memref<128xi32, #tpu.memory_space<vmem>>
      %dma_start3A_343 = arith.constant 0 : i32
      %dma_start3A_344 = arith.constant 0 : i32
      %dma_start3A_345 = tpu.memref_slice %arg11[%dma_start3A_343, %dma_start3A_344] : memref<100352x8xf32, #tpu.memory_space<vmem_shared>> -> memref<100352x8xf32, #tpu.memory_space<vmem_shared>>
      tpu.enqueue_indirect_dma source(%dma_start3A_345 : memref<100352x8xf32, #tpu.memory_space<vmem_shared>>) target(%dma_start3A_339 : memref<128x8xf32, #tpu.memory_space<vmem>>) offsets(%dma_start3A_342 : memref<128xi32, #tpu.memory_space<vmem>>) semaphore(%arg13 : memref<!tpu.dma_semaphore, #tpu.memory_space<semaphore_mem>>)
      %dma_start3A_346 = arith.constant 10 : i32
      %dma_start3A_347 = arith.constant 10 : i32
      %dma_start3A_348 = arith.constant 0 : i32
      %dma_start3A_349 = arith.constant 0 : i32
      %dma_start3A_350 = tpu.memref_slice %arg9[%rem3A_193, %dma_start3A_347, %dma_start3A_348, %dma_start3A_349] : memref<2x12x128x8xf32, #tpu.memory_space<vmem>> -> memref<1x1x128x8xf32, #tpu.memory_space<vmem>>
      %dma_start3A_351 = tpu.memref_squeeze %dma_start3A_350 : memref<1x1x128x8xf32, #tpu.memory_space<vmem>> -> memref<128x8xf32, #tpu.memory_space<vmem>>
      %dma_start3A_352 = arith.constant 0 : i32
      %dma_start3A_353 = tpu.memref_slice %arg7[%rem3A_193, %dma_start3A_346, %dma_start3A_352] : memref<2x12x128xi32, #tpu.memory_space<vmem>> -> memref<1x1x128xi32, #tpu.memory_space<vmem>>
      %dma_start3A_354 = tpu.memref_squeeze %dma_start3A_353 : memref<1x1x128xi32, #tpu.memory_space<vmem>> -> memref<128xi32, #tpu.memory_space<vmem>>
      %dma_start3A_355 = arith.constant 0 : i32
      %dma_start3A_356 = arith.constant 0 : i32
      %dma_start3A_357 = tpu.memref_slice %arg11[%dma_start3A_355, %dma_start3A_356] : memref<100352x8xf32, #tpu.memory_space<vmem_shared>> -> memref<100352x8xf32, #tpu.memory_space<vmem_shared>>
      tpu.enqueue_indirect_dma source(%dma_start3A_357 : memref<100352x8xf32, #tpu.memory_space<vmem_shared>>) target(%dma_start3A_351 : memref<128x8xf32, #tpu.memory_space<vmem>>) offsets(%dma_start3A_354 : memref<128xi32, #tpu.memory_space<vmem>>) semaphore(%arg13 : memref<!tpu.dma_semaphore, #tpu.memory_space<semaphore_mem>>)
      %dma_start3A_358 = arith.constant 11 : i32
      %dma_start3A_359 = arith.constant 11 : i32
      %dma_start3A_360 = arith.constant 0 : i32
      %dma_start3A_361 = arith.constant 0 : i32
      %dma_start3A_362 = tpu.memref_slice %arg9[%rem3A_193, %dma_start3A_359, %dma_start3A_360, %dma_start3A_361] : memref<2x12x128x8xf32, #tpu.memory_space<vmem>> -> memref<1x1x128x8xf32, #tpu.memory_space<vmem>>
      %dma_start3A_363 = tpu.memref_squeeze %dma_start3A_362 : memref<1x1x128x8xf32, #tpu.memory_space<vmem>> -> memref<128x8xf32, #tpu.memory_space<vmem>>
      %dma_start3A_364 = arith.constant 0 : i32
      %dma_start3A_365 = tpu.memref_slice %arg7[%rem3A_193, %dma_start3A_358, %dma_start3A_364] : memref<2x12x128xi32, #tpu.memory_space<vmem>> -> memref<1x1x128xi32, #tpu.memory_space<vmem>>
      %dma_start3A_366 = tpu.memref_squeeze %dma_start3A_365 : memref<1x1x128xi32, #tpu.memory_space<vmem>> -> memref<128xi32, #tpu.memory_space<vmem>>
      %dma_start3A_367 = arith.constant 0 : i32
      %dma_start3A_368 = arith.constant 0 : i32
      %dma_start3A_369 = tpu.memref_slice %arg11[%dma_start3A_367, %dma_start3A_368] : memref<100352x8xf32, #tpu.memory_space<vmem_shared>> -> memref<100352x8xf32, #tpu.memory_space<vmem_shared>>
      tpu.enqueue_indirect_dma source(%dma_start3A_369 : memref<100352x8xf32, #tpu.memory_space<vmem_shared>>) target(%dma_start3A_363 : memref<128x8xf32, #tpu.memory_space<vmem>>) offsets(%dma_start3A_366 : memref<128xi32, #tpu.memory_space<vmem>>) semaphore(%arg13 : memref<!tpu.dma_semaphore, #tpu.memory_space<semaphore_mem>>)
      %dma_wait3A_370 = arith.constant 0 : i32
      %dma_wait3A_371 = arith.constant 0 : i32
      %dma_wait3A_372 = arith.constant 0 : i32
      %dma_wait3A_373 = arith.constant 0 : i32
      %dma_wait3A_374 = tpu.memref_slice %arg9[%rem3A_193, %dma_wait3A_371, %dma_wait3A_372, %dma_wait3A_373] : memref<2x12x128x8xf32, #tpu.memory_space<vmem>> -> memref<1x1x128x8xf32, #tpu.memory_space<vmem>>
      %dma_wait3A_375 = tpu.memref_squeeze %dma_wait3A_374 : memref<1x1x128x8xf32, #tpu.memory_space<vmem>> -> memref<128x8xf32, #tpu.memory_space<vmem>>
      %dma_wait3A_376 = arith.constant 0 : i32
      %dma_wait3A_377 = tpu.memref_slice %arg7[%rem3A_193, %dma_wait3A_370, %dma_wait3A_376] : memref<2x12x128xi32, #tpu.memory_space<vmem>> -> memref<1x1x128xi32, #tpu.memory_space<vmem>>
      %dma_wait3A_378 = tpu.memref_squeeze %dma_wait3A_377 : memref<1x1x128xi32, #tpu.memory_space<vmem>> -> memref<128xi32, #tpu.memory_space<vmem>>
      %dma_wait3A_379 = arith.constant 0 : i32
      %dma_wait3A_380 = arith.constant 0 : i32
      %dma_wait3A_381 = tpu.memref_slice %arg11[%dma_wait3A_379, %dma_wait3A_380] : memref<100352x8xf32, #tpu.memory_space<vmem_shared>> -> memref<100352x8xf32, #tpu.memory_space<vmem_shared>>
      tpu.wait_indirect_dma semaphore(%arg13 : memref<!tpu.dma_semaphore, #tpu.memory_space<semaphore_mem>>) src(%dma_wait3A_381 : memref<100352x8xf32, #tpu.memory_space<vmem_shared>>) dst(%dma_wait3A_375 : memref<128x8xf32, #tpu.memory_space<vmem>>)
      %dma_start3A_382 = arith.constant 0 : i32
      %dma_start3A_383 = arith.constant 0 : i32
      %dma_start3A_384 = arith.constant 0 : i32
      %dma_start3A_385 = arith.constant 0 : i32
      %dma_start3A_386 = tpu.memref_slice %arg9[%rem3A_193, %dma_start3A_382, %dma_start3A_384, %dma_start3A_385] : memref<2x12x128x8xf32, #tpu.memory_space<vmem>> -> memref<1x1x128x8xf32, #tpu.memory_space<vmem>>
      %dma_start3A_387 = tpu.memref_squeeze %dma_start3A_386 : memref<1x1x128x8xf32, #tpu.memory_space<vmem>> -> memref<128x8xf32, #tpu.memory_space<vmem>>
      %dma_start3A_388 = arith.constant 0 : i32
      %dma_start3A_389 = tpu.memref_slice %arg8[%rem3A_193, %dma_start3A_383, %dma_start3A_388] : memref<2x12x128xi32, #tpu.memory_space<vmem>> -> memref<1x1x128xi32, #tpu.memory_space<vmem>>
      %dma_start3A_390 = tpu.memref_squeeze %dma_start3A_389 : memref<1x1x128xi32, #tpu.memory_space<vmem>> -> memref<128xi32, #tpu.memory_space<vmem>>
      %dma_start3A_391 = arith.constant 0 : i32
      %dma_start3A_392 = arith.constant 0 : i32
      %dma_start3A_393 = tpu.memref_slice %arg10[%dma_start3A_391, %dma_start3A_392] : memref<100352x8xf32, #tpu.memory_space<vmem_shared>> -> memref<100352x8xf32, #tpu.memory_space<vmem_shared>>
      tpu.enqueue_indirect_dma source(%dma_start3A_387 : memref<128x8xf32, #tpu.memory_space<vmem>>) target(%dma_start3A_393 : memref<100352x8xf32, #tpu.memory_space<vmem_shared>>) offsets(%dma_start3A_390 : memref<128xi32, #tpu.memory_space<vmem>>) semaphore(%arg14 : memref<!tpu.dma_semaphore, #tpu.memory_space<semaphore_mem>>) {add = true}
      %dma_wait3A_394 = arith.constant 1 : i32
      %dma_wait3A_395 = arith.constant 1 : i32
      %dma_wait3A_396 = arith.constant 0 : i32
      %dma_wait3A_397 = arith.constant 0 : i32
      %dma_wait3A_398 = tpu.memref_slice %arg9[%rem3A_193, %dma_wait3A_395, %dma_wait3A_396, %dma_wait3A_397] : memref<2x12x128x8xf32, #tpu.memory_space<vmem>> -> memref<1x1x128x8xf32, #tpu.memory_space<vmem>>
      %dma_wait3A_399 = tpu.memref_squeeze %dma_wait3A_398 : memref<1x1x128x8xf32, #tpu.memory_space<vmem>> -> memref<128x8xf32, #tpu.memory_space<vmem>>
      %dma_wait3A_400 = arith.constant 0 : i32
      %dma_wait3A_401 = tpu.memref_slice %arg7[%rem3A_193, %dma_wait3A_394, %dma_wait3A_400] : memref<2x12x128xi32, #tpu.memory_space<vmem>> -> memref<1x1x128xi32, #tpu.memory_space<vmem>>
      %dma_wait3A_402 = tpu.memref_squeeze %dma_wait3A_401 : memref<1x1x128xi32, #tpu.memory_space<vmem>> -> memref<128xi32, #tpu.memory_space<vmem>>
      %dma_wait3A_403 = arith.constant 0 : i32
      %dma_wait3A_404 = arith.constant 0 : i32
      %dma_wait3A_405 = tpu.memref_slice %arg11[%dma_wait3A_403, %dma_wait3A_404] : memref<100352x8xf32, #tpu.memory_space<vmem_shared>> -> memref<100352x8xf32, #tpu.memory_space<vmem_shared>>
      tpu.wait_indirect_dma semaphore(%arg13 : memref<!tpu.dma_semaphore, #tpu.memory_space<semaphore_mem>>) src(%dma_wait3A_405 : memref<100352x8xf32, #tpu.memory_space<vmem_shared>>) dst(%dma_wait3A_399 : memref<128x8xf32, #tpu.memory_space<vmem>>)
      %dma_start3A_406 = arith.constant 1 : i32
      %dma_start3A_407 = arith.constant 1 : i32
      %dma_start3A_408 = arith.constant 0 : i32
      %dma_start3A_409 = arith.constant 0 : i32
      %dma_start3A_410 = tpu.memref_slice %arg9[%rem3A_193, %dma_start3A_406, %dma_start3A_408, %dma_start3A_409] : memref<2x12x128x8xf32, #tpu.memory_space<vmem>> -> memref<1x1x128x8xf32, #tpu.memory_space<vmem>>
      %dma_start3A_411 = tpu.memref_squeeze %dma_start3A_410 : memref<1x1x128x8xf32, #tpu.memory_space<vmem>> -> memref<128x8xf32, #tpu.memory_space<vmem>>
      %dma_start3A_412 = arith.constant 0 : i32
      %dma_start3A_413 = tpu.memref_slice %arg8[%rem3A_193, %dma_start3A_407, %dma_start3A_412] : memref<2x12x128xi32, #tpu.memory_space<vmem>> -> memref<1x1x128xi32, #tpu.memory_space<vmem>>
      %dma_start3A_414 = tpu.memref_squeeze %dma_start3A_413 : memref<1x1x128xi32, #tpu.memory_space<vmem>> -> memref<128xi32, #tpu.memory_space<vmem>>
      %dma_start3A_415 = arith.constant 0 : i32
      %dma_start3A_416 = arith.constant 0 : i32
      %dma_start3A_417 = tpu.memref_slice %arg10[%dma_start3A_415, %dma_start3A_416] : memref<100352x8xf32, #tpu.memory_space<vmem_shared>> -> memref<100352x8xf32, #tpu.memory_space<vmem_shared>>
      tpu.enqueue_indirect_dma source(%dma_start3A_411 : memref<128x8xf32, #tpu.memory_space<vmem>>) target(%dma_start3A_417 : memref<100352x8xf32, #tpu.memory_space<vmem_shared>>) offsets(%dma_start3A_414 : memref<128xi32, #tpu.memory_space<vmem>>) semaphore(%arg14 : memref<!tpu.dma_semaphore, #tpu.memory_space<semaphore_mem>>) {add = true}
      %dma_wait3A_418 = arith.constant 2 : i32
      %dma_wait3A_419 = arith.constant 2 : i32
      %dma_wait3A_420 = arith.constant 0 : i32
      %dma_wait3A_421 = arith.constant 0 : i32
      %dma_wait3A_422 = tpu.memref_slice %arg9[%rem3A_193, %dma_wait3A_419, %dma_wait3A_420, %dma_wait3A_421] : memref<2x12x128x8xf32, #tpu.memory_space<vmem>> -> memref<1x1x128x8xf32, #tpu.memory_space<vmem>>
      %dma_wait3A_423 = tpu.memref_squeeze %dma_wait3A_422 : memref<1x1x128x8xf32, #tpu.memory_space<vmem>> -> memref<128x8xf32, #tpu.memory_space<vmem>>
      %dma_wait3A_424 = arith.constant 0 : i32
      %dma_wait3A_425 = tpu.memref_slice %arg7[%rem3A_193, %dma_wait3A_418, %dma_wait3A_424] : memref<2x12x128xi32, #tpu.memory_space<vmem>> -> memref<1x1x128xi32, #tpu.memory_space<vmem>>
      %dma_wait3A_426 = tpu.memref_squeeze %dma_wait3A_425 : memref<1x1x128xi32, #tpu.memory_space<vmem>> -> memref<128xi32, #tpu.memory_space<vmem>>
      %dma_wait3A_427 = arith.constant 0 : i32
      %dma_wait3A_428 = arith.constant 0 : i32
      %dma_wait3A_429 = tpu.memref_slice %arg11[%dma_wait3A_427, %dma_wait3A_428] : memref<100352x8xf32, #tpu.memory_space<vmem_shared>> -> memref<100352x8xf32, #tpu.memory_space<vmem_shared>>
      tpu.wait_indirect_dma semaphore(%arg13 : memref<!tpu.dma_semaphore, #tpu.memory_space<semaphore_mem>>) src(%dma_wait3A_429 : memref<100352x8xf32, #tpu.memory_space<vmem_shared>>) dst(%dma_wait3A_423 : memref<128x8xf32, #tpu.memory_space<vmem>>)
      %dma_start3A_430 = arith.constant 2 : i32
      %dma_start3A_431 = arith.constant 2 : i32
      %dma_start3A_432 = arith.constant 0 : i32
      %dma_start3A_433 = arith.constant 0 : i32
      %dma_start3A_434 = tpu.memref_slice %arg9[%rem3A_193, %dma_start3A_430, %dma_start3A_432, %dma_start3A_433] : memref<2x12x128x8xf32, #tpu.memory_space<vmem>> -> memref<1x1x128x8xf32, #tpu.memory_space<vmem>>
      %dma_start3A_435 = tpu.memref_squeeze %dma_start3A_434 : memref<1x1x128x8xf32, #tpu.memory_space<vmem>> -> memref<128x8xf32, #tpu.memory_space<vmem>>
      %dma_start3A_436 = arith.constant 0 : i32
      %dma_start3A_437 = tpu.memref_slice %arg8[%rem3A_193, %dma_start3A_431, %dma_start3A_436] : memref<2x12x128xi32, #tpu.memory_space<vmem>> -> memref<1x1x128xi32, #tpu.memory_space<vmem>>
      %dma_start3A_438 = tpu.memref_squeeze %dma_start3A_437 : memref<1x1x128xi32, #tpu.memory_space<vmem>> -> memref<128xi32, #tpu.memory_space<vmem>>
      %dma_start3A_439 = arith.constant 0 : i32
      %dma_start3A_440 = arith.constant 0 : i32
      %dma_start3A_441 = tpu.memref_slice %arg10[%dma_start3A_439, %dma_start3A_440] : memref<100352x8xf32, #tpu.memory_space<vmem_shared>> -> memref<100352x8xf32, #tpu.memory_space<vmem_shared>>
      tpu.enqueue_indirect_dma source(%dma_start3A_435 : memref<128x8xf32, #tpu.memory_space<vmem>>) target(%dma_start3A_441 : memref<100352x8xf32, #tpu.memory_space<vmem_shared>>) offsets(%dma_start3A_438 : memref<128xi32, #tpu.memory_space<vmem>>) semaphore(%arg14 : memref<!tpu.dma_semaphore, #tpu.memory_space<semaphore_mem>>) {add = true}
      %dma_wait3A_442 = arith.constant 3 : i32
      %dma_wait3A_443 = arith.constant 3 : i32
      %dma_wait3A_444 = arith.constant 0 : i32
      %dma_wait3A_445 = arith.constant 0 : i32
      %dma_wait3A_446 = tpu.memref_slice %arg9[%rem3A_193, %dma_wait3A_443, %dma_wait3A_444, %dma_wait3A_445] : memref<2x12x128x8xf32, #tpu.memory_space<vmem>> -> memref<1x1x128x8xf32, #tpu.memory_space<vmem>>
      %dma_wait3A_447 = tpu.memref_squeeze %dma_wait3A_446 : memref<1x1x128x8xf32, #tpu.memory_space<vmem>> -> memref<128x8xf32, #tpu.memory_space<vmem>>
      %dma_wait3A_448 = arith.constant 0 : i32
      %dma_wait3A_449 = tpu.memref_slice %arg7[%rem3A_193, %dma_wait3A_442, %dma_wait3A_448] : memref<2x12x128xi32, #tpu.memory_space<vmem>> -> memref<1x1x128xi32, #tpu.memory_space<vmem>>
      %dma_wait3A_450 = tpu.memref_squeeze %dma_wait3A_449 : memref<1x1x128xi32, #tpu.memory_space<vmem>> -> memref<128xi32, #tpu.memory_space<vmem>>
      %dma_wait3A_451 = arith.constant 0 : i32
      %dma_wait3A_452 = arith.constant 0 : i32
      %dma_wait3A_453 = tpu.memref_slice %arg11[%dma_wait3A_451, %dma_wait3A_452] : memref<100352x8xf32, #tpu.memory_space<vmem_shared>> -> memref<100352x8xf32, #tpu.memory_space<vmem_shared>>
      tpu.wait_indirect_dma semaphore(%arg13 : memref<!tpu.dma_semaphore, #tpu.memory_space<semaphore_mem>>) src(%dma_wait3A_453 : memref<100352x8xf32, #tpu.memory_space<vmem_shared>>) dst(%dma_wait3A_447 : memref<128x8xf32, #tpu.memory_space<vmem>>)
      %dma_start3A_454 = arith.constant 3 : i32
      %dma_start3A_455 = arith.constant 3 : i32
      %dma_start3A_456 = arith.constant 0 : i32
      %dma_start3A_457 = arith.constant 0 : i32
      %dma_start3A_458 = tpu.memref_slice %arg9[%rem3A_193, %dma_start3A_454, %dma_start3A_456, %dma_start3A_457] : memref<2x12x128x8xf32, #tpu.memory_space<vmem>> -> memref<1x1x128x8xf32, #tpu.memory_space<vmem>>
      %dma_start3A_459 = tpu.memref_squeeze %dma_start3A_458 : memref<1x1x128x8xf32, #tpu.memory_space<vmem>> -> memref<128x8xf32, #tpu.memory_space<vmem>>
      %dma_start3A_460 = arith.constant 0 : i32
      %dma_start3A_461 = tpu.memref_slice %arg8[%rem3A_193, %dma_start3A_455, %dma_start3A_460] : memref<2x12x128xi32, #tpu.memory_space<vmem>> -> memref<1x1x128xi32, #tpu.memory_space<vmem>>
      %dma_start3A_462 = tpu.memref_squeeze %dma_start3A_461 : memref<1x1x128xi32, #tpu.memory_space<vmem>> -> memref<128xi32, #tpu.memory_space<vmem>>
      %dma_start3A_463 = arith.constant 0 : i32
      %dma_start3A_464 = arith.constant 0 : i32
      %dma_start3A_465 = tpu.memref_slice %arg10[%dma_start3A_463, %dma_start3A_464] : memref<100352x8xf32, #tpu.memory_space<vmem_shared>> -> memref<100352x8xf32, #tpu.memory_space<vmem_shared>>
      tpu.enqueue_indirect_dma source(%dma_start3A_459 : memref<128x8xf32, #tpu.memory_space<vmem>>) target(%dma_start3A_465 : memref<100352x8xf32, #tpu.memory_space<vmem_shared>>) offsets(%dma_start3A_462 : memref<128xi32, #tpu.memory_space<vmem>>) semaphore(%arg14 : memref<!tpu.dma_semaphore, #tpu.memory_space<semaphore_mem>>) {add = true}
      %dma_wait3A_466 = arith.constant 4 : i32
      %dma_wait3A_467 = arith.constant 4 : i32
      %dma_wait3A_468 = arith.constant 0 : i32
      %dma_wait3A_469 = arith.constant 0 : i32
      %dma_wait3A_470 = tpu.memref_slice %arg9[%rem3A_193, %dma_wait3A_467, %dma_wait3A_468, %dma_wait3A_469] : memref<2x12x128x8xf32, #tpu.memory_space<vmem>> -> memref<1x1x128x8xf32, #tpu.memory_space<vmem>>
      %dma_wait3A_471 = tpu.memref_squeeze %dma_wait3A_470 : memref<1x1x128x8xf32, #tpu.memory_space<vmem>> -> memref<128x8xf32, #tpu.memory_space<vmem>>
      %dma_wait3A_472 = arith.constant 0 : i32
      %dma_wait3A_473 = tpu.memref_slice %arg7[%rem3A_193, %dma_wait3A_466, %dma_wait3A_472] : memref<2x12x128xi32, #tpu.memory_space<vmem>> -> memref<1x1x128xi32, #tpu.memory_space<vmem>>
      %dma_wait3A_474 = tpu.memref_squeeze %dma_wait3A_473 : memref<1x1x128xi32, #tpu.memory_space<vmem>> -> memref<128xi32, #tpu.memory_space<vmem>>
      %dma_wait3A_475 = arith.constant 0 : i32
      %dma_wait3A_476 = arith.constant 0 : i32
      %dma_wait3A_477 = tpu.memref_slice %arg11[%dma_wait3A_475, %dma_wait3A_476] : memref<100352x8xf32, #tpu.memory_space<vmem_shared>> -> memref<100352x8xf32, #tpu.memory_space<vmem_shared>>
      tpu.wait_indirect_dma semaphore(%arg13 : memref<!tpu.dma_semaphore, #tpu.memory_space<semaphore_mem>>) src(%dma_wait3A_477 : memref<100352x8xf32, #tpu.memory_space<vmem_shared>>) dst(%dma_wait3A_471 : memref<128x8xf32, #tpu.memory_space<vmem>>)
      %dma_start3A_478 = arith.constant 4 : i32
      %dma_start3A_479 = arith.constant 4 : i32
      %dma_start3A_480 = arith.constant 0 : i32
      %dma_start3A_481 = arith.constant 0 : i32
      %dma_start3A_482 = tpu.memref_slice %arg9[%rem3A_193, %dma_start3A_478, %dma_start3A_480, %dma_start3A_481] : memref<2x12x128x8xf32, #tpu.memory_space<vmem>> -> memref<1x1x128x8xf32, #tpu.memory_space<vmem>>
      %dma_start3A_483 = tpu.memref_squeeze %dma_start3A_482 : memref<1x1x128x8xf32, #tpu.memory_space<vmem>> -> memref<128x8xf32, #tpu.memory_space<vmem>>
      %dma_start3A_484 = arith.constant 0 : i32
      %dma_start3A_485 = tpu.memref_slice %arg8[%rem3A_193, %dma_start3A_479, %dma_start3A_484] : memref<2x12x128xi32, #tpu.memory_space<vmem>> -> memref<1x1x128xi32, #tpu.memory_space<vmem>>
      %dma_start3A_486 = tpu.memref_squeeze %dma_start3A_485 : memref<1x1x128xi32, #tpu.memory_space<vmem>> -> memref<128xi32, #tpu.memory_space<vmem>>
      %dma_start3A_487 = arith.constant 0 : i32
      %dma_start3A_488 = arith.constant 0 : i32
      %dma_start3A_489 = tpu.memref_slice %arg10[%dma_start3A_487, %dma_start3A_488] : memref<100352x8xf32, #tpu.memory_space<vmem_shared>> -> memref<100352x8xf32, #tpu.memory_space<vmem_shared>>
      tpu.enqueue_indirect_dma source(%dma_start3A_483 : memref<128x8xf32, #tpu.memory_space<vmem>>) target(%dma_start3A_489 : memref<100352x8xf32, #tpu.memory_space<vmem_shared>>) offsets(%dma_start3A_486 : memref<128xi32, #tpu.memory_space<vmem>>) semaphore(%arg14 : memref<!tpu.dma_semaphore, #tpu.memory_space<semaphore_mem>>) {add = true}
      %dma_wait3A_490 = arith.constant 5 : i32
      %dma_wait3A_491 = arith.constant 5 : i32
      %dma_wait3A_492 = arith.constant 0 : i32
      %dma_wait3A_493 = arith.constant 0 : i32
      %dma_wait3A_494 = tpu.memref_slice %arg9[%rem3A_193, %dma_wait3A_491, %dma_wait3A_492, %dma_wait3A_493] : memref<2x12x128x8xf32, #tpu.memory_space<vmem>> -> memref<1x1x128x8xf32, #tpu.memory_space<vmem>>
      %dma_wait3A_495 = tpu.memref_squeeze %dma_wait3A_494 : memref<1x1x128x8xf32, #tpu.memory_space<vmem>> -> memref<128x8xf32, #tpu.memory_space<vmem>>
      %dma_wait3A_496 = arith.constant 0 : i32
      %dma_wait3A_497 = tpu.memref_slice %arg7[%rem3A_193, %dma_wait3A_490, %dma_wait3A_496] : memref<2x12x128xi32, #tpu.memory_space<vmem>> -> memref<1x1x128xi32, #tpu.memory_space<vmem>>
      %dma_wait3A_498 = tpu.memref_squeeze %dma_wait3A_497 : memref<1x1x128xi32, #tpu.memory_space<vmem>> -> memref<128xi32, #tpu.memory_space<vmem>>
      %dma_wait3A_499 = arith.constant 0 : i32
      %dma_wait3A_500 = arith.constant 0 : i32
      %dma_wait3A_501 = tpu.memref_slice %arg11[%dma_wait3A_499, %dma_wait3A_500] : memref<100352x8xf32, #tpu.memory_space<vmem_shared>> -> memref<100352x8xf32, #tpu.memory_space<vmem_shared>>
      tpu.wait_indirect_dma semaphore(%arg13 : memref<!tpu.dma_semaphore, #tpu.memory_space<semaphore_mem>>) src(%dma_wait3A_501 : memref<100352x8xf32, #tpu.memory_space<vmem_shared>>) dst(%dma_wait3A_495 : memref<128x8xf32, #tpu.memory_space<vmem>>)
      %dma_start3A_502 = arith.constant 5 : i32
      %dma_start3A_503 = arith.constant 5 : i32
      %dma_start3A_504 = arith.constant 0 : i32
      %dma_start3A_505 = arith.constant 0 : i32
      %dma_start3A_506 = tpu.memref_slice %arg9[%rem3A_193, %dma_start3A_502, %dma_start3A_504, %dma_start3A_505] : memref<2x12x128x8xf32, #tpu.memory_space<vmem>> -> memref<1x1x128x8xf32, #tpu.memory_space<vmem>>
      %dma_start3A_507 = tpu.memref_squeeze %dma_start3A_506 : memref<1x1x128x8xf32, #tpu.memory_space<vmem>> -> memref<128x8xf32, #tpu.memory_space<vmem>>
      %dma_start3A_508 = arith.constant 0 : i32
      %dma_start3A_509 = tpu.memref_slice %arg8[%rem3A_193, %dma_start3A_503, %dma_start3A_508] : memref<2x12x128xi32, #tpu.memory_space<vmem>> -> memref<1x1x128xi32, #tpu.memory_space<vmem>>
      %dma_start3A_510 = tpu.memref_squeeze %dma_start3A_509 : memref<1x1x128xi32, #tpu.memory_space<vmem>> -> memref<128xi32, #tpu.memory_space<vmem>>
      %dma_start3A_511 = arith.constant 0 : i32
      %dma_start3A_512 = arith.constant 0 : i32
      %dma_start3A_513 = tpu.memref_slice %arg10[%dma_start3A_511, %dma_start3A_512] : memref<100352x8xf32, #tpu.memory_space<vmem_shared>> -> memref<100352x8xf32, #tpu.memory_space<vmem_shared>>
      tpu.enqueue_indirect_dma source(%dma_start3A_507 : memref<128x8xf32, #tpu.memory_space<vmem>>) target(%dma_start3A_513 : memref<100352x8xf32, #tpu.memory_space<vmem_shared>>) offsets(%dma_start3A_510 : memref<128xi32, #tpu.memory_space<vmem>>) semaphore(%arg14 : memref<!tpu.dma_semaphore, #tpu.memory_space<semaphore_mem>>) {add = true}
      %dma_wait3A_514 = arith.constant 6 : i32
      %dma_wait3A_515 = arith.constant 6 : i32
      %dma_wait3A_516 = arith.constant 0 : i32
      %dma_wait3A_517 = arith.constant 0 : i32
      %dma_wait3A_518 = tpu.memref_slice %arg9[%rem3A_193, %dma_wait3A_515, %dma_wait3A_516, %dma_wait3A_517] : memref<2x12x128x8xf32, #tpu.memory_space<vmem>> -> memref<1x1x128x8xf32, #tpu.memory_space<vmem>>
      %dma_wait3A_519 = tpu.memref_squeeze %dma_wait3A_518 : memref<1x1x128x8xf32, #tpu.memory_space<vmem>> -> memref<128x8xf32, #tpu.memory_space<vmem>>
      %dma_wait3A_520 = arith.constant 0 : i32
      %dma_wait3A_521 = tpu.memref_slice %arg7[%rem3A_193, %dma_wait3A_514, %dma_wait3A_520] : memref<2x12x128xi32, #tpu.memory_space<vmem>> -> memref<1x1x128xi32, #tpu.memory_space<vmem>>
      %dma_wait3A_522 = tpu.memref_squeeze %dma_wait3A_521 : memref<1x1x128xi32, #tpu.memory_space<vmem>> -> memref<128xi32, #tpu.memory_space<vmem>>
      %dma_wait3A_523 = arith.constant 0 : i32
      %dma_wait3A_524 = arith.constant 0 : i32
      %dma_wait3A_525 = tpu.memref_slice %arg11[%dma_wait3A_523, %dma_wait3A_524] : memref<100352x8xf32, #tpu.memory_space<vmem_shared>> -> memref<100352x8xf32, #tpu.memory_space<vmem_shared>>
      tpu.wait_indirect_dma semaphore(%arg13 : memref<!tpu.dma_semaphore, #tpu.memory_space<semaphore_mem>>) src(%dma_wait3A_525 : memref<100352x8xf32, #tpu.memory_space<vmem_shared>>) dst(%dma_wait3A_519 : memref<128x8xf32, #tpu.memory_space<vmem>>)
      %dma_start3A_526 = arith.constant 6 : i32
      %dma_start3A_527 = arith.constant 6 : i32
      %dma_start3A_528 = arith.constant 0 : i32
      %dma_start3A_529 = arith.constant 0 : i32
      %dma_start3A_530 = tpu.memref_slice %arg9[%rem3A_193, %dma_start3A_526, %dma_start3A_528, %dma_start3A_529] : memref<2x12x128x8xf32, #tpu.memory_space<vmem>> -> memref<1x1x128x8xf32, #tpu.memory_space<vmem>>
      %dma_start3A_531 = tpu.memref_squeeze %dma_start3A_530 : memref<1x1x128x8xf32, #tpu.memory_space<vmem>> -> memref<128x8xf32, #tpu.memory_space<vmem>>
      %dma_start3A_532 = arith.constant 0 : i32
      %dma_start3A_533 = tpu.memref_slice %arg8[%rem3A_193, %dma_start3A_527, %dma_start3A_532] : memref<2x12x128xi32, #tpu.memory_space<vmem>> -> memref<1x1x128xi32, #tpu.memory_space<vmem>>
      %dma_start3A_534 = tpu.memref_squeeze %dma_start3A_533 : memref<1x1x128xi32, #tpu.memory_space<vmem>> -> memref<128xi32, #tpu.memory_space<vmem>>
      %dma_start3A_535 = arith.constant 0 : i32
      %dma_start3A_536 = arith.constant 0 : i32
      %dma_start3A_537 = tpu.memref_slice %arg10[%dma_start3A_535, %dma_start3A_536] : memref<100352x8xf32, #tpu.memory_space<vmem_shared>> -> memref<100352x8xf32, #tpu.memory_space<vmem_shared>>
      tpu.enqueue_indirect_dma source(%dma_start3A_531 : memref<128x8xf32, #tpu.memory_space<vmem>>) target(%dma_start3A_537 : memref<100352x8xf32, #tpu.memory_space<vmem_shared>>) offsets(%dma_start3A_534 : memref<128xi32, #tpu.memory_space<vmem>>) semaphore(%arg14 : memref<!tpu.dma_semaphore, #tpu.memory_space<semaphore_mem>>) {add = true}
      %dma_wait3A_538 = arith.constant 7 : i32
      %dma_wait3A_539 = arith.constant 7 : i32
      %dma_wait3A_540 = arith.constant 0 : i32
      %dma_wait3A_541 = arith.constant 0 : i32
      %dma_wait3A_542 = tpu.memref_slice %arg9[%rem3A_193, %dma_wait3A_539, %dma_wait3A_540, %dma_wait3A_541] : memref<2x12x128x8xf32, #tpu.memory_space<vmem>> -> memref<1x1x128x8xf32, #tpu.memory_space<vmem>>
      %dma_wait3A_543 = tpu.memref_squeeze %dma_wait3A_542 : memref<1x1x128x8xf32, #tpu.memory_space<vmem>> -> memref<128x8xf32, #tpu.memory_space<vmem>>
      %dma_wait3A_544 = arith.constant 0 : i32
      %dma_wait3A_545 = tpu.memref_slice %arg7[%rem3A_193, %dma_wait3A_538, %dma_wait3A_544] : memref<2x12x128xi32, #tpu.memory_space<vmem>> -> memref<1x1x128xi32, #tpu.memory_space<vmem>>
      %dma_wait3A_546 = tpu.memref_squeeze %dma_wait3A_545 : memref<1x1x128xi32, #tpu.memory_space<vmem>> -> memref<128xi32, #tpu.memory_space<vmem>>
      %dma_wait3A_547 = arith.constant 0 : i32
      %dma_wait3A_548 = arith.constant 0 : i32
      %dma_wait3A_549 = tpu.memref_slice %arg11[%dma_wait3A_547, %dma_wait3A_548] : memref<100352x8xf32, #tpu.memory_space<vmem_shared>> -> memref<100352x8xf32, #tpu.memory_space<vmem_shared>>
      tpu.wait_indirect_dma semaphore(%arg13 : memref<!tpu.dma_semaphore, #tpu.memory_space<semaphore_mem>>) src(%dma_wait3A_549 : memref<100352x8xf32, #tpu.memory_space<vmem_shared>>) dst(%dma_wait3A_543 : memref<128x8xf32, #tpu.memory_space<vmem>>)
      %dma_start3A_550 = arith.constant 7 : i32
      %dma_start3A_551 = arith.constant 7 : i32
      %dma_start3A_552 = arith.constant 0 : i32
      %dma_start3A_553 = arith.constant 0 : i32
      %dma_start3A_554 = tpu.memref_slice %arg9[%rem3A_193, %dma_start3A_550, %dma_start3A_552, %dma_start3A_553] : memref<2x12x128x8xf32, #tpu.memory_space<vmem>> -> memref<1x1x128x8xf32, #tpu.memory_space<vmem>>
      %dma_start3A_555 = tpu.memref_squeeze %dma_start3A_554 : memref<1x1x128x8xf32, #tpu.memory_space<vmem>> -> memref<128x8xf32, #tpu.memory_space<vmem>>
      %dma_start3A_556 = arith.constant 0 : i32
      %dma_start3A_557 = tpu.memref_slice %arg8[%rem3A_193, %dma_start3A_551, %dma_start3A_556] : memref<2x12x128xi32, #tpu.memory_space<vmem>> -> memref<1x1x128xi32, #tpu.memory_space<vmem>>
      %dma_start3A_558 = tpu.memref_squeeze %dma_start3A_557 : memref<1x1x128xi32, #tpu.memory_space<vmem>> -> memref<128xi32, #tpu.memory_space<vmem>>
      %dma_start3A_559 = arith.constant 0 : i32
      %dma_start3A_560 = arith.constant 0 : i32
      %dma_start3A_561 = tpu.memref_slice %arg10[%dma_start3A_559, %dma_start3A_560] : memref<100352x8xf32, #tpu.memory_space<vmem_shared>> -> memref<100352x8xf32, #tpu.memory_space<vmem_shared>>
      tpu.enqueue_indirect_dma source(%dma_start3A_555 : memref<128x8xf32, #tpu.memory_space<vmem>>) target(%dma_start3A_561 : memref<100352x8xf32, #tpu.memory_space<vmem_shared>>) offsets(%dma_start3A_558 : memref<128xi32, #tpu.memory_space<vmem>>) semaphore(%arg14 : memref<!tpu.dma_semaphore, #tpu.memory_space<semaphore_mem>>) {add = true}
      %dma_wait3A_562 = arith.constant 8 : i32
      %dma_wait3A_563 = arith.constant 8 : i32
      %dma_wait3A_564 = arith.constant 0 : i32
      %dma_wait3A_565 = arith.constant 0 : i32
      %dma_wait3A_566 = tpu.memref_slice %arg9[%rem3A_193, %dma_wait3A_563, %dma_wait3A_564, %dma_wait3A_565] : memref<2x12x128x8xf32, #tpu.memory_space<vmem>> -> memref<1x1x128x8xf32, #tpu.memory_space<vmem>>
      %dma_wait3A_567 = tpu.memref_squeeze %dma_wait3A_566 : memref<1x1x128x8xf32, #tpu.memory_space<vmem>> -> memref<128x8xf32, #tpu.memory_space<vmem>>
      %dma_wait3A_568 = arith.constant 0 : i32
      %dma_wait3A_569 = tpu.memref_slice %arg7[%rem3A_193, %dma_wait3A_562, %dma_wait3A_568] : memref<2x12x128xi32, #tpu.memory_space<vmem>> -> memref<1x1x128xi32, #tpu.memory_space<vmem>>
      %dma_wait3A_570 = tpu.memref_squeeze %dma_wait3A_569 : memref<1x1x128xi32, #tpu.memory_space<vmem>> -> memref<128xi32, #tpu.memory_space<vmem>>
      %dma_wait3A_571 = arith.constant 0 : i32
      %dma_wait3A_572 = arith.constant 0 : i32
      %dma_wait3A_573 = tpu.memref_slice %arg11[%dma_wait3A_571, %dma_wait3A_572] : memref<100352x8xf32, #tpu.memory_space<vmem_shared>> -> memref<100352x8xf32, #tpu.memory_space<vmem_shared>>
      tpu.wait_indirect_dma semaphore(%arg13 : memref<!tpu.dma_semaphore, #tpu.memory_space<semaphore_mem>>) src(%dma_wait3A_573 : memref<100352x8xf32, #tpu.memory_space<vmem_shared>>) dst(%dma_wait3A_567 : memref<128x8xf32, #tpu.memory_space<vmem>>)
      %dma_start3A_574 = arith.constant 8 : i32
      %dma_start3A_575 = arith.constant 8 : i32
      %dma_start3A_576 = arith.constant 0 : i32
      %dma_start3A_577 = arith.constant 0 : i32
      %dma_start3A_578 = tpu.memref_slice %arg9[%rem3A_193, %dma_start3A_574, %dma_start3A_576, %dma_start3A_577] : memref<2x12x128x8xf32, #tpu.memory_space<vmem>> -> memref<1x1x128x8xf32, #tpu.memory_space<vmem>>
      %dma_start3A_579 = tpu.memref_squeeze %dma_start3A_578 : memref<1x1x128x8xf32, #tpu.memory_space<vmem>> -> memref<128x8xf32, #tpu.memory_space<vmem>>
      %dma_start3A_580 = arith.constant 0 : i32
      %dma_start3A_581 = tpu.memref_slice %arg8[%rem3A_193, %dma_start3A_575, %dma_start3A_580] : memref<2x12x128xi32, #tpu.memory_space<vmem>> -> memref<1x1x128xi32, #tpu.memory_space<vmem>>
      %dma_start3A_582 = tpu.memref_squeeze %dma_start3A_581 : memref<1x1x128xi32, #tpu.memory_space<vmem>> -> memref<128xi32, #tpu.memory_space<vmem>>
      %dma_start3A_583 = arith.constant 0 : i32
      %dma_start3A_584 = arith.constant 0 : i32
      %dma_start3A_585 = tpu.memref_slice %arg10[%dma_start3A_583, %dma_start3A_584] : memref<100352x8xf32, #tpu.memory_space<vmem_shared>> -> memref<100352x8xf32, #tpu.memory_space<vmem_shared>>
      tpu.enqueue_indirect_dma source(%dma_start3A_579 : memref<128x8xf32, #tpu.memory_space<vmem>>) target(%dma_start3A_585 : memref<100352x8xf32, #tpu.memory_space<vmem_shared>>) offsets(%dma_start3A_582 : memref<128xi32, #tpu.memory_space<vmem>>) semaphore(%arg14 : memref<!tpu.dma_semaphore, #tpu.memory_space<semaphore_mem>>) {add = true}
      %dma_wait3A_586 = arith.constant 9 : i32
      %dma_wait3A_587 = arith.constant 9 : i32
      %dma_wait3A_588 = arith.constant 0 : i32
      %dma_wait3A_589 = arith.constant 0 : i32
      %dma_wait3A_590 = tpu.memref_slice %arg9[%rem3A_193, %dma_wait3A_587, %dma_wait3A_588, %dma_wait3A_589] : memref<2x12x128x8xf32, #tpu.memory_space<vmem>> -> memref<1x1x128x8xf32, #tpu.memory_space<vmem>>
      %dma_wait3A_591 = tpu.memref_squeeze %dma_wait3A_590 : memref<1x1x128x8xf32, #tpu.memory_space<vmem>> -> memref<128x8xf32, #tpu.memory_space<vmem>>
      %dma_wait3A_592 = arith.constant 0 : i32
      %dma_wait3A_593 = tpu.memref_slice %arg7[%rem3A_193, %dma_wait3A_586, %dma_wait3A_592] : memref<2x12x128xi32, #tpu.memory_space<vmem>> -> memref<1x1x128xi32, #tpu.memory_space<vmem>>
      %dma_wait3A_594 = tpu.memref_squeeze %dma_wait3A_593 : memref<1x1x128xi32, #tpu.memory_space<vmem>> -> memref<128xi32, #tpu.memory_space<vmem>>
      %dma_wait3A_595 = arith.constant 0 : i32
      %dma_wait3A_596 = arith.constant 0 : i32
      %dma_wait3A_597 = tpu.memref_slice %arg11[%dma_wait3A_595, %dma_wait3A_596] : memref<100352x8xf32, #tpu.memory_space<vmem_shared>> -> memref<100352x8xf32, #tpu.memory_space<vmem_shared>>
      tpu.wait_indirect_dma semaphore(%arg13 : memref<!tpu.dma_semaphore, #tpu.memory_space<semaphore_mem>>) src(%dma_wait3A_597 : memref<100352x8xf32, #tpu.memory_space<vmem_shared>>) dst(%dma_wait3A_591 : memref<128x8xf32, #tpu.memory_space<vmem>>)
      %dma_start3A_598 = arith.constant 9 : i32
      %dma_start3A_599 = arith.constant 9 : i32
      %dma_start3A_600 = arith.constant 0 : i32
      %dma_start3A_601 = arith.constant 0 : i32
      %dma_start3A_602 = tpu.memref_slice %arg9[%rem3A_193, %dma_start3A_598, %dma_start3A_600, %dma_start3A_601] : memref<2x12x128x8xf32, #tpu.memory_space<vmem>> -> memref<1x1x128x8xf32, #tpu.memory_space<vmem>>
      %dma_start3A_603 = tpu.memref_squeeze %dma_start3A_602 : memref<1x1x128x8xf32, #tpu.memory_space<vmem>> -> memref<128x8xf32, #tpu.memory_space<vmem>>
      %dma_start3A_604 = arith.constant 0 : i32
      %dma_start3A_605 = tpu.memref_slice %arg8[%rem3A_193, %dma_start3A_599, %dma_start3A_604] : memref<2x12x128xi32, #tpu.memory_space<vmem>> -> memref<1x1x128xi32, #tpu.memory_space<vmem>>
      %dma_start3A_606 = tpu.memref_squeeze %dma_start3A_605 : memref<1x1x128xi32, #tpu.memory_space<vmem>> -> memref<128xi32, #tpu.memory_space<vmem>>
      %dma_start3A_607 = arith.constant 0 : i32
      %dma_start3A_608 = arith.constant 0 : i32
      %dma_start3A_609 = tpu.memref_slice %arg10[%dma_start3A_607, %dma_start3A_608] : memref<100352x8xf32, #tpu.memory_space<vmem_shared>> -> memref<100352x8xf32, #tpu.memory_space<vmem_shared>>
      tpu.enqueue_indirect_dma source(%dma_start3A_603 : memref<128x8xf32, #tpu.memory_space<vmem>>) target(%dma_start3A_609 : memref<100352x8xf32, #tpu.memory_space<vmem_shared>>) offsets(%dma_start3A_606 : memref<128xi32, #tpu.memory_space<vmem>>) semaphore(%arg14 : memref<!tpu.dma_semaphore, #tpu.memory_space<semaphore_mem>>) {add = true}
      %dma_wait3A_610 = arith.constant 10 : i32
      %dma_wait3A_611 = arith.constant 10 : i32
      %dma_wait3A_612 = arith.constant 0 : i32
      %dma_wait3A_613 = arith.constant 0 : i32
      %dma_wait3A_614 = tpu.memref_slice %arg9[%rem3A_193, %dma_wait3A_611, %dma_wait3A_612, %dma_wait3A_613] : memref<2x12x128x8xf32, #tpu.memory_space<vmem>> -> memref<1x1x128x8xf32, #tpu.memory_space<vmem>>
      %dma_wait3A_615 = tpu.memref_squeeze %dma_wait3A_614 : memref<1x1x128x8xf32, #tpu.memory_space<vmem>> -> memref<128x8xf32, #tpu.memory_space<vmem>>
      %dma_wait3A_616 = arith.constant 0 : i32
      %dma_wait3A_617 = tpu.memref_slice %arg7[%rem3A_193, %dma_wait3A_610, %dma_wait3A_616] : memref<2x12x128xi32, #tpu.memory_space<vmem>> -> memref<1x1x128xi32, #tpu.memory_space<vmem>>
      %dma_wait3A_618 = tpu.memref_squeeze %dma_wait3A_617 : memref<1x1x128xi32, #tpu.memory_space<vmem>> -> memref<128xi32, #tpu.memory_space<vmem>>
      %dma_wait3A_619 = arith.constant 0 : i32
      %dma_wait3A_620 = arith.constant 0 : i32
      %dma_wait3A_621 = tpu.memref_slice %arg11[%dma_wait3A_619, %dma_wait3A_620] : memref<100352x8xf32, #tpu.memory_space<vmem_shared>> -> memref<100352x8xf32, #tpu.memory_space<vmem_shared>>
      tpu.wait_indirect_dma semaphore(%arg13 : memref<!tpu.dma_semaphore, #tpu.memory_space<semaphore_mem>>) src(%dma_wait3A_621 : memref<100352x8xf32, #tpu.memory_space<vmem_shared>>) dst(%dma_wait3A_615 : memref<128x8xf32, #tpu.memory_space<vmem>>)
      %dma_start3A_622 = arith.constant 10 : i32
      %dma_start3A_623 = arith.constant 10 : i32
      %dma_start3A_624 = arith.constant 0 : i32
      %dma_start3A_625 = arith.constant 0 : i32
      %dma_start3A_626 = tpu.memref_slice %arg9[%rem3A_193, %dma_start3A_622, %dma_start3A_624, %dma_start3A_625] : memref<2x12x128x8xf32, #tpu.memory_space<vmem>> -> memref<1x1x128x8xf32, #tpu.memory_space<vmem>>
      %dma_start3A_627 = tpu.memref_squeeze %dma_start3A_626 : memref<1x1x128x8xf32, #tpu.memory_space<vmem>> -> memref<128x8xf32, #tpu.memory_space<vmem>>
      %dma_start3A_628 = arith.constant 0 : i32
      %dma_start3A_629 = tpu.memref_slice %arg8[%rem3A_193, %dma_start3A_623, %dma_start3A_628] : memref<2x12x128xi32, #tpu.memory_space<vmem>> -> memref<1x1x128xi32, #tpu.memory_space<vmem>>
      %dma_start3A_630 = tpu.memref_squeeze %dma_start3A_629 : memref<1x1x128xi32, #tpu.memory_space<vmem>> -> memref<128xi32, #tpu.memory_space<vmem>>
      %dma_start3A_631 = arith.constant 0 : i32
      %dma_start3A_632 = arith.constant 0 : i32
      %dma_start3A_633 = tpu.memref_slice %arg10[%dma_start3A_631, %dma_start3A_632] : memref<100352x8xf32, #tpu.memory_space<vmem_shared>> -> memref<100352x8xf32, #tpu.memory_space<vmem_shared>>
      tpu.enqueue_indirect_dma source(%dma_start3A_627 : memref<128x8xf32, #tpu.memory_space<vmem>>) target(%dma_start3A_633 : memref<100352x8xf32, #tpu.memory_space<vmem_shared>>) offsets(%dma_start3A_630 : memref<128xi32, #tpu.memory_space<vmem>>) semaphore(%arg14 : memref<!tpu.dma_semaphore, #tpu.memory_space<semaphore_mem>>) {add = true}
      %dma_wait3A_634 = arith.constant 11 : i32
      %dma_wait3A_635 = arith.constant 11 : i32
      %dma_wait3A_636 = arith.constant 0 : i32
      %dma_wait3A_637 = arith.constant 0 : i32
      %dma_wait3A_638 = tpu.memref_slice %arg9[%rem3A_193, %dma_wait3A_635, %dma_wait3A_636, %dma_wait3A_637] : memref<2x12x128x8xf32, #tpu.memory_space<vmem>> -> memref<1x1x128x8xf32, #tpu.memory_space<vmem>>
      %dma_wait3A_639 = tpu.memref_squeeze %dma_wait3A_638 : memref<1x1x128x8xf32, #tpu.memory_space<vmem>> -> memref<128x8xf32, #tpu.memory_space<vmem>>
      %dma_wait3A_640 = arith.constant 0 : i32
      %dma_wait3A_641 = tpu.memref_slice %arg7[%rem3A_193, %dma_wait3A_634, %dma_wait3A_640] : memref<2x12x128xi32, #tpu.memory_space<vmem>> -> memref<1x1x128xi32, #tpu.memory_space<vmem>>
      %dma_wait3A_642 = tpu.memref_squeeze %dma_wait3A_641 : memref<1x1x128xi32, #tpu.memory_space<vmem>> -> memref<128xi32, #tpu.memory_space<vmem>>
      %dma_wait3A_643 = arith.constant 0 : i32
      %dma_wait3A_644 = arith.constant 0 : i32
      %dma_wait3A_645 = tpu.memref_slice %arg11[%dma_wait3A_643, %dma_wait3A_644] : memref<100352x8xf32, #tpu.memory_space<vmem_shared>> -> memref<100352x8xf32, #tpu.memory_space<vmem_shared>>
      tpu.wait_indirect_dma semaphore(%arg13 : memref<!tpu.dma_semaphore, #tpu.memory_space<semaphore_mem>>) src(%dma_wait3A_645 : memref<100352x8xf32, #tpu.memory_space<vmem_shared>>) dst(%dma_wait3A_639 : memref<128x8xf32, #tpu.memory_space<vmem>>)
      %dma_start3A_646 = arith.constant 11 : i32
      %dma_start3A_647 = arith.constant 11 : i32
      %dma_start3A_648 = arith.constant 0 : i32
      %dma_start3A_649 = arith.constant 0 : i32
      %dma_start3A_650 = tpu.memref_slice %arg9[%rem3A_193, %dma_start3A_646, %dma_start3A_648, %dma_start3A_649] : memref<2x12x128x8xf32, #tpu.memory_space<vmem>> -> memref<1x1x128x8xf32, #tpu.memory_space<vmem>>
      %dma_start3A_651 = tpu.memref_squeeze %dma_start3A_650 : memref<1x1x128x8xf32, #tpu.memory_space<vmem>> -> memref<128x8xf32, #tpu.memory_space<vmem>>
      %dma_start3A_652 = arith.constant 0 : i32
      %dma_start3A_653 = tpu.memref_slice %arg8[%rem3A_193, %dma_start3A_647, %dma_start3A_652] : memref<2x12x128xi32, #tpu.memory_space<vmem>> -> memref<1x1x128xi32, #tpu.memory_space<vmem>>
      %dma_start3A_654 = tpu.memref_squeeze %dma_start3A_653 : memref<1x1x128xi32, #tpu.memory_space<vmem>> -> memref<128xi32, #tpu.memory_space<vmem>>
      %dma_start3A_655 = arith.constant 0 : i32
      %dma_start3A_656 = arith.constant 0 : i32
      %dma_start3A_657 = tpu.memref_slice %arg10[%dma_start3A_655, %dma_start3A_656] : memref<100352x8xf32, #tpu.memory_space<vmem_shared>> -> memref<100352x8xf32, #tpu.memory_space<vmem_shared>>
      tpu.enqueue_indirect_dma source(%dma_start3A_651 : memref<128x8xf32, #tpu.memory_space<vmem>>) target(%dma_start3A_657 : memref<100352x8xf32, #tpu.memory_space<vmem_shared>>) offsets(%dma_start3A_654 : memref<128xi32, #tpu.memory_space<vmem>>) semaphore(%arg14 : memref<!tpu.dma_semaphore, #tpu.memory_space<semaphore_mem>>) {add = true}
    }
    %scan3A_37 = arith.constant 66 : i32
    %rem3A = arith.constant 65 : i32
    %rem3A_38 = arith.constant 2 : i32
    %rem3A_39 = arith.remsi %rem3A, %rem3A_38 : i32
    %dma_wait3A = arith.constant 0 : i32
    %dma_wait3A_40 = arith.constant 0 : i32
    %dma_wait3A_41 = arith.constant 0 : i32
    %dma_wait3A_42 = arith.constant 0 : i32
    %dma_wait3A_43 = tpu.memref_slice %arg9[%rem3A_39, %dma_wait3A, %dma_wait3A_41, %dma_wait3A_42] : memref<2x12x128x8xf32, #tpu.memory_space<vmem>> -> memref<1x1x128x8xf32, #tpu.memory_space<vmem>>
    %dma_wait3A_44 = tpu.memref_squeeze %dma_wait3A_43 : memref<1x1x128x8xf32, #tpu.memory_space<vmem>> -> memref<128x8xf32, #tpu.memory_space<vmem>>
    %dma_wait3A_45 = arith.constant 0 : i32
    %dma_wait3A_46 = tpu.memref_slice %arg8[%rem3A_39, %dma_wait3A_40, %dma_wait3A_45] : memref<2x12x128xi32, #tpu.memory_space<vmem>> -> memref<1x1x128xi32, #tpu.memory_space<vmem>>
    %dma_wait3A_47 = tpu.memref_squeeze %dma_wait3A_46 : memref<1x1x128xi32, #tpu.memory_space<vmem>> -> memref<128xi32, #tpu.memory_space<vmem>>
    %dma_wait3A_48 = arith.constant 0 : i32
    %dma_wait3A_49 = arith.constant 0 : i32
    %dma_wait3A_50 = tpu.memref_slice %arg10[%dma_wait3A_48, %dma_wait3A_49] : memref<100352x8xf32, #tpu.memory_space<vmem_shared>> -> memref<100352x8xf32, #tpu.memory_space<vmem_shared>>
    tpu.wait_indirect_dma semaphore(%arg14 : memref<!tpu.dma_semaphore, #tpu.memory_space<semaphore_mem>>) src(%dma_wait3A_44 : memref<128x8xf32, #tpu.memory_space<vmem>>) dst(%dma_wait3A_50 : memref<100352x8xf32, #tpu.memory_space<vmem_shared>>)
    %dma_wait3A_51 = arith.constant 1 : i32
    %dma_wait3A_52 = arith.constant 1 : i32
    %dma_wait3A_53 = arith.constant 0 : i32
    %dma_wait3A_54 = arith.constant 0 : i32
    %dma_wait3A_55 = tpu.memref_slice %arg9[%rem3A_39, %dma_wait3A_51, %dma_wait3A_53, %dma_wait3A_54] : memref<2x12x128x8xf32, #tpu.memory_space<vmem>> -> memref<1x1x128x8xf32, #tpu.memory_space<vmem>>
    %dma_wait3A_56 = tpu.memref_squeeze %dma_wait3A_55 : memref<1x1x128x8xf32, #tpu.memory_space<vmem>> -> memref<128x8xf32, #tpu.memory_space<vmem>>
    %dma_wait3A_57 = arith.constant 0 : i32
    %dma_wait3A_58 = tpu.memref_slice %arg8[%rem3A_39, %dma_wait3A_52, %dma_wait3A_57] : memref<2x12x128xi32, #tpu.memory_space<vmem>> -> memref<1x1x128xi32, #tpu.memory_space<vmem>>
    %dma_wait3A_59 = tpu.memref_squeeze %dma_wait3A_58 : memref<1x1x128xi32, #tpu.memory_space<vmem>> -> memref<128xi32, #tpu.memory_space<vmem>>
    %dma_wait3A_60 = arith.constant 0 : i32
    %dma_wait3A_61 = arith.constant 0 : i32
    %dma_wait3A_62 = tpu.memref_slice %arg10[%dma_wait3A_60, %dma_wait3A_61] : memref<100352x8xf32, #tpu.memory_space<vmem_shared>> -> memref<100352x8xf32, #tpu.memory_space<vmem_shared>>
    tpu.wait_indirect_dma semaphore(%arg14 : memref<!tpu.dma_semaphore, #tpu.memory_space<semaphore_mem>>) src(%dma_wait3A_56 : memref<128x8xf32, #tpu.memory_space<vmem>>) dst(%dma_wait3A_62 : memref<100352x8xf32, #tpu.memory_space<vmem_shared>>)
    %dma_wait3A_63 = arith.constant 2 : i32
    %dma_wait3A_64 = arith.constant 2 : i32
    %dma_wait3A_65 = arith.constant 0 : i32
    %dma_wait3A_66 = arith.constant 0 : i32
    %dma_wait3A_67 = tpu.memref_slice %arg9[%rem3A_39, %dma_wait3A_63, %dma_wait3A_65, %dma_wait3A_66] : memref<2x12x128x8xf32, #tpu.memory_space<vmem>> -> memref<1x1x128x8xf32, #tpu.memory_space<vmem>>
    %dma_wait3A_68 = tpu.memref_squeeze %dma_wait3A_67 : memref<1x1x128x8xf32, #tpu.memory_space<vmem>> -> memref<128x8xf32, #tpu.memory_space<vmem>>
    %dma_wait3A_69 = arith.constant 0 : i32
    %dma_wait3A_70 = tpu.memref_slice %arg8[%rem3A_39, %dma_wait3A_64, %dma_wait3A_69] : memref<2x12x128xi32, #tpu.memory_space<vmem>> -> memref<1x1x128xi32, #tpu.memory_space<vmem>>
    %dma_wait3A_71 = tpu.memref_squeeze %dma_wait3A_70 : memref<1x1x128xi32, #tpu.memory_space<vmem>> -> memref<128xi32, #tpu.memory_space<vmem>>
    %dma_wait3A_72 = arith.constant 0 : i32
    %dma_wait3A_73 = arith.constant 0 : i32
    %dma_wait3A_74 = tpu.memref_slice %arg10[%dma_wait3A_72, %dma_wait3A_73] : memref<100352x8xf32, #tpu.memory_space<vmem_shared>> -> memref<100352x8xf32, #tpu.memory_space<vmem_shared>>
    tpu.wait_indirect_dma semaphore(%arg14 : memref<!tpu.dma_semaphore, #tpu.memory_space<semaphore_mem>>) src(%dma_wait3A_68 : memref<128x8xf32, #tpu.memory_space<vmem>>) dst(%dma_wait3A_74 : memref<100352x8xf32, #tpu.memory_space<vmem_shared>>)
    %dma_wait3A_75 = arith.constant 3 : i32
    %dma_wait3A_76 = arith.constant 3 : i32
    %dma_wait3A_77 = arith.constant 0 : i32
    %dma_wait3A_78 = arith.constant 0 : i32
    %dma_wait3A_79 = tpu.memref_slice %arg9[%rem3A_39, %dma_wait3A_75, %dma_wait3A_77, %dma_wait3A_78] : memref<2x12x128x8xf32, #tpu.memory_space<vmem>> -> memref<1x1x128x8xf32, #tpu.memory_space<vmem>>
    %dma_wait3A_80 = tpu.memref_squeeze %dma_wait3A_79 : memref<1x1x128x8xf32, #tpu.memory_space<vmem>> -> memref<128x8xf32, #tpu.memory_space<vmem>>
    %dma_wait3A_81 = arith.constant 0 : i32
    %dma_wait3A_82 = tpu.memref_slice %arg8[%rem3A_39, %dma_wait3A_76, %dma_wait3A_81] : memref<2x12x128xi32, #tpu.memory_space<vmem>> -> memref<1x1x128xi32, #tpu.memory_space<vmem>>
    %dma_wait3A_83 = tpu.memref_squeeze %dma_wait3A_82 : memref<1x1x128xi32, #tpu.memory_space<vmem>> -> memref<128xi32, #tpu.memory_space<vmem>>
    %dma_wait3A_84 = arith.constant 0 : i32
    %dma_wait3A_85 = arith.constant 0 : i32
    %dma_wait3A_86 = tpu.memref_slice %arg10[%dma_wait3A_84, %dma_wait3A_85] : memref<100352x8xf32, #tpu.memory_space<vmem_shared>> -> memref<100352x8xf32, #tpu.memory_space<vmem_shared>>
    tpu.wait_indirect_dma semaphore(%arg14 : memref<!tpu.dma_semaphore, #tpu.memory_space<semaphore_mem>>) src(%dma_wait3A_80 : memref<128x8xf32, #tpu.memory_space<vmem>>) dst(%dma_wait3A_86 : memref<100352x8xf32, #tpu.memory_space<vmem_shared>>)
    %dma_wait3A_87 = arith.constant 4 : i32
    %dma_wait3A_88 = arith.constant 4 : i32
    %dma_wait3A_89 = arith.constant 0 : i32
    %dma_wait3A_90 = arith.constant 0 : i32
    %dma_wait3A_91 = tpu.memref_slice %arg9[%rem3A_39, %dma_wait3A_87, %dma_wait3A_89, %dma_wait3A_90] : memref<2x12x128x8xf32, #tpu.memory_space<vmem>> -> memref<1x1x128x8xf32, #tpu.memory_space<vmem>>
    %dma_wait3A_92 = tpu.memref_squeeze %dma_wait3A_91 : memref<1x1x128x8xf32, #tpu.memory_space<vmem>> -> memref<128x8xf32, #tpu.memory_space<vmem>>
    %dma_wait3A_93 = arith.constant 0 : i32
    %dma_wait3A_94 = tpu.memref_slice %arg8[%rem3A_39, %dma_wait3A_88, %dma_wait3A_93] : memref<2x12x128xi32, #tpu.memory_space<vmem>> -> memref<1x1x128xi32, #tpu.memory_space<vmem>>
    %dma_wait3A_95 = tpu.memref_squeeze %dma_wait3A_94 : memref<1x1x128xi32, #tpu.memory_space<vmem>> -> memref<128xi32, #tpu.memory_space<vmem>>
    %dma_wait3A_96 = arith.constant 0 : i32
    %dma_wait3A_97 = arith.constant 0 : i32
    %dma_wait3A_98 = tpu.memref_slice %arg10[%dma_wait3A_96, %dma_wait3A_97] : memref<100352x8xf32, #tpu.memory_space<vmem_shared>> -> memref<100352x8xf32, #tpu.memory_space<vmem_shared>>
    tpu.wait_indirect_dma semaphore(%arg14 : memref<!tpu.dma_semaphore, #tpu.memory_space<semaphore_mem>>) src(%dma_wait3A_92 : memref<128x8xf32, #tpu.memory_space<vmem>>) dst(%dma_wait3A_98 : memref<100352x8xf32, #tpu.memory_space<vmem_shared>>)
    %dma_wait3A_99 = arith.constant 5 : i32
    %dma_wait3A_100 = arith.constant 5 : i32
    %dma_wait3A_101 = arith.constant 0 : i32
    %dma_wait3A_102 = arith.constant 0 : i32
    %dma_wait3A_103 = tpu.memref_slice %arg9[%rem3A_39, %dma_wait3A_99, %dma_wait3A_101, %dma_wait3A_102] : memref<2x12x128x8xf32, #tpu.memory_space<vmem>> -> memref<1x1x128x8xf32, #tpu.memory_space<vmem>>
    %dma_wait3A_104 = tpu.memref_squeeze %dma_wait3A_103 : memref<1x1x128x8xf32, #tpu.memory_space<vmem>> -> memref<128x8xf32, #tpu.memory_space<vmem>>
    %dma_wait3A_105 = arith.constant 0 : i32
    %dma_wait3A_106 = tpu.memref_slice %arg8[%rem3A_39, %dma_wait3A_100, %dma_wait3A_105] : memref<2x12x128xi32, #tpu.memory_space<vmem>> -> memref<1x1x128xi32, #tpu.memory_space<vmem>>
    %dma_wait3A_107 = tpu.memref_squeeze %dma_wait3A_106 : memref<1x1x128xi32, #tpu.memory_space<vmem>> -> memref<128xi32, #tpu.memory_space<vmem>>
    %dma_wait3A_108 = arith.constant 0 : i32
    %dma_wait3A_109 = arith.constant 0 : i32
    %dma_wait3A_110 = tpu.memref_slice %arg10[%dma_wait3A_108, %dma_wait3A_109] : memref<100352x8xf32, #tpu.memory_space<vmem_shared>> -> memref<100352x8xf32, #tpu.memory_space<vmem_shared>>
    tpu.wait_indirect_dma semaphore(%arg14 : memref<!tpu.dma_semaphore, #tpu.memory_space<semaphore_mem>>) src(%dma_wait3A_104 : memref<128x8xf32, #tpu.memory_space<vmem>>) dst(%dma_wait3A_110 : memref<100352x8xf32, #tpu.memory_space<vmem_shared>>)
    %dma_wait3A_111 = arith.constant 6 : i32
    %dma_wait3A_112 = arith.constant 6 : i32
    %dma_wait3A_113 = arith.constant 0 : i32
    %dma_wait3A_114 = arith.constant 0 : i32
    %dma_wait3A_115 = tpu.memref_slice %arg9[%rem3A_39, %dma_wait3A_111, %dma_wait3A_113, %dma_wait3A_114] : memref<2x12x128x8xf32, #tpu.memory_space<vmem>> -> memref<1x1x128x8xf32, #tpu.memory_space<vmem>>
    %dma_wait3A_116 = tpu.memref_squeeze %dma_wait3A_115 : memref<1x1x128x8xf32, #tpu.memory_space<vmem>> -> memref<128x8xf32, #tpu.memory_space<vmem>>
    %dma_wait3A_117 = arith.constant 0 : i32
    %dma_wait3A_118 = tpu.memref_slice %arg8[%rem3A_39, %dma_wait3A_112, %dma_wait3A_117] : memref<2x12x128xi32, #tpu.memory_space<vmem>> -> memref<1x1x128xi32, #tpu.memory_space<vmem>>
    %dma_wait3A_119 = tpu.memref_squeeze %dma_wait3A_118 : memref<1x1x128xi32, #tpu.memory_space<vmem>> -> memref<128xi32, #tpu.memory_space<vmem>>
    %dma_wait3A_120 = arith.constant 0 : i32
    %dma_wait3A_121 = arith.constant 0 : i32
    %dma_wait3A_122 = tpu.memref_slice %arg10[%dma_wait3A_120, %dma_wait3A_121] : memref<100352x8xf32, #tpu.memory_space<vmem_shared>> -> memref<100352x8xf32, #tpu.memory_space<vmem_shared>>
    tpu.wait_indirect_dma semaphore(%arg14 : memref<!tpu.dma_semaphore, #tpu.memory_space<semaphore_mem>>) src(%dma_wait3A_116 : memref<128x8xf32, #tpu.memory_space<vmem>>) dst(%dma_wait3A_122 : memref<100352x8xf32, #tpu.memory_space<vmem_shared>>)
    %dma_wait3A_123 = arith.constant 7 : i32
    %dma_wait3A_124 = arith.constant 7 : i32
    %dma_wait3A_125 = arith.constant 0 : i32
    %dma_wait3A_126 = arith.constant 0 : i32
    %dma_wait3A_127 = tpu.memref_slice %arg9[%rem3A_39, %dma_wait3A_123, %dma_wait3A_125, %dma_wait3A_126] : memref<2x12x128x8xf32, #tpu.memory_space<vmem>> -> memref<1x1x128x8xf32, #tpu.memory_space<vmem>>
    %dma_wait3A_128 = tpu.memref_squeeze %dma_wait3A_127 : memref<1x1x128x8xf32, #tpu.memory_space<vmem>> -> memref<128x8xf32, #tpu.memory_space<vmem>>
    %dma_wait3A_129 = arith.constant 0 : i32
    %dma_wait3A_130 = tpu.memref_slice %arg8[%rem3A_39, %dma_wait3A_124, %dma_wait3A_129] : memref<2x12x128xi32, #tpu.memory_space<vmem>> -> memref<1x1x128xi32, #tpu.memory_space<vmem>>
    %dma_wait3A_131 = tpu.memref_squeeze %dma_wait3A_130 : memref<1x1x128xi32, #tpu.memory_space<vmem>> -> memref<128xi32, #tpu.memory_space<vmem>>
    %dma_wait3A_132 = arith.constant 0 : i32
    %dma_wait3A_133 = arith.constant 0 : i32
    %dma_wait3A_134 = tpu.memref_slice %arg10[%dma_wait3A_132, %dma_wait3A_133] : memref<100352x8xf32, #tpu.memory_space<vmem_shared>> -> memref<100352x8xf32, #tpu.memory_space<vmem_shared>>
    tpu.wait_indirect_dma semaphore(%arg14 : memref<!tpu.dma_semaphore, #tpu.memory_space<semaphore_mem>>) src(%dma_wait3A_128 : memref<128x8xf32, #tpu.memory_space<vmem>>) dst(%dma_wait3A_134 : memref<100352x8xf32, #tpu.memory_space<vmem_shared>>)
    %dma_wait3A_135 = arith.constant 8 : i32
    %dma_wait3A_136 = arith.constant 8 : i32
    %dma_wait3A_137 = arith.constant 0 : i32
    %dma_wait3A_138 = arith.constant 0 : i32
    %dma_wait3A_139 = tpu.memref_slice %arg9[%rem3A_39, %dma_wait3A_135, %dma_wait3A_137, %dma_wait3A_138] : memref<2x12x128x8xf32, #tpu.memory_space<vmem>> -> memref<1x1x128x8xf32, #tpu.memory_space<vmem>>
    %dma_wait3A_140 = tpu.memref_squeeze %dma_wait3A_139 : memref<1x1x128x8xf32, #tpu.memory_space<vmem>> -> memref<128x8xf32, #tpu.memory_space<vmem>>
    %dma_wait3A_141 = arith.constant 0 : i32
    %dma_wait3A_142 = tpu.memref_slice %arg8[%rem3A_39, %dma_wait3A_136, %dma_wait3A_141] : memref<2x12x128xi32, #tpu.memory_space<vmem>> -> memref<1x1x128xi32, #tpu.memory_space<vmem>>
    %dma_wait3A_143 = tpu.memref_squeeze %dma_wait3A_142 : memref<1x1x128xi32, #tpu.memory_space<vmem>> -> memref<128xi32, #tpu.memory_space<vmem>>
    %dma_wait3A_144 = arith.constant 0 : i32
    %dma_wait3A_145 = arith.constant 0 : i32
    %dma_wait3A_146 = tpu.memref_slice %arg10[%dma_wait3A_144, %dma_wait3A_145] : memref<100352x8xf32, #tpu.memory_space<vmem_shared>> -> memref<100352x8xf32, #tpu.memory_space<vmem_shared>>
    tpu.wait_indirect_dma semaphore(%arg14 : memref<!tpu.dma_semaphore, #tpu.memory_space<semaphore_mem>>) src(%dma_wait3A_140 : memref<128x8xf32, #tpu.memory_space<vmem>>) dst(%dma_wait3A_146 : memref<100352x8xf32, #tpu.memory_space<vmem_shared>>)
    %dma_wait3A_147 = arith.constant 9 : i32
    %dma_wait3A_148 = arith.constant 9 : i32
    %dma_wait3A_149 = arith.constant 0 : i32
    %dma_wait3A_150 = arith.constant 0 : i32
    %dma_wait3A_151 = tpu.memref_slice %arg9[%rem3A_39, %dma_wait3A_147, %dma_wait3A_149, %dma_wait3A_150] : memref<2x12x128x8xf32, #tpu.memory_space<vmem>> -> memref<1x1x128x8xf32, #tpu.memory_space<vmem>>
    %dma_wait3A_152 = tpu.memref_squeeze %dma_wait3A_151 : memref<1x1x128x8xf32, #tpu.memory_space<vmem>> -> memref<128x8xf32, #tpu.memory_space<vmem>>
    %dma_wait3A_153 = arith.constant 0 : i32
    %dma_wait3A_154 = tpu.memref_slice %arg8[%rem3A_39, %dma_wait3A_148, %dma_wait3A_153] : memref<2x12x128xi32, #tpu.memory_space<vmem>> -> memref<1x1x128xi32, #tpu.memory_space<vmem>>
    %dma_wait3A_155 = tpu.memref_squeeze %dma_wait3A_154 : memref<1x1x128xi32, #tpu.memory_space<vmem>> -> memref<128xi32, #tpu.memory_space<vmem>>
    %dma_wait3A_156 = arith.constant 0 : i32
    %dma_wait3A_157 = arith.constant 0 : i32
    %dma_wait3A_158 = tpu.memref_slice %arg10[%dma_wait3A_156, %dma_wait3A_157] : memref<100352x8xf32, #tpu.memory_space<vmem_shared>> -> memref<100352x8xf32, #tpu.memory_space<vmem_shared>>
    tpu.wait_indirect_dma semaphore(%arg14 : memref<!tpu.dma_semaphore, #tpu.memory_space<semaphore_mem>>) src(%dma_wait3A_152 : memref<128x8xf32, #tpu.memory_space<vmem>>) dst(%dma_wait3A_158 : memref<100352x8xf32, #tpu.memory_space<vmem_shared>>)
    %dma_wait3A_159 = arith.constant 10 : i32
    %dma_wait3A_160 = arith.constant 10 : i32
    %dma_wait3A_161 = arith.constant 0 : i32
    %dma_wait3A_162 = arith.constant 0 : i32
    %dma_wait3A_163 = tpu.memref_slice %arg9[%rem3A_39, %dma_wait3A_159, %dma_wait3A_161, %dma_wait3A_162] : memref<2x12x128x8xf32, #tpu.memory_space<vmem>> -> memref<1x1x128x8xf32, #tpu.memory_space<vmem>>
    %dma_wait3A_164 = tpu.memref_squeeze %dma_wait3A_163 : memref<1x1x128x8xf32, #tpu.memory_space<vmem>> -> memref<128x8xf32, #tpu.memory_space<vmem>>
    %dma_wait3A_165 = arith.constant 0 : i32
    %dma_wait3A_166 = tpu.memref_slice %arg8[%rem3A_39, %dma_wait3A_160, %dma_wait3A_165] : memref<2x12x128xi32, #tpu.memory_space<vmem>> -> memref<1x1x128xi32, #tpu.memory_space<vmem>>
    %dma_wait3A_167 = tpu.memref_squeeze %dma_wait3A_166 : memref<1x1x128xi32, #tpu.memory_space<vmem>> -> memref<128xi32, #tpu.memory_space<vmem>>
    %dma_wait3A_168 = arith.constant 0 : i32
    %dma_wait3A_169 = arith.constant 0 : i32
    %dma_wait3A_170 = tpu.memref_slice %arg10[%dma_wait3A_168, %dma_wait3A_169] : memref<100352x8xf32, #tpu.memory_space<vmem_shared>> -> memref<100352x8xf32, #tpu.memory_space<vmem_shared>>
    tpu.wait_indirect_dma semaphore(%arg14 : memref<!tpu.dma_semaphore, #tpu.memory_space<semaphore_mem>>) src(%dma_wait3A_164 : memref<128x8xf32, #tpu.memory_space<vmem>>) dst(%dma_wait3A_170 : memref<100352x8xf32, #tpu.memory_space<vmem_shared>>)
    %dma_wait3A_171 = arith.constant 11 : i32
    %dma_wait3A_172 = arith.constant 11 : i32
    %dma_wait3A_173 = arith.constant 0 : i32
    %dma_wait3A_174 = arith.constant 0 : i32
    %dma_wait3A_175 = tpu.memref_slice %arg9[%rem3A_39, %dma_wait3A_171, %dma_wait3A_173, %dma_wait3A_174] : memref<2x12x128x8xf32, #tpu.memory_space<vmem>> -> memref<1x1x128x8xf32, #tpu.memory_space<vmem>>
    %dma_wait3A_176 = tpu.memref_squeeze %dma_wait3A_175 : memref<1x1x128x8xf32, #tpu.memory_space<vmem>> -> memref<128x8xf32, #tpu.memory_space<vmem>>
    %dma_wait3A_177 = arith.constant 0 : i32
    %dma_wait3A_178 = tpu.memref_slice %arg8[%rem3A_39, %dma_wait3A_172, %dma_wait3A_177] : memref<2x12x128xi32, #tpu.memory_space<vmem>> -> memref<1x1x128xi32, #tpu.memory_space<vmem>>
    %dma_wait3A_179 = tpu.memref_squeeze %dma_wait3A_178 : memref<1x1x128xi32, #tpu.memory_space<vmem>> -> memref<128xi32, #tpu.memory_space<vmem>>
    %dma_wait3A_180 = arith.constant 0 : i32
    %dma_wait3A_181 = arith.constant 0 : i32
    %dma_wait3A_182 = tpu.memref_slice %arg10[%dma_wait3A_180, %dma_wait3A_181] : memref<100352x8xf32, #tpu.memory_space<vmem_shared>> -> memref<100352x8xf32, #tpu.memory_space<vmem_shared>>
    tpu.wait_indirect_dma semaphore(%arg14 : memref<!tpu.dma_semaphore, #tpu.memory_space<semaphore_mem>>) src(%dma_wait3A_176 : memref<128x8xf32, #tpu.memory_space<vmem>>) dst(%dma_wait3A_182 : memref<100352x8xf32, #tpu.memory_space<vmem_shared>>)
    %barrier3A_183 = arith.constant 0 : index
    tpu.barrier barrier_id(%barrier3A_183)
    %mul3A_184 = arith.constant 6272 : i32
    %mul3A_185 = arith.muli %arg1, %mul3A_184 : i32
    %mul3A_186 = arith.constant 16 : i32
    %mul3A_187 = arith.muli %arg0, %mul3A_186 : i32
    %add3A_188 = arith.addi %mul3A_187, %arg1 : i32
    %mul3A_189 = arith.constant 6272 : i32
    %mul3A_190 = arith.muli %add3A_188, %mul3A_189 : i32
    "tpu.region"() ({
      %run_scoped3A = tpu.sem_alloc : memref<!tpu.dma_semaphore, #tpu.memory_space<semaphore_mem>>
      %dma_start3A_191 = arith.constant 0 : i32
      %dma_start3A_192 = tpu.memref_slice %arg6[%mul3A_190, %dma_start3A_191] : memref<200704x8xf32, #tpu.memory_space<hbm>> -> memref<6272x8xf32, #tpu.memory_space<hbm>>
      %dma_start3A_193 = arith.constant 0 : i32
      %dma_start3A_194 = tpu.memref_slice %arg10[%mul3A_185, %dma_start3A_193] : memref<100352x8xf32, #tpu.memory_space<vmem_shared>> -> memref<6272x8xf32, #tpu.memory_space<vmem_shared>>
      tpu.enqueue_dma source(%dma_start3A_194 : memref<6272x8xf32, #tpu.memory_space<vmem_shared>>) target(%dma_start3A_192 : memref<6272x8xf32, #tpu.memory_space<hbm>>) target_semaphore(%run_scoped3A : memref<!tpu.dma_semaphore, #tpu.memory_space<semaphore_mem>>)
      %dma_wait3A_195 = arith.constant 0 : i32
      %dma_wait3A_196 = tpu.memref_slice %arg6[%mul3A_190, %dma_wait3A_195] : memref<200704x8xf32, #tpu.memory_space<hbm>> -> memref<6272x8xf32, #tpu.memory_space<hbm>>
      %dma_wait3A_197 = arith.constant 0 : i32
      %dma_wait3A_198 = tpu.memref_slice %arg10[%mul3A_185, %dma_wait3A_197] : memref<100352x8xf32, #tpu.memory_space<vmem_shared>> -> memref<6272x8xf32, #tpu.memory_space<vmem_shared>>
      tpu.wait_dma2 semaphore(%run_scoped3A : memref<!tpu.dma_semaphore, #tpu.memory_space<semaphore_mem>>) src(%dma_wait3A_198 : memref<6272x8xf32, #tpu.memory_space<vmem_shared>>) dst(%dma_wait3A_196 : memref<6272x8xf32, #tpu.memory_space<hbm>>)
      tpu.yield
    }) : () -> ()
    return
  }
}

#map = affine_map<(d0, d1) -> (0, 0)>
module attributes {stable_mosaic.version = 14 : i64} {
  func.func @edge_kernel(%arg0: i32, %arg1: i32, %arg2: memref<100352x8xf32, #tpu.memory_space<hbm>>, %arg3: memref<25344x128xi32, #tpu.memory_space<hbm>>, %arg4: memref<25344x128xi32, #tpu.memory_space<hbm>>, %arg5: memref<6272x8xf32, #tpu.memory_space<hbm>>, %arg6: memref<200704x8xf32, #tpu.memory_space<hbm>>, %arg7: memref<2x12x128xi32, #tpu.memory_space<vmem>>, %arg8: memref<2x12x128xi32, #tpu.memory_space<vmem>>, %arg9: memref<2x12x128x8xf32, #tpu.memory_space<vmem>>, %arg10: memref<100352x8xf32, #tpu.memory_space<vmem_shared>>, %arg11: memref<100352x8xf32, #tpu.memory_space<vmem_shared>>, %arg12: memref<!tpu.dma_semaphore, #tpu.memory_space<semaphore_mem>>, %arg13: memref<!tpu.dma_semaphore, #tpu.memory_space<semaphore_mem>>, %arg14: memref<!tpu.dma_semaphore, #tpu.memory_space<semaphore_mem>>) attributes {dimension_semantics = [#tpu.dimension_semantics<core_parallel>, #tpu.dimension_semantics<subcore_parallel>], iteration_bounds = array<i64: 2, 16>, scalar_prefetch = 0 : i64, scratch_operands = 8 : i64, tpu.core_type = #tpu.core_type<sc_vector_subcore>, window_params = [{transform_indices = #map}, {transform_indices = #map}, {transform_indices = #map}, {transform_indices = #map}, {transform_indices = #map}]} {
    %mul3A = arith.constant 16 : i32
    %mul3A_0 = arith.muli %arg0, %mul3A : i32
    %add3A = arith.addi %mul3A_0, %arg1 : i32
    %mul3A_1 = arith.constant 6272 : i32
    %mul3A_2 = arith.muli %arg1, %mul3A_1 : i32
    %mul3A_3 = arith.constant 6272 : i32
    %mul3A_4 = arith.muli %arg1, %mul3A_3 : i32
    "tpu.region"() ({
      %run_scoped3A = tpu.sem_alloc : memref<!tpu.dma_semaphore, #tpu.memory_space<semaphore_mem>>
      %dma_start3A_191 = arith.constant 0 : i32
      %dma_start3A_192 = tpu.memref_slice %arg11[%mul3A_4, %dma_start3A_191] : memref<100352x8xf32, #tpu.memory_space<vmem_shared>> -> memref<6272x8xf32, #tpu.memory_space<vmem_shared>>
      %dma_start3A_193 = arith.constant 0 : i32
      %dma_start3A_194 = tpu.memref_slice %arg2[%mul3A_2, %dma_start3A_193] : memref<100352x8xf32, #tpu.memory_space<hbm>> -> memref<6272x8xf32, #tpu.memory_space<hbm>>
      tpu.enqueue_dma source(%dma_start3A_194 : memref<6272x8xf32, #tpu.memory_space<hbm>>) target(%dma_start3A_192 : memref<6272x8xf32, #tpu.memory_space<vmem_shared>>) target_semaphore(%run_scoped3A : memref<!tpu.dma_semaphore, #tpu.memory_space<semaphore_mem>>)
      %dma_wait3A_195 = arith.constant 0 : i32
      %dma_wait3A_196 = tpu.memref_slice %arg11[%mul3A_4, %dma_wait3A_195] : memref<100352x8xf32, #tpu.memory_space<vmem_shared>> -> memref<6272x8xf32, #tpu.memory_space<vmem_shared>>
      %dma_wait3A_197 = arith.constant 0 : i32
      %dma_wait3A_198 = tpu.memref_slice %arg2[%mul3A_2, %dma_wait3A_197] : memref<100352x8xf32, #tpu.memory_space<hbm>> -> memref<6272x8xf32, #tpu.memory_space<hbm>>
      tpu.wait_dma2 semaphore(%run_scoped3A : memref<!tpu.dma_semaphore, #tpu.memory_space<semaphore_mem>>) src(%dma_wait3A_198 : memref<6272x8xf32, #tpu.memory_space<hbm>>) dst(%dma_wait3A_196 : memref<6272x8xf32, #tpu.memory_space<vmem_shared>>)
      tpu.yield
    }) : () -> ()
    %mul3A_5 = arith.constant 6272 : i32
    %mul3A_6 = arith.muli %arg1, %mul3A_5 : i32
    "tpu.region"() ({
      %run_scoped3A = tpu.sem_alloc : memref<!tpu.dma_semaphore, #tpu.memory_space<semaphore_mem>>
      %dma_start3A_191 = arith.constant 0 : i32
      %dma_start3A_192 = tpu.memref_slice %arg10[%mul3A_6, %dma_start3A_191] : memref<100352x8xf32, #tpu.memory_space<vmem_shared>> -> memref<6272x8xf32, #tpu.memory_space<vmem_shared>>
      tpu.enqueue_dma source(%arg5 : memref<6272x8xf32, #tpu.memory_space<hbm>>) target(%dma_start3A_192 : memref<6272x8xf32, #tpu.memory_space<vmem_shared>>) target_semaphore(%run_scoped3A : memref<!tpu.dma_semaphore, #tpu.memory_space<semaphore_mem>>)
      %dma_wait3A_193 = arith.constant 0 : i32
      %dma_wait3A_194 = tpu.memref_slice %arg10[%mul3A_6, %dma_wait3A_193] : memref<100352x8xf32, #tpu.memory_space<vmem_shared>> -> memref<6272x8xf32, #tpu.memory_space<vmem_shared>>
      tpu.wait_dma2 semaphore(%run_scoped3A : memref<!tpu.dma_semaphore, #tpu.memory_space<semaphore_mem>>) src(%arg5 : memref<6272x8xf32, #tpu.memory_space<hbm>>) dst(%dma_wait3A_194 : memref<6272x8xf32, #tpu.memory_space<vmem_shared>>)
      tpu.yield
    }) : () -> ()
    %barrier3A = arith.constant 0 : index
    tpu.barrier barrier_id(%barrier3A)
    %mul3A_7 = arith.constant 792 : i32
    %mul3A_8 = arith.muli %add3A, %mul3A_7 : i32
    %dma_start3A = arith.constant 0 : i32
    %dma_start3A_9 = arith.constant 0 : i32
    %dma_start3A_10 = arith.constant 0 : i32
    %dma_start3A_11 = tpu.memref_slice %arg7[%dma_start3A, %dma_start3A_9, %dma_start3A_10] : memref<2x12x128xi32, #tpu.memory_space<vmem>> -> memref<1x12x128xi32, #tpu.memory_space<vmem>>
    %dma_start3A_12 = tpu.memref_squeeze %dma_start3A_11 : memref<1x12x128xi32, #tpu.memory_space<vmem>> -> memref<12x128xi32, #tpu.memory_space<vmem>>
    %dma_start3A_13 = arith.constant 0 : i32
    %dma_start3A_14 = tpu.memref_slice %arg3[%mul3A_8, %dma_start3A_13] : memref<25344x128xi32, #tpu.memory_space<hbm>> -> memref<12x128xi32, #tpu.memory_space<hbm>>
    %dma_start3A_15 = arith.constant 0 : i32
    %dma_start3A_16 = arith.constant 0 : i32
    %dma_start3A_17 = tpu.memref_slice %arg7[%dma_start3A, %dma_start3A_15, %dma_start3A_16] : memref<2x12x128xi32, #tpu.memory_space<vmem>> -> memref<1x12x128xi32, #tpu.memory_space<vmem>>
    %dma_start3A_18 = tpu.memref_squeeze %dma_start3A_17 : memref<1x12x128xi32, #tpu.memory_space<vmem>> -> memref<12x128xi32, #tpu.memory_space<vmem>>
    %dma_start3A_19 = arith.constant 0 : i32
    %dma_start3A_20 = tpu.memref_slice %arg3[%mul3A_8, %dma_start3A_19] : memref<25344x128xi32, #tpu.memory_space<hbm>> -> memref<12x128xi32, #tpu.memory_space<hbm>>
    tpu.enqueue_dma source(%dma_start3A_20 : memref<12x128xi32, #tpu.memory_space<hbm>>) target(%dma_start3A_18 : memref<12x128xi32, #tpu.memory_space<vmem>>) target_semaphore(%arg12 : memref<!tpu.dma_semaphore, #tpu.memory_space<semaphore_mem>>)
    %dma_start3A_21 = arith.constant 0 : i32
    %dma_start3A_22 = arith.constant 0 : i32
    %dma_start3A_23 = arith.constant 0 : i32
    %dma_start3A_24 = tpu.memref_slice %arg8[%dma_start3A_21, %dma_start3A_22, %dma_start3A_23] : memref<2x12x128xi32, #tpu.memory_space<vmem>> -> memref<1x12x128xi32, #tpu.memory_space<vmem>>
    %dma_start3A_25 = tpu.memref_squeeze %dma_start3A_24 : memref<1x12x128xi32, #tpu.memory_space<vmem>> -> memref<12x128xi32, #tpu.memory_space<vmem>>
    %dma_start3A_26 = arith.constant 0 : i32
    %dma_start3A_27 = tpu.memref_slice %arg4[%mul3A_8, %dma_start3A_26] : memref<25344x128xi32, #tpu.memory_space<hbm>> -> memref<12x128xi32, #tpu.memory_space<hbm>>
    %dma_start3A_28 = arith.constant 0 : i32
    %dma_start3A_29 = arith.constant 0 : i32
    %dma_start3A_30 = tpu.memref_slice %arg8[%dma_start3A_21, %dma_start3A_28, %dma_start3A_29] : memref<2x12x128xi32, #tpu.memory_space<vmem>> -> memref<1x12x128xi32, #tpu.memory_space<vmem>>
    %dma_start3A_31 = tpu.memref_squeeze %dma_start3A_30 : memref<1x12x128xi32, #tpu.memory_space<vmem>> -> memref<12x128xi32, #tpu.memory_space<vmem>>
    %dma_start3A_32 = arith.constant 0 : i32
    %dma_start3A_33 = tpu.memref_slice %arg4[%mul3A_8, %dma_start3A_32] : memref<25344x128xi32, #tpu.memory_space<hbm>> -> memref<12x128xi32, #tpu.memory_space<hbm>>
    tpu.enqueue_dma source(%dma_start3A_33 : memref<12x128xi32, #tpu.memory_space<hbm>>) target(%dma_start3A_31 : memref<12x128xi32, #tpu.memory_space<vmem>>) target_semaphore(%arg12 : memref<!tpu.dma_semaphore, #tpu.memory_space<semaphore_mem>>)
    %scan3A = arith.constant 0 : i32
    %scan3A_34 = arith.constant 66 : i32
    %scan3A_35 = arith.addi %scan3A, %scan3A_34 : i32
    %scan3A_36 = arith.constant 1 : i32
    scf.for %scan3A_191 = %scan3A to %scan3A_35 step %scan3A_36  : i32 {
      %rem3A_192 = arith.constant 2 : i32
      %rem3A_193 = arith.remsi %scan3A_191, %rem3A_192 : i32
      %ge3A = arith.constant 1 : i32
      %ge3A_194 = arith.cmpi sge, %scan3A_191, %ge3A : i32
      %convert_element_type3A = arith.extui %ge3A_194 : i1 to i32
      %cond3A = arith.constant 0 : i32
      %cond3A_195 = arith.cmpi ne, %convert_element_type3A, %cond3A : i32
      scf.if %cond3A_195 {
        %sub3A = arith.constant 1 : i32
        %sub3A_658 = arith.subi %sub3A, %rem3A_193 : i32
        %sub3A_659 = arith.constant 1 : i32
        %sub3A_660 = arith.subi %sub3A_659, %rem3A_193 : i32
        %dma_wait3A_661 = arith.constant 0 : i32
        %dma_wait3A_662 = arith.constant 0 : i32
        %dma_wait3A_663 = arith.constant 0 : i32
        %dma_wait3A_664 = arith.constant 0 : i32
        %dma_wait3A_665 = tpu.memref_slice %arg9[%sub3A_658, %dma_wait3A_661, %dma_wait3A_663, %dma_wait3A_664] : memref<2x12x128x8xf32, #tpu.memory_space<vmem>> -> memref<1x1x128x8xf32, #tpu.memory_space<vmem>>
        %dma_wait3A_666 = tpu.memref_squeeze %dma_wait3A_665 : memref<1x1x128x8xf32, #tpu.memory_space<vmem>> -> memref<128x8xf32, #tpu.memory_space<vmem>>
        %dma_wait3A_667 = arith.constant 0 : i32
        %dma_wait3A_668 = tpu.memref_slice %arg8[%sub3A_660, %dma_wait3A_662, %dma_wait3A_667] : memref<2x12x128xi32, #tpu.memory_space<vmem>> -> memref<1x1x128xi32, #tpu.memory_space<vmem>>
        %dma_wait3A_669 = tpu.memref_squeeze %dma_wait3A_668 : memref<1x1x128xi32, #tpu.memory_space<vmem>> -> memref<128xi32, #tpu.memory_space<vmem>>
        %dma_wait3A_670 = arith.constant 0 : i32
        %dma_wait3A_671 = arith.constant 0 : i32
        %dma_wait3A_672 = tpu.memref_slice %arg10[%dma_wait3A_670, %dma_wait3A_671] : memref<100352x8xf32, #tpu.memory_space<vmem_shared>> -> memref<100352x8xf32, #tpu.memory_space<vmem_shared>>
        tpu.wait_indirect_dma semaphore(%arg14 : memref<!tpu.dma_semaphore, #tpu.memory_space<semaphore_mem>>) src(%dma_wait3A_666 : memref<128x8xf32, #tpu.memory_space<vmem>>) dst(%dma_wait3A_672 : memref<100352x8xf32, #tpu.memory_space<vmem_shared>>)
        %sub3A_673 = arith.constant 1 : i32
        %sub3A_674 = arith.subi %sub3A_673, %rem3A_193 : i32
        %sub3A_675 = arith.constant 1 : i32
        %sub3A_676 = arith.subi %sub3A_675, %rem3A_193 : i32
        %dma_wait3A_677 = arith.constant 1 : i32
        %dma_wait3A_678 = arith.constant 1 : i32
        %dma_wait3A_679 = arith.constant 0 : i32
        %dma_wait3A_680 = arith.constant 0 : i32
        %dma_wait3A_681 = tpu.memref_slice %arg9[%sub3A_674, %dma_wait3A_677, %dma_wait3A_679, %dma_wait3A_680] : memref<2x12x128x8xf32, #tpu.memory_space<vmem>> -> memref<1x1x128x8xf32, #tpu.memory_space<vmem>>
        %dma_wait3A_682 = tpu.memref_squeeze %dma_wait3A_681 : memref<1x1x128x8xf32, #tpu.memory_space<vmem>> -> memref<128x8xf32, #tpu.memory_space<vmem>>
        %dma_wait3A_683 = arith.constant 0 : i32
        %dma_wait3A_684 = tpu.memref_slice %arg8[%sub3A_676, %dma_wait3A_678, %dma_wait3A_683] : memref<2x12x128xi32, #tpu.memory_space<vmem>> -> memref<1x1x128xi32, #tpu.memory_space<vmem>>
        %dma_wait3A_685 = tpu.memref_squeeze %dma_wait3A_684 : memref<1x1x128xi32, #tpu.memory_space<vmem>> -> memref<128xi32, #tpu.memory_space<vmem>>
        %dma_wait3A_686 = arith.constant 0 : i32
        %dma_wait3A_687 = arith.constant 0 : i32
        %dma_wait3A_688 = tpu.memref_slice %arg10[%dma_wait3A_686, %dma_wait3A_687] : memref<100352x8xf32, #tpu.memory_space<vmem_shared>> -> memref<100352x8xf32, #tpu.memory_space<vmem_shared>>
        tpu.wait_indirect_dma semaphore(%arg14 : memref<!tpu.dma_semaphore, #tpu.memory_space<semaphore_mem>>) src(%dma_wait3A_682 : memref<128x8xf32, #tpu.memory_space<vmem>>) dst(%dma_wait3A_688 : memref<100352x8xf32, #tpu.memory_space<vmem_shared>>)
        %sub3A_689 = arith.constant 1 : i32
        %sub3A_690 = arith.subi %sub3A_689, %rem3A_193 : i32
        %sub3A_691 = arith.constant 1 : i32
        %sub3A_692 = arith.subi %sub3A_691, %rem3A_193 : i32
        %dma_wait3A_693 = arith.constant 2 : i32
        %dma_wait3A_694 = arith.constant 2 : i32
        %dma_wait3A_695 = arith.constant 0 : i32
        %dma_wait3A_696 = arith.constant 0 : i32
        %dma_wait3A_697 = tpu.memref_slice %arg9[%sub3A_690, %dma_wait3A_693, %dma_wait3A_695, %dma_wait3A_696] : memref<2x12x128x8xf32, #tpu.memory_space<vmem>> -> memref<1x1x128x8xf32, #tpu.memory_space<vmem>>
        %dma_wait3A_698 = tpu.memref_squeeze %dma_wait3A_697 : memref<1x1x128x8xf32, #tpu.memory_space<vmem>> -> memref<128x8xf32, #tpu.memory_space<vmem>>
        %dma_wait3A_699 = arith.constant 0 : i32
        %dma_wait3A_700 = tpu.memref_slice %arg8[%sub3A_692, %dma_wait3A_694, %dma_wait3A_699] : memref<2x12x128xi32, #tpu.memory_space<vmem>> -> memref<1x1x128xi32, #tpu.memory_space<vmem>>
        %dma_wait3A_701 = tpu.memref_squeeze %dma_wait3A_700 : memref<1x1x128xi32, #tpu.memory_space<vmem>> -> memref<128xi32, #tpu.memory_space<vmem>>
        %dma_wait3A_702 = arith.constant 0 : i32
        %dma_wait3A_703 = arith.constant 0 : i32
        %dma_wait3A_704 = tpu.memref_slice %arg10[%dma_wait3A_702, %dma_wait3A_703] : memref<100352x8xf32, #tpu.memory_space<vmem_shared>> -> memref<100352x8xf32, #tpu.memory_space<vmem_shared>>
        tpu.wait_indirect_dma semaphore(%arg14 : memref<!tpu.dma_semaphore, #tpu.memory_space<semaphore_mem>>) src(%dma_wait3A_698 : memref<128x8xf32, #tpu.memory_space<vmem>>) dst(%dma_wait3A_704 : memref<100352x8xf32, #tpu.memory_space<vmem_shared>>)
        %sub3A_705 = arith.constant 1 : i32
        %sub3A_706 = arith.subi %sub3A_705, %rem3A_193 : i32
        %sub3A_707 = arith.constant 1 : i32
        %sub3A_708 = arith.subi %sub3A_707, %rem3A_193 : i32
        %dma_wait3A_709 = arith.constant 3 : i32
        %dma_wait3A_710 = arith.constant 3 : i32
        %dma_wait3A_711 = arith.constant 0 : i32
        %dma_wait3A_712 = arith.constant 0 : i32
        %dma_wait3A_713 = tpu.memref_slice %arg9[%sub3A_706, %dma_wait3A_709, %dma_wait3A_711, %dma_wait3A_712] : memref<2x12x128x8xf32, #tpu.memory_space<vmem>> -> memref<1x1x128x8xf32, #tpu.memory_space<vmem>>
        %dma_wait3A_714 = tpu.memref_squeeze %dma_wait3A_713 : memref<1x1x128x8xf32, #tpu.memory_space<vmem>> -> memref<128x8xf32, #tpu.memory_space<vmem>>
        %dma_wait3A_715 = arith.constant 0 : i32
        %dma_wait3A_716 = tpu.memref_slice %arg8[%sub3A_708, %dma_wait3A_710, %dma_wait3A_715] : memref<2x12x128xi32, #tpu.memory_space<vmem>> -> memref<1x1x128xi32, #tpu.memory_space<vmem>>
        %dma_wait3A_717 = tpu.memref_squeeze %dma_wait3A_716 : memref<1x1x128xi32, #tpu.memory_space<vmem>> -> memref<128xi32, #tpu.memory_space<vmem>>
        %dma_wait3A_718 = arith.constant 0 : i32
        %dma_wait3A_719 = arith.constant 0 : i32
        %dma_wait3A_720 = tpu.memref_slice %arg10[%dma_wait3A_718, %dma_wait3A_719] : memref<100352x8xf32, #tpu.memory_space<vmem_shared>> -> memref<100352x8xf32, #tpu.memory_space<vmem_shared>>
        tpu.wait_indirect_dma semaphore(%arg14 : memref<!tpu.dma_semaphore, #tpu.memory_space<semaphore_mem>>) src(%dma_wait3A_714 : memref<128x8xf32, #tpu.memory_space<vmem>>) dst(%dma_wait3A_720 : memref<100352x8xf32, #tpu.memory_space<vmem_shared>>)
        %sub3A_721 = arith.constant 1 : i32
        %sub3A_722 = arith.subi %sub3A_721, %rem3A_193 : i32
        %sub3A_723 = arith.constant 1 : i32
        %sub3A_724 = arith.subi %sub3A_723, %rem3A_193 : i32
        %dma_wait3A_725 = arith.constant 4 : i32
        %dma_wait3A_726 = arith.constant 4 : i32
        %dma_wait3A_727 = arith.constant 0 : i32
        %dma_wait3A_728 = arith.constant 0 : i32
        %dma_wait3A_729 = tpu.memref_slice %arg9[%sub3A_722, %dma_wait3A_725, %dma_wait3A_727, %dma_wait3A_728] : memref<2x12x128x8xf32, #tpu.memory_space<vmem>> -> memref<1x1x128x8xf32, #tpu.memory_space<vmem>>
        %dma_wait3A_730 = tpu.memref_squeeze %dma_wait3A_729 : memref<1x1x128x8xf32, #tpu.memory_space<vmem>> -> memref<128x8xf32, #tpu.memory_space<vmem>>
        %dma_wait3A_731 = arith.constant 0 : i32
        %dma_wait3A_732 = tpu.memref_slice %arg8[%sub3A_724, %dma_wait3A_726, %dma_wait3A_731] : memref<2x12x128xi32, #tpu.memory_space<vmem>> -> memref<1x1x128xi32, #tpu.memory_space<vmem>>
        %dma_wait3A_733 = tpu.memref_squeeze %dma_wait3A_732 : memref<1x1x128xi32, #tpu.memory_space<vmem>> -> memref<128xi32, #tpu.memory_space<vmem>>
        %dma_wait3A_734 = arith.constant 0 : i32
        %dma_wait3A_735 = arith.constant 0 : i32
        %dma_wait3A_736 = tpu.memref_slice %arg10[%dma_wait3A_734, %dma_wait3A_735] : memref<100352x8xf32, #tpu.memory_space<vmem_shared>> -> memref<100352x8xf32, #tpu.memory_space<vmem_shared>>
        tpu.wait_indirect_dma semaphore(%arg14 : memref<!tpu.dma_semaphore, #tpu.memory_space<semaphore_mem>>) src(%dma_wait3A_730 : memref<128x8xf32, #tpu.memory_space<vmem>>) dst(%dma_wait3A_736 : memref<100352x8xf32, #tpu.memory_space<vmem_shared>>)
        %sub3A_737 = arith.constant 1 : i32
        %sub3A_738 = arith.subi %sub3A_737, %rem3A_193 : i32
        %sub3A_739 = arith.constant 1 : i32
        %sub3A_740 = arith.subi %sub3A_739, %rem3A_193 : i32
        %dma_wait3A_741 = arith.constant 5 : i32
        %dma_wait3A_742 = arith.constant 5 : i32
        %dma_wait3A_743 = arith.constant 0 : i32
        %dma_wait3A_744 = arith.constant 0 : i32
        %dma_wait3A_745 = tpu.memref_slice %arg9[%sub3A_738, %dma_wait3A_741, %dma_wait3A_743, %dma_wait3A_744] : memref<2x12x128x8xf32, #tpu.memory_space<vmem>> -> memref<1x1x128x8xf32, #tpu.memory_space<vmem>>
        %dma_wait3A_746 = tpu.memref_squeeze %dma_wait3A_745 : memref<1x1x128x8xf32, #tpu.memory_space<vmem>> -> memref<128x8xf32, #tpu.memory_space<vmem>>
        %dma_wait3A_747 = arith.constant 0 : i32
        %dma_wait3A_748 = tpu.memref_slice %arg8[%sub3A_740, %dma_wait3A_742, %dma_wait3A_747] : memref<2x12x128xi32, #tpu.memory_space<vmem>> -> memref<1x1x128xi32, #tpu.memory_space<vmem>>
        %dma_wait3A_749 = tpu.memref_squeeze %dma_wait3A_748 : memref<1x1x128xi32, #tpu.memory_space<vmem>> -> memref<128xi32, #tpu.memory_space<vmem>>
        %dma_wait3A_750 = arith.constant 0 : i32
        %dma_wait3A_751 = arith.constant 0 : i32
        %dma_wait3A_752 = tpu.memref_slice %arg10[%dma_wait3A_750, %dma_wait3A_751] : memref<100352x8xf32, #tpu.memory_space<vmem_shared>> -> memref<100352x8xf32, #tpu.memory_space<vmem_shared>>
        tpu.wait_indirect_dma semaphore(%arg14 : memref<!tpu.dma_semaphore, #tpu.memory_space<semaphore_mem>>) src(%dma_wait3A_746 : memref<128x8xf32, #tpu.memory_space<vmem>>) dst(%dma_wait3A_752 : memref<100352x8xf32, #tpu.memory_space<vmem_shared>>)
        %sub3A_753 = arith.constant 1 : i32
        %sub3A_754 = arith.subi %sub3A_753, %rem3A_193 : i32
        %sub3A_755 = arith.constant 1 : i32
        %sub3A_756 = arith.subi %sub3A_755, %rem3A_193 : i32
        %dma_wait3A_757 = arith.constant 6 : i32
        %dma_wait3A_758 = arith.constant 6 : i32
        %dma_wait3A_759 = arith.constant 0 : i32
        %dma_wait3A_760 = arith.constant 0 : i32
        %dma_wait3A_761 = tpu.memref_slice %arg9[%sub3A_754, %dma_wait3A_757, %dma_wait3A_759, %dma_wait3A_760] : memref<2x12x128x8xf32, #tpu.memory_space<vmem>> -> memref<1x1x128x8xf32, #tpu.memory_space<vmem>>
        %dma_wait3A_762 = tpu.memref_squeeze %dma_wait3A_761 : memref<1x1x128x8xf32, #tpu.memory_space<vmem>> -> memref<128x8xf32, #tpu.memory_space<vmem>>
        %dma_wait3A_763 = arith.constant 0 : i32
        %dma_wait3A_764 = tpu.memref_slice %arg8[%sub3A_756, %dma_wait3A_758, %dma_wait3A_763] : memref<2x12x128xi32, #tpu.memory_space<vmem>> -> memref<1x1x128xi32, #tpu.memory_space<vmem>>
        %dma_wait3A_765 = tpu.memref_squeeze %dma_wait3A_764 : memref<1x1x128xi32, #tpu.memory_space<vmem>> -> memref<128xi32, #tpu.memory_space<vmem>>
        %dma_wait3A_766 = arith.constant 0 : i32
        %dma_wait3A_767 = arith.constant 0 : i32
        %dma_wait3A_768 = tpu.memref_slice %arg10[%dma_wait3A_766, %dma_wait3A_767] : memref<100352x8xf32, #tpu.memory_space<vmem_shared>> -> memref<100352x8xf32, #tpu.memory_space<vmem_shared>>
        tpu.wait_indirect_dma semaphore(%arg14 : memref<!tpu.dma_semaphore, #tpu.memory_space<semaphore_mem>>) src(%dma_wait3A_762 : memref<128x8xf32, #tpu.memory_space<vmem>>) dst(%dma_wait3A_768 : memref<100352x8xf32, #tpu.memory_space<vmem_shared>>)
        %sub3A_769 = arith.constant 1 : i32
        %sub3A_770 = arith.subi %sub3A_769, %rem3A_193 : i32
        %sub3A_771 = arith.constant 1 : i32
        %sub3A_772 = arith.subi %sub3A_771, %rem3A_193 : i32
        %dma_wait3A_773 = arith.constant 7 : i32
        %dma_wait3A_774 = arith.constant 7 : i32
        %dma_wait3A_775 = arith.constant 0 : i32
        %dma_wait3A_776 = arith.constant 0 : i32
        %dma_wait3A_777 = tpu.memref_slice %arg9[%sub3A_770, %dma_wait3A_773, %dma_wait3A_775, %dma_wait3A_776] : memref<2x12x128x8xf32, #tpu.memory_space<vmem>> -> memref<1x1x128x8xf32, #tpu.memory_space<vmem>>
        %dma_wait3A_778 = tpu.memref_squeeze %dma_wait3A_777 : memref<1x1x128x8xf32, #tpu.memory_space<vmem>> -> memref<128x8xf32, #tpu.memory_space<vmem>>
        %dma_wait3A_779 = arith.constant 0 : i32
        %dma_wait3A_780 = tpu.memref_slice %arg8[%sub3A_772, %dma_wait3A_774, %dma_wait3A_779] : memref<2x12x128xi32, #tpu.memory_space<vmem>> -> memref<1x1x128xi32, #tpu.memory_space<vmem>>
        %dma_wait3A_781 = tpu.memref_squeeze %dma_wait3A_780 : memref<1x1x128xi32, #tpu.memory_space<vmem>> -> memref<128xi32, #tpu.memory_space<vmem>>
        %dma_wait3A_782 = arith.constant 0 : i32
        %dma_wait3A_783 = arith.constant 0 : i32
        %dma_wait3A_784 = tpu.memref_slice %arg10[%dma_wait3A_782, %dma_wait3A_783] : memref<100352x8xf32, #tpu.memory_space<vmem_shared>> -> memref<100352x8xf32, #tpu.memory_space<vmem_shared>>
        tpu.wait_indirect_dma semaphore(%arg14 : memref<!tpu.dma_semaphore, #tpu.memory_space<semaphore_mem>>) src(%dma_wait3A_778 : memref<128x8xf32, #tpu.memory_space<vmem>>) dst(%dma_wait3A_784 : memref<100352x8xf32, #tpu.memory_space<vmem_shared>>)
        %sub3A_785 = arith.constant 1 : i32
        %sub3A_786 = arith.subi %sub3A_785, %rem3A_193 : i32
        %sub3A_787 = arith.constant 1 : i32
        %sub3A_788 = arith.subi %sub3A_787, %rem3A_193 : i32
        %dma_wait3A_789 = arith.constant 8 : i32
        %dma_wait3A_790 = arith.constant 8 : i32
        %dma_wait3A_791 = arith.constant 0 : i32
        %dma_wait3A_792 = arith.constant 0 : i32
        %dma_wait3A_793 = tpu.memref_slice %arg9[%sub3A_786, %dma_wait3A_789, %dma_wait3A_791, %dma_wait3A_792] : memref<2x12x128x8xf32, #tpu.memory_space<vmem>> -> memref<1x1x128x8xf32, #tpu.memory_space<vmem>>
        %dma_wait3A_794 = tpu.memref_squeeze %dma_wait3A_793 : memref<1x1x128x8xf32, #tpu.memory_space<vmem>> -> memref<128x8xf32, #tpu.memory_space<vmem>>
        %dma_wait3A_795 = arith.constant 0 : i32
        %dma_wait3A_796 = tpu.memref_slice %arg8[%sub3A_788, %dma_wait3A_790, %dma_wait3A_795] : memref<2x12x128xi32, #tpu.memory_space<vmem>> -> memref<1x1x128xi32, #tpu.memory_space<vmem>>
        %dma_wait3A_797 = tpu.memref_squeeze %dma_wait3A_796 : memref<1x1x128xi32, #tpu.memory_space<vmem>> -> memref<128xi32, #tpu.memory_space<vmem>>
        %dma_wait3A_798 = arith.constant 0 : i32
        %dma_wait3A_799 = arith.constant 0 : i32
        %dma_wait3A_800 = tpu.memref_slice %arg10[%dma_wait3A_798, %dma_wait3A_799] : memref<100352x8xf32, #tpu.memory_space<vmem_shared>> -> memref<100352x8xf32, #tpu.memory_space<vmem_shared>>
        tpu.wait_indirect_dma semaphore(%arg14 : memref<!tpu.dma_semaphore, #tpu.memory_space<semaphore_mem>>) src(%dma_wait3A_794 : memref<128x8xf32, #tpu.memory_space<vmem>>) dst(%dma_wait3A_800 : memref<100352x8xf32, #tpu.memory_space<vmem_shared>>)
        %sub3A_801 = arith.constant 1 : i32
        %sub3A_802 = arith.subi %sub3A_801, %rem3A_193 : i32
        %sub3A_803 = arith.constant 1 : i32
        %sub3A_804 = arith.subi %sub3A_803, %rem3A_193 : i32
        %dma_wait3A_805 = arith.constant 9 : i32
        %dma_wait3A_806 = arith.constant 9 : i32
        %dma_wait3A_807 = arith.constant 0 : i32
        %dma_wait3A_808 = arith.constant 0 : i32
        %dma_wait3A_809 = tpu.memref_slice %arg9[%sub3A_802, %dma_wait3A_805, %dma_wait3A_807, %dma_wait3A_808] : memref<2x12x128x8xf32, #tpu.memory_space<vmem>> -> memref<1x1x128x8xf32, #tpu.memory_space<vmem>>
        %dma_wait3A_810 = tpu.memref_squeeze %dma_wait3A_809 : memref<1x1x128x8xf32, #tpu.memory_space<vmem>> -> memref<128x8xf32, #tpu.memory_space<vmem>>
        %dma_wait3A_811 = arith.constant 0 : i32
        %dma_wait3A_812 = tpu.memref_slice %arg8[%sub3A_804, %dma_wait3A_806, %dma_wait3A_811] : memref<2x12x128xi32, #tpu.memory_space<vmem>> -> memref<1x1x128xi32, #tpu.memory_space<vmem>>
        %dma_wait3A_813 = tpu.memref_squeeze %dma_wait3A_812 : memref<1x1x128xi32, #tpu.memory_space<vmem>> -> memref<128xi32, #tpu.memory_space<vmem>>
        %dma_wait3A_814 = arith.constant 0 : i32
        %dma_wait3A_815 = arith.constant 0 : i32
        %dma_wait3A_816 = tpu.memref_slice %arg10[%dma_wait3A_814, %dma_wait3A_815] : memref<100352x8xf32, #tpu.memory_space<vmem_shared>> -> memref<100352x8xf32, #tpu.memory_space<vmem_shared>>
        tpu.wait_indirect_dma semaphore(%arg14 : memref<!tpu.dma_semaphore, #tpu.memory_space<semaphore_mem>>) src(%dma_wait3A_810 : memref<128x8xf32, #tpu.memory_space<vmem>>) dst(%dma_wait3A_816 : memref<100352x8xf32, #tpu.memory_space<vmem_shared>>)
        %sub3A_817 = arith.constant 1 : i32
        %sub3A_818 = arith.subi %sub3A_817, %rem3A_193 : i32
        %sub3A_819 = arith.constant 1 : i32
        %sub3A_820 = arith.subi %sub3A_819, %rem3A_193 : i32
        %dma_wait3A_821 = arith.constant 10 : i32
        %dma_wait3A_822 = arith.constant 10 : i32
        %dma_wait3A_823 = arith.constant 0 : i32
        %dma_wait3A_824 = arith.constant 0 : i32
        %dma_wait3A_825 = tpu.memref_slice %arg9[%sub3A_818, %dma_wait3A_821, %dma_wait3A_823, %dma_wait3A_824] : memref<2x12x128x8xf32, #tpu.memory_space<vmem>> -> memref<1x1x128x8xf32, #tpu.memory_space<vmem>>
        %dma_wait3A_826 = tpu.memref_squeeze %dma_wait3A_825 : memref<1x1x128x8xf32, #tpu.memory_space<vmem>> -> memref<128x8xf32, #tpu.memory_space<vmem>>
        %dma_wait3A_827 = arith.constant 0 : i32
        %dma_wait3A_828 = tpu.memref_slice %arg8[%sub3A_820, %dma_wait3A_822, %dma_wait3A_827] : memref<2x12x128xi32, #tpu.memory_space<vmem>> -> memref<1x1x128xi32, #tpu.memory_space<vmem>>
        %dma_wait3A_829 = tpu.memref_squeeze %dma_wait3A_828 : memref<1x1x128xi32, #tpu.memory_space<vmem>> -> memref<128xi32, #tpu.memory_space<vmem>>
        %dma_wait3A_830 = arith.constant 0 : i32
        %dma_wait3A_831 = arith.constant 0 : i32
        %dma_wait3A_832 = tpu.memref_slice %arg10[%dma_wait3A_830, %dma_wait3A_831] : memref<100352x8xf32, #tpu.memory_space<vmem_shared>> -> memref<100352x8xf32, #tpu.memory_space<vmem_shared>>
        tpu.wait_indirect_dma semaphore(%arg14 : memref<!tpu.dma_semaphore, #tpu.memory_space<semaphore_mem>>) src(%dma_wait3A_826 : memref<128x8xf32, #tpu.memory_space<vmem>>) dst(%dma_wait3A_832 : memref<100352x8xf32, #tpu.memory_space<vmem_shared>>)
        %sub3A_833 = arith.constant 1 : i32
        %sub3A_834 = arith.subi %sub3A_833, %rem3A_193 : i32
        %sub3A_835 = arith.constant 1 : i32
        %sub3A_836 = arith.subi %sub3A_835, %rem3A_193 : i32
        %dma_wait3A_837 = arith.constant 11 : i32
        %dma_wait3A_838 = arith.constant 11 : i32
        %dma_wait3A_839 = arith.constant 0 : i32
        %dma_wait3A_840 = arith.constant 0 : i32
        %dma_wait3A_841 = tpu.memref_slice %arg9[%sub3A_834, %dma_wait3A_837, %dma_wait3A_839, %dma_wait3A_840] : memref<2x12x128x8xf32, #tpu.memory_space<vmem>> -> memref<1x1x128x8xf32, #tpu.memory_space<vmem>>
        %dma_wait3A_842 = tpu.memref_squeeze %dma_wait3A_841 : memref<1x1x128x8xf32, #tpu.memory_space<vmem>> -> memref<128x8xf32, #tpu.memory_space<vmem>>
        %dma_wait3A_843 = arith.constant 0 : i32
        %dma_wait3A_844 = tpu.memref_slice %arg8[%sub3A_836, %dma_wait3A_838, %dma_wait3A_843] : memref<2x12x128xi32, #tpu.memory_space<vmem>> -> memref<1x1x128xi32, #tpu.memory_space<vmem>>
        %dma_wait3A_845 = tpu.memref_squeeze %dma_wait3A_844 : memref<1x1x128xi32, #tpu.memory_space<vmem>> -> memref<128xi32, #tpu.memory_space<vmem>>
        %dma_wait3A_846 = arith.constant 0 : i32
        %dma_wait3A_847 = arith.constant 0 : i32
        %dma_wait3A_848 = tpu.memref_slice %arg10[%dma_wait3A_846, %dma_wait3A_847] : memref<100352x8xf32, #tpu.memory_space<vmem_shared>> -> memref<100352x8xf32, #tpu.memory_space<vmem_shared>>
        tpu.wait_indirect_dma semaphore(%arg14 : memref<!tpu.dma_semaphore, #tpu.memory_space<semaphore_mem>>) src(%dma_wait3A_842 : memref<128x8xf32, #tpu.memory_space<vmem>>) dst(%dma_wait3A_848 : memref<100352x8xf32, #tpu.memory_space<vmem_shared>>)
      } else {
      }
      %add3A_196 = arith.constant 1 : i32
      %add3A_197 = arith.addi %scan3A_191, %add3A_196 : i32
      %lt3A = arith.constant 66 : i32
      %lt3A_198 = arith.cmpi slt, %add3A_197, %lt3A : i32
      %convert_element_type3A_199 = arith.extui %lt3A_198 : i1 to i32
      %cond3A_200 = arith.constant 0 : i32
      %cond3A_201 = arith.cmpi ne, %convert_element_type3A_199, %cond3A_200 : i32
      scf.if %cond3A_201 {
        %add3A_658 = arith.constant 1 : i32
        %add3A_659 = arith.addi %scan3A_191, %add3A_658 : i32
        %mul3A_660 = arith.constant 12 : i32
        %mul3A_661 = arith.muli %add3A_659, %mul3A_660 : i32
        %add3A_662 = arith.addi %mul3A_8, %mul3A_661 : i32
        %sub3A = arith.constant 1 : i32
        %sub3A_663 = arith.subi %sub3A, %rem3A_193 : i32
        %dma_start3A_664 = arith.constant 0 : i32
        %dma_start3A_665 = arith.constant 0 : i32
        %dma_start3A_666 = tpu.memref_slice %arg7[%sub3A_663, %dma_start3A_664, %dma_start3A_665] : memref<2x12x128xi32, #tpu.memory_space<vmem>> -> memref<1x12x128xi32, #tpu.memory_space<vmem>>
        %dma_start3A_667 = tpu.memref_squeeze %dma_start3A_666 : memref<1x12x128xi32, #tpu.memory_space<vmem>> -> memref<12x128xi32, #tpu.memory_space<vmem>>
        %dma_start3A_668 = arith.constant 0 : i32
        %dma_start3A_669 = tpu.memref_slice %arg3[%add3A_662, %dma_start3A_668] : memref<25344x128xi32, #tpu.memory_space<hbm>> -> memref<12x128xi32, #tpu.memory_space<hbm>>
        %dma_start3A_670 = arith.constant 0 : i32
        %dma_start3A_671 = arith.constant 0 : i32
        %dma_start3A_672 = tpu.memref_slice %arg7[%sub3A_663, %dma_start3A_670, %dma_start3A_671] : memref<2x12x128xi32, #tpu.memory_space<vmem>> -> memref<1x12x128xi32, #tpu.memory_space<vmem>>
        %dma_start3A_673 = tpu.memref_squeeze %dma_start3A_672 : memref<1x12x128xi32, #tpu.memory_space<vmem>> -> memref<12x128xi32, #tpu.memory_space<vmem>>
        %dma_start3A_674 = arith.constant 0 : i32
        %dma_start3A_675 = tpu.memref_slice %arg3[%add3A_662, %dma_start3A_674] : memref<25344x128xi32, #tpu.memory_space<hbm>> -> memref<12x128xi32, #tpu.memory_space<hbm>>
        tpu.enqueue_dma source(%dma_start3A_675 : memref<12x128xi32, #tpu.memory_space<hbm>>) target(%dma_start3A_673 : memref<12x128xi32, #tpu.memory_space<vmem>>) target_semaphore(%arg12 : memref<!tpu.dma_semaphore, #tpu.memory_space<semaphore_mem>>)
        %sub3A_676 = arith.constant 1 : i32
        %sub3A_677 = arith.subi %sub3A_676, %rem3A_193 : i32
        %dma_start3A_678 = arith.constant 0 : i32
        %dma_start3A_679 = arith.constant 0 : i32
        %dma_start3A_680 = tpu.memref_slice %arg8[%sub3A_677, %dma_start3A_678, %dma_start3A_679] : memref<2x12x128xi32, #tpu.memory_space<vmem>> -> memref<1x12x128xi32, #tpu.memory_space<vmem>>
        %dma_start3A_681 = tpu.memref_squeeze %dma_start3A_680 : memref<1x12x128xi32, #tpu.memory_space<vmem>> -> memref<12x128xi32, #tpu.memory_space<vmem>>
        %dma_start3A_682 = arith.constant 0 : i32
        %dma_start3A_683 = tpu.memref_slice %arg4[%add3A_662, %dma_start3A_682] : memref<25344x128xi32, #tpu.memory_space<hbm>> -> memref<12x128xi32, #tpu.memory_space<hbm>>
        %dma_start3A_684 = arith.constant 0 : i32
        %dma_start3A_685 = arith.constant 0 : i32
        %dma_start3A_686 = tpu.memref_slice %arg8[%sub3A_677, %dma_start3A_684, %dma_start3A_685] : memref<2x12x128xi32, #tpu.memory_space<vmem>> -> memref<1x12x128xi32, #tpu.memory_space<vmem>>
        %dma_start3A_687 = tpu.memref_squeeze %dma_start3A_686 : memref<1x12x128xi32, #tpu.memory_space<vmem>> -> memref<12x128xi32, #tpu.memory_space<vmem>>
        %dma_start3A_688 = arith.constant 0 : i32
        %dma_start3A_689 = tpu.memref_slice %arg4[%add3A_662, %dma_start3A_688] : memref<25344x128xi32, #tpu.memory_space<hbm>> -> memref<12x128xi32, #tpu.memory_space<hbm>>
        tpu.enqueue_dma source(%dma_start3A_689 : memref<12x128xi32, #tpu.memory_space<hbm>>) target(%dma_start3A_687 : memref<12x128xi32, #tpu.memory_space<vmem>>) target_semaphore(%arg12 : memref<!tpu.dma_semaphore, #tpu.memory_space<semaphore_mem>>)
      } else {
      }
      %dma_wait3A_202 = arith.constant 0 : i32
      %dma_wait3A_203 = arith.constant 0 : i32
      %dma_wait3A_204 = tpu.memref_slice %arg7[%rem3A_193, %dma_wait3A_202, %dma_wait3A_203] : memref<2x12x128xi32, #tpu.memory_space<vmem>> -> memref<1x12x128xi32, #tpu.memory_space<vmem>>
      %dma_wait3A_205 = tpu.memref_squeeze %dma_wait3A_204 : memref<1x12x128xi32, #tpu.memory_space<vmem>> -> memref<12x128xi32, #tpu.memory_space<vmem>>
      %dma_wait3A_206 = arith.constant 0 : i32
      %dma_wait3A_207 = tpu.memref_slice %arg3[%mul3A_8, %dma_wait3A_206] : memref<25344x128xi32, #tpu.memory_space<hbm>> -> memref<12x128xi32, #tpu.memory_space<hbm>>
      %dma_wait3A_208 = arith.constant 0 : i32
      %dma_wait3A_209 = arith.constant 0 : i32
      %dma_wait3A_210 = tpu.memref_slice %arg7[%rem3A_193, %dma_wait3A_208, %dma_wait3A_209] : memref<2x12x128xi32, #tpu.memory_space<vmem>> -> memref<1x12x128xi32, #tpu.memory_space<vmem>>
      %dma_wait3A_211 = tpu.memref_squeeze %dma_wait3A_210 : memref<1x12x128xi32, #tpu.memory_space<vmem>> -> memref<12x128xi32, #tpu.memory_space<vmem>>
      %dma_wait3A_212 = arith.constant 0 : i32
      %dma_wait3A_213 = tpu.memref_slice %arg3[%mul3A_8, %dma_wait3A_212] : memref<25344x128xi32, #tpu.memory_space<hbm>> -> memref<12x128xi32, #tpu.memory_space<hbm>>
      tpu.wait_dma2 semaphore(%arg12 : memref<!tpu.dma_semaphore, #tpu.memory_space<semaphore_mem>>) src(%dma_wait3A_213 : memref<12x128xi32, #tpu.memory_space<hbm>>) dst(%dma_wait3A_211 : memref<12x128xi32, #tpu.memory_space<vmem>>)
      %dma_wait3A_214 = arith.constant 0 : i32
      %dma_wait3A_215 = arith.constant 0 : i32
      %dma_wait3A_216 = tpu.memref_slice %arg8[%rem3A_193, %dma_wait3A_214, %dma_wait3A_215] : memref<2x12x128xi32, #tpu.memory_space<vmem>> -> memref<1x12x128xi32, #tpu.memory_space<vmem>>
      %dma_wait3A_217 = tpu.memref_squeeze %dma_wait3A_216 : memref<1x12x128xi32, #tpu.memory_space<vmem>> -> memref<12x128xi32, #tpu.memory_space<vmem>>
      %dma_wait3A_218 = arith.constant 0 : i32
      %dma_wait3A_219 = tpu.memref_slice %arg4[%mul3A_8, %dma_wait3A_218] : memref<25344x128xi32, #tpu.memory_space<hbm>> -> memref<12x128xi32, #tpu.memory_space<hbm>>
      %dma_wait3A_220 = arith.constant 0 : i32
      %dma_wait3A_221 = arith.constant 0 : i32
      %dma_wait3A_222 = tpu.memref_slice %arg8[%rem3A_193, %dma_wait3A_220, %dma_wait3A_221] : memref<2x12x128xi32, #tpu.memory_space<vmem>> -> memref<1x12x128xi32, #tpu.memory_space<vmem>>
      %dma_wait3A_223 = tpu.memref_squeeze %dma_wait3A_222 : memref<1x12x128xi32, #tpu.memory_space<vmem>> -> memref<12x128xi32, #tpu.memory_space<vmem>>
      %dma_wait3A_224 = arith.constant 0 : i32
      %dma_wait3A_225 = tpu.memref_slice %arg4[%mul3A_8, %dma_wait3A_224] : memref<25344x128xi32, #tpu.memory_space<hbm>> -> memref<12x128xi32, #tpu.memory_space<hbm>>
      tpu.wait_dma2 semaphore(%arg12 : memref<!tpu.dma_semaphore, #tpu.memory_space<semaphore_mem>>) src(%dma_wait3A_225 : memref<12x128xi32, #tpu.memory_space<hbm>>) dst(%dma_wait3A_223 : memref<12x128xi32, #tpu.memory_space<vmem>>)
      %dma_start3A_226 = arith.constant 0 : i32
      %dma_start3A_227 = arith.constant 0 : i32
      %dma_start3A_228 = arith.constant 0 : i32
      %dma_start3A_229 = arith.constant 0 : i32
      %dma_start3A_230 = tpu.memref_slice %arg9[%rem3A_193, %dma_start3A_227, %dma_start3A_228, %dma_start3A_229] : memref<2x12x128x8xf32, #tpu.memory_space<vmem>> -> memref<1x1x128x8xf32, #tpu.memory_space<vmem>>
      %dma_start3A_231 = tpu.memref_squeeze %dma_start3A_230 : memref<1x1x128x8xf32, #tpu.memory_space<vmem>> -> memref<128x8xf32, #tpu.memory_space<vmem>>
      %dma_start3A_232 = arith.constant 0 : i32
      %dma_start3A_233 = tpu.memref_slice %arg7[%rem3A_193, %dma_start3A_226, %dma_start3A_232] : memref<2x12x128xi32, #tpu.memory_space<vmem>> -> memref<1x1x128xi32, #tpu.memory_space<vmem>>
      %dma_start3A_234 = tpu.memref_squeeze %dma_start3A_233 : memref<1x1x128xi32, #tpu.memory_space<vmem>> -> memref<128xi32, #tpu.memory_space<vmem>>
      %dma_start3A_235 = arith.constant 0 : i32
      %dma_start3A_236 = arith.constant 0 : i32
      %dma_start3A_237 = tpu.memref_slice %arg11[%dma_start3A_235, %dma_start3A_236] : memref<100352x8xf32, #tpu.memory_space<vmem_shared>> -> memref<100352x8xf32, #tpu.memory_space<vmem_shared>>
      tpu.enqueue_indirect_dma source(%dma_start3A_237 : memref<100352x8xf32, #tpu.memory_space<vmem_shared>>) target(%dma_start3A_231 : memref<128x8xf32, #tpu.memory_space<vmem>>) offsets(%dma_start3A_234 : memref<128xi32, #tpu.memory_space<vmem>>) semaphore(%arg13 : memref<!tpu.dma_semaphore, #tpu.memory_space<semaphore_mem>>)
      %dma_start3A_238 = arith.constant 1 : i32
      %dma_start3A_239 = arith.constant 1 : i32
      %dma_start3A_240 = arith.constant 0 : i32
      %dma_start3A_241 = arith.constant 0 : i32
      %dma_start3A_242 = tpu.memref_slice %arg9[%rem3A_193, %dma_start3A_239, %dma_start3A_240, %dma_start3A_241] : memref<2x12x128x8xf32, #tpu.memory_space<vmem>> -> memref<1x1x128x8xf32, #tpu.memory_space<vmem>>
      %dma_start3A_243 = tpu.memref_squeeze %dma_start3A_242 : memref<1x1x128x8xf32, #tpu.memory_space<vmem>> -> memref<128x8xf32, #tpu.memory_space<vmem>>
      %dma_start3A_244 = arith.constant 0 : i32
      %dma_start3A_245 = tpu.memref_slice %arg7[%rem3A_193, %dma_start3A_238, %dma_start3A_244] : memref<2x12x128xi32, #tpu.memory_space<vmem>> -> memref<1x1x128xi32, #tpu.memory_space<vmem>>
      %dma_start3A_246 = tpu.memref_squeeze %dma_start3A_245 : memref<1x1x128xi32, #tpu.memory_space<vmem>> -> memref<128xi32, #tpu.memory_space<vmem>>
      %dma_start3A_247 = arith.constant 0 : i32
      %dma_start3A_248 = arith.constant 0 : i32
      %dma_start3A_249 = tpu.memref_slice %arg11[%dma_start3A_247, %dma_start3A_248] : memref<100352x8xf32, #tpu.memory_space<vmem_shared>> -> memref<100352x8xf32, #tpu.memory_space<vmem_shared>>
      tpu.enqueue_indirect_dma source(%dma_start3A_249 : memref<100352x8xf32, #tpu.memory_space<vmem_shared>>) target(%dma_start3A_243 : memref<128x8xf32, #tpu.memory_space<vmem>>) offsets(%dma_start3A_246 : memref<128xi32, #tpu.memory_space<vmem>>) semaphore(%arg13 : memref<!tpu.dma_semaphore, #tpu.memory_space<semaphore_mem>>)
      %dma_start3A_250 = arith.constant 2 : i32
      %dma_start3A_251 = arith.constant 2 : i32
      %dma_start3A_252 = arith.constant 0 : i32
      %dma_start3A_253 = arith.constant 0 : i32
      %dma_start3A_254 = tpu.memref_slice %arg9[%rem3A_193, %dma_start3A_251, %dma_start3A_252, %dma_start3A_253] : memref<2x12x128x8xf32, #tpu.memory_space<vmem>> -> memref<1x1x128x8xf32, #tpu.memory_space<vmem>>
      %dma_start3A_255 = tpu.memref_squeeze %dma_start3A_254 : memref<1x1x128x8xf32, #tpu.memory_space<vmem>> -> memref<128x8xf32, #tpu.memory_space<vmem>>
      %dma_start3A_256 = arith.constant 0 : i32
      %dma_start3A_257 = tpu.memref_slice %arg7[%rem3A_193, %dma_start3A_250, %dma_start3A_256] : memref<2x12x128xi32, #tpu.memory_space<vmem>> -> memref<1x1x128xi32, #tpu.memory_space<vmem>>
      %dma_start3A_258 = tpu.memref_squeeze %dma_start3A_257 : memref<1x1x128xi32, #tpu.memory_space<vmem>> -> memref<128xi32, #tpu.memory_space<vmem>>
      %dma_start3A_259 = arith.constant 0 : i32
      %dma_start3A_260 = arith.constant 0 : i32
      %dma_start3A_261 = tpu.memref_slice %arg11[%dma_start3A_259, %dma_start3A_260] : memref<100352x8xf32, #tpu.memory_space<vmem_shared>> -> memref<100352x8xf32, #tpu.memory_space<vmem_shared>>
      tpu.enqueue_indirect_dma source(%dma_start3A_261 : memref<100352x8xf32, #tpu.memory_space<vmem_shared>>) target(%dma_start3A_255 : memref<128x8xf32, #tpu.memory_space<vmem>>) offsets(%dma_start3A_258 : memref<128xi32, #tpu.memory_space<vmem>>) semaphore(%arg13 : memref<!tpu.dma_semaphore, #tpu.memory_space<semaphore_mem>>)
      %dma_start3A_262 = arith.constant 3 : i32
      %dma_start3A_263 = arith.constant 3 : i32
      %dma_start3A_264 = arith.constant 0 : i32
      %dma_start3A_265 = arith.constant 0 : i32
      %dma_start3A_266 = tpu.memref_slice %arg9[%rem3A_193, %dma_start3A_263, %dma_start3A_264, %dma_start3A_265] : memref<2x12x128x8xf32, #tpu.memory_space<vmem>> -> memref<1x1x128x8xf32, #tpu.memory_space<vmem>>
      %dma_start3A_267 = tpu.memref_squeeze %dma_start3A_266 : memref<1x1x128x8xf32, #tpu.memory_space<vmem>> -> memref<128x8xf32, #tpu.memory_space<vmem>>
      %dma_start3A_268 = arith.constant 0 : i32
      %dma_start3A_269 = tpu.memref_slice %arg7[%rem3A_193, %dma_start3A_262, %dma_start3A_268] : memref<2x12x128xi32, #tpu.memory_space<vmem>> -> memref<1x1x128xi32, #tpu.memory_space<vmem>>
      %dma_start3A_270 = tpu.memref_squeeze %dma_start3A_269 : memref<1x1x128xi32, #tpu.memory_space<vmem>> -> memref<128xi32, #tpu.memory_space<vmem>>
      %dma_start3A_271 = arith.constant 0 : i32
      %dma_start3A_272 = arith.constant 0 : i32
      %dma_start3A_273 = tpu.memref_slice %arg11[%dma_start3A_271, %dma_start3A_272] : memref<100352x8xf32, #tpu.memory_space<vmem_shared>> -> memref<100352x8xf32, #tpu.memory_space<vmem_shared>>
      tpu.enqueue_indirect_dma source(%dma_start3A_273 : memref<100352x8xf32, #tpu.memory_space<vmem_shared>>) target(%dma_start3A_267 : memref<128x8xf32, #tpu.memory_space<vmem>>) offsets(%dma_start3A_270 : memref<128xi32, #tpu.memory_space<vmem>>) semaphore(%arg13 : memref<!tpu.dma_semaphore, #tpu.memory_space<semaphore_mem>>)
      %dma_start3A_274 = arith.constant 4 : i32
      %dma_start3A_275 = arith.constant 4 : i32
      %dma_start3A_276 = arith.constant 0 : i32
      %dma_start3A_277 = arith.constant 0 : i32
      %dma_start3A_278 = tpu.memref_slice %arg9[%rem3A_193, %dma_start3A_275, %dma_start3A_276, %dma_start3A_277] : memref<2x12x128x8xf32, #tpu.memory_space<vmem>> -> memref<1x1x128x8xf32, #tpu.memory_space<vmem>>
      %dma_start3A_279 = tpu.memref_squeeze %dma_start3A_278 : memref<1x1x128x8xf32, #tpu.memory_space<vmem>> -> memref<128x8xf32, #tpu.memory_space<vmem>>
      %dma_start3A_280 = arith.constant 0 : i32
      %dma_start3A_281 = tpu.memref_slice %arg7[%rem3A_193, %dma_start3A_274, %dma_start3A_280] : memref<2x12x128xi32, #tpu.memory_space<vmem>> -> memref<1x1x128xi32, #tpu.memory_space<vmem>>
      %dma_start3A_282 = tpu.memref_squeeze %dma_start3A_281 : memref<1x1x128xi32, #tpu.memory_space<vmem>> -> memref<128xi32, #tpu.memory_space<vmem>>
      %dma_start3A_283 = arith.constant 0 : i32
      %dma_start3A_284 = arith.constant 0 : i32
      %dma_start3A_285 = tpu.memref_slice %arg11[%dma_start3A_283, %dma_start3A_284] : memref<100352x8xf32, #tpu.memory_space<vmem_shared>> -> memref<100352x8xf32, #tpu.memory_space<vmem_shared>>
      tpu.enqueue_indirect_dma source(%dma_start3A_285 : memref<100352x8xf32, #tpu.memory_space<vmem_shared>>) target(%dma_start3A_279 : memref<128x8xf32, #tpu.memory_space<vmem>>) offsets(%dma_start3A_282 : memref<128xi32, #tpu.memory_space<vmem>>) semaphore(%arg13 : memref<!tpu.dma_semaphore, #tpu.memory_space<semaphore_mem>>)
      %dma_start3A_286 = arith.constant 5 : i32
      %dma_start3A_287 = arith.constant 5 : i32
      %dma_start3A_288 = arith.constant 0 : i32
      %dma_start3A_289 = arith.constant 0 : i32
      %dma_start3A_290 = tpu.memref_slice %arg9[%rem3A_193, %dma_start3A_287, %dma_start3A_288, %dma_start3A_289] : memref<2x12x128x8xf32, #tpu.memory_space<vmem>> -> memref<1x1x128x8xf32, #tpu.memory_space<vmem>>
      %dma_start3A_291 = tpu.memref_squeeze %dma_start3A_290 : memref<1x1x128x8xf32, #tpu.memory_space<vmem>> -> memref<128x8xf32, #tpu.memory_space<vmem>>
      %dma_start3A_292 = arith.constant 0 : i32
      %dma_start3A_293 = tpu.memref_slice %arg7[%rem3A_193, %dma_start3A_286, %dma_start3A_292] : memref<2x12x128xi32, #tpu.memory_space<vmem>> -> memref<1x1x128xi32, #tpu.memory_space<vmem>>
      %dma_start3A_294 = tpu.memref_squeeze %dma_start3A_293 : memref<1x1x128xi32, #tpu.memory_space<vmem>> -> memref<128xi32, #tpu.memory_space<vmem>>
      %dma_start3A_295 = arith.constant 0 : i32
      %dma_start3A_296 = arith.constant 0 : i32
      %dma_start3A_297 = tpu.memref_slice %arg11[%dma_start3A_295, %dma_start3A_296] : memref<100352x8xf32, #tpu.memory_space<vmem_shared>> -> memref<100352x8xf32, #tpu.memory_space<vmem_shared>>
      tpu.enqueue_indirect_dma source(%dma_start3A_297 : memref<100352x8xf32, #tpu.memory_space<vmem_shared>>) target(%dma_start3A_291 : memref<128x8xf32, #tpu.memory_space<vmem>>) offsets(%dma_start3A_294 : memref<128xi32, #tpu.memory_space<vmem>>) semaphore(%arg13 : memref<!tpu.dma_semaphore, #tpu.memory_space<semaphore_mem>>)
      %dma_start3A_298 = arith.constant 6 : i32
      %dma_start3A_299 = arith.constant 6 : i32
      %dma_start3A_300 = arith.constant 0 : i32
      %dma_start3A_301 = arith.constant 0 : i32
      %dma_start3A_302 = tpu.memref_slice %arg9[%rem3A_193, %dma_start3A_299, %dma_start3A_300, %dma_start3A_301] : memref<2x12x128x8xf32, #tpu.memory_space<vmem>> -> memref<1x1x128x8xf32, #tpu.memory_space<vmem>>
      %dma_start3A_303 = tpu.memref_squeeze %dma_start3A_302 : memref<1x1x128x8xf32, #tpu.memory_space<vmem>> -> memref<128x8xf32, #tpu.memory_space<vmem>>
      %dma_start3A_304 = arith.constant 0 : i32
      %dma_start3A_305 = tpu.memref_slice %arg7[%rem3A_193, %dma_start3A_298, %dma_start3A_304] : memref<2x12x128xi32, #tpu.memory_space<vmem>> -> memref<1x1x128xi32, #tpu.memory_space<vmem>>
      %dma_start3A_306 = tpu.memref_squeeze %dma_start3A_305 : memref<1x1x128xi32, #tpu.memory_space<vmem>> -> memref<128xi32, #tpu.memory_space<vmem>>
      %dma_start3A_307 = arith.constant 0 : i32
      %dma_start3A_308 = arith.constant 0 : i32
      %dma_start3A_309 = tpu.memref_slice %arg11[%dma_start3A_307, %dma_start3A_308] : memref<100352x8xf32, #tpu.memory_space<vmem_shared>> -> memref<100352x8xf32, #tpu.memory_space<vmem_shared>>
      tpu.enqueue_indirect_dma source(%dma_start3A_309 : memref<100352x8xf32, #tpu.memory_space<vmem_shared>>) target(%dma_start3A_303 : memref<128x8xf32, #tpu.memory_space<vmem>>) offsets(%dma_start3A_306 : memref<128xi32, #tpu.memory_space<vmem>>) semaphore(%arg13 : memref<!tpu.dma_semaphore, #tpu.memory_space<semaphore_mem>>)
      %dma_start3A_310 = arith.constant 7 : i32
      %dma_start3A_311 = arith.constant 7 : i32
      %dma_start3A_312 = arith.constant 0 : i32
      %dma_start3A_313 = arith.constant 0 : i32
      %dma_start3A_314 = tpu.memref_slice %arg9[%rem3A_193, %dma_start3A_311, %dma_start3A_312, %dma_start3A_313] : memref<2x12x128x8xf32, #tpu.memory_space<vmem>> -> memref<1x1x128x8xf32, #tpu.memory_space<vmem>>
      %dma_start3A_315 = tpu.memref_squeeze %dma_start3A_314 : memref<1x1x128x8xf32, #tpu.memory_space<vmem>> -> memref<128x8xf32, #tpu.memory_space<vmem>>
      %dma_start3A_316 = arith.constant 0 : i32
      %dma_start3A_317 = tpu.memref_slice %arg7[%rem3A_193, %dma_start3A_310, %dma_start3A_316] : memref<2x12x128xi32, #tpu.memory_space<vmem>> -> memref<1x1x128xi32, #tpu.memory_space<vmem>>
      %dma_start3A_318 = tpu.memref_squeeze %dma_start3A_317 : memref<1x1x128xi32, #tpu.memory_space<vmem>> -> memref<128xi32, #tpu.memory_space<vmem>>
      %dma_start3A_319 = arith.constant 0 : i32
      %dma_start3A_320 = arith.constant 0 : i32
      %dma_start3A_321 = tpu.memref_slice %arg11[%dma_start3A_319, %dma_start3A_320] : memref<100352x8xf32, #tpu.memory_space<vmem_shared>> -> memref<100352x8xf32, #tpu.memory_space<vmem_shared>>
      tpu.enqueue_indirect_dma source(%dma_start3A_321 : memref<100352x8xf32, #tpu.memory_space<vmem_shared>>) target(%dma_start3A_315 : memref<128x8xf32, #tpu.memory_space<vmem>>) offsets(%dma_start3A_318 : memref<128xi32, #tpu.memory_space<vmem>>) semaphore(%arg13 : memref<!tpu.dma_semaphore, #tpu.memory_space<semaphore_mem>>)
      %dma_start3A_322 = arith.constant 8 : i32
      %dma_start3A_323 = arith.constant 8 : i32
      %dma_start3A_324 = arith.constant 0 : i32
      %dma_start3A_325 = arith.constant 0 : i32
      %dma_start3A_326 = tpu.memref_slice %arg9[%rem3A_193, %dma_start3A_323, %dma_start3A_324, %dma_start3A_325] : memref<2x12x128x8xf32, #tpu.memory_space<vmem>> -> memref<1x1x128x8xf32, #tpu.memory_space<vmem>>
      %dma_start3A_327 = tpu.memref_squeeze %dma_start3A_326 : memref<1x1x128x8xf32, #tpu.memory_space<vmem>> -> memref<128x8xf32, #tpu.memory_space<vmem>>
      %dma_start3A_328 = arith.constant 0 : i32
      %dma_start3A_329 = tpu.memref_slice %arg7[%rem3A_193, %dma_start3A_322, %dma_start3A_328] : memref<2x12x128xi32, #tpu.memory_space<vmem>> -> memref<1x1x128xi32, #tpu.memory_space<vmem>>
      %dma_start3A_330 = tpu.memref_squeeze %dma_start3A_329 : memref<1x1x128xi32, #tpu.memory_space<vmem>> -> memref<128xi32, #tpu.memory_space<vmem>>
      %dma_start3A_331 = arith.constant 0 : i32
      %dma_start3A_332 = arith.constant 0 : i32
      %dma_start3A_333 = tpu.memref_slice %arg11[%dma_start3A_331, %dma_start3A_332] : memref<100352x8xf32, #tpu.memory_space<vmem_shared>> -> memref<100352x8xf32, #tpu.memory_space<vmem_shared>>
      tpu.enqueue_indirect_dma source(%dma_start3A_333 : memref<100352x8xf32, #tpu.memory_space<vmem_shared>>) target(%dma_start3A_327 : memref<128x8xf32, #tpu.memory_space<vmem>>) offsets(%dma_start3A_330 : memref<128xi32, #tpu.memory_space<vmem>>) semaphore(%arg13 : memref<!tpu.dma_semaphore, #tpu.memory_space<semaphore_mem>>)
      %dma_start3A_334 = arith.constant 9 : i32
      %dma_start3A_335 = arith.constant 9 : i32
      %dma_start3A_336 = arith.constant 0 : i32
      %dma_start3A_337 = arith.constant 0 : i32
      %dma_start3A_338 = tpu.memref_slice %arg9[%rem3A_193, %dma_start3A_335, %dma_start3A_336, %dma_start3A_337] : memref<2x12x128x8xf32, #tpu.memory_space<vmem>> -> memref<1x1x128x8xf32, #tpu.memory_space<vmem>>
      %dma_start3A_339 = tpu.memref_squeeze %dma_start3A_338 : memref<1x1x128x8xf32, #tpu.memory_space<vmem>> -> memref<128x8xf32, #tpu.memory_space<vmem>>
      %dma_start3A_340 = arith.constant 0 : i32
      %dma_start3A_341 = tpu.memref_slice %arg7[%rem3A_193, %dma_start3A_334, %dma_start3A_340] : memref<2x12x128xi32, #tpu.memory_space<vmem>> -> memref<1x1x128xi32, #tpu.memory_space<vmem>>
      %dma_start3A_342 = tpu.memref_squeeze %dma_start3A_341 : memref<1x1x128xi32, #tpu.memory_space<vmem>> -> memref<128xi32, #tpu.memory_space<vmem>>
      %dma_start3A_343 = arith.constant 0 : i32
      %dma_start3A_344 = arith.constant 0 : i32
      %dma_start3A_345 = tpu.memref_slice %arg11[%dma_start3A_343, %dma_start3A_344] : memref<100352x8xf32, #tpu.memory_space<vmem_shared>> -> memref<100352x8xf32, #tpu.memory_space<vmem_shared>>
      tpu.enqueue_indirect_dma source(%dma_start3A_345 : memref<100352x8xf32, #tpu.memory_space<vmem_shared>>) target(%dma_start3A_339 : memref<128x8xf32, #tpu.memory_space<vmem>>) offsets(%dma_start3A_342 : memref<128xi32, #tpu.memory_space<vmem>>) semaphore(%arg13 : memref<!tpu.dma_semaphore, #tpu.memory_space<semaphore_mem>>)
      %dma_start3A_346 = arith.constant 10 : i32
      %dma_start3A_347 = arith.constant 10 : i32
      %dma_start3A_348 = arith.constant 0 : i32
      %dma_start3A_349 = arith.constant 0 : i32
      %dma_start3A_350 = tpu.memref_slice %arg9[%rem3A_193, %dma_start3A_347, %dma_start3A_348, %dma_start3A_349] : memref<2x12x128x8xf32, #tpu.memory_space<vmem>> -> memref<1x1x128x8xf32, #tpu.memory_space<vmem>>
      %dma_start3A_351 = tpu.memref_squeeze %dma_start3A_350 : memref<1x1x128x8xf32, #tpu.memory_space<vmem>> -> memref<128x8xf32, #tpu.memory_space<vmem>>
      %dma_start3A_352 = arith.constant 0 : i32
      %dma_start3A_353 = tpu.memref_slice %arg7[%rem3A_193, %dma_start3A_346, %dma_start3A_352] : memref<2x12x128xi32, #tpu.memory_space<vmem>> -> memref<1x1x128xi32, #tpu.memory_space<vmem>>
      %dma_start3A_354 = tpu.memref_squeeze %dma_start3A_353 : memref<1x1x128xi32, #tpu.memory_space<vmem>> -> memref<128xi32, #tpu.memory_space<vmem>>
      %dma_start3A_355 = arith.constant 0 : i32
      %dma_start3A_356 = arith.constant 0 : i32
      %dma_start3A_357 = tpu.memref_slice %arg11[%dma_start3A_355, %dma_start3A_356] : memref<100352x8xf32, #tpu.memory_space<vmem_shared>> -> memref<100352x8xf32, #tpu.memory_space<vmem_shared>>
      tpu.enqueue_indirect_dma source(%dma_start3A_357 : memref<100352x8xf32, #tpu.memory_space<vmem_shared>>) target(%dma_start3A_351 : memref<128x8xf32, #tpu.memory_space<vmem>>) offsets(%dma_start3A_354 : memref<128xi32, #tpu.memory_space<vmem>>) semaphore(%arg13 : memref<!tpu.dma_semaphore, #tpu.memory_space<semaphore_mem>>)
      %dma_start3A_358 = arith.constant 11 : i32
      %dma_start3A_359 = arith.constant 11 : i32
      %dma_start3A_360 = arith.constant 0 : i32
      %dma_start3A_361 = arith.constant 0 : i32
      %dma_start3A_362 = tpu.memref_slice %arg9[%rem3A_193, %dma_start3A_359, %dma_start3A_360, %dma_start3A_361] : memref<2x12x128x8xf32, #tpu.memory_space<vmem>> -> memref<1x1x128x8xf32, #tpu.memory_space<vmem>>
      %dma_start3A_363 = tpu.memref_squeeze %dma_start3A_362 : memref<1x1x128x8xf32, #tpu.memory_space<vmem>> -> memref<128x8xf32, #tpu.memory_space<vmem>>
      %dma_start3A_364 = arith.constant 0 : i32
      %dma_start3A_365 = tpu.memref_slice %arg7[%rem3A_193, %dma_start3A_358, %dma_start3A_364] : memref<2x12x128xi32, #tpu.memory_space<vmem>> -> memref<1x1x128xi32, #tpu.memory_space<vmem>>
      %dma_start3A_366 = tpu.memref_squeeze %dma_start3A_365 : memref<1x1x128xi32, #tpu.memory_space<vmem>> -> memref<128xi32, #tpu.memory_space<vmem>>
      %dma_start3A_367 = arith.constant 0 : i32
      %dma_start3A_368 = arith.constant 0 : i32
      %dma_start3A_369 = tpu.memref_slice %arg11[%dma_start3A_367, %dma_start3A_368] : memref<100352x8xf32, #tpu.memory_space<vmem_shared>> -> memref<100352x8xf32, #tpu.memory_space<vmem_shared>>
      tpu.enqueue_indirect_dma source(%dma_start3A_369 : memref<100352x8xf32, #tpu.memory_space<vmem_shared>>) target(%dma_start3A_363 : memref<128x8xf32, #tpu.memory_space<vmem>>) offsets(%dma_start3A_366 : memref<128xi32, #tpu.memory_space<vmem>>) semaphore(%arg13 : memref<!tpu.dma_semaphore, #tpu.memory_space<semaphore_mem>>)
      %dma_wait3A_370 = arith.constant 0 : i32
      %dma_wait3A_371 = arith.constant 0 : i32
      %dma_wait3A_372 = arith.constant 0 : i32
      %dma_wait3A_373 = arith.constant 0 : i32
      %dma_wait3A_374 = tpu.memref_slice %arg9[%rem3A_193, %dma_wait3A_371, %dma_wait3A_372, %dma_wait3A_373] : memref<2x12x128x8xf32, #tpu.memory_space<vmem>> -> memref<1x1x128x8xf32, #tpu.memory_space<vmem>>
      %dma_wait3A_375 = tpu.memref_squeeze %dma_wait3A_374 : memref<1x1x128x8xf32, #tpu.memory_space<vmem>> -> memref<128x8xf32, #tpu.memory_space<vmem>>
      %dma_wait3A_376 = arith.constant 0 : i32
      %dma_wait3A_377 = tpu.memref_slice %arg7[%rem3A_193, %dma_wait3A_370, %dma_wait3A_376] : memref<2x12x128xi32, #tpu.memory_space<vmem>> -> memref<1x1x128xi32, #tpu.memory_space<vmem>>
      %dma_wait3A_378 = tpu.memref_squeeze %dma_wait3A_377 : memref<1x1x128xi32, #tpu.memory_space<vmem>> -> memref<128xi32, #tpu.memory_space<vmem>>
      %dma_wait3A_379 = arith.constant 0 : i32
      %dma_wait3A_380 = arith.constant 0 : i32
      %dma_wait3A_381 = tpu.memref_slice %arg11[%dma_wait3A_379, %dma_wait3A_380] : memref<100352x8xf32, #tpu.memory_space<vmem_shared>> -> memref<100352x8xf32, #tpu.memory_space<vmem_shared>>
      tpu.wait_indirect_dma semaphore(%arg13 : memref<!tpu.dma_semaphore, #tpu.memory_space<semaphore_mem>>) src(%dma_wait3A_381 : memref<100352x8xf32, #tpu.memory_space<vmem_shared>>) dst(%dma_wait3A_375 : memref<128x8xf32, #tpu.memory_space<vmem>>)
      %dma_start3A_382 = arith.constant 0 : i32
      %dma_start3A_383 = arith.constant 0 : i32
      %dma_start3A_384 = arith.constant 0 : i32
      %dma_start3A_385 = arith.constant 0 : i32
      %dma_start3A_386 = tpu.memref_slice %arg9[%rem3A_193, %dma_start3A_382, %dma_start3A_384, %dma_start3A_385] : memref<2x12x128x8xf32, #tpu.memory_space<vmem>> -> memref<1x1x128x8xf32, #tpu.memory_space<vmem>>
      %dma_start3A_387 = tpu.memref_squeeze %dma_start3A_386 : memref<1x1x128x8xf32, #tpu.memory_space<vmem>> -> memref<128x8xf32, #tpu.memory_space<vmem>>
      %dma_start3A_388 = arith.constant 0 : i32
      %dma_start3A_389 = tpu.memref_slice %arg8[%rem3A_193, %dma_start3A_383, %dma_start3A_388] : memref<2x12x128xi32, #tpu.memory_space<vmem>> -> memref<1x1x128xi32, #tpu.memory_space<vmem>>
      %dma_start3A_390 = tpu.memref_squeeze %dma_start3A_389 : memref<1x1x128xi32, #tpu.memory_space<vmem>> -> memref<128xi32, #tpu.memory_space<vmem>>
      %dma_start3A_391 = arith.constant 0 : i32
      %dma_start3A_392 = arith.constant 0 : i32
      %dma_start3A_393 = tpu.memref_slice %arg10[%dma_start3A_391, %dma_start3A_392] : memref<100352x8xf32, #tpu.memory_space<vmem_shared>> -> memref<100352x8xf32, #tpu.memory_space<vmem_shared>>
      tpu.enqueue_indirect_dma source(%dma_start3A_387 : memref<128x8xf32, #tpu.memory_space<vmem>>) target(%dma_start3A_393 : memref<100352x8xf32, #tpu.memory_space<vmem_shared>>) offsets(%dma_start3A_390 : memref<128xi32, #tpu.memory_space<vmem>>) semaphore(%arg14 : memref<!tpu.dma_semaphore, #tpu.memory_space<semaphore_mem>>) {add = true}
      %dma_wait3A_394 = arith.constant 1 : i32
      %dma_wait3A_395 = arith.constant 1 : i32
      %dma_wait3A_396 = arith.constant 0 : i32
      %dma_wait3A_397 = arith.constant 0 : i32
      %dma_wait3A_398 = tpu.memref_slice %arg9[%rem3A_193, %dma_wait3A_395, %dma_wait3A_396, %dma_wait3A_397] : memref<2x12x128x8xf32, #tpu.memory_space<vmem>> -> memref<1x1x128x8xf32, #tpu.memory_space<vmem>>
      %dma_wait3A_399 = tpu.memref_squeeze %dma_wait3A_398 : memref<1x1x128x8xf32, #tpu.memory_space<vmem>> -> memref<128x8xf32, #tpu.memory_space<vmem>>
      %dma_wait3A_400 = arith.constant 0 : i32
      %dma_wait3A_401 = tpu.memref_slice %arg7[%rem3A_193, %dma_wait3A_394, %dma_wait3A_400] : memref<2x12x128xi32, #tpu.memory_space<vmem>> -> memref<1x1x128xi32, #tpu.memory_space<vmem>>
      %dma_wait3A_402 = tpu.memref_squeeze %dma_wait3A_401 : memref<1x1x128xi32, #tpu.memory_space<vmem>> -> memref<128xi32, #tpu.memory_space<vmem>>
      %dma_wait3A_403 = arith.constant 0 : i32
      %dma_wait3A_404 = arith.constant 0 : i32
      %dma_wait3A_405 = tpu.memref_slice %arg11[%dma_wait3A_403, %dma_wait3A_404] : memref<100352x8xf32, #tpu.memory_space<vmem_shared>> -> memref<100352x8xf32, #tpu.memory_space<vmem_shared>>
      tpu.wait_indirect_dma semaphore(%arg13 : memref<!tpu.dma_semaphore, #tpu.memory_space<semaphore_mem>>) src(%dma_wait3A_405 : memref<100352x8xf32, #tpu.memory_space<vmem_shared>>) dst(%dma_wait3A_399 : memref<128x8xf32, #tpu.memory_space<vmem>>)
      %dma_start3A_406 = arith.constant 1 : i32
      %dma_start3A_407 = arith.constant 1 : i32
      %dma_start3A_408 = arith.constant 0 : i32
      %dma_start3A_409 = arith.constant 0 : i32
      %dma_start3A_410 = tpu.memref_slice %arg9[%rem3A_193, %dma_start3A_406, %dma_start3A_408, %dma_start3A_409] : memref<2x12x128x8xf32, #tpu.memory_space<vmem>> -> memref<1x1x128x8xf32, #tpu.memory_space<vmem>>
      %dma_start3A_411 = tpu.memref_squeeze %dma_start3A_410 : memref<1x1x128x8xf32, #tpu.memory_space<vmem>> -> memref<128x8xf32, #tpu.memory_space<vmem>>
      %dma_start3A_412 = arith.constant 0 : i32
      %dma_start3A_413 = tpu.memref_slice %arg8[%rem3A_193, %dma_start3A_407, %dma_start3A_412] : memref<2x12x128xi32, #tpu.memory_space<vmem>> -> memref<1x1x128xi32, #tpu.memory_space<vmem>>
      %dma_start3A_414 = tpu.memref_squeeze %dma_start3A_413 : memref<1x1x128xi32, #tpu.memory_space<vmem>> -> memref<128xi32, #tpu.memory_space<vmem>>
      %dma_start3A_415 = arith.constant 0 : i32
      %dma_start3A_416 = arith.constant 0 : i32
      %dma_start3A_417 = tpu.memref_slice %arg10[%dma_start3A_415, %dma_start3A_416] : memref<100352x8xf32, #tpu.memory_space<vmem_shared>> -> memref<100352x8xf32, #tpu.memory_space<vmem_shared>>
      tpu.enqueue_indirect_dma source(%dma_start3A_411 : memref<128x8xf32, #tpu.memory_space<vmem>>) target(%dma_start3A_417 : memref<100352x8xf32, #tpu.memory_space<vmem_shared>>) offsets(%dma_start3A_414 : memref<128xi32, #tpu.memory_space<vmem>>) semaphore(%arg14 : memref<!tpu.dma_semaphore, #tpu.memory_space<semaphore_mem>>) {add = true}
      %dma_wait3A_418 = arith.constant 2 : i32
      %dma_wait3A_419 = arith.constant 2 : i32
      %dma_wait3A_420 = arith.constant 0 : i32
      %dma_wait3A_421 = arith.constant 0 : i32
      %dma_wait3A_422 = tpu.memref_slice %arg9[%rem3A_193, %dma_wait3A_419, %dma_wait3A_420, %dma_wait3A_421] : memref<2x12x128x8xf32, #tpu.memory_space<vmem>> -> memref<1x1x128x8xf32, #tpu.memory_space<vmem>>
      %dma_wait3A_423 = tpu.memref_squeeze %dma_wait3A_422 : memref<1x1x128x8xf32, #tpu.memory_space<vmem>> -> memref<128x8xf32, #tpu.memory_space<vmem>>
      %dma_wait3A_424 = arith.constant 0 : i32
      %dma_wait3A_425 = tpu.memref_slice %arg7[%rem3A_193, %dma_wait3A_418, %dma_wait3A_424] : memref<2x12x128xi32, #tpu.memory_space<vmem>> -> memref<1x1x128xi32, #tpu.memory_space<vmem>>
      %dma_wait3A_426 = tpu.memref_squeeze %dma_wait3A_425 : memref<1x1x128xi32, #tpu.memory_space<vmem>> -> memref<128xi32, #tpu.memory_space<vmem>>
      %dma_wait3A_427 = arith.constant 0 : i32
      %dma_wait3A_428 = arith.constant 0 : i32
      %dma_wait3A_429 = tpu.memref_slice %arg11[%dma_wait3A_427, %dma_wait3A_428] : memref<100352x8xf32, #tpu.memory_space<vmem_shared>> -> memref<100352x8xf32, #tpu.memory_space<vmem_shared>>
      tpu.wait_indirect_dma semaphore(%arg13 : memref<!tpu.dma_semaphore, #tpu.memory_space<semaphore_mem>>) src(%dma_wait3A_429 : memref<100352x8xf32, #tpu.memory_space<vmem_shared>>) dst(%dma_wait3A_423 : memref<128x8xf32, #tpu.memory_space<vmem>>)
      %dma_start3A_430 = arith.constant 2 : i32
      %dma_start3A_431 = arith.constant 2 : i32
      %dma_start3A_432 = arith.constant 0 : i32
      %dma_start3A_433 = arith.constant 0 : i32
      %dma_start3A_434 = tpu.memref_slice %arg9[%rem3A_193, %dma_start3A_430, %dma_start3A_432, %dma_start3A_433] : memref<2x12x128x8xf32, #tpu.memory_space<vmem>> -> memref<1x1x128x8xf32, #tpu.memory_space<vmem>>
      %dma_start3A_435 = tpu.memref_squeeze %dma_start3A_434 : memref<1x1x128x8xf32, #tpu.memory_space<vmem>> -> memref<128x8xf32, #tpu.memory_space<vmem>>
      %dma_start3A_436 = arith.constant 0 : i32
      %dma_start3A_437 = tpu.memref_slice %arg8[%rem3A_193, %dma_start3A_431, %dma_start3A_436] : memref<2x12x128xi32, #tpu.memory_space<vmem>> -> memref<1x1x128xi32, #tpu.memory_space<vmem>>
      %dma_start3A_438 = tpu.memref_squeeze %dma_start3A_437 : memref<1x1x128xi32, #tpu.memory_space<vmem>> -> memref<128xi32, #tpu.memory_space<vmem>>
      %dma_start3A_439 = arith.constant 0 : i32
      %dma_start3A_440 = arith.constant 0 : i32
      %dma_start3A_441 = tpu.memref_slice %arg10[%dma_start3A_439, %dma_start3A_440] : memref<100352x8xf32, #tpu.memory_space<vmem_shared>> -> memref<100352x8xf32, #tpu.memory_space<vmem_shared>>
      tpu.enqueue_indirect_dma source(%dma_start3A_435 : memref<128x8xf32, #tpu.memory_space<vmem>>) target(%dma_start3A_441 : memref<100352x8xf32, #tpu.memory_space<vmem_shared>>) offsets(%dma_start3A_438 : memref<128xi32, #tpu.memory_space<vmem>>) semaphore(%arg14 : memref<!tpu.dma_semaphore, #tpu.memory_space<semaphore_mem>>) {add = true}
      %dma_wait3A_442 = arith.constant 3 : i32
      %dma_wait3A_443 = arith.constant 3 : i32
      %dma_wait3A_444 = arith.constant 0 : i32
      %dma_wait3A_445 = arith.constant 0 : i32
      %dma_wait3A_446 = tpu.memref_slice %arg9[%rem3A_193, %dma_wait3A_443, %dma_wait3A_444, %dma_wait3A_445] : memref<2x12x128x8xf32, #tpu.memory_space<vmem>> -> memref<1x1x128x8xf32, #tpu.memory_space<vmem>>
      %dma_wait3A_447 = tpu.memref_squeeze %dma_wait3A_446 : memref<1x1x128x8xf32, #tpu.memory_space<vmem>> -> memref<128x8xf32, #tpu.memory_space<vmem>>
      %dma_wait3A_448 = arith.constant 0 : i32
      %dma_wait3A_449 = tpu.memref_slice %arg7[%rem3A_193, %dma_wait3A_442, %dma_wait3A_448] : memref<2x12x128xi32, #tpu.memory_space<vmem>> -> memref<1x1x128xi32, #tpu.memory_space<vmem>>
      %dma_wait3A_450 = tpu.memref_squeeze %dma_wait3A_449 : memref<1x1x128xi32, #tpu.memory_space<vmem>> -> memref<128xi32, #tpu.memory_space<vmem>>
      %dma_wait3A_451 = arith.constant 0 : i32
      %dma_wait3A_452 = arith.constant 0 : i32
      %dma_wait3A_453 = tpu.memref_slice %arg11[%dma_wait3A_451, %dma_wait3A_452] : memref<100352x8xf32, #tpu.memory_space<vmem_shared>> -> memref<100352x8xf32, #tpu.memory_space<vmem_shared>>
      tpu.wait_indirect_dma semaphore(%arg13 : memref<!tpu.dma_semaphore, #tpu.memory_space<semaphore_mem>>) src(%dma_wait3A_453 : memref<100352x8xf32, #tpu.memory_space<vmem_shared>>) dst(%dma_wait3A_447 : memref<128x8xf32, #tpu.memory_space<vmem>>)
      %dma_start3A_454 = arith.constant 3 : i32
      %dma_start3A_455 = arith.constant 3 : i32
      %dma_start3A_456 = arith.constant 0 : i32
      %dma_start3A_457 = arith.constant 0 : i32
      %dma_start3A_458 = tpu.memref_slice %arg9[%rem3A_193, %dma_start3A_454, %dma_start3A_456, %dma_start3A_457] : memref<2x12x128x8xf32, #tpu.memory_space<vmem>> -> memref<1x1x128x8xf32, #tpu.memory_space<vmem>>
      %dma_start3A_459 = tpu.memref_squeeze %dma_start3A_458 : memref<1x1x128x8xf32, #tpu.memory_space<vmem>> -> memref<128x8xf32, #tpu.memory_space<vmem>>
      %dma_start3A_460 = arith.constant 0 : i32
      %dma_start3A_461 = tpu.memref_slice %arg8[%rem3A_193, %dma_start3A_455, %dma_start3A_460] : memref<2x12x128xi32, #tpu.memory_space<vmem>> -> memref<1x1x128xi32, #tpu.memory_space<vmem>>
      %dma_start3A_462 = tpu.memref_squeeze %dma_start3A_461 : memref<1x1x128xi32, #tpu.memory_space<vmem>> -> memref<128xi32, #tpu.memory_space<vmem>>
      %dma_start3A_463 = arith.constant 0 : i32
      %dma_start3A_464 = arith.constant 0 : i32
      %dma_start3A_465 = tpu.memref_slice %arg10[%dma_start3A_463, %dma_start3A_464] : memref<100352x8xf32, #tpu.memory_space<vmem_shared>> -> memref<100352x8xf32, #tpu.memory_space<vmem_shared>>
      tpu.enqueue_indirect_dma source(%dma_start3A_459 : memref<128x8xf32, #tpu.memory_space<vmem>>) target(%dma_start3A_465 : memref<100352x8xf32, #tpu.memory_space<vmem_shared>>) offsets(%dma_start3A_462 : memref<128xi32, #tpu.memory_space<vmem>>) semaphore(%arg14 : memref<!tpu.dma_semaphore, #tpu.memory_space<semaphore_mem>>) {add = true}
      %dma_wait3A_466 = arith.constant 4 : i32
      %dma_wait3A_467 = arith.constant 4 : i32
      %dma_wait3A_468 = arith.constant 0 : i32
      %dma_wait3A_469 = arith.constant 0 : i32
      %dma_wait3A_470 = tpu.memref_slice %arg9[%rem3A_193, %dma_wait3A_467, %dma_wait3A_468, %dma_wait3A_469] : memref<2x12x128x8xf32, #tpu.memory_space<vmem>> -> memref<1x1x128x8xf32, #tpu.memory_space<vmem>>
      %dma_wait3A_471 = tpu.memref_squeeze %dma_wait3A_470 : memref<1x1x128x8xf32, #tpu.memory_space<vmem>> -> memref<128x8xf32, #tpu.memory_space<vmem>>
      %dma_wait3A_472 = arith.constant 0 : i32
      %dma_wait3A_473 = tpu.memref_slice %arg7[%rem3A_193, %dma_wait3A_466, %dma_wait3A_472] : memref<2x12x128xi32, #tpu.memory_space<vmem>> -> memref<1x1x128xi32, #tpu.memory_space<vmem>>
      %dma_wait3A_474 = tpu.memref_squeeze %dma_wait3A_473 : memref<1x1x128xi32, #tpu.memory_space<vmem>> -> memref<128xi32, #tpu.memory_space<vmem>>
      %dma_wait3A_475 = arith.constant 0 : i32
      %dma_wait3A_476 = arith.constant 0 : i32
      %dma_wait3A_477 = tpu.memref_slice %arg11[%dma_wait3A_475, %dma_wait3A_476] : memref<100352x8xf32, #tpu.memory_space<vmem_shared>> -> memref<100352x8xf32, #tpu.memory_space<vmem_shared>>
      tpu.wait_indirect_dma semaphore(%arg13 : memref<!tpu.dma_semaphore, #tpu.memory_space<semaphore_mem>>) src(%dma_wait3A_477 : memref<100352x8xf32, #tpu.memory_space<vmem_shared>>) dst(%dma_wait3A_471 : memref<128x8xf32, #tpu.memory_space<vmem>>)
      %dma_start3A_478 = arith.constant 4 : i32
      %dma_start3A_479 = arith.constant 4 : i32
      %dma_start3A_480 = arith.constant 0 : i32
      %dma_start3A_481 = arith.constant 0 : i32
      %dma_start3A_482 = tpu.memref_slice %arg9[%rem3A_193, %dma_start3A_478, %dma_start3A_480, %dma_start3A_481] : memref<2x12x128x8xf32, #tpu.memory_space<vmem>> -> memref<1x1x128x8xf32, #tpu.memory_space<vmem>>
      %dma_start3A_483 = tpu.memref_squeeze %dma_start3A_482 : memref<1x1x128x8xf32, #tpu.memory_space<vmem>> -> memref<128x8xf32, #tpu.memory_space<vmem>>
      %dma_start3A_484 = arith.constant 0 : i32
      %dma_start3A_485 = tpu.memref_slice %arg8[%rem3A_193, %dma_start3A_479, %dma_start3A_484] : memref<2x12x128xi32, #tpu.memory_space<vmem>> -> memref<1x1x128xi32, #tpu.memory_space<vmem>>
      %dma_start3A_486 = tpu.memref_squeeze %dma_start3A_485 : memref<1x1x128xi32, #tpu.memory_space<vmem>> -> memref<128xi32, #tpu.memory_space<vmem>>
      %dma_start3A_487 = arith.constant 0 : i32
      %dma_start3A_488 = arith.constant 0 : i32
      %dma_start3A_489 = tpu.memref_slice %arg10[%dma_start3A_487, %dma_start3A_488] : memref<100352x8xf32, #tpu.memory_space<vmem_shared>> -> memref<100352x8xf32, #tpu.memory_space<vmem_shared>>
      tpu.enqueue_indirect_dma source(%dma_start3A_483 : memref<128x8xf32, #tpu.memory_space<vmem>>) target(%dma_start3A_489 : memref<100352x8xf32, #tpu.memory_space<vmem_shared>>) offsets(%dma_start3A_486 : memref<128xi32, #tpu.memory_space<vmem>>) semaphore(%arg14 : memref<!tpu.dma_semaphore, #tpu.memory_space<semaphore_mem>>) {add = true}
      %dma_wait3A_490 = arith.constant 5 : i32
      %dma_wait3A_491 = arith.constant 5 : i32
      %dma_wait3A_492 = arith.constant 0 : i32
      %dma_wait3A_493 = arith.constant 0 : i32
      %dma_wait3A_494 = tpu.memref_slice %arg9[%rem3A_193, %dma_wait3A_491, %dma_wait3A_492, %dma_wait3A_493] : memref<2x12x128x8xf32, #tpu.memory_space<vmem>> -> memref<1x1x128x8xf32, #tpu.memory_space<vmem>>
      %dma_wait3A_495 = tpu.memref_squeeze %dma_wait3A_494 : memref<1x1x128x8xf32, #tpu.memory_space<vmem>> -> memref<128x8xf32, #tpu.memory_space<vmem>>
      %dma_wait3A_496 = arith.constant 0 : i32
      %dma_wait3A_497 = tpu.memref_slice %arg7[%rem3A_193, %dma_wait3A_490, %dma_wait3A_496] : memref<2x12x128xi32, #tpu.memory_space<vmem>> -> memref<1x1x128xi32, #tpu.memory_space<vmem>>
      %dma_wait3A_498 = tpu.memref_squeeze %dma_wait3A_497 : memref<1x1x128xi32, #tpu.memory_space<vmem>> -> memref<128xi32, #tpu.memory_space<vmem>>
      %dma_wait3A_499 = arith.constant 0 : i32
      %dma_wait3A_500 = arith.constant 0 : i32
      %dma_wait3A_501 = tpu.memref_slice %arg11[%dma_wait3A_499, %dma_wait3A_500] : memref<100352x8xf32, #tpu.memory_space<vmem_shared>> -> memref<100352x8xf32, #tpu.memory_space<vmem_shared>>
      tpu.wait_indirect_dma semaphore(%arg13 : memref<!tpu.dma_semaphore, #tpu.memory_space<semaphore_mem>>) src(%dma_wait3A_501 : memref<100352x8xf32, #tpu.memory_space<vmem_shared>>) dst(%dma_wait3A_495 : memref<128x8xf32, #tpu.memory_space<vmem>>)
      %dma_start3A_502 = arith.constant 5 : i32
      %dma_start3A_503 = arith.constant 5 : i32
      %dma_start3A_504 = arith.constant 0 : i32
      %dma_start3A_505 = arith.constant 0 : i32
      %dma_start3A_506 = tpu.memref_slice %arg9[%rem3A_193, %dma_start3A_502, %dma_start3A_504, %dma_start3A_505] : memref<2x12x128x8xf32, #tpu.memory_space<vmem>> -> memref<1x1x128x8xf32, #tpu.memory_space<vmem>>
      %dma_start3A_507 = tpu.memref_squeeze %dma_start3A_506 : memref<1x1x128x8xf32, #tpu.memory_space<vmem>> -> memref<128x8xf32, #tpu.memory_space<vmem>>
      %dma_start3A_508 = arith.constant 0 : i32
      %dma_start3A_509 = tpu.memref_slice %arg8[%rem3A_193, %dma_start3A_503, %dma_start3A_508] : memref<2x12x128xi32, #tpu.memory_space<vmem>> -> memref<1x1x128xi32, #tpu.memory_space<vmem>>
      %dma_start3A_510 = tpu.memref_squeeze %dma_start3A_509 : memref<1x1x128xi32, #tpu.memory_space<vmem>> -> memref<128xi32, #tpu.memory_space<vmem>>
      %dma_start3A_511 = arith.constant 0 : i32
      %dma_start3A_512 = arith.constant 0 : i32
      %dma_start3A_513 = tpu.memref_slice %arg10[%dma_start3A_511, %dma_start3A_512] : memref<100352x8xf32, #tpu.memory_space<vmem_shared>> -> memref<100352x8xf32, #tpu.memory_space<vmem_shared>>
      tpu.enqueue_indirect_dma source(%dma_start3A_507 : memref<128x8xf32, #tpu.memory_space<vmem>>) target(%dma_start3A_513 : memref<100352x8xf32, #tpu.memory_space<vmem_shared>>) offsets(%dma_start3A_510 : memref<128xi32, #tpu.memory_space<vmem>>) semaphore(%arg14 : memref<!tpu.dma_semaphore, #tpu.memory_space<semaphore_mem>>) {add = true}
      %dma_wait3A_514 = arith.constant 6 : i32
      %dma_wait3A_515 = arith.constant 6 : i32
      %dma_wait3A_516 = arith.constant 0 : i32
      %dma_wait3A_517 = arith.constant 0 : i32
      %dma_wait3A_518 = tpu.memref_slice %arg9[%rem3A_193, %dma_wait3A_515, %dma_wait3A_516, %dma_wait3A_517] : memref<2x12x128x8xf32, #tpu.memory_space<vmem>> -> memref<1x1x128x8xf32, #tpu.memory_space<vmem>>
      %dma_wait3A_519 = tpu.memref_squeeze %dma_wait3A_518 : memref<1x1x128x8xf32, #tpu.memory_space<vmem>> -> memref<128x8xf32, #tpu.memory_space<vmem>>
      %dma_wait3A_520 = arith.constant 0 : i32
      %dma_wait3A_521 = tpu.memref_slice %arg7[%rem3A_193, %dma_wait3A_514, %dma_wait3A_520] : memref<2x12x128xi32, #tpu.memory_space<vmem>> -> memref<1x1x128xi32, #tpu.memory_space<vmem>>
      %dma_wait3A_522 = tpu.memref_squeeze %dma_wait3A_521 : memref<1x1x128xi32, #tpu.memory_space<vmem>> -> memref<128xi32, #tpu.memory_space<vmem>>
      %dma_wait3A_523 = arith.constant 0 : i32
      %dma_wait3A_524 = arith.constant 0 : i32
      %dma_wait3A_525 = tpu.memref_slice %arg11[%dma_wait3A_523, %dma_wait3A_524] : memref<100352x8xf32, #tpu.memory_space<vmem_shared>> -> memref<100352x8xf32, #tpu.memory_space<vmem_shared>>
      tpu.wait_indirect_dma semaphore(%arg13 : memref<!tpu.dma_semaphore, #tpu.memory_space<semaphore_mem>>) src(%dma_wait3A_525 : memref<100352x8xf32, #tpu.memory_space<vmem_shared>>) dst(%dma_wait3A_519 : memref<128x8xf32, #tpu.memory_space<vmem>>)
      %dma_start3A_526 = arith.constant 6 : i32
      %dma_start3A_527 = arith.constant 6 : i32
      %dma_start3A_528 = arith.constant 0 : i32
      %dma_start3A_529 = arith.constant 0 : i32
      %dma_start3A_530 = tpu.memref_slice %arg9[%rem3A_193, %dma_start3A_526, %dma_start3A_528, %dma_start3A_529] : memref<2x12x128x8xf32, #tpu.memory_space<vmem>> -> memref<1x1x128x8xf32, #tpu.memory_space<vmem>>
      %dma_start3A_531 = tpu.memref_squeeze %dma_start3A_530 : memref<1x1x128x8xf32, #tpu.memory_space<vmem>> -> memref<128x8xf32, #tpu.memory_space<vmem>>
      %dma_start3A_532 = arith.constant 0 : i32
      %dma_start3A_533 = tpu.memref_slice %arg8[%rem3A_193, %dma_start3A_527, %dma_start3A_532] : memref<2x12x128xi32, #tpu.memory_space<vmem>> -> memref<1x1x128xi32, #tpu.memory_space<vmem>>
      %dma_start3A_534 = tpu.memref_squeeze %dma_start3A_533 : memref<1x1x128xi32, #tpu.memory_space<vmem>> -> memref<128xi32, #tpu.memory_space<vmem>>
      %dma_start3A_535 = arith.constant 0 : i32
      %dma_start3A_536 = arith.constant 0 : i32
      %dma_start3A_537 = tpu.memref_slice %arg10[%dma_start3A_535, %dma_start3A_536] : memref<100352x8xf32, #tpu.memory_space<vmem_shared>> -> memref<100352x8xf32, #tpu.memory_space<vmem_shared>>
      tpu.enqueue_indirect_dma source(%dma_start3A_531 : memref<128x8xf32, #tpu.memory_space<vmem>>) target(%dma_start3A_537 : memref<100352x8xf32, #tpu.memory_space<vmem_shared>>) offsets(%dma_start3A_534 : memref<128xi32, #tpu.memory_space<vmem>>) semaphore(%arg14 : memref<!tpu.dma_semaphore, #tpu.memory_space<semaphore_mem>>) {add = true}
      %dma_wait3A_538 = arith.constant 7 : i32
      %dma_wait3A_539 = arith.constant 7 : i32
      %dma_wait3A_540 = arith.constant 0 : i32
      %dma_wait3A_541 = arith.constant 0 : i32
      %dma_wait3A_542 = tpu.memref_slice %arg9[%rem3A_193, %dma_wait3A_539, %dma_wait3A_540, %dma_wait3A_541] : memref<2x12x128x8xf32, #tpu.memory_space<vmem>> -> memref<1x1x128x8xf32, #tpu.memory_space<vmem>>
      %dma_wait3A_543 = tpu.memref_squeeze %dma_wait3A_542 : memref<1x1x128x8xf32, #tpu.memory_space<vmem>> -> memref<128x8xf32, #tpu.memory_space<vmem>>
      %dma_wait3A_544 = arith.constant 0 : i32
      %dma_wait3A_545 = tpu.memref_slice %arg7[%rem3A_193, %dma_wait3A_538, %dma_wait3A_544] : memref<2x12x128xi32, #tpu.memory_space<vmem>> -> memref<1x1x128xi32, #tpu.memory_space<vmem>>
      %dma_wait3A_546 = tpu.memref_squeeze %dma_wait3A_545 : memref<1x1x128xi32, #tpu.memory_space<vmem>> -> memref<128xi32, #tpu.memory_space<vmem>>
      %dma_wait3A_547 = arith.constant 0 : i32
      %dma_wait3A_548 = arith.constant 0 : i32
      %dma_wait3A_549 = tpu.memref_slice %arg11[%dma_wait3A_547, %dma_wait3A_548] : memref<100352x8xf32, #tpu.memory_space<vmem_shared>> -> memref<100352x8xf32, #tpu.memory_space<vmem_shared>>
      tpu.wait_indirect_dma semaphore(%arg13 : memref<!tpu.dma_semaphore, #tpu.memory_space<semaphore_mem>>) src(%dma_wait3A_549 : memref<100352x8xf32, #tpu.memory_space<vmem_shared>>) dst(%dma_wait3A_543 : memref<128x8xf32, #tpu.memory_space<vmem>>)
      %dma_start3A_550 = arith.constant 7 : i32
      %dma_start3A_551 = arith.constant 7 : i32
      %dma_start3A_552 = arith.constant 0 : i32
      %dma_start3A_553 = arith.constant 0 : i32
      %dma_start3A_554 = tpu.memref_slice %arg9[%rem3A_193, %dma_start3A_550, %dma_start3A_552, %dma_start3A_553] : memref<2x12x128x8xf32, #tpu.memory_space<vmem>> -> memref<1x1x128x8xf32, #tpu.memory_space<vmem>>
      %dma_start3A_555 = tpu.memref_squeeze %dma_start3A_554 : memref<1x1x128x8xf32, #tpu.memory_space<vmem>> -> memref<128x8xf32, #tpu.memory_space<vmem>>
      %dma_start3A_556 = arith.constant 0 : i32
      %dma_start3A_557 = tpu.memref_slice %arg8[%rem3A_193, %dma_start3A_551, %dma_start3A_556] : memref<2x12x128xi32, #tpu.memory_space<vmem>> -> memref<1x1x128xi32, #tpu.memory_space<vmem>>
      %dma_start3A_558 = tpu.memref_squeeze %dma_start3A_557 : memref<1x1x128xi32, #tpu.memory_space<vmem>> -> memref<128xi32, #tpu.memory_space<vmem>>
      %dma_start3A_559 = arith.constant 0 : i32
      %dma_start3A_560 = arith.constant 0 : i32
      %dma_start3A_561 = tpu.memref_slice %arg10[%dma_start3A_559, %dma_start3A_560] : memref<100352x8xf32, #tpu.memory_space<vmem_shared>> -> memref<100352x8xf32, #tpu.memory_space<vmem_shared>>
      tpu.enqueue_indirect_dma source(%dma_start3A_555 : memref<128x8xf32, #tpu.memory_space<vmem>>) target(%dma_start3A_561 : memref<100352x8xf32, #tpu.memory_space<vmem_shared>>) offsets(%dma_start3A_558 : memref<128xi32, #tpu.memory_space<vmem>>) semaphore(%arg14 : memref<!tpu.dma_semaphore, #tpu.memory_space<semaphore_mem>>) {add = true}
      %dma_wait3A_562 = arith.constant 8 : i32
      %dma_wait3A_563 = arith.constant 8 : i32
      %dma_wait3A_564 = arith.constant 0 : i32
      %dma_wait3A_565 = arith.constant 0 : i32
      %dma_wait3A_566 = tpu.memref_slice %arg9[%rem3A_193, %dma_wait3A_563, %dma_wait3A_564, %dma_wait3A_565] : memref<2x12x128x8xf32, #tpu.memory_space<vmem>> -> memref<1x1x128x8xf32, #tpu.memory_space<vmem>>
      %dma_wait3A_567 = tpu.memref_squeeze %dma_wait3A_566 : memref<1x1x128x8xf32, #tpu.memory_space<vmem>> -> memref<128x8xf32, #tpu.memory_space<vmem>>
      %dma_wait3A_568 = arith.constant 0 : i32
      %dma_wait3A_569 = tpu.memref_slice %arg7[%rem3A_193, %dma_wait3A_562, %dma_wait3A_568] : memref<2x12x128xi32, #tpu.memory_space<vmem>> -> memref<1x1x128xi32, #tpu.memory_space<vmem>>
      %dma_wait3A_570 = tpu.memref_squeeze %dma_wait3A_569 : memref<1x1x128xi32, #tpu.memory_space<vmem>> -> memref<128xi32, #tpu.memory_space<vmem>>
      %dma_wait3A_571 = arith.constant 0 : i32
      %dma_wait3A_572 = arith.constant 0 : i32
      %dma_wait3A_573 = tpu.memref_slice %arg11[%dma_wait3A_571, %dma_wait3A_572] : memref<100352x8xf32, #tpu.memory_space<vmem_shared>> -> memref<100352x8xf32, #tpu.memory_space<vmem_shared>>
      tpu.wait_indirect_dma semaphore(%arg13 : memref<!tpu.dma_semaphore, #tpu.memory_space<semaphore_mem>>) src(%dma_wait3A_573 : memref<100352x8xf32, #tpu.memory_space<vmem_shared>>) dst(%dma_wait3A_567 : memref<128x8xf32, #tpu.memory_space<vmem>>)
      %dma_start3A_574 = arith.constant 8 : i32
      %dma_start3A_575 = arith.constant 8 : i32
      %dma_start3A_576 = arith.constant 0 : i32
      %dma_start3A_577 = arith.constant 0 : i32
      %dma_start3A_578 = tpu.memref_slice %arg9[%rem3A_193, %dma_start3A_574, %dma_start3A_576, %dma_start3A_577] : memref<2x12x128x8xf32, #tpu.memory_space<vmem>> -> memref<1x1x128x8xf32, #tpu.memory_space<vmem>>
      %dma_start3A_579 = tpu.memref_squeeze %dma_start3A_578 : memref<1x1x128x8xf32, #tpu.memory_space<vmem>> -> memref<128x8xf32, #tpu.memory_space<vmem>>
      %dma_start3A_580 = arith.constant 0 : i32
      %dma_start3A_581 = tpu.memref_slice %arg8[%rem3A_193, %dma_start3A_575, %dma_start3A_580] : memref<2x12x128xi32, #tpu.memory_space<vmem>> -> memref<1x1x128xi32, #tpu.memory_space<vmem>>
      %dma_start3A_582 = tpu.memref_squeeze %dma_start3A_581 : memref<1x1x128xi32, #tpu.memory_space<vmem>> -> memref<128xi32, #tpu.memory_space<vmem>>
      %dma_start3A_583 = arith.constant 0 : i32
      %dma_start3A_584 = arith.constant 0 : i32
      %dma_start3A_585 = tpu.memref_slice %arg10[%dma_start3A_583, %dma_start3A_584] : memref<100352x8xf32, #tpu.memory_space<vmem_shared>> -> memref<100352x8xf32, #tpu.memory_space<vmem_shared>>
      tpu.enqueue_indirect_dma source(%dma_start3A_579 : memref<128x8xf32, #tpu.memory_space<vmem>>) target(%dma_start3A_585 : memref<100352x8xf32, #tpu.memory_space<vmem_shared>>) offsets(%dma_start3A_582 : memref<128xi32, #tpu.memory_space<vmem>>) semaphore(%arg14 : memref<!tpu.dma_semaphore, #tpu.memory_space<semaphore_mem>>) {add = true}
      %dma_wait3A_586 = arith.constant 9 : i32
      %dma_wait3A_587 = arith.constant 9 : i32
      %dma_wait3A_588 = arith.constant 0 : i32
      %dma_wait3A_589 = arith.constant 0 : i32
      %dma_wait3A_590 = tpu.memref_slice %arg9[%rem3A_193, %dma_wait3A_587, %dma_wait3A_588, %dma_wait3A_589] : memref<2x12x128x8xf32, #tpu.memory_space<vmem>> -> memref<1x1x128x8xf32, #tpu.memory_space<vmem>>
      %dma_wait3A_591 = tpu.memref_squeeze %dma_wait3A_590 : memref<1x1x128x8xf32, #tpu.memory_space<vmem>> -> memref<128x8xf32, #tpu.memory_space<vmem>>
      %dma_wait3A_592 = arith.constant 0 : i32
      %dma_wait3A_593 = tpu.memref_slice %arg7[%rem3A_193, %dma_wait3A_586, %dma_wait3A_592] : memref<2x12x128xi32, #tpu.memory_space<vmem>> -> memref<1x1x128xi32, #tpu.memory_space<vmem>>
      %dma_wait3A_594 = tpu.memref_squeeze %dma_wait3A_593 : memref<1x1x128xi32, #tpu.memory_space<vmem>> -> memref<128xi32, #tpu.memory_space<vmem>>
      %dma_wait3A_595 = arith.constant 0 : i32
      %dma_wait3A_596 = arith.constant 0 : i32
      %dma_wait3A_597 = tpu.memref_slice %arg11[%dma_wait3A_595, %dma_wait3A_596] : memref<100352x8xf32, #tpu.memory_space<vmem_shared>> -> memref<100352x8xf32, #tpu.memory_space<vmem_shared>>
      tpu.wait_indirect_dma semaphore(%arg13 : memref<!tpu.dma_semaphore, #tpu.memory_space<semaphore_mem>>) src(%dma_wait3A_597 : memref<100352x8xf32, #tpu.memory_space<vmem_shared>>) dst(%dma_wait3A_591 : memref<128x8xf32, #tpu.memory_space<vmem>>)
      %dma_start3A_598 = arith.constant 9 : i32
      %dma_start3A_599 = arith.constant 9 : i32
      %dma_start3A_600 = arith.constant 0 : i32
      %dma_start3A_601 = arith.constant 0 : i32
      %dma_start3A_602 = tpu.memref_slice %arg9[%rem3A_193, %dma_start3A_598, %dma_start3A_600, %dma_start3A_601] : memref<2x12x128x8xf32, #tpu.memory_space<vmem>> -> memref<1x1x128x8xf32, #tpu.memory_space<vmem>>
      %dma_start3A_603 = tpu.memref_squeeze %dma_start3A_602 : memref<1x1x128x8xf32, #tpu.memory_space<vmem>> -> memref<128x8xf32, #tpu.memory_space<vmem>>
      %dma_start3A_604 = arith.constant 0 : i32
      %dma_start3A_605 = tpu.memref_slice %arg8[%rem3A_193, %dma_start3A_599, %dma_start3A_604] : memref<2x12x128xi32, #tpu.memory_space<vmem>> -> memref<1x1x128xi32, #tpu.memory_space<vmem>>
      %dma_start3A_606 = tpu.memref_squeeze %dma_start3A_605 : memref<1x1x128xi32, #tpu.memory_space<vmem>> -> memref<128xi32, #tpu.memory_space<vmem>>
      %dma_start3A_607 = arith.constant 0 : i32
      %dma_start3A_608 = arith.constant 0 : i32
      %dma_start3A_609 = tpu.memref_slice %arg10[%dma_start3A_607, %dma_start3A_608] : memref<100352x8xf32, #tpu.memory_space<vmem_shared>> -> memref<100352x8xf32, #tpu.memory_space<vmem_shared>>
      tpu.enqueue_indirect_dma source(%dma_start3A_603 : memref<128x8xf32, #tpu.memory_space<vmem>>) target(%dma_start3A_609 : memref<100352x8xf32, #tpu.memory_space<vmem_shared>>) offsets(%dma_start3A_606 : memref<128xi32, #tpu.memory_space<vmem>>) semaphore(%arg14 : memref<!tpu.dma_semaphore, #tpu.memory_space<semaphore_mem>>) {add = true}
      %dma_wait3A_610 = arith.constant 10 : i32
      %dma_wait3A_611 = arith.constant 10 : i32
      %dma_wait3A_612 = arith.constant 0 : i32
      %dma_wait3A_613 = arith.constant 0 : i32
      %dma_wait3A_614 = tpu.memref_slice %arg9[%rem3A_193, %dma_wait3A_611, %dma_wait3A_612, %dma_wait3A_613] : memref<2x12x128x8xf32, #tpu.memory_space<vmem>> -> memref<1x1x128x8xf32, #tpu.memory_space<vmem>>
      %dma_wait3A_615 = tpu.memref_squeeze %dma_wait3A_614 : memref<1x1x128x8xf32, #tpu.memory_space<vmem>> -> memref<128x8xf32, #tpu.memory_space<vmem>>
      %dma_wait3A_616 = arith.constant 0 : i32
      %dma_wait3A_617 = tpu.memref_slice %arg7[%rem3A_193, %dma_wait3A_610, %dma_wait3A_616] : memref<2x12x128xi32, #tpu.memory_space<vmem>> -> memref<1x1x128xi32, #tpu.memory_space<vmem>>
      %dma_wait3A_618 = tpu.memref_squeeze %dma_wait3A_617 : memref<1x1x128xi32, #tpu.memory_space<vmem>> -> memref<128xi32, #tpu.memory_space<vmem>>
      %dma_wait3A_619 = arith.constant 0 : i32
      %dma_wait3A_620 = arith.constant 0 : i32
      %dma_wait3A_621 = tpu.memref_slice %arg11[%dma_wait3A_619, %dma_wait3A_620] : memref<100352x8xf32, #tpu.memory_space<vmem_shared>> -> memref<100352x8xf32, #tpu.memory_space<vmem_shared>>
      tpu.wait_indirect_dma semaphore(%arg13 : memref<!tpu.dma_semaphore, #tpu.memory_space<semaphore_mem>>) src(%dma_wait3A_621 : memref<100352x8xf32, #tpu.memory_space<vmem_shared>>) dst(%dma_wait3A_615 : memref<128x8xf32, #tpu.memory_space<vmem>>)
      %dma_start3A_622 = arith.constant 10 : i32
      %dma_start3A_623 = arith.constant 10 : i32
      %dma_start3A_624 = arith.constant 0 : i32
      %dma_start3A_625 = arith.constant 0 : i32
      %dma_start3A_626 = tpu.memref_slice %arg9[%rem3A_193, %dma_start3A_622, %dma_start3A_624, %dma_start3A_625] : memref<2x12x128x8xf32, #tpu.memory_space<vmem>> -> memref<1x1x128x8xf32, #tpu.memory_space<vmem>>
      %dma_start3A_627 = tpu.memref_squeeze %dma_start3A_626 : memref<1x1x128x8xf32, #tpu.memory_space<vmem>> -> memref<128x8xf32, #tpu.memory_space<vmem>>
      %dma_start3A_628 = arith.constant 0 : i32
      %dma_start3A_629 = tpu.memref_slice %arg8[%rem3A_193, %dma_start3A_623, %dma_start3A_628] : memref<2x12x128xi32, #tpu.memory_space<vmem>> -> memref<1x1x128xi32, #tpu.memory_space<vmem>>
      %dma_start3A_630 = tpu.memref_squeeze %dma_start3A_629 : memref<1x1x128xi32, #tpu.memory_space<vmem>> -> memref<128xi32, #tpu.memory_space<vmem>>
      %dma_start3A_631 = arith.constant 0 : i32
      %dma_start3A_632 = arith.constant 0 : i32
      %dma_start3A_633 = tpu.memref_slice %arg10[%dma_start3A_631, %dma_start3A_632] : memref<100352x8xf32, #tpu.memory_space<vmem_shared>> -> memref<100352x8xf32, #tpu.memory_space<vmem_shared>>
      tpu.enqueue_indirect_dma source(%dma_start3A_627 : memref<128x8xf32, #tpu.memory_space<vmem>>) target(%dma_start3A_633 : memref<100352x8xf32, #tpu.memory_space<vmem_shared>>) offsets(%dma_start3A_630 : memref<128xi32, #tpu.memory_space<vmem>>) semaphore(%arg14 : memref<!tpu.dma_semaphore, #tpu.memory_space<semaphore_mem>>) {add = true}
      %dma_wait3A_634 = arith.constant 11 : i32
      %dma_wait3A_635 = arith.constant 11 : i32
      %dma_wait3A_636 = arith.constant 0 : i32
      %dma_wait3A_637 = arith.constant 0 : i32
      %dma_wait3A_638 = tpu.memref_slice %arg9[%rem3A_193, %dma_wait3A_635, %dma_wait3A_636, %dma_wait3A_637] : memref<2x12x128x8xf32, #tpu.memory_space<vmem>> -> memref<1x1x128x8xf32, #tpu.memory_space<vmem>>
      %dma_wait3A_639 = tpu.memref_squeeze %dma_wait3A_638 : memref<1x1x128x8xf32, #tpu.memory_space<vmem>> -> memref<128x8xf32, #tpu.memory_space<vmem>>
      %dma_wait3A_640 = arith.constant 0 : i32
      %dma_wait3A_641 = tpu.memref_slice %arg7[%rem3A_193, %dma_wait3A_634, %dma_wait3A_640] : memref<2x12x128xi32, #tpu.memory_space<vmem>> -> memref<1x1x128xi32, #tpu.memory_space<vmem>>
      %dma_wait3A_642 = tpu.memref_squeeze %dma_wait3A_641 : memref<1x1x128xi32, #tpu.memory_space<vmem>> -> memref<128xi32, #tpu.memory_space<vmem>>
      %dma_wait3A_643 = arith.constant 0 : i32
      %dma_wait3A_644 = arith.constant 0 : i32
      %dma_wait3A_645 = tpu.memref_slice %arg11[%dma_wait3A_643, %dma_wait3A_644] : memref<100352x8xf32, #tpu.memory_space<vmem_shared>> -> memref<100352x8xf32, #tpu.memory_space<vmem_shared>>
      tpu.wait_indirect_dma semaphore(%arg13 : memref<!tpu.dma_semaphore, #tpu.memory_space<semaphore_mem>>) src(%dma_wait3A_645 : memref<100352x8xf32, #tpu.memory_space<vmem_shared>>) dst(%dma_wait3A_639 : memref<128x8xf32, #tpu.memory_space<vmem>>)
      %dma_start3A_646 = arith.constant 11 : i32
      %dma_start3A_647 = arith.constant 11 : i32
      %dma_start3A_648 = arith.constant 0 : i32
      %dma_start3A_649 = arith.constant 0 : i32
      %dma_start3A_650 = tpu.memref_slice %arg9[%rem3A_193, %dma_start3A_646, %dma_start3A_648, %dma_start3A_649] : memref<2x12x128x8xf32, #tpu.memory_space<vmem>> -> memref<1x1x128x8xf32, #tpu.memory_space<vmem>>
      %dma_start3A_651 = tpu.memref_squeeze %dma_start3A_650 : memref<1x1x128x8xf32, #tpu.memory_space<vmem>> -> memref<128x8xf32, #tpu.memory_space<vmem>>
      %dma_start3A_652 = arith.constant 0 : i32
      %dma_start3A_653 = tpu.memref_slice %arg8[%rem3A_193, %dma_start3A_647, %dma_start3A_652] : memref<2x12x128xi32, #tpu.memory_space<vmem>> -> memref<1x1x128xi32, #tpu.memory_space<vmem>>
      %dma_start3A_654 = tpu.memref_squeeze %dma_start3A_653 : memref<1x1x128xi32, #tpu.memory_space<vmem>> -> memref<128xi32, #tpu.memory_space<vmem>>
      %dma_start3A_655 = arith.constant 0 : i32
      %dma_start3A_656 = arith.constant 0 : i32
      %dma_start3A_657 = tpu.memref_slice %arg10[%dma_start3A_655, %dma_start3A_656] : memref<100352x8xf32, #tpu.memory_space<vmem_shared>> -> memref<100352x8xf32, #tpu.memory_space<vmem_shared>>
      tpu.enqueue_indirect_dma source(%dma_start3A_651 : memref<128x8xf32, #tpu.memory_space<vmem>>) target(%dma_start3A_657 : memref<100352x8xf32, #tpu.memory_space<vmem_shared>>) offsets(%dma_start3A_654 : memref<128xi32, #tpu.memory_space<vmem>>) semaphore(%arg14 : memref<!tpu.dma_semaphore, #tpu.memory_space<semaphore_mem>>) {add = true}
    }
    %scan3A_37 = arith.constant 66 : i32
    %rem3A = arith.constant 65 : i32
    %rem3A_38 = arith.constant 2 : i32
    %rem3A_39 = arith.remsi %rem3A, %rem3A_38 : i32
    %dma_wait3A = arith.constant 0 : i32
    %dma_wait3A_40 = arith.constant 0 : i32
    %dma_wait3A_41 = arith.constant 0 : i32
    %dma_wait3A_42 = arith.constant 0 : i32
    %dma_wait3A_43 = tpu.memref_slice %arg9[%rem3A_39, %dma_wait3A, %dma_wait3A_41, %dma_wait3A_42] : memref<2x12x128x8xf32, #tpu.memory_space<vmem>> -> memref<1x1x128x8xf32, #tpu.memory_space<vmem>>
    %dma_wait3A_44 = tpu.memref_squeeze %dma_wait3A_43 : memref<1x1x128x8xf32, #tpu.memory_space<vmem>> -> memref<128x8xf32, #tpu.memory_space<vmem>>
    %dma_wait3A_45 = arith.constant 0 : i32
    %dma_wait3A_46 = tpu.memref_slice %arg8[%rem3A_39, %dma_wait3A_40, %dma_wait3A_45] : memref<2x12x128xi32, #tpu.memory_space<vmem>> -> memref<1x1x128xi32, #tpu.memory_space<vmem>>
    %dma_wait3A_47 = tpu.memref_squeeze %dma_wait3A_46 : memref<1x1x128xi32, #tpu.memory_space<vmem>> -> memref<128xi32, #tpu.memory_space<vmem>>
    %dma_wait3A_48 = arith.constant 0 : i32
    %dma_wait3A_49 = arith.constant 0 : i32
    %dma_wait3A_50 = tpu.memref_slice %arg10[%dma_wait3A_48, %dma_wait3A_49] : memref<100352x8xf32, #tpu.memory_space<vmem_shared>> -> memref<100352x8xf32, #tpu.memory_space<vmem_shared>>
    tpu.wait_indirect_dma semaphore(%arg14 : memref<!tpu.dma_semaphore, #tpu.memory_space<semaphore_mem>>) src(%dma_wait3A_44 : memref<128x8xf32, #tpu.memory_space<vmem>>) dst(%dma_wait3A_50 : memref<100352x8xf32, #tpu.memory_space<vmem_shared>>)
    %dma_wait3A_51 = arith.constant 1 : i32
    %dma_wait3A_52 = arith.constant 1 : i32
    %dma_wait3A_53 = arith.constant 0 : i32
    %dma_wait3A_54 = arith.constant 0 : i32
    %dma_wait3A_55 = tpu.memref_slice %arg9[%rem3A_39, %dma_wait3A_51, %dma_wait3A_53, %dma_wait3A_54] : memref<2x12x128x8xf32, #tpu.memory_space<vmem>> -> memref<1x1x128x8xf32, #tpu.memory_space<vmem>>
    %dma_wait3A_56 = tpu.memref_squeeze %dma_wait3A_55 : memref<1x1x128x8xf32, #tpu.memory_space<vmem>> -> memref<128x8xf32, #tpu.memory_space<vmem>>
    %dma_wait3A_57 = arith.constant 0 : i32
    %dma_wait3A_58 = tpu.memref_slice %arg8[%rem3A_39, %dma_wait3A_52, %dma_wait3A_57] : memref<2x12x128xi32, #tpu.memory_space<vmem>> -> memref<1x1x128xi32, #tpu.memory_space<vmem>>
    %dma_wait3A_59 = tpu.memref_squeeze %dma_wait3A_58 : memref<1x1x128xi32, #tpu.memory_space<vmem>> -> memref<128xi32, #tpu.memory_space<vmem>>
    %dma_wait3A_60 = arith.constant 0 : i32
    %dma_wait3A_61 = arith.constant 0 : i32
    %dma_wait3A_62 = tpu.memref_slice %arg10[%dma_wait3A_60, %dma_wait3A_61] : memref<100352x8xf32, #tpu.memory_space<vmem_shared>> -> memref<100352x8xf32, #tpu.memory_space<vmem_shared>>
    tpu.wait_indirect_dma semaphore(%arg14 : memref<!tpu.dma_semaphore, #tpu.memory_space<semaphore_mem>>) src(%dma_wait3A_56 : memref<128x8xf32, #tpu.memory_space<vmem>>) dst(%dma_wait3A_62 : memref<100352x8xf32, #tpu.memory_space<vmem_shared>>)
    %dma_wait3A_63 = arith.constant 2 : i32
    %dma_wait3A_64 = arith.constant 2 : i32
    %dma_wait3A_65 = arith.constant 0 : i32
    %dma_wait3A_66 = arith.constant 0 : i32
    %dma_wait3A_67 = tpu.memref_slice %arg9[%rem3A_39, %dma_wait3A_63, %dma_wait3A_65, %dma_wait3A_66] : memref<2x12x128x8xf32, #tpu.memory_space<vmem>> -> memref<1x1x128x8xf32, #tpu.memory_space<vmem>>
    %dma_wait3A_68 = tpu.memref_squeeze %dma_wait3A_67 : memref<1x1x128x8xf32, #tpu.memory_space<vmem>> -> memref<128x8xf32, #tpu.memory_space<vmem>>
    %dma_wait3A_69 = arith.constant 0 : i32
    %dma_wait3A_70 = tpu.memref_slice %arg8[%rem3A_39, %dma_wait3A_64, %dma_wait3A_69] : memref<2x12x128xi32, #tpu.memory_space<vmem>> -> memref<1x1x128xi32, #tpu.memory_space<vmem>>
    %dma_wait3A_71 = tpu.memref_squeeze %dma_wait3A_70 : memref<1x1x128xi32, #tpu.memory_space<vmem>> -> memref<128xi32, #tpu.memory_space<vmem>>
    %dma_wait3A_72 = arith.constant 0 : i32
    %dma_wait3A_73 = arith.constant 0 : i32
    %dma_wait3A_74 = tpu.memref_slice %arg10[%dma_wait3A_72, %dma_wait3A_73] : memref<100352x8xf32, #tpu.memory_space<vmem_shared>> -> memref<100352x8xf32, #tpu.memory_space<vmem_shared>>
    tpu.wait_indirect_dma semaphore(%arg14 : memref<!tpu.dma_semaphore, #tpu.memory_space<semaphore_mem>>) src(%dma_wait3A_68 : memref<128x8xf32, #tpu.memory_space<vmem>>) dst(%dma_wait3A_74 : memref<100352x8xf32, #tpu.memory_space<vmem_shared>>)
    %dma_wait3A_75 = arith.constant 3 : i32
    %dma_wait3A_76 = arith.constant 3 : i32
    %dma_wait3A_77 = arith.constant 0 : i32
    %dma_wait3A_78 = arith.constant 0 : i32
    %dma_wait3A_79 = tpu.memref_slice %arg9[%rem3A_39, %dma_wait3A_75, %dma_wait3A_77, %dma_wait3A_78] : memref<2x12x128x8xf32, #tpu.memory_space<vmem>> -> memref<1x1x128x8xf32, #tpu.memory_space<vmem>>
    %dma_wait3A_80 = tpu.memref_squeeze %dma_wait3A_79 : memref<1x1x128x8xf32, #tpu.memory_space<vmem>> -> memref<128x8xf32, #tpu.memory_space<vmem>>
    %dma_wait3A_81 = arith.constant 0 : i32
    %dma_wait3A_82 = tpu.memref_slice %arg8[%rem3A_39, %dma_wait3A_76, %dma_wait3A_81] : memref<2x12x128xi32, #tpu.memory_space<vmem>> -> memref<1x1x128xi32, #tpu.memory_space<vmem>>
    %dma_wait3A_83 = tpu.memref_squeeze %dma_wait3A_82 : memref<1x1x128xi32, #tpu.memory_space<vmem>> -> memref<128xi32, #tpu.memory_space<vmem>>
    %dma_wait3A_84 = arith.constant 0 : i32
    %dma_wait3A_85 = arith.constant 0 : i32
    %dma_wait3A_86 = tpu.memref_slice %arg10[%dma_wait3A_84, %dma_wait3A_85] : memref<100352x8xf32, #tpu.memory_space<vmem_shared>> -> memref<100352x8xf32, #tpu.memory_space<vmem_shared>>
    tpu.wait_indirect_dma semaphore(%arg14 : memref<!tpu.dma_semaphore, #tpu.memory_space<semaphore_mem>>) src(%dma_wait3A_80 : memref<128x8xf32, #tpu.memory_space<vmem>>) dst(%dma_wait3A_86 : memref<100352x8xf32, #tpu.memory_space<vmem_shared>>)
    %dma_wait3A_87 = arith.constant 4 : i32
    %dma_wait3A_88 = arith.constant 4 : i32
    %dma_wait3A_89 = arith.constant 0 : i32
    %dma_wait3A_90 = arith.constant 0 : i32
    %dma_wait3A_91 = tpu.memref_slice %arg9[%rem3A_39, %dma_wait3A_87, %dma_wait3A_89, %dma_wait3A_90] : memref<2x12x128x8xf32, #tpu.memory_space<vmem>> -> memref<1x1x128x8xf32, #tpu.memory_space<vmem>>
    %dma_wait3A_92 = tpu.memref_squeeze %dma_wait3A_91 : memref<1x1x128x8xf32, #tpu.memory_space<vmem>> -> memref<128x8xf32, #tpu.memory_space<vmem>>
    %dma_wait3A_93 = arith.constant 0 : i32
    %dma_wait3A_94 = tpu.memref_slice %arg8[%rem3A_39, %dma_wait3A_88, %dma_wait3A_93] : memref<2x12x128xi32, #tpu.memory_space<vmem>> -> memref<1x1x128xi32, #tpu.memory_space<vmem>>
    %dma_wait3A_95 = tpu.memref_squeeze %dma_wait3A_94 : memref<1x1x128xi32, #tpu.memory_space<vmem>> -> memref<128xi32, #tpu.memory_space<vmem>>
    %dma_wait3A_96 = arith.constant 0 : i32
    %dma_wait3A_97 = arith.constant 0 : i32
    %dma_wait3A_98 = tpu.memref_slice %arg10[%dma_wait3A_96, %dma_wait3A_97] : memref<100352x8xf32, #tpu.memory_space<vmem_shared>> -> memref<100352x8xf32, #tpu.memory_space<vmem_shared>>
    tpu.wait_indirect_dma semaphore(%arg14 : memref<!tpu.dma_semaphore, #tpu.memory_space<semaphore_mem>>) src(%dma_wait3A_92 : memref<128x8xf32, #tpu.memory_space<vmem>>) dst(%dma_wait3A_98 : memref<100352x8xf32, #tpu.memory_space<vmem_shared>>)
    %dma_wait3A_99 = arith.constant 5 : i32
    %dma_wait3A_100 = arith.constant 5 : i32
    %dma_wait3A_101 = arith.constant 0 : i32
    %dma_wait3A_102 = arith.constant 0 : i32
    %dma_wait3A_103 = tpu.memref_slice %arg9[%rem3A_39, %dma_wait3A_99, %dma_wait3A_101, %dma_wait3A_102] : memref<2x12x128x8xf32, #tpu.memory_space<vmem>> -> memref<1x1x128x8xf32, #tpu.memory_space<vmem>>
    %dma_wait3A_104 = tpu.memref_squeeze %dma_wait3A_103 : memref<1x1x128x8xf32, #tpu.memory_space<vmem>> -> memref<128x8xf32, #tpu.memory_space<vmem>>
    %dma_wait3A_105 = arith.constant 0 : i32
    %dma_wait3A_106 = tpu.memref_slice %arg8[%rem3A_39, %dma_wait3A_100, %dma_wait3A_105] : memref<2x12x128xi32, #tpu.memory_space<vmem>> -> memref<1x1x128xi32, #tpu.memory_space<vmem>>
    %dma_wait3A_107 = tpu.memref_squeeze %dma_wait3A_106 : memref<1x1x128xi32, #tpu.memory_space<vmem>> -> memref<128xi32, #tpu.memory_space<vmem>>
    %dma_wait3A_108 = arith.constant 0 : i32
    %dma_wait3A_109 = arith.constant 0 : i32
    %dma_wait3A_110 = tpu.memref_slice %arg10[%dma_wait3A_108, %dma_wait3A_109] : memref<100352x8xf32, #tpu.memory_space<vmem_shared>> -> memref<100352x8xf32, #tpu.memory_space<vmem_shared>>
    tpu.wait_indirect_dma semaphore(%arg14 : memref<!tpu.dma_semaphore, #tpu.memory_space<semaphore_mem>>) src(%dma_wait3A_104 : memref<128x8xf32, #tpu.memory_space<vmem>>) dst(%dma_wait3A_110 : memref<100352x8xf32, #tpu.memory_space<vmem_shared>>)
    %dma_wait3A_111 = arith.constant 6 : i32
    %dma_wait3A_112 = arith.constant 6 : i32
    %dma_wait3A_113 = arith.constant 0 : i32
    %dma_wait3A_114 = arith.constant 0 : i32
    %dma_wait3A_115 = tpu.memref_slice %arg9[%rem3A_39, %dma_wait3A_111, %dma_wait3A_113, %dma_wait3A_114] : memref<2x12x128x8xf32, #tpu.memory_space<vmem>> -> memref<1x1x128x8xf32, #tpu.memory_space<vmem>>
    %dma_wait3A_116 = tpu.memref_squeeze %dma_wait3A_115 : memref<1x1x128x8xf32, #tpu.memory_space<vmem>> -> memref<128x8xf32, #tpu.memory_space<vmem>>
    %dma_wait3A_117 = arith.constant 0 : i32
    %dma_wait3A_118 = tpu.memref_slice %arg8[%rem3A_39, %dma_wait3A_112, %dma_wait3A_117] : memref<2x12x128xi32, #tpu.memory_space<vmem>> -> memref<1x1x128xi32, #tpu.memory_space<vmem>>
    %dma_wait3A_119 = tpu.memref_squeeze %dma_wait3A_118 : memref<1x1x128xi32, #tpu.memory_space<vmem>> -> memref<128xi32, #tpu.memory_space<vmem>>
    %dma_wait3A_120 = arith.constant 0 : i32
    %dma_wait3A_121 = arith.constant 0 : i32
    %dma_wait3A_122 = tpu.memref_slice %arg10[%dma_wait3A_120, %dma_wait3A_121] : memref<100352x8xf32, #tpu.memory_space<vmem_shared>> -> memref<100352x8xf32, #tpu.memory_space<vmem_shared>>
    tpu.wait_indirect_dma semaphore(%arg14 : memref<!tpu.dma_semaphore, #tpu.memory_space<semaphore_mem>>) src(%dma_wait3A_116 : memref<128x8xf32, #tpu.memory_space<vmem>>) dst(%dma_wait3A_122 : memref<100352x8xf32, #tpu.memory_space<vmem_shared>>)
    %dma_wait3A_123 = arith.constant 7 : i32
    %dma_wait3A_124 = arith.constant 7 : i32
    %dma_wait3A_125 = arith.constant 0 : i32
    %dma_wait3A_126 = arith.constant 0 : i32
    %dma_wait3A_127 = tpu.memref_slice %arg9[%rem3A_39, %dma_wait3A_123, %dma_wait3A_125, %dma_wait3A_126] : memref<2x12x128x8xf32, #tpu.memory_space<vmem>> -> memref<1x1x128x8xf32, #tpu.memory_space<vmem>>
    %dma_wait3A_128 = tpu.memref_squeeze %dma_wait3A_127 : memref<1x1x128x8xf32, #tpu.memory_space<vmem>> -> memref<128x8xf32, #tpu.memory_space<vmem>>
    %dma_wait3A_129 = arith.constant 0 : i32
    %dma_wait3A_130 = tpu.memref_slice %arg8[%rem3A_39, %dma_wait3A_124, %dma_wait3A_129] : memref<2x12x128xi32, #tpu.memory_space<vmem>> -> memref<1x1x128xi32, #tpu.memory_space<vmem>>
    %dma_wait3A_131 = tpu.memref_squeeze %dma_wait3A_130 : memref<1x1x128xi32, #tpu.memory_space<vmem>> -> memref<128xi32, #tpu.memory_space<vmem>>
    %dma_wait3A_132 = arith.constant 0 : i32
    %dma_wait3A_133 = arith.constant 0 : i32
    %dma_wait3A_134 = tpu.memref_slice %arg10[%dma_wait3A_132, %dma_wait3A_133] : memref<100352x8xf32, #tpu.memory_space<vmem_shared>> -> memref<100352x8xf32, #tpu.memory_space<vmem_shared>>
    tpu.wait_indirect_dma semaphore(%arg14 : memref<!tpu.dma_semaphore, #tpu.memory_space<semaphore_mem>>) src(%dma_wait3A_128 : memref<128x8xf32, #tpu.memory_space<vmem>>) dst(%dma_wait3A_134 : memref<100352x8xf32, #tpu.memory_space<vmem_shared>>)
    %dma_wait3A_135 = arith.constant 8 : i32
    %dma_wait3A_136 = arith.constant 8 : i32
    %dma_wait3A_137 = arith.constant 0 : i32
    %dma_wait3A_138 = arith.constant 0 : i32
    %dma_wait3A_139 = tpu.memref_slice %arg9[%rem3A_39, %dma_wait3A_135, %dma_wait3A_137, %dma_wait3A_138] : memref<2x12x128x8xf32, #tpu.memory_space<vmem>> -> memref<1x1x128x8xf32, #tpu.memory_space<vmem>>
    %dma_wait3A_140 = tpu.memref_squeeze %dma_wait3A_139 : memref<1x1x128x8xf32, #tpu.memory_space<vmem>> -> memref<128x8xf32, #tpu.memory_space<vmem>>
    %dma_wait3A_141 = arith.constant 0 : i32
    %dma_wait3A_142 = tpu.memref_slice %arg8[%rem3A_39, %dma_wait3A_136, %dma_wait3A_141] : memref<2x12x128xi32, #tpu.memory_space<vmem>> -> memref<1x1x128xi32, #tpu.memory_space<vmem>>
    %dma_wait3A_143 = tpu.memref_squeeze %dma_wait3A_142 : memref<1x1x128xi32, #tpu.memory_space<vmem>> -> memref<128xi32, #tpu.memory_space<vmem>>
    %dma_wait3A_144 = arith.constant 0 : i32
    %dma_wait3A_145 = arith.constant 0 : i32
    %dma_wait3A_146 = tpu.memref_slice %arg10[%dma_wait3A_144, %dma_wait3A_145] : memref<100352x8xf32, #tpu.memory_space<vmem_shared>> -> memref<100352x8xf32, #tpu.memory_space<vmem_shared>>
    tpu.wait_indirect_dma semaphore(%arg14 : memref<!tpu.dma_semaphore, #tpu.memory_space<semaphore_mem>>) src(%dma_wait3A_140 : memref<128x8xf32, #tpu.memory_space<vmem>>) dst(%dma_wait3A_146 : memref<100352x8xf32, #tpu.memory_space<vmem_shared>>)
    %dma_wait3A_147 = arith.constant 9 : i32
    %dma_wait3A_148 = arith.constant 9 : i32
    %dma_wait3A_149 = arith.constant 0 : i32
    %dma_wait3A_150 = arith.constant 0 : i32
    %dma_wait3A_151 = tpu.memref_slice %arg9[%rem3A_39, %dma_wait3A_147, %dma_wait3A_149, %dma_wait3A_150] : memref<2x12x128x8xf32, #tpu.memory_space<vmem>> -> memref<1x1x128x8xf32, #tpu.memory_space<vmem>>
    %dma_wait3A_152 = tpu.memref_squeeze %dma_wait3A_151 : memref<1x1x128x8xf32, #tpu.memory_space<vmem>> -> memref<128x8xf32, #tpu.memory_space<vmem>>
    %dma_wait3A_153 = arith.constant 0 : i32
    %dma_wait3A_154 = tpu.memref_slice %arg8[%rem3A_39, %dma_wait3A_148, %dma_wait3A_153] : memref<2x12x128xi32, #tpu.memory_space<vmem>> -> memref<1x1x128xi32, #tpu.memory_space<vmem>>
    %dma_wait3A_155 = tpu.memref_squeeze %dma_wait3A_154 : memref<1x1x128xi32, #tpu.memory_space<vmem>> -> memref<128xi32, #tpu.memory_space<vmem>>
    %dma_wait3A_156 = arith.constant 0 : i32
    %dma_wait3A_157 = arith.constant 0 : i32
    %dma_wait3A_158 = tpu.memref_slice %arg10[%dma_wait3A_156, %dma_wait3A_157] : memref<100352x8xf32, #tpu.memory_space<vmem_shared>> -> memref<100352x8xf32, #tpu.memory_space<vmem_shared>>
    tpu.wait_indirect_dma semaphore(%arg14 : memref<!tpu.dma_semaphore, #tpu.memory_space<semaphore_mem>>) src(%dma_wait3A_152 : memref<128x8xf32, #tpu.memory_space<vmem>>) dst(%dma_wait3A_158 : memref<100352x8xf32, #tpu.memory_space<vmem_shared>>)
    %dma_wait3A_159 = arith.constant 10 : i32
    %dma_wait3A_160 = arith.constant 10 : i32
    %dma_wait3A_161 = arith.constant 0 : i32
    %dma_wait3A_162 = arith.constant 0 : i32
    %dma_wait3A_163 = tpu.memref_slice %arg9[%rem3A_39, %dma_wait3A_159, %dma_wait3A_161, %dma_wait3A_162] : memref<2x12x128x8xf32, #tpu.memory_space<vmem>> -> memref<1x1x128x8xf32, #tpu.memory_space<vmem>>
    %dma_wait3A_164 = tpu.memref_squeeze %dma_wait3A_163 : memref<1x1x128x8xf32, #tpu.memory_space<vmem>> -> memref<128x8xf32, #tpu.memory_space<vmem>>
    %dma_wait3A_165 = arith.constant 0 : i32
    %dma_wait3A_166 = tpu.memref_slice %arg8[%rem3A_39, %dma_wait3A_160, %dma_wait3A_165] : memref<2x12x128xi32, #tpu.memory_space<vmem>> -> memref<1x1x128xi32, #tpu.memory_space<vmem>>
    %dma_wait3A_167 = tpu.memref_squeeze %dma_wait3A_166 : memref<1x1x128xi32, #tpu.memory_space<vmem>> -> memref<128xi32, #tpu.memory_space<vmem>>
    %dma_wait3A_168 = arith.constant 0 : i32
    %dma_wait3A_169 = arith.constant 0 : i32
    %dma_wait3A_170 = tpu.memref_slice %arg10[%dma_wait3A_168, %dma_wait3A_169] : memref<100352x8xf32, #tpu.memory_space<vmem_shared>> -> memref<100352x8xf32, #tpu.memory_space<vmem_shared>>
    tpu.wait_indirect_dma semaphore(%arg14 : memref<!tpu.dma_semaphore, #tpu.memory_space<semaphore_mem>>) src(%dma_wait3A_164 : memref<128x8xf32, #tpu.memory_space<vmem>>) dst(%dma_wait3A_170 : memref<100352x8xf32, #tpu.memory_space<vmem_shared>>)
    %dma_wait3A_171 = arith.constant 11 : i32
    %dma_wait3A_172 = arith.constant 11 : i32
    %dma_wait3A_173 = arith.constant 0 : i32
    %dma_wait3A_174 = arith.constant 0 : i32
    %dma_wait3A_175 = tpu.memref_slice %arg9[%rem3A_39, %dma_wait3A_171, %dma_wait3A_173, %dma_wait3A_174] : memref<2x12x128x8xf32, #tpu.memory_space<vmem>> -> memref<1x1x128x8xf32, #tpu.memory_space<vmem>>
    %dma_wait3A_176 = tpu.memref_squeeze %dma_wait3A_175 : memref<1x1x128x8xf32, #tpu.memory_space<vmem>> -> memref<128x8xf32, #tpu.memory_space<vmem>>
    %dma_wait3A_177 = arith.constant 0 : i32
    %dma_wait3A_178 = tpu.memref_slice %arg8[%rem3A_39, %dma_wait3A_172, %dma_wait3A_177] : memref<2x12x128xi32, #tpu.memory_space<vmem>> -> memref<1x1x128xi32, #tpu.memory_space<vmem>>
    %dma_wait3A_179 = tpu.memref_squeeze %dma_wait3A_178 : memref<1x1x128xi32, #tpu.memory_space<vmem>> -> memref<128xi32, #tpu.memory_space<vmem>>
    %dma_wait3A_180 = arith.constant 0 : i32
    %dma_wait3A_181 = arith.constant 0 : i32
    %dma_wait3A_182 = tpu.memref_slice %arg10[%dma_wait3A_180, %dma_wait3A_181] : memref<100352x8xf32, #tpu.memory_space<vmem_shared>> -> memref<100352x8xf32, #tpu.memory_space<vmem_shared>>
    tpu.wait_indirect_dma semaphore(%arg14 : memref<!tpu.dma_semaphore, #tpu.memory_space<semaphore_mem>>) src(%dma_wait3A_176 : memref<128x8xf32, #tpu.memory_space<vmem>>) dst(%dma_wait3A_182 : memref<100352x8xf32, #tpu.memory_space<vmem_shared>>)
    %barrier3A_183 = arith.constant 0 : index
    tpu.barrier barrier_id(%barrier3A_183)
    %mul3A_184 = arith.constant 6272 : i32
    %mul3A_185 = arith.muli %arg1, %mul3A_184 : i32
    %mul3A_186 = arith.constant 16 : i32
    %mul3A_187 = arith.muli %arg0, %mul3A_186 : i32
    %add3A_188 = arith.addi %mul3A_187, %arg1 : i32
    %mul3A_189 = arith.constant 6272 : i32
    %mul3A_190 = arith.muli %add3A_188, %mul3A_189 : i32
    "tpu.region"() ({
      %run_scoped3A = tpu.sem_alloc : memref<!tpu.dma_semaphore, #tpu.memory_space<semaphore_mem>>
      %dma_start3A_191 = arith.constant 0 : i32
      %dma_start3A_192 = tpu.memref_slice %arg6[%mul3A_190, %dma_start3A_191] : memref<200704x8xf32, #tpu.memory_space<hbm>> -> memref<6272x8xf32, #tpu.memory_space<hbm>>
      %dma_start3A_193 = arith.constant 0 : i32
      %dma_start3A_194 = tpu.memref_slice %arg10[%mul3A_185, %dma_start3A_193] : memref<100352x8xf32, #tpu.memory_space<vmem_shared>> -> memref<6272x8xf32, #tpu.memory_space<vmem_shared>>
      tpu.enqueue_dma source(%dma_start3A_194 : memref<6272x8xf32, #tpu.memory_space<vmem_shared>>) target(%dma_start3A_192 : memref<6272x8xf32, #tpu.memory_space<hbm>>) target_semaphore(%run_scoped3A : memref<!tpu.dma_semaphore, #tpu.memory_space<semaphore_mem>>)
      %dma_wait3A_195 = arith.constant 0 : i32
      %dma_wait3A_196 = tpu.memref_slice %arg6[%mul3A_190, %dma_wait3A_195] : memref<200704x8xf32, #tpu.memory_space<hbm>> -> memref<6272x8xf32, #tpu.memory_space<hbm>>
      %dma_wait3A_197 = arith.constant 0 : i32
      %dma_wait3A_198 = tpu.memref_slice %arg10[%mul3A_185, %dma_wait3A_197] : memref<100352x8xf32, #tpu.memory_space<vmem_shared>> -> memref<6272x8xf32, #tpu.memory_space<vmem_shared>>
      tpu.wait_dma2 semaphore(%run_scoped3A : memref<!tpu.dma_semaphore, #tpu.memory_space<semaphore_mem>>) src(%dma_wait3A_198 : memref<6272x8xf32, #tpu.memory_space<vmem_shared>>) dst(%dma_wait3A_196 : memref<6272x8xf32, #tpu.memory_space<hbm>>)
      tpu.yield
    }) : () -> ()
    return
  }
}

module attributes {stable_mosaic.version = 14 : i64} {
  func.func @_tc_norm(%arg0: i32, %arg1: memref<6272x128xf32, #tpu.memory_space<vmem>>, %arg2: memref<6272x128xf32, #tpu.memory_space<vmem>>, %arg3: memref<6272x128xf32, #tpu.memory_space<vmem>>, %arg4: memref<6272x128xf32, #tpu.memory_space<vmem>>, %arg5: memref<6272x128xf32, #tpu.memory_space<vmem>>) attributes {dimension_semantics = [#tpu.dimension_semantics<arbitrary>], iteration_bounds = array<i64: 1>, scalar_prefetch = 0 : i64, scratch_operands = 0 : i64, tpu.core_type = #tpu.core_type<tc>, window_params = [{transform_indices = @transform_0, window_bounds = array<i64: 6272, 128>}, {transform_indices = @transform_1, window_bounds = array<i64: 6272, 128>}, {pipeline_mode = #tpu.pipeline_mode<synchronous>, transform_indices = @transform_2, window_bounds = array<i64: 6272, 128>}, {pipeline_mode = #tpu.pipeline_mode<synchronous>, transform_indices = @transform_3, window_bounds = array<i64: 6272, 128>}, {pipeline_mode = #tpu.pipeline_mode<synchronous>, transform_indices = @transform_4, window_bounds = array<i64: 6272, 128>}]} {
    %get3A = arith.constant 0 : index
    %get3A_0 = arith.constant 0 : index
    %get3A_1 = vector.load %arg1[%get3A, %get3A_0] : memref<6272x128xf32, #tpu.memory_space<vmem>>, vector<6272x128xf32>
    %get3A_2 = arith.constant 0 : index
    %get3A_3 = arith.constant 0 : index
    %get3A_4 = vector.load %arg2[%get3A_2, %get3A_3] : memref<6272x128xf32, #tpu.memory_space<vmem>>, vector<6272x128xf32>
    %add3A = arith.addf %get3A_1, %get3A_4 : vector<6272x128xf32>
    %add3A_5 = arith.constant 1.000000e+00 : f32
    %add3A_6 = vector.broadcast %add3A_5 : f32 to vector<6272x128xf32>
    %add3A_7 = arith.addf %add3A, %add3A_6 : vector<6272x128xf32>
    %rsqrt3A = math.rsqrt %add3A_7 : vector<6272x128xf32>
    %swap3A = arith.constant 0 : index
    %swap3A_8 = arith.constant 0 : index
    %swap3A_9 = vector.load %arg4[%swap3A, %swap3A_8] : memref<6272x128xf32, #tpu.memory_space<vmem>>, vector<6272x128xf32>
    tpu.vector_store %arg4[%swap3A, %swap3A_8], %rsqrt3A {strides = array<i32>} : memref<6272x128xf32, #tpu.memory_space<vmem>>, vector<6272x128xf32>,
    %get3A_10 = arith.constant 0 : index
    %get3A_11 = arith.constant 0 : index
    %get3A_12 = vector.load %arg3[%get3A_10, %get3A_11] : memref<6272x128xf32, #tpu.memory_space<vmem>>, vector<6272x128xf32>
    %mul3A = arith.mulf %get3A_12, %rsqrt3A : vector<6272x128xf32>
    %swap3A_13 = arith.constant 0 : index
    %swap3A_14 = arith.constant 0 : index
    %swap3A_15 = vector.load %arg5[%swap3A_13, %swap3A_14] : memref<6272x128xf32, #tpu.memory_space<vmem>>, vector<6272x128xf32>
    tpu.vector_store %arg5[%swap3A_13, %swap3A_14], %mul3A {strides = array<i32>} : memref<6272x128xf32, #tpu.memory_space<vmem>>, vector<6272x128xf32>,
    return
  }
  func.func @transform_0(%arg0: i32) -> (i32, i32) {
    %c0_i32 = arith.constant 0 : i32
    %c0_i32_0 = arith.constant 0 : i32
    %c0_i32_1 = arith.constant 0 : i32
    return %c0_i32, %c0_i32_0 : i32, i32
  }
  func.func @transform_1(%arg0: i32) -> (i32, i32) {
    %c1_i32 = arith.constant 1 : i32
    %c0_i32 = arith.constant 0 : i32
    %c0_i32_0 = arith.constant 0 : i32
    return %c1_i32, %c0_i32 : i32, i32
  }
  func.func @transform_2(%arg0: i32) -> (i32, i32) {
    %c0_i32 = arith.constant 0 : i32
    %c0_i32_0 = arith.constant 0 : i32
    %c0_i32_1 = arith.constant 0 : i32
    return %c0_i32, %c0_i32_0 : i32, i32
  }
  func.func @transform_3(%arg0: i32) -> (i32, i32) {
    %c0_i32 = arith.constant 0 : i32
    %c0_i32_0 = arith.constant 0 : i32
    %c0_i32_1 = arith.constant 0 : i32
    return %c0_i32, %c0_i32_0 : i32, i32
  }
  func.func @transform_4(%arg0: i32) -> (i32, i32) {
    %c0_i32 = arith.constant 0 : i32
    %c0_i32_0 = arith.constant 0 : i32
    %c0_i32_1 = arith.constant 0 : i32
    return %c0_i32, %c0_i32_0 : i32, i32
  }
}

module attributes {stable_mosaic.version = 14 : i64} {
  func.func @_tc_mid(%arg0: i32, %arg1: memref<6272x128xf32, #tpu.memory_space<vmem>>, %arg2: memref<6272x128xf32, #tpu.memory_space<vmem>>, %arg3: memref<6272x128xf32, #tpu.memory_space<vmem>>, %arg4: memref<6272x128xf32, #tpu.memory_space<vmem>>, %arg5: memref<128x256xf32, #tpu.memory_space<vmem>>, %arg6: memref<1x256xf32, #tpu.memory_space<vmem>>, %arg7: memref<256x128xf32, #tpu.memory_space<vmem>>, %arg8: memref<6272x128xf32, #tpu.memory_space<vmem>>) attributes {dimension_semantics = [#tpu.dimension_semantics<arbitrary>], iteration_bounds = array<i64: 1>, scalar_prefetch = 0 : i64, scratch_operands = 0 : i64, tpu.core_type = #tpu.core_type<tc>, window_params = [{transform_indices = @transform_0, window_bounds = array<i64: 6272, 128>}, {transform_indices = @transform_1, window_bounds = array<i64: 6272, 128>}, {pipeline_mode = #tpu.pipeline_mode<synchronous>, transform_indices = @transform_2, window_bounds = array<i64: 6272, 128>}, {pipeline_mode = #tpu.pipeline_mode<synchronous>, transform_indices = @transform_3, window_bounds = array<i64: 6272, 128>}, {pipeline_mode = #tpu.pipeline_mode<synchronous>, transform_indices = @transform_4, window_bounds = array<i64: 128, 256>}, {pipeline_mode = #tpu.pipeline_mode<synchronous>, transform_indices = @transform_5, window_bounds = array<i64: 1, 256>}, {pipeline_mode = #tpu.pipeline_mode<synchronous>, transform_indices = @transform_6, window_bounds = array<i64: 256, 128>}, {pipeline_mode = #tpu.pipeline_mode<synchronous>, transform_indices = @transform_7, window_bounds = array<i64: 6272, 128>}]} {
    %get3A = arith.constant 0 : index
    %get3A_0 = arith.constant 0 : index
    %get3A_1 = vector.load %arg1[%get3A, %get3A_0] : memref<6272x128xf32, #tpu.memory_space<vmem>>, vector<6272x128xf32>
    %get3A_2 = arith.constant 0 : index
    %get3A_3 = arith.constant 0 : index
    %get3A_4 = vector.load %arg2[%get3A_2, %get3A_3] : memref<6272x128xf32, #tpu.memory_space<vmem>>, vector<6272x128xf32>
    %add3A = arith.addf %get3A_1, %get3A_4 : vector<6272x128xf32>
    %get3A_5 = arith.constant 0 : index
    %get3A_6 = arith.constant 0 : index
    %get3A_7 = vector.load %arg3[%get3A_5, %get3A_6] : memref<6272x128xf32, #tpu.memory_space<vmem>>, vector<6272x128xf32>
    %add3A_8 = arith.addf %add3A, %get3A_7 : vector<6272x128xf32>
    %get3A_9 = arith.constant 0 : index
    %get3A_10 = arith.constant 0 : index
    %get3A_11 = vector.load %arg4[%get3A_9, %get3A_10] : memref<6272x128xf32, #tpu.memory_space<vmem>>, vector<6272x128xf32>
    %mul3A = arith.mulf %add3A_8, %get3A_11 : vector<6272x128xf32>
    %get3A_12 = arith.constant 0 : index
    %get3A_13 = arith.constant 0 : index
    %get3A_14 = vector.load %arg5[%get3A_12, %get3A_13] : memref<128x256xf32, #tpu.memory_space<vmem>>, vector<128x256xf32>
    %dot_general3A = arith.constant dense<0.000000e+00> : vector<6272x256xf32>
    %dot_general3A_15 = tpu.matmul %mul3A, %get3A_14, %dot_general3A {dimension_numbers = #tpu.dot_dimension_numbers<[1], [0], [0], [1], [0, 0, 1, 1], [], []>, transpose_lhs_hint = false} : vector<6272x128xf32>, vector<128x256xf32>, vector<6272x256xf32> -> vector<6272x256xf32>
    %get3A_16 = arith.constant 0 : index
    %get3A_17 = arith.constant 0 : index
    %get3A_18 = vector.load %arg6[%get3A_16, %get3A_17] : memref<1x256xf32, #tpu.memory_space<vmem>>, vector<1x256xf32>
    %add3A_19 = vector.broadcast %get3A_18 : vector<1x256xf32> to vector<6272x256xf32>
    %add3A_20 = arith.addf %dot_general3A_15, %add3A_19 : vector<6272x256xf32>
    %max3A = arith.constant 0.000000e+00 : f32
    %max3A_21 = vector.broadcast %max3A : f32 to vector<6272x256xf32>
    %max3A_22 = arith.maximumf %add3A_20, %max3A_21 : vector<6272x256xf32>
    %get3A_23 = arith.constant 0 : index
    %get3A_24 = arith.constant 0 : index
    %get3A_25 = vector.load %arg7[%get3A_23, %get3A_24] : memref<256x128xf32, #tpu.memory_space<vmem>>, vector<256x128xf32>
    %dot_general3A_26 = arith.constant dense<0.000000e+00> : vector<6272x128xf32>
    %dot_general3A_27 = tpu.matmul %max3A_22, %get3A_25, %dot_general3A_26 {dimension_numbers = #tpu.dot_dimension_numbers<[1], [0], [0], [1], [0, 0, 1, 1], [], []>, transpose_lhs_hint = false} : vector<6272x256xf32>, vector<256x128xf32>, vector<6272x128xf32> -> vector<6272x128xf32>
    %get3A_28 = arith.constant 0 : index
    %get3A_29 = arith.constant 0 : index
    %get3A_30 = vector.load %arg4[%get3A_28, %get3A_29] : memref<6272x128xf32, #tpu.memory_space<vmem>>, vector<6272x128xf32>
    %mul3A_31 = arith.mulf %dot_general3A_27, %get3A_30 : vector<6272x128xf32>
    %swap3A = arith.constant 0 : index
    %swap3A_32 = arith.constant 0 : index
    %swap3A_33 = vector.load %arg8[%swap3A, %swap3A_32] : memref<6272x128xf32, #tpu.memory_space<vmem>>, vector<6272x128xf32>
    tpu.vector_store %arg8[%swap3A, %swap3A_32], %mul3A_31 {strides = array<i32>} : memref<6272x128xf32, #tpu.memory_space<vmem>>, vector<6272x128xf32>,
    return
  }
  func.func @transform_0(%arg0: i32) -> (i32, i32) {
    %c0_i32 = arith.constant 0 : i32
    %c0_i32_0 = arith.constant 0 : i32
    %c0_i32_1 = arith.constant 0 : i32
    return %c0_i32, %c0_i32_0 : i32, i32
  }
  func.func @transform_1(%arg0: i32) -> (i32, i32) {
    %c1_i32 = arith.constant 1 : i32
    %c0_i32 = arith.constant 0 : i32
    %c0_i32_0 = arith.constant 0 : i32
    return %c1_i32, %c0_i32 : i32, i32
  }
  func.func @transform_2(%arg0: i32) -> (i32, i32) {
    %c0_i32 = arith.constant 0 : i32
    %c0_i32_0 = arith.constant 0 : i32
    %c0_i32_1 = arith.constant 0 : i32
    return %c0_i32, %c0_i32_0 : i32, i32
  }
  func.func @transform_3(%arg0: i32) -> (i32, i32) {
    %c0_i32 = arith.constant 0 : i32
    %c0_i32_0 = arith.constant 0 : i32
    %c0_i32_1 = arith.constant 0 : i32
    return %c0_i32, %c0_i32_0 : i32, i32
  }
  func.func @transform_4(%arg0: i32) -> (i32, i32) {
    %c0_i32 = arith.constant 0 : i32
    %c0_i32_0 = arith.constant 0 : i32
    %c0_i32_1 = arith.constant 0 : i32
    return %c0_i32, %c0_i32_0 : i32, i32
  }
  func.func @transform_5(%arg0: i32) -> (i32, i32) {
    %c0_i32 = arith.constant 0 : i32
    %c0_i32_0 = arith.constant 0 : i32
    %c0_i32_1 = arith.constant 0 : i32
    return %c0_i32, %c0_i32_0 : i32, i32
  }
  func.func @transform_6(%arg0: i32) -> (i32, i32) {
    %c0_i32 = arith.constant 0 : i32
    %c0_i32_0 = arith.constant 0 : i32
    %c0_i32_1 = arith.constant 0 : i32
    return %c0_i32, %c0_i32_0 : i32, i32
  }
  func.func @transform_7(%arg0: i32) -> (i32, i32) {
    %c0_i32 = arith.constant 0 : i32
    %c0_i32_0 = arith.constant 0 : i32
    %c0_i32_1 = arith.constant 0 : i32
    return %c0_i32, %c0_i32_0 : i32, i32
  }
}

module attributes {stable_mosaic.version = 14 : i64} {
  func.func @_tc_final(%arg0: i32, %arg1: memref<6272x128xf32, #tpu.memory_space<vmem>>, %arg2: memref<6272x128xf32, #tpu.memory_space<vmem>>, %arg3: memref<6272x128xf32, #tpu.memory_space<vmem>>, %arg4: memref<6272x128xf32, #tpu.memory_space<vmem>>, %arg5: memref<1x128xf32, #tpu.memory_space<vmem>>, %arg6: memref<6272x128xf32, #tpu.memory_space<vmem>>) attributes {dimension_semantics = [#tpu.dimension_semantics<arbitrary>], iteration_bounds = array<i64: 1>, scalar_prefetch = 0 : i64, scratch_operands = 0 : i64, tpu.core_type = #tpu.core_type<tc>, window_params = [{transform_indices = @transform_0, window_bounds = array<i64: 6272, 128>}, {transform_indices = @transform_1, window_bounds = array<i64: 6272, 128>}, {pipeline_mode = #tpu.pipeline_mode<synchronous>, transform_indices = @transform_2, window_bounds = array<i64: 6272, 128>}, {pipeline_mode = #tpu.pipeline_mode<synchronous>, transform_indices = @transform_3, window_bounds = array<i64: 6272, 128>}, {pipeline_mode = #tpu.pipeline_mode<synchronous>, transform_indices = @transform_4, window_bounds = array<i64: 1, 128>}, {pipeline_mode = #tpu.pipeline_mode<synchronous>, transform_indices = @transform_5, window_bounds = array<i64: 6272, 128>}]} {
    %get3A = arith.constant 0 : index
    %get3A_0 = arith.constant 0 : index
    %get3A_1 = vector.load %arg1[%get3A, %get3A_0] : memref<6272x128xf32, #tpu.memory_space<vmem>>, vector<6272x128xf32>
    %get3A_2 = arith.constant 0 : index
    %get3A_3 = arith.constant 0 : index
    %get3A_4 = vector.load %arg2[%get3A_2, %get3A_3] : memref<6272x128xf32, #tpu.memory_space<vmem>>, vector<6272x128xf32>
    %add3A = arith.addf %get3A_1, %get3A_4 : vector<6272x128xf32>
    %get3A_5 = arith.constant 0 : index
    %get3A_6 = arith.constant 0 : index
    %get3A_7 = vector.load %arg3[%get3A_5, %get3A_6] : memref<6272x128xf32, #tpu.memory_space<vmem>>, vector<6272x128xf32>
    %add3A_8 = arith.addf %add3A, %get3A_7 : vector<6272x128xf32>
    %get3A_9 = arith.constant 0 : index
    %get3A_10 = arith.constant 0 : index
    %get3A_11 = vector.load %arg4[%get3A_9, %get3A_10] : memref<6272x128xf32, #tpu.memory_space<vmem>>, vector<6272x128xf32>
    %mul3A = arith.mulf %add3A_8, %get3A_11 : vector<6272x128xf32>
    %get3A_12 = arith.constant 0 : index
    %get3A_13 = arith.constant 0 : index
    %get3A_14 = vector.load %arg5[%get3A_12, %get3A_13] : memref<1x128xf32, #tpu.memory_space<vmem>>, vector<1x128xf32>
    %add3A_15 = vector.broadcast %get3A_14 : vector<1x128xf32> to vector<6272x128xf32>
    %add3A_16 = arith.addf %mul3A, %add3A_15 : vector<6272x128xf32>
    %swap3A = arith.constant 0 : index
    %swap3A_17 = arith.constant 0 : index
    %swap3A_18 = vector.load %arg6[%swap3A, %swap3A_17] : memref<6272x128xf32, #tpu.memory_space<vmem>>, vector<6272x128xf32>
    tpu.vector_store %arg6[%swap3A, %swap3A_17], %add3A_16 {strides = array<i32>} : memref<6272x128xf32, #tpu.memory_space<vmem>>, vector<6272x128xf32>,
    return
  }
  func.func @transform_0(%arg0: i32) -> (i32, i32) {
    %c0_i32 = arith.constant 0 : i32
    %c0_i32_0 = arith.constant 0 : i32
    %c0_i32_1 = arith.constant 0 : i32
    return %c0_i32, %c0_i32_0 : i32, i32
  }
  func.func @transform_1(%arg0: i32) -> (i32, i32) {
    %c1_i32 = arith.constant 1 : i32
    %c0_i32 = arith.constant 0 : i32
    %c0_i32_0 = arith.constant 0 : i32
    return %c1_i32, %c0_i32 : i32, i32
  }
  func.func @transform_2(%arg0: i32) -> (i32, i32) {
    %c0_i32 = arith.constant 0 : i32
    %c0_i32_0 = arith.constant 0 : i32
    %c0_i32_1 = arith.constant 0 : i32
    return %c0_i32, %c0_i32_0 : i32, i32
  }
  func.func @transform_3(%arg0: i32) -> (i32, i32) {
    %c0_i32 = arith.constant 0 : i32
    %c0_i32_0 = arith.constant 0 : i32
    %c0_i32_1 = arith.constant 0 : i32
    return %c0_i32, %c0_i32_0 : i32, i32
  }
  func.func @transform_4(%arg0: i32) -> (i32, i32) {
    %c0_i32 = arith.constant 0 : i32
    %c0_i32_0 = arith.constant 0 : i32
    %c0_i32_1 = arith.constant 0 : i32
    return %c0_i32, %c0_i32_0 : i32, i32
  }
  func.func @transform_5(%arg0: i32) -> (i32, i32) {
    %c0_i32 = arith.constant 0 : i32
    %c0_i32_0 = arith.constant 0 : i32
    %c0_i32_1 = arith.constant 0 : i32
    return %c0_i32, %c0_i32_0 : i32, i32
  }
}

</mosaic_0001>

<sc_bundles>
// kernel: kernel.11.cloned.1.call-start
scs
__scs_entry_jumppad:
0x0: {  	(pc) =	sbr.rel $0x88, $3  }
0x1: {  	(tag) =	ssettag $0x0;
	lr =	simm.s32 $0x1  }
0x2: {  	[smem:$0x3F9B] =	sst lr;
	_ =	strace $0xD0000000  }
0x3: {  	_ = 	snop  }
0x4: {  	_ = 	snop  }
0x5: {  	_ = 	snop  }
0x6: {  	_ = 	snop  }
0x7: {  	_ = 	snop  }
__scs_overlays_trampoline_lowered:
0x8: {  	[smem:$0x3FAA] =	sst s0  }
0x9: {  	[smem:$0x3FAB] =	sst s1  }
0xa: {  	[smem:$0x3FAC] =	sst s2  }
0xb: {  	[smem:$0x3FAD] =	sst s3  }
0xc: {  	[smem:$0x3FAE] =	sst s4  }
0xd: {  	[smem:$0x3FAF] =	sst s5  }
0xe: {  	[smem:$0x3FB0] =	sst s6  }
0xf: {  	[smem:$0x3FB1] =	sst s7  }
0x10: {  	[smem:$0x3FB2] =	sst s8  }
0x11: {  	[smem:$0x3FB3] =	sst s9;
	s0 =	simm.s32 @!p0 $0x0  }
0x12: {  	s1 =	sld [smem:$0x3F99];
	s0 =	simm.s32 @p0 $0x1  }
0x13: {  	[smem:$0x3FB4] =	sst s0;
	s0 =	simm.s32 @!p1 $0x0  }
0x14: {  	s2 =	sld [smem:$0x3F98];
	s0 =	simm.s32 @p1 $0x1  }
0x15: {  	[smem:$0x3FB5] =	sst s0;
	s0 =	simm.s32 @!p2 $0x0  }
0x16: {  	s3 =	sld [smem:$0x3FDB];
	s0 =	simm.s32 @p2 $0x1  }
0x17: {  	s4 =	simm.s32 $0x1BF5;
	[smem:$0x3FB7] =	sst s0  }
0x18: {  	s0 =	sld [smem:$0x3F9A];
	_ =	swait.ge [sflag:s4], $0x0  }
0x19: {  	s7 =	sld [smem:$0x3F9B]  }
0x1a: {  	s8 =	sadd.s32 $0xFFFFE003, lr  }
0x1b: {  	s9 =	sadd.s32 $0xFFFFFEF7, lr;
	s5 =	simm.s32 $0xFFFFFFFF;
	p2 =	slt.u32 s8, $0xFFFFF086  }
0x1c: {  	p1 =	slt.u32 s9, $0xF7A;
	s5 =	simm.s32 @!p2 $0x0  }
0x1d: {  	s5 =	simm.s32 @p1 $0x1;
	p0 =	seq.s32 s7, s2  }
0x1e: {  	s7 =	smul.u32 @!p0 $0xF7A, s2;
	p2 =	seq.s32 @!p0 s5, $0x0  }
0x1f: {  	s9 =	smul.u32 $0xF7A, s1;
	s8 =	simm.s32 @!p0 $0x1BF5;
	p2 =	por !p2, p0  }
0x20: {  	[sflag:s8] =	ssyncset.s32 @!p0 $0xFFFFF086;
	s6 =	sadd.s32 @!p0 s3, s7;
	s7 =	simm.s32 @!p0 $0x108  }
0x21: {  	s3 =	sadd.s32 s3, s9;
	s6 =	sadd.s32 @!p0 $0x88, s6;
	s7 =	simm.s32 @p2 $0x1082  }
0x22: {  	[simem:s7], [sflag:s8] =	dma.local @!p0 [hbm:s6], $0xF7A  }
0x23: {  	s9 =	sor.u32 $0xD0000000, s2;
	s6 =	simm.s32 $0x108;
	_ =	swait.ge @!p0 [sflag:s8], $0x0  }
0x24: {  	s3 =	sadd.s32 $0x88, s3;
	s6 =	simm.s32 @!p1 $0x1082;
	[sflag:s4] =	ssyncset.s32 $0xFFFFF086  }
0x25: {  	[simem:s6], [sflag:s4] =	dma.local [hbm:s3], $0xF7A  }
0x26: {  	[smem:$0x3F9B] =	sst s1;
	(tag) =	ssettag s2;
	_ =	strace s9  }
0x27: {  	s1 =	sld [smem:$0x3FAB]  }
0x28: {  	s2 =	sld [smem:$0x3FAC]  }
0x29: {  	s4 =	sld [smem:$0x3FAE]  }
0x2a: {  	p0 =	seq.s32 s5, $0x0;
	s5 =	sld [smem:$0x3FAF]  }
0x2b: {  	s6 =	sld [smem:$0x3FB0]  }
0x2c: {  	s7 =	sld [smem:$0x3FB1]  }
0x2d: {  	s3 =	simm.s32 $0x108;
	s8 =	sld [smem:$0x3FB2]  }
0x2e: {  	s3 =	simm.s32 @!p0 $0x1082;
	s9 =	sld [smem:$0x3FB3]  }
0x2f: {  	lr =	sadd.s32 s0, s3;
	s0 =	sld [smem:$0x3FAA]  }
0x30: {  	s3 =	sld [smem:$0x3FAD]  }
0x31: {  	[smem:$0x3FB6] =	sst s10  }
0x32: {  	s10 =	sld [smem:$0x3FB4];
	_ =	sdelay $0x3  }
0x33: {  	p0 =	seq.s32 s10, $0x1;
	s10 =	sld [smem:$0x3FB6];
	_ =	sdelay $0x3  }
0x34: {  	[smem:$0x3FB6] =	sst s10  }
0x35: {  	s10 =	sld [smem:$0x3FB5];
	_ =	sdelay $0x3  }
0x36: {  	p1 =	seq.s32 s10, $0x1;
	s10 =	sld [smem:$0x3FB6];
	_ =	sdelay $0x3  }
0x37: {  	[smem:$0x3FB6] =	sst s10  }
0x38: {  	s10 =	sld [smem:$0x3FB7]  }
0x39: {  	_ = 	snop;
	(pc) =	sbr.ind lr, $3  }
0x3a: {  	_ = 	snop  }
0x3b: {  	_ = 	snop  }
0x3c: {  	p2 =	seq.s32 s10, $0x1;
	s10 =	sld [smem:$0x3FB6]  }
0x3d: {  	_ =	shalt  }
0x3e: {  	_ =	shalt  }
0x3f: {  	_ =	shalt  }
0x40: {  	_ =	shalt  }
0x41: {  	_ =	shalt  }
0x42: {  	_ =	shalt  }
0x43: {  	_ =	shalt  }
0x44: {  	_ =	shalt  }
0x45: {  	_ =	shalt  }
0x46: {  	_ =	shalt  }
0x47: {  	_ =	shalt  }
0x48: {  	_ =	shalt  }
0x49: {  	_ =	shalt  }
0x4a: {  	_ =	shalt  }
0x4b: {  	_ =	shalt  }
0x4c: {  	_ =	shalt  }
0x4d: {  	_ =	shalt  }
0x4e: {  	_ =	shalt  }
0x4f: {  	_ =	shalt  }
0x50: {  	_ =	shalt  }
0x51: {  	_ =	shalt  }
0x52: {  	_ =	shalt  }
0x53: {  	_ =	shalt  }
0x54: {  	_ =	shalt  }
0x55: {  	_ =	shalt  }
0x56: {  	_ =	shalt  }
0x57: {  	_ =	shalt  }
0x58: {  	_ =	shalt  }
0x59: {  	_ =	shalt  }
0x5a: {  	_ =	shalt  }
0x5b: {  	_ =	shalt  }
0x5c: {  	_ =	shalt  }
0x5d: {  	_ =	shalt  }
0x5e: {  	_ =	shalt  }
0x5f: {  	_ =	shalt  }
0x60: {  	_ =	shalt  }
0x61: {  	_ =	shalt  }
0x62: {  	_ =	shalt  }
0x63: {  	_ =	shalt  }
0x64: {  	_ =	shalt  }
0x65: {  	_ =	shalt  }
0x66: {  	_ =	shalt  }
0x67: {  	_ =	shalt  }
0x68: {  	_ =	shalt  }
0x69: {  	_ =	shalt  }
0x6a: {  	_ =	shalt  }
0x6b: {  	_ =	shalt  }
0x6c: {  	_ =	shalt  }
0x6d: {  	_ =	shalt  }
0x6e: {  	_ =	shalt  }
0x6f: {  	_ =	shalt  }
0x70: {  	_ =	shalt  }
0x71: {  	_ =	shalt  }
0x72: {  	_ =	shalt  }
0x73: {  	_ =	shalt  }
0x74: {  	_ =	shalt  }
0x75: {  	_ =	shalt  }
0x76: {  	_ =	shalt  }
0x77: {  	_ =	shalt  }
0x78: {  	_ =	shalt  }
0x79: {  	_ =	shalt  }
0x7a: {  	_ =	shalt  }
0x7b: {  	_ =	shalt  }
0x7c: {  	_ =	shalt  }
0x7d: {  	_ =	shalt  }
0x7e: {  	_ =	shalt  }
0x7f: {  	_ =	shalt  }
0x80: {  	_ =	shalt  }
0x81: {  	_ =	shalt  }
0x82: {  	_ =	shalt  }
0x83: {  	_ =	shalt  }
0x84: {  	_ =	shalt  }
0x85: {  	_ =	shalt  }
0x86: {  	_ =	shalt  }
0x87: {  	_ =	shalt  }
.Lfunc_end0:
.L_simem_size_0:
called_computation.1_lowered:
.L_overlay_start_0:
0x88: {  	s2 =	sld [smem:$0x3FD9]  }
0x89: {  	s3 =	sld [smem:$0x3FFE];
	_ =	sdelay $0x1  }
0x8a: {  	s1 =	srdreg.scid  }
0x8b: {  	s0 =	sand.u32 $0x1, s1  }
0x8c: {  	s17 =	sshll.u32 s0, $0xA;
	s2 =	sadd.s32 s3, s2  }
0x8d: {  	s2 =	sadd.s32 s2, s17  }
0x8e: {  	[smem:$0x3FC2] =	sst s2  }
0x8f: {  	_ = 	snop  }
0x90: {  	s2 =	sld [smem:$0x3FD0];
	(tm) =	ssettm $0x1  }
0x91: {  	s18 =	sld [smem:$0x3FFB];
	_ =	sdelay $0x3  }
0x92: {  	_ =	strace s18  }
0x93: {  	s3 =	sld [smem:$0x3FFC];
	_ =	sdelay $0x3  }
0x94: {  	_ =	strace s3  }
0x95: {  	s3 =	sld [smem:$0x3FFD];
	_ =	sdelay $0x3  }
0x96: {  	_ =	strace s3  }
0x97: {  	_ =	strace $0x8FFFFFFF  }
0x98: {  	s19 =	sld [smem:$0x3FDB];
	_ =	sdelay $0x1  }
0x99: {  	s4 =	simm.s32 $_scs_section_size  }
0x9a: {  	s5 =	simm.s32 $_size__tile_overlayer_lowered;
	s6 =	simm.s32 $_tile_overlayer_lowered  }
0x9b: {  	s22 =	simm.s32 $0x1BFF;
	s21 =	sshll.u32 s6, $0x1;
	s3 =	sadd.s32 s4, s19  }
0x9c: {  	s7 =	simm.s32 $0x0;
	s20 =	sshll.u32 s5, $0x1;
	s5 =	sadd.s32 s21, s3  }
0x9d: {  	[timem:s7], [sflag:s22] =	dma.local [hbm:s5], s20  }
0x9e: {  	_ =	swait.ge [sflag:s22], s20  }
0x9f: {  	s4 =	ssub.s32 $0x0, s20;
	[sflag:s22] =	ssyncset.done $0x0  }
0xa0: {  	[sflag:s22] =	ssyncadd.s32 s4;
	_ =	sdelay $0x1  }
0xa1: {  	s23 =	simm.s32 $0x1B8B  }
0xa2: {  	_ =	swait.ge [sflag:s23], $0x1  }
0xa3: {  	[sflag:s23] =	ssyncset.done $0x0  }
0xa4: {  	s25 =	simm.s32 $0x1B8E;
	s24 =	sld [smem:$0x3FFE];
	[sflag:s23] =	ssyncadd.s32 $0xFFFFFFFF  }
0xa5: {  	s26 =	simm.s32 $execute0_lowered;
	[smem:$0x3FD2] =	sst s25  }
0xa6: {  	s5 =	sshll.u32 s26, $0x1;
	_ =	strace $0x80000049;
	[dreg:$0x1] =	wrdreg $0xFFFFFFFF  }
0xa7: {  	s28 =	simm.s32 $_size_execute0_lowered;
	s3 =	sadd.s32 s3, s5;
	[dreg:$0x0] =	wrdreg $0x0  }
0xa8: {  	s5 =	sshll.u32 s28, $0x1;
	[dreg:$0x2] =	wrdreg s3  }
0xa9: {  	[dreg:$0x3] =	wrdreg s5  }
0xaa: {  	[dreg:$0x4] =	wrdreg $0xC0  }
0xab: {  	_ =	task [dreg:s7], $0x5FFFF  }
0xac: {  	[dreg:$0x1] =	wrdreg $0xFFFFFFFF  }
0xad: {  	[dreg:$0x0] =	wrdreg $0x60  }
0xae: {  	[dreg:$0x2] =	wrdreg s24  }
0xaf: {  	[dreg:$0x3] =	wrdreg s2  }
0xb0: {  	[dreg:$0x4] =	wrdreg $0x13C000  }
0xb1: {  	[dreg:$0x5] =	wrdreg $0x78000  }
0xb2: {  	[dreg:$0x6] =	wrdreg $0x9  }
0xb3: {  	_ =	task.clear_ibuf [dreg:s7], $0x7FFFF;
	_ =	strace $0x90000049  }
0xb4: {  	s29 =	simm.s32 $0x9;
	_ =	strace $0x8000004B  }
0xb5: {  	_ =	swait.ge [sflag:s29], $0x1  }
0xb6: {  	[sflag:s29] =	ssyncadd.s32 $0xFFFFFFFF  }
0xb7: {  	_ =	strace $0x9000004B  }
0xb8: {  	_ =	sfence  }
0xb9: {  	s30 =	sld [smem:$0x0];
	_ =	sdelay $0x2  }
0xba: {  	s31 =	sshll.u32 s1, $0xD;
	s1 =	sshrl.u32 s1, $0x2  }
0xbb: {  	s3 =	sand.u32 $0x4000, s31;
	s1 =	sadd.s32 s1, s30  }
0xbc: {  	s0 =	sor.u32 s3, s0;
	s1 =	sshll.u32 s1, $0x11  }
0xbd: {  	s0 =	sor.u32 s1, s0  }
0xbe: {  	s0 =	sadd.s32 $0x8F2B, s0  }
0xbf: {  	[sflag:s0] =	ssyncadd.remote.s32 $0x1  }
0xc0: {  	_ =	sfence.sel $0xFFFF  }
0xc1: {  	[dreg:$0x0] =	wrdreg $0xFFFFFFFF;
	(pc) =	sbr.abs _section_cstart, $3  }
0xc2: {  	[dreg:$0x1] =	wrdreg $0xFFFFFFFF  }
0xc3: {  	_ =	task.clear_ibuf [dreg:s7], $0x2FFFF;
	_ =	strace $0x9FFFFFFF  }
0xc4: {  	(tm) =	ssettm $0x7FFFFFFF  }
0xc5: {  	_ =	shalt  }
tec
execute0_lowered:
.L_overlay_start_1:
0x0: {  	(tag) =	ssettag $0x1  }
0x1: {  	s8 =	rddreg [dreg:$0x0]  }
0x2: {  	s3 =	rddreg [dreg:$0x2]  }
0x3: {  	s4 =	rddreg [dreg:$0x3]  }
0x4: {  	s5 =	srdreg.scid;
	s0 =	stileid.u32;
	s19 =	simm.s32 $0x1  }
0x5: {  	s20 =	simm.s32 $0x80;
	s21 =	simm.s32 $0x2;
	s22 =	simm.s32 $0x3  }
0x6: {  	s7 =	sand.u32 $0x1, s5;
	s5 =	simm.s32 $0x0;
	s10 =	smul.u32 $0xC400, s0  }
0x7: {  	s25 =	sshll.u32 s0, $0x6;
	s6 =	sshll.u32 s7, $0x4;
	[smem:$0x7FF] =	sst s5  }
0x8: {  	s13 =	ssub.s32 $0x2, s7;
	s7 =	sadd.s32 $0x2400, s8;
	s11 =	sor.u32 s0, s6  }
0x9: {  	_ =	strace $0x8000004A;
	s23 =	sshrl.u32 s10, $0x3;
	s6 =	sadd.s32 $0x96600, s8  }
0xa: {  	s24 =	sshrl.u32 s13, $0x1;
	s16 =	sadd.s32 s10, s3;
	s9 =	smul.u32 $0x1880, s11  }
0xb: {  	s17 =	sadd.s32 s10, s4;
	s12 =	sadd.s32 s23, s8;
	s26 =	smul.u32 $0x3180, s11  }
0xc: {  	s15 =	ssub.s32 s13, s24;
	s10 =	smul.u32 $0x318, s11;
	s17 =	sshrl.u32 s17, $0x3  }
.Ltmp0:
0xd: {  	s23 =	simm.s32 $0x0;
	s28 =	sadd.s32 $0x65400, s12;
	(pc) =	sbr.rel .LBB2_1-.Ltmp0, $4  }
0xe: {  	s14 =	sadd.s32 s9, s8;
	[dreg:$0x5] =	wrdreg s28;
	s29 =	sadd.s32 s6, s26  }
0xf: {  	s9 =	sor.u32 $0x1C04, s25;
	s30 =	sadd.s32 s7, s26;
	[dreg:$0x6] =	wrdreg s29  }
0x10: {  	[dreg:$0x7] =	wrdreg s30;
	s31 =	sadd.s32 $0xF9600, s14;
	s14 =	smax.u32 s15, $0x1  }
0x11: {  	s15 =	sshrl.u32 s16, $0x3;
	s16 =	simm.s32 $0x4;
	[dreg:$0x8] =	wrdreg s31  }
.LBB2_5:
0x12: {  	_ =	swait.ge [sflag:s22], $0x400  }
0x13: {  	[sflag:s22] =	ssyncset.done $0x0  }
0x14: {  	[sflag:s22] =	ssyncadd.s32 $0xFFFFFC00  }
0x15: {  	_ =	swait.ge [sflag:s22], $0x400  }
0x16: {  	[sflag:s22] =	ssyncset.done $0x0  }
0x17: {  	[sflag:s22] =	ssyncadd.s32 $0xFFFFFC00  }
0x18: {  	_ =	swait.ge [sflag:s22], $0x400  }
0x19: {  	[sflag:s22] =	ssyncset.done $0x0  }
0x1a: {  	[sflag:s22] =	ssyncadd.s32 $0xFFFFFC00  }
0x1b: {  	_ =	swait.ge [sflag:s22], $0x400  }
0x1c: {  	[sflag:s22] =	ssyncset.done $0x0  }
0x1d: {  	[sflag:s22] =	ssyncadd.s32 $0xFFFFFC00  }
0x1e: {  	_ =	swait.ge [sflag:s22], $0x400  }
0x1f: {  	[sflag:s22] =	ssyncset.done $0x0  }
0x20: {  	[sflag:s22] =	ssyncadd.s32 $0xFFFFFC00  }
0x21: {  	_ =	swait.ge [sflag:s22], $0x400  }
0x22: {  	[sflag:s22] =	ssyncset.done $0x0  }
0x23: {  	[sflag:s22] =	ssyncadd.s32 $0xFFFFFC00  }
0x24: {  	_ =	swait.ge [sflag:s22], $0x400  }
0x25: {  	[sflag:s22] =	ssyncset.done $0x0  }
0x26: {  	[sflag:s22] =	ssyncadd.s32 $0xFFFFFC00  }
0x27: {  	_ =	swait.ge [sflag:s22], $0x400  }
0x28: {  	[sflag:s22] =	ssyncset.done $0x0  }
0x29: {  	[sflag:s22] =	ssyncadd.s32 $0xFFFFFC00  }
0x2a: {  	_ =	swait.ge [sflag:s22], $0x400  }
0x2b: {  	[sflag:s22] =	ssyncset.done $0x0  }
0x2c: {  	[sflag:s22] =	ssyncadd.s32 $0xFFFFFC00  }
0x2d: {  	_ =	swait.ge [sflag:s22], $0x400  }
0x2e: {  	[sflag:s22] =	ssyncset.done $0x0  }
0x2f: {  	[sflag:s22] =	ssyncadd.s32 $0xFFFFFC00  }
0x30: {  	_ =	swait.ge [sflag:s22], $0x400  }
0x31: {  	[sflag:s22] =	ssyncset.done $0x0  }
0x32: {  	[sflag:s22] =	ssyncadd.s32 $0xFFFFFC00  }
0x33: {  	_ =	swait.ge [sflag:s22], $0x400  }
0x34: {  	[sflag:s22] =	ssyncset.done $0x0  }
0x35: {  	s23 =	sadd.s32 $0x1, s23;
	[sflag:s22] =	ssyncadd.s32 $0xFFFFFC00  }
0x36: {  	p0 =	sne.s32 s23, s14;
	[bflag:$0x0] =	sbarrier.arrive $0xFFFF  }
.Ltmp1:
0x37: {  	s0 =	rddreg [dreg:$0x8];
	(pc) =	sbr.rel @!p0 .LBB2_6-.Ltmp1, $4  }
0x38: {  	[hbm:s0], [sflag:s9] =	dma.local [spmem:s17], $0x1880  }
0x39: {  	_ =	swait.ge [sflag:s16], $0x1880  }
0x3a: {  	[sflag:s16] =	ssyncset.done $0x0  }
0x3b: {  	[sflag:s16] =	ssyncadd.s32 $0xFFFFE780  }
.LBB2_1:
0x3c: {  	s0 =	rddreg [dreg:$0x5]  }
0x3d: {  	[spmem:s15], [sflag:s9] =	dma.local [hbm:s0], $0x1880  }
0x3e: {  	_ =	swait.ge [sflag:s16], $0x1880  }
0x3f: {  	[sflag:s16] =	ssyncset.done $0x0  }
0x40: {  	[sflag:s16] =	ssyncadd.s32 $0xFFFFE780  }
0x41: {  	s29 =	rddreg [dreg:$0x1]  }
0x42: {  	[spmem:s17], [sflag:s9] =	dma.local [hbm:s29], $0x1880  }
0x43: {  	_ =	swait.ge [sflag:s16], $0x1880  }
0x44: {  	[sflag:s16] =	ssyncset.done $0x0  }
0x45: {  	[sflag:s16] =	ssyncadd.s32 $0xFFFFE780  }
.Ltmp2:
0x46: {  	[bflag:$0x0] =	sbarrier.arrive $0xFFFF;
	(pc) =	sbr.rel .LBB2_2-.Ltmp2, $4  }
0x47: {  	s30 =	rddreg [dreg:$0x6]  }
0x48: {  	[tilespmem:s5], [sflag:$0x1] =	stream.linear.gather [hbm4b:s30+s5], $0x600, $0x38;
	v63 =	vld [tilespmem:$0x0]  }
0x49: {  	s1 =	simm.s32 $0xC00;
	s25 =	simm.s32 $0x0;
	s31 =	rddreg [dreg:$0x7]  }
0x4a: {  	[tilespmem:s1], [sflag:$0x1] =	stream.linear.gather [hbm4b:s31+s5], $0x600, $0x38;
	v63 =	vld [tilespmem:$0x0]  }
.LBB2_4:
0x4b: {  	_ =	swait.ge [sflag:s19], $0x600  }
0x4c: {  	[sflag:s19] =	ssyncset.done $0x0  }
0x4d: {  	s25 =	smul.u32 $0xC000, s26;
	[sflag:s19] =	ssyncadd.s32 $0xFFFFFA00  }
0x4e: {  	_ =	swait.ge [sflag:s19], $0x600  }
0x4f: {  	s28 =	sshrl.u32 s25, $0x2;
	s25 =	smul.u32 $0x600, s26;
	[sflag:s19] =	ssyncset.done $0x0  }
0x50: {  	s26 =	sadd.s32 $0x1800, s28;
	[sflag:s19] =	ssyncadd.s32 $0xFFFFFA00  }
0x51: {  	[tilespmem:s26], [sflag:$0x2] =	stream.indirect.gather [spmem:s3], $0x8, s25, s20, $0xb8;
	v63 =	vld [tilespmem:$0x0]  }
0x52: {  	s29 =	sadd.s32 $0x1C00, s28;
	s30 =	sor.u32 $0x80, s25  }
0x53: {  	[tilespmem:s29], [sflag:$0x2] =	stream.indirect.gather [spmem:s3], $0x8, s30, s20, $0xb8;
	v63 =	vld [tilespmem:$0x0]  }
0x54: {  	s31 =	sor.u32 $0x100, s25;
	s30 =	sadd.s32 $0x2000, s28  }
0x55: {  	[tilespmem:s30], [sflag:$0x2] =	stream.indirect.gather [spmem:s3], $0x8, s31, s20, $0xb8;
	v63 =	vld [tilespmem:$0x0]  }
0x56: {  	s0 =	sor.u32 $0x180, s25;
	s31 =	sadd.s32 $0x2400, s28  }
0x57: {  	[tilespmem:s31], [sflag:$0x2] =	stream.indirect.gather [spmem:s3], $0x8, s0, s20, $0xb8;
	v63 =	vld [tilespmem:$0x0]  }
0x58: {  	s2 =	sadd.s32 $0x200, s25;
	s0 =	sadd.s32 $0x2800, s28  }
0x59: {  	[tilespmem:s0], [sflag:$0x2] =	stream.indirect.gather [spmem:s3], $0x8, s2, s20, $0xb8;
	v63 =	vld [tilespmem:$0x0]  }
0x5a: {  	s1 =	sadd.s32 $0x280, s25;
	s2 =	sadd.s32 $0x2C00, s28  }
0x5b: {  	[tilespmem:s2], [sflag:$0x2] =	stream.indirect.gather [spmem:s3], $0x8, s1, s20, $0xb8;
	v63 =	vld [tilespmem:$0x0]  }
0x5c: {  	s18 =	sadd.s32 $0x300, s25;
	s1 =	sadd.s32 $0x3000, s28  }
0x5d: {  	[tilespmem:s1], [sflag:$0x2] =	stream.indirect.gather [spmem:s3], $0x8, s18, s20, $0xb8;
	v63 =	vld [tilespmem:$0x0]  }
0x5e: {  	s8 =	sadd.s32 $0x380, s25;
	s18 =	sadd.s32 $0x3400, s28  }
0x5f: {  	[tilespmem:s18], [sflag:$0x2] =	stream.indirect.gather [spmem:s3], $0x8, s8, s20, $0xb8;
	v63 =	vld [tilespmem:$0x0]  }
0x60: {  	s11 =	sadd.s32 $0x400, s25;
	s8 =	sadd.s32 $0x3800, s28  }
0x61: {  	[tilespmem:s8], [sflag:$0x2] =	stream.indirect.gather [spmem:s3], $0x8, s11, s20, $0xb8;
	v63 =	vld [tilespmem:$0x0]  }
0x62: {  	s12 =	sadd.s32 $0x480, s25;
	s11 =	sadd.s32 $0x3C00, s28  }
0x63: {  	[tilespmem:s11], [sflag:$0x2] =	stream.indirect.gather [spmem:s3], $0x8, s12, s20, $0xb8;
	v63 =	vld [tilespmem:$0x0]  }
0x64: {  	s13 =	sadd.s32 $0x500, s25;
	s12 =	sor.u32 $0x4000, s28  }
0x65: {  	[tilespmem:s12], [sflag:$0x2] =	stream.indirect.gather [spmem:s3], $0x8, s13, s20, $0xb8;
	v63 =	vld [tilespmem:$0x0]  }
0x66: {  	s13 =	sor.u32 $0x4400, s28;
	s28 =	sadd.s32 $0x580, s25  }
0x67: {  	[tilespmem:s13], [sflag:$0x2] =	stream.indirect.gather [spmem:s3], $0x8, s28, s20, $0xb8;
	v63 =	vld [tilespmem:$0x0]  }
0x68: {  	_ =	swait.ge [sflag:s21], $0x400  }
0x69: {  	[sflag:s21] =	ssyncset.done $0x0  }
0x6a: {  	s28 =	sadd.s32 $0xC00, s25;
	[sflag:s21] =	ssyncadd.s32 $0xFFFFFC00  }
0x6b: {  	[spmem:s4] =	stream.indirect.scatter.add.f32 [tilespmem:s26], [sflag:$0x3], $0x8, s28, s20, $0xb8;
	v63 =	vld [tilespmem:$0x0]  }
0x6c: {  	_ =	swait.ge [sflag:s21], $0x400  }
0x6d: {  	[sflag:s21] =	ssyncset.done $0x0  }
0x6e: {  	s28 =	sadd.s32 $0xC80, s25;
	[sflag:s21] =	ssyncadd.s32 $0xFFFFFC00  }
0x6f: {  	[spmem:s4] =	stream.indirect.scatter.add.f32 [tilespmem:s29], [sflag:$0x3], $0x8, s28, s20, $0xb8;
	v63 =	vld [tilespmem:$0x0]  }
0x70: {  	_ =	swait.ge [sflag:s21], $0x400  }
0x71: {  	[sflag:s21] =	ssyncset.done $0x0  }
0x72: {  	s28 =	sadd.s32 $0xD00, s25;
	[sflag:s21] =	ssyncadd.s32 $0xFFFFFC00  }
0x73: {  	[spmem:s4] =	stream.indirect.scatter.add.f32 [tilespmem:s30], [sflag:$0x3], $0x8, s28, s20, $0xb8;
	v63 =	vld [tilespmem:$0x0]  }
0x74: {  	_ =	swait.ge [sflag:s21], $0x400  }
0x75: {  	[sflag:s21] =	ssyncset.done $0x0  }
0x76: {  	s29 =	sadd.s32 $0xD80, s25;
	[sflag:s21] =	ssyncadd.s32 $0xFFFFFC00  }
0x77: {  	[spmem:s4] =	stream.indirect.scatter.add.f32 [tilespmem:s31], [sflag:$0x3], $0x8, s29, s20, $0xb8;
	v63 =	vld [tilespmem:$0x0]  }
0x78: {  	_ =	swait.ge [sflag:s21], $0x400  }
0x79: {  	[sflag:s21] =	ssyncset.done $0x0  }
0x7a: {  	s30 =	sadd.s32 $0xE00, s25;
	[sflag:s21] =	ssyncadd.s32 $0xFFFFFC00  }
0x7b: {  	[spmem:s4] =	stream.indirect.scatter.add.f32 [tilespmem:s0], [sflag:$0x3], $0x8, s30, s20, $0xb8;
	v63 =	vld [tilespmem:$0x0]  }
0x7c: {  	_ =	swait.ge [sflag:s21], $0x400  }
0x7d: {  	[sflag:s21] =	ssyncset.done $0x0  }
0x7e: {  	s31 =	sadd.s32 $0xE80, s25;
	[sflag:s21] =	ssyncadd.s32 $0xFFFFFC00  }
0x7f: {  	[spmem:s4] =	stream.indirect.scatter.add.f32 [tilespmem:s2], [sflag:$0x3], $0x8, s31, s20, $0xb8;
	v63 =	vld [tilespmem:$0x0]  }
0x80: {  	_ =	swait.ge [sflag:s21], $0x400  }
0x81: {  	[sflag:s21] =	ssyncset.done $0x0  }
0x82: {  	s2 =	sadd.s32 $0xF00, s25;
	[sflag:s21] =	ssyncadd.s32 $0xFFFFFC00  }
0x83: {  	[spmem:s4] =	stream.indirect.scatter.add.f32 [tilespmem:s1], [sflag:$0x3], $0x8, s2, s20, $0xb8;
	v63 =	vld [tilespmem:$0x0]  }
0x84: {  	_ =	swait.ge [sflag:s21], $0x400  }
0x85: {  	[sflag:s21] =	ssyncset.done $0x0  }
0x86: {  	s26 =	sadd.s32 $0xF80, s25;
	[sflag:s21] =	ssyncadd.s32 $0xFFFFFC00  }
0x87: {  	[spmem:s4] =	stream.indirect.scatter.add.f32 [tilespmem:s18], [sflag:$0x3], $0x8, s26, s20, $0xb8;
	v63 =	vld [tilespmem:$0x0]  }
0x88: {  	_ =	swait.ge [sflag:s21], $0x400  }
0x89: {  	[sflag:s21] =	ssyncset.done $0x0  }
0x8a: {  	s28 =	sor.u32 $0x1000, s25;
	[sflag:s21] =	ssyncadd.s32 $0xFFFFFC00  }
0x8b: {  	[spmem:s4] =	stream.indirect.scatter.add.f32 [tilespmem:s8], [sflag:$0x3], $0x8, s28, s20, $0xb8;
	v63 =	vld [tilespmem:$0x0]  }
0x8c: {  	_ =	swait.ge [sflag:s21], $0x400  }
0x8d: {  	[sflag:s21] =	ssyncset.done $0x0  }
0x8e: {  	s29 =	sor.u32 $0x1080, s25;
	[sflag:s21] =	ssyncadd.s32 $0xFFFFFC00  }
0x8f: {  	[spmem:s4] =	stream.indirect.scatter.add.f32 [tilespmem:s11], [sflag:$0x3], $0x8, s29, s20, $0xb8;
	v63 =	vld [tilespmem:$0x0]  }
0x90: {  	_ =	swait.ge [sflag:s21], $0x400  }
0x91: {  	[sflag:s21] =	ssyncset.done $0x0  }
0x92: {  	p0 =	slt.u32 s24, $0x42;
	s30 =	sor.u32 $0x1100, s25;
	[sflag:s21] =	ssyncadd.s32 $0xFFFFFC00  }
0x93: {  	[spmem:s4] =	stream.indirect.scatter.add.f32 [tilespmem:s12], [sflag:$0x3], $0x8, s30, s20, $0xb8;
	v63 =	vld [tilespmem:$0x0]  }
.Ltmp3:
0x94: {  	_ = 	snop;
	(pc) =	sbr.rel @!p0 .LBB2_5-.Ltmp3, $4  }
0x95: {  	_ =	swait.ge [sflag:s21], $0x400  }
0x96: {  	[sflag:s21] =	ssyncset.done $0x0  }
0x97: {  	s31 =	sor.u32 $0x1180, s25;
	s25 =	smov.u32 s24;
	[sflag:s21] =	ssyncadd.s32 $0xFFFFFC00  }
0x98: {  	[spmem:s4] =	stream.indirect.scatter.add.f32 [tilespmem:s13], [sflag:$0x3], $0x8, s31, s20, $0xb8;
	v63 =	vld [tilespmem:$0x0]  }
.LBB2_2:
0x99: {  	p0 =	seq.s32 s25, $0x0  }
0x9a: {  	s24 =	simm.s32 @!p0 $0x3  }
0x9b: {  	_ =	swait.ge @!p0 [sflag:s24], $0x400  }
0x9c: {  	[sflag:s24] =	ssyncset.done @!p0 $0x0  }
0x9d: {  	[sflag:s24] =	ssyncadd.s32 @!p0 $0xFFFFFC00  }
0x9e: {  	_ =	swait.ge @!p0 [sflag:s24], $0x400  }
0x9f: {  	[sflag:s24] =	ssyncset.done @!p0 $0x0  }
0xa0: {  	[sflag:s24] =	ssyncadd.s32 @!p0 $0xFFFFFC00  }
0xa1: {  	_ =	swait.ge @!p0 [sflag:s24], $0x400  }
0xa2: {  	[sflag:s24] =	ssyncset.done @!p0 $0x0  }
0xa3: {  	[sflag:s24] =	ssyncadd.s32 @!p0 $0xFFFFFC00  }
0xa4: {  	_ =	swait.ge @!p0 [sflag:s24], $0x400  }
0xa5: {  	[sflag:s24] =	ssyncset.done @!p0 $0x0  }
0xa6: {  	[sflag:s24] =	ssyncadd.s32 @!p0 $0xFFFFFC00  }
0xa7: {  	_ =	swait.ge @!p0 [sflag:s24], $0x400  }
0xa8: {  	[sflag:s24] =	ssyncset.done @!p0 $0x0  }
0xa9: {  	[sflag:s24] =	ssyncadd.s32 @!p0 $0xFFFFFC00  }
0xaa: {  	_ =	swait.ge @!p0 [sflag:s24], $0x400  }
0xab: {  	[sflag:s24] =	ssyncset.done @!p0 $0x0  }
0xac: {  	[sflag:s24] =	ssyncadd.s32 @!p0 $0xFFFFFC00  }
0xad: {  	_ =	swait.ge @!p0 [sflag:s24], $0x400  }
0xae: {  	[sflag:s24] =	ssyncset.done @!p0 $0x0  }
0xaf: {  	[sflag:s24] =	ssyncadd.s32 @!p0 $0xFFFFFC00  }
0xb0: {  	_ =	swait.ge @!p0 [sflag:s24], $0x400  }
0xb1: {  	[sflag:s24] =	ssyncset.done @!p0 $0x0  }
0xb2: {  	[sflag:s24] =	ssyncadd.s32 @!p0 $0xFFFFFC00  }
0xb3: {  	_ =	swait.ge @!p0 [sflag:s24], $0x400  }
0xb4: {  	[sflag:s24] =	ssyncset.done @!p0 $0x0  }
0xb5: {  	[sflag:s24] =	ssyncadd.s32 @!p0 $0xFFFFFC00  }
0xb6: {  	_ =	swait.ge @!p0 [sflag:s24], $0x400  }
0xb7: {  	[sflag:s24] =	ssyncset.done @!p0 $0x0  }
0xb8: {  	p1 =	seq.s32 @!p0 s25, $0x41;
	[sflag:s24] =	ssyncadd.s32 @!p0 $0xFFFFFC00  }
0xb9: {  	p1 =	por p0, !p1;
	_ =	swait.ge @!p0 [sflag:s24], $0x400  }
.Ltmp4:
0xba: {  	[sflag:s24] =	ssyncset.done @!p0 $0x0;
	(pc) =	sbr.rel @!p1 .LBB2_4-.Ltmp4, $4  }
0xbb: {  	[sflag:s24] =	ssyncadd.s32 @!p0 $0xFFFFFC00  }
0xbc: {  	_ =	swait.ge @!p0 [sflag:s24], $0x400  }
0xbd: {  	[sflag:s24] =	ssyncset.done @!p0 $0x0  }
0xbe: {  	s26 =	sand.u32 $0x1, s25;
	[sflag:s24] =	ssyncadd.s32 @!p0 $0xFFFFFC00;
	s24 =	simm.s32 @!p0 $0x42  }
0xbf: {  	s24 =	sadd.s32 @!p0 $0x1, s25  }
0xc0: {  	s24 =	simm.s32 @p0 $0x1  }
0xc1: {  	s31 =	smul.u32 $0xC, s24;
	_ =	sdelay $0x1  }
0xc2: {  	s28 =	sxor.u32 $0x1, s26;
	s25 =	sadd.s32 s10, s31  }
0xc3: {  	s28 =	smul.u32 $0x600, s28;
	s25 =	sshll.u32 s25, $0x4  }
.Ltmp5:
0xc4: {  	s25 =	sand.u32 $0x1FFFFFC0, s25;
	(pc) =	sbr.rel .LBB2_4-.Ltmp5, $4  }
0xc5: {  	s29 =	sadd.s32 s6, s25  }
0xc6: {  	[tilespmem:s28], [sflag:$0x1] =	stream.linear.gather [hbm4b:s29+s5], $0x600, $0x38;
	v63 =	vld [tilespmem:$0x0]  }
0xc7: {  	s25 =	sadd.s32 s7, s25;
	s28 =	sadd.s32 $0xC00, s28  }
0xc8: {  	[tilespmem:s28], [sflag:$0x1] =	stream.linear.gather [hbm4b:s25+s5], $0x600, $0x38;
	v63 =	vld [tilespmem:$0x0]  }
.LBB2_6:
0xc9: {  	_ =	sfence.sel $0x180000  }
0xca: {  	[bflag:$0x0] =	sbarrier.arrive $0xFFFF  }
0xcb: {  	_ =	strace $0x9000004A  }
0xcc: {  	s0 =	stileid.u32;
	[bflag:$0x2] =	sbarrier.arrive $0xFFFF  }
0xcd: {  	p0 =	sne.s32 s0, $0x0;
	s0 =	rddreg [dreg:$0x4]  }
0xce: {  	s0 =	sadd.s32 @!p0 $0x100000, s0  }
0xcf: {  	[sflag:s0] =	ssyncadd.tile.s32 @!p0 $0x1;
	_ =	shalt  }
.Lfunc_end2:
_tile_overlayer_lowered:
.L_overlay_start_2:
0xd0: {  	(tag) =	ssettag $0x2  }
0xd1: {  	s0 =	rddreg [dreg:$0x0];
	s2 =	stileid.u32  }
0xd2: {  	s1 =	rddreg [dreg:$0x1];
	p0 =	sne.s32 s2, $0x0  }
0xd3: {  	s3 =	rddreg [dreg:$0x2];
	[bflag:$0x3] =	sbarrier.arrive $0xFFFF;
	s2 =	simm.s32 @!p0 $0x1C04  }
0xd4: {  	[timem:s3], [sflag:s2] =	dma.local @!p0 [hbm:s0], s1  }
0xd5: {  	s0 =	simm.s32 @!p0 $0x4  }
0xd6: {  	_ =	swait.ge @!p0 [sflag:s0], s1  }
0xd7: {  	s1 =	ssub.s32 @!p0 $0x0, s1;
	[sflag:s0] =	ssyncset.done @!p0 $0x0  }
0xd8: {  	[sflag:s0] =	ssyncadd.s32 @!p0 s1  }
0xd9: {  	[bflag:$0x3] =	sbarrier.arrive $0xFFFF  }
0xda: {  	_ =	shalt  }

// kernel: kernel.14.cloned.1.call-start
scs
__scs_entry_jumppad:
0x0: {  	(pc) =	sbr.rel $0x88, $3  }
0x1: {  	(tag) =	ssettag $0x0;
	lr =	simm.s32 $0x1  }
0x2: {  	[smem:$0x3F9B] =	sst lr;
	_ =	strace $0xD0000000  }
0x3: {  	_ = 	snop  }
0x4: {  	_ = 	snop  }
0x5: {  	_ = 	snop  }
0x6: {  	_ = 	snop  }
0x7: {  	_ = 	snop  }
__scs_overlays_trampoline_lowered:
0x8: {  	[smem:$0x3FAA] =	sst s0  }
0x9: {  	[smem:$0x3FAB] =	sst s1  }
0xa: {  	[smem:$0x3FAC] =	sst s2  }
0xb: {  	[smem:$0x3FAD] =	sst s3  }
0xc: {  	[smem:$0x3FAE] =	sst s4  }
0xd: {  	[smem:$0x3FAF] =	sst s5  }
0xe: {  	[smem:$0x3FB0] =	sst s6  }
0xf: {  	[smem:$0x3FB1] =	sst s7  }
0x10: {  	[smem:$0x3FB2] =	sst s8  }
0x11: {  	[smem:$0x3FB3] =	sst s9;
	s0 =	simm.s32 @!p0 $0x0  }
0x12: {  	s1 =	sld [smem:$0x3F99];
	s0 =	simm.s32 @p0 $0x1  }
0x13: {  	[smem:$0x3FB4] =	sst s0;
	s0 =	simm.s32 @!p1 $0x0  }
0x14: {  	s2 =	sld [smem:$0x3F98];
	s0 =	simm.s32 @p1 $0x1  }
0x15: {  	[smem:$0x3FB5] =	sst s0;
	s0 =	simm.s32 @!p2 $0x0  }
0x16: {  	s3 =	sld [smem:$0x3FDB];
	s0 =	simm.s32 @p2 $0x1  }
0x17: {  	s4 =	simm.s32 $0x1BF5;
	[smem:$0x3FB7] =	sst s0  }
0x18: {  	s0 =	sld [smem:$0x3F9A];
	_ =	swait.ge [sflag:s4], $0x0  }
0x19: {  	s7 =	sld [smem:$0x3F9B]  }
0x1a: {  	s8 =	sadd.s32 $0xFFFFE003, lr  }
0x1b: {  	s9 =	sadd.s32 $0xFFFFFEF7, lr;
	s5 =	simm.s32 $0xFFFFFFFF;
	p2 =	slt.u32 s8, $0xFFFFF086  }
0x1c: {  	p1 =	slt.u32 s9, $0xF7A;
	s5 =	simm.s32 @!p2 $0x0  }
0x1d: {  	s5 =	simm.s32 @p1 $0x1;
	p0 =	seq.s32 s7, s2  }
0x1e: {  	s7 =	smul.u32 @!p0 $0xF7A, s2;
	p2 =	seq.s32 @!p0 s5, $0x0  }
0x1f: {  	s9 =	smul.u32 $0xF7A, s1;
	s8 =	simm.s32 @!p0 $0x1BF5;
	p2 =	por !p2, p0  }
0x20: {  	[sflag:s8] =	ssyncset.s32 @!p0 $0xFFFFF086;
	s6 =	sadd.s32 @!p0 s3, s7;
	s7 =	simm.s32 @!p0 $0x108  }
0x21: {  	s3 =	sadd.s32 s3, s9;
	s6 =	sadd.s32 @!p0 $0x88, s6;
	s7 =	simm.s32 @p2 $0x1082  }
0x22: {  	[simem:s7], [sflag:s8] =	dma.local @!p0 [hbm:s6], $0xF7A  }
0x23: {  	s9 =	sor.u32 $0xD0000000, s2;
	s6 =	simm.s32 $0x108;
	_ =	swait.ge @!p0 [sflag:s8], $0x0  }
0x24: {  	s3 =	sadd.s32 $0x88, s3;
	s6 =	simm.s32 @!p1 $0x1082;
	[sflag:s4] =	ssyncset.s32 $0xFFFFF086  }
0x25: {  	[simem:s6], [sflag:s4] =	dma.local [hbm:s3], $0xF7A  }
0x26: {  	[smem:$0x3F9B] =	sst s1;
	(tag) =	ssettag s2;
	_ =	strace s9  }
0x27: {  	s1 =	sld [smem:$0x3FAB]  }
0x28: {  	s2 =	sld [smem:$0x3FAC]  }
0x29: {  	s4 =	sld [smem:$0x3FAE]  }
0x2a: {  	p0 =	seq.s32 s5, $0x0;
	s5 =	sld [smem:$0x3FAF]  }
0x2b: {  	s6 =	sld [smem:$0x3FB0]  }
0x2c: {  	s7 =	sld [smem:$0x3FB1]  }
0x2d: {  	s3 =	simm.s32 $0x108;
	s8 =	sld [smem:$0x3FB2]  }
0x2e: {  	s3 =	simm.s32 @!p0 $0x1082;
	s9 =	sld [smem:$0x3FB3]  }
0x2f: {  	lr =	sadd.s32 s0, s3;
	s0 =	sld [smem:$0x3FAA]  }
0x30: {  	s3 =	sld [smem:$0x3FAD]  }
0x31: {  	[smem:$0x3FB6] =	sst s10  }
0x32: {  	s10 =	sld [smem:$0x3FB4];
	_ =	sdelay $0x3  }
0x33: {  	p0 =	seq.s32 s10, $0x1;
	s10 =	sld [smem:$0x3FB6];
	_ =	sdelay $0x3  }
0x34: {  	[smem:$0x3FB6] =	sst s10  }
0x35: {  	s10 =	sld [smem:$0x3FB5];
	_ =	sdelay $0x3  }
0x36: {  	p1 =	seq.s32 s10, $0x1;
	s10 =	sld [smem:$0x3FB6];
	_ =	sdelay $0x3  }
0x37: {  	[smem:$0x3FB6] =	sst s10  }
0x38: {  	s10 =	sld [smem:$0x3FB7]  }
0x39: {  	_ = 	snop;
	(pc) =	sbr.ind lr, $3  }
0x3a: {  	_ = 	snop  }
0x3b: {  	_ = 	snop  }
0x3c: {  	p2 =	seq.s32 s10, $0x1;
	s10 =	sld [smem:$0x3FB6]  }
0x3d: {  	_ =	shalt  }
0x3e: {  	_ =	shalt  }
0x3f: {  	_ =	shalt  }
0x40: {  	_ =	shalt  }
0x41: {  	_ =	shalt  }
0x42: {  	_ =	shalt  }
0x43: {  	_ =	shalt  }
0x44: {  	_ =	shalt  }
0x45: {  	_ =	shalt  }
0x46: {  	_ =	shalt  }
0x47: {  	_ =	shalt  }
0x48: {  	_ =	shalt  }
0x49: {  	_ =	shalt  }
0x4a: {  	_ =	shalt  }
0x4b: {  	_ =	shalt  }
0x4c: {  	_ =	shalt  }
0x4d: {  	_ =	shalt  }
0x4e: {  	_ =	shalt  }
0x4f: {  	_ =	shalt  }
0x50: {  	_ =	shalt  }
0x51: {  	_ =	shalt  }
0x52: {  	_ =	shalt  }
0x53: {  	_ =	shalt  }
0x54: {  	_ =	shalt  }
0x55: {  	_ =	shalt  }
0x56: {  	_ =	shalt  }
0x57: {  	_ =	shalt  }
0x58: {  	_ =	shalt  }
0x59: {  	_ =	shalt  }
0x5a: {  	_ =	shalt  }
0x5b: {  	_ =	shalt  }
0x5c: {  	_ =	shalt  }
0x5d: {  	_ =	shalt  }
0x5e: {  	_ =	shalt  }
0x5f: {  	_ =	shalt  }
0x60: {  	_ =	shalt  }
0x61: {  	_ =	shalt  }
0x62: {  	_ =	shalt  }
0x63: {  	_ =	shalt  }
0x64: {  	_ =	shalt  }
0x65: {  	_ =	shalt  }
0x66: {  	_ =	shalt  }
0x67: {  	_ =	shalt  }
0x68: {  	_ =	shalt  }
0x69: {  	_ =	shalt  }
0x6a: {  	_ =	shalt  }
0x6b: {  	_ =	shalt  }
0x6c: {  	_ =	shalt  }
0x6d: {  	_ =	shalt  }
0x6e: {  	_ =	shalt  }
0x6f: {  	_ =	shalt  }
0x70: {  	_ =	shalt  }
0x71: {  	_ =	shalt  }
0x72: {  	_ =	shalt  }
0x73: {  	_ =	shalt  }
0x74: {  	_ =	shalt  }
0x75: {  	_ =	shalt  }
0x76: {  	_ =	shalt  }
0x77: {  	_ =	shalt  }
0x78: {  	_ =	shalt  }
0x79: {  	_ =	shalt  }
0x7a: {  	_ =	shalt  }
0x7b: {  	_ =	shalt  }
0x7c: {  	_ =	shalt  }
0x7d: {  	_ =	shalt  }
0x7e: {  	_ =	shalt  }
0x7f: {  	_ =	shalt  }
0x80: {  	_ =	shalt  }
0x81: {  	_ =	shalt  }
0x82: {  	_ =	shalt  }
0x83: {  	_ =	shalt  }
0x84: {  	_ =	shalt  }
0x85: {  	_ =	shalt  }
0x86: {  	_ =	shalt  }
0x87: {  	_ =	shalt  }
.Lfunc_end0:
.L_simem_size_0:
called_computation.2_lowered:
.L_overlay_start_0:
0x88: {  	s2 =	sld [smem:$0x3FD9]  }
0x89: {  	s3 =	sld [smem:$0x3FFE];
	_ =	sdelay $0x1  }
0x8a: {  	s1 =	srdreg.scid  }
0x8b: {  	s0 =	sand.u32 $0x1, s1  }
0x8c: {  	s17 =	sshll.u32 s0, $0xA;
	s2 =	sadd.s32 s3, s2  }
0x8d: {  	s2 =	sadd.s32 s2, s17  }
0x8e: {  	[smem:$0x3FC2] =	sst s2  }
0x8f: {  	_ = 	snop  }
0x90: {  	s2 =	sld [smem:$0x3FD0];
	(tm) =	ssettm $0x1  }
0x91: {  	s18 =	sld [smem:$0x3FFB];
	_ =	sdelay $0x3  }
0x92: {  	_ =	strace s18  }
0x93: {  	s3 =	sld [smem:$0x3FFC];
	_ =	sdelay $0x3  }
0x94: {  	_ =	strace s3  }
0x95: {  	s3 =	sld [smem:$0x3FFD];
	_ =	sdelay $0x3  }
0x96: {  	_ =	strace s3  }
0x97: {  	_ =	strace $0x8FFFFFFF  }
0x98: {  	s19 =	sld [smem:$0x3FDB];
	_ =	sdelay $0x1  }
0x99: {  	s4 =	simm.s32 $_scs_section_size  }
0x9a: {  	s5 =	simm.s32 $_size__tile_overlayer_lowered;
	s6 =	simm.s32 $_tile_overlayer_lowered  }
0x9b: {  	s22 =	simm.s32 $0x1BFF;
	s21 =	sshll.u32 s6, $0x1;
	s3 =	sadd.s32 s4, s19  }
0x9c: {  	s7 =	simm.s32 $0x0;
	s20 =	sshll.u32 s5, $0x1;
	s5 =	sadd.s32 s21, s3  }
0x9d: {  	[timem:s7], [sflag:s22] =	dma.local [hbm:s5], s20  }
0x9e: {  	_ =	swait.ge [sflag:s22], s20  }
0x9f: {  	s4 =	ssub.s32 $0x0, s20;
	[sflag:s22] =	ssyncset.done $0x0  }
0xa0: {  	[sflag:s22] =	ssyncadd.s32 s4;
	_ =	sdelay $0x1  }
0xa1: {  	s23 =	simm.s32 $0x1B8B  }
0xa2: {  	_ =	swait.ge [sflag:s23], $0x1  }
0xa3: {  	[sflag:s23] =	ssyncset.done $0x0  }
0xa4: {  	s25 =	simm.s32 $0x1B8E;
	s24 =	sld [smem:$0x3FFE];
	[sflag:s23] =	ssyncadd.s32 $0xFFFFFFFF  }
0xa5: {  	s26 =	simm.s32 $execute0_lowered;
	[smem:$0x3FD2] =	sst s25  }
0xa6: {  	s5 =	sshll.u32 s26, $0x1;
	_ =	strace $0x8000004C;
	[dreg:$0x1] =	wrdreg $0xFFFFFFFF  }
0xa7: {  	s28 =	simm.s32 $_size_execute0_lowered;
	s3 =	sadd.s32 s3, s5;
	[dreg:$0x0] =	wrdreg $0x0  }
0xa8: {  	s5 =	sshll.u32 s28, $0x1;
	[dreg:$0x2] =	wrdreg s3  }
0xa9: {  	[dreg:$0x3] =	wrdreg s5  }
0xaa: {  	[dreg:$0x4] =	wrdreg $0xC0  }
0xab: {  	_ =	task [dreg:s7], $0x5FFFF  }
0xac: {  	[dreg:$0x1] =	wrdreg $0xFFFFFFFF  }
0xad: {  	[dreg:$0x0] =	wrdreg $0x60  }
0xae: {  	[dreg:$0x2] =	wrdreg s24  }
0xaf: {  	[dreg:$0x3] =	wrdreg s2  }
0xb0: {  	[dreg:$0x4] =	wrdreg $0x13C000  }
0xb1: {  	[dreg:$0x5] =	wrdreg $0x78000  }
0xb2: {  	[dreg:$0x6] =	wrdreg $0x9  }
0xb3: {  	_ =	task.clear_ibuf [dreg:s7], $0x7FFFF;
	_ =	strace $0x9000004C  }
0xb4: {  	s29 =	simm.s32 $0x9;
	_ =	strace $0x8000004E  }
0xb5: {  	_ =	swait.ge [sflag:s29], $0x1  }
0xb6: {  	[sflag:s29] =	ssyncadd.s32 $0xFFFFFFFF  }
0xb7: {  	_ =	strace $0x9000004E  }
0xb8: {  	_ =	sfence  }
0xb9: {  	s30 =	sld [smem:$0x0];
	_ =	sdelay $0x2  }
0xba: {  	s31 =	sshll.u32 s1, $0xD;
	s1 =	sshrl.u32 s1, $0x2  }
0xbb: {  	s3 =	sand.u32 $0x4000, s31;
	s1 =	sadd.s32 s1, s30  }
0xbc: {  	s0 =	sor.u32 s3, s0;
	s1 =	sshll.u32 s1, $0x11  }
0xbd: {  	s0 =	sor.u32 s1, s0  }
0xbe: {  	s0 =	sadd.s32 $0x8F2B, s0  }
0xbf: {  	[sflag:s0] =	ssyncadd.remote.s32 $0x1  }
0xc0: {  	_ =	sfence.sel $0xFFFF  }
0xc1: {  	[dreg:$0x0] =	wrdreg $0xFFFFFFFF;
	(pc) =	sbr.abs _section_cstart, $3  }
0xc2: {  	[dreg:$0x1] =	wrdreg $0xFFFFFFFF  }
0xc3: {  	_ =	task.clear_ibuf [dreg:s7], $0x2FFFF;
	_ =	strace $0x9FFFFFFF  }
0xc4: {  	(tm) =	ssettm $0x7FFFFFFF  }
0xc5: {  	_ =	shalt  }
tec
execute0_lowered:
.L_overlay_start_1:
0x0: {  	(tag) =	ssettag $0x1  }
0x1: {  	s8 =	rddreg [dreg:$0x0]  }
0x2: {  	s3 =	rddreg [dreg:$0x2]  }
0x3: {  	s4 =	rddreg [dreg:$0x3]  }
0x4: {  	s5 =	srdreg.scid;
	s0 =	stileid.u32;
	s19 =	simm.s32 $0x1  }
0x5: {  	s20 =	simm.s32 $0x80;
	s21 =	simm.s32 $0x2;
	s22 =	simm.s32 $0x3  }
0x6: {  	s7 =	sand.u32 $0x1, s5;
	s5 =	simm.s32 $0x0;
	s10 =	smul.u32 $0xC400, s0  }
0x7: {  	s25 =	sshll.u32 s0, $0x6;
	s6 =	sshll.u32 s7, $0x4;
	[smem:$0x7FF] =	sst s5  }
0x8: {  	s13 =	ssub.s32 $0x2, s7;
	s7 =	sadd.s32 $0x2400, s8;
	s11 =	sor.u32 s0, s6  }
0x9: {  	_ =	strace $0x8000004D;
	s23 =	sshrl.u32 s10, $0x3;
	s6 =	sadd.s32 $0x96600, s8  }
0xa: {  	s24 =	sshrl.u32 s13, $0x1;
	s16 =	sadd.s32 s10, s3;
	s9 =	smul.u32 $0x1880, s11  }
0xb: {  	s17 =	sadd.s32 s10, s4;
	s12 =	sadd.s32 s23, s8;
	s26 =	smul.u32 $0x3180, s11  }
0xc: {  	s15 =	ssub.s32 s13, s24;
	s10 =	smul.u32 $0x318, s11;
	s17 =	sshrl.u32 s17, $0x3  }
.Ltmp0:
0xd: {  	s23 =	simm.s32 $0x0;
	s28 =	sadd.s32 $0x65400, s12;
	(pc) =	sbr.rel .LBB2_1-.Ltmp0, $4  }
0xe: {  	s14 =	sadd.s32 s9, s8;
	[dreg:$0x5] =	wrdreg s28;
	s29 =	sadd.s32 s6, s26  }
0xf: {  	s9 =	sor.u32 $0x1C04, s25;
	s30 =	sadd.s32 s7, s26;
	[dreg:$0x6] =	wrdreg s29  }
0x10: {  	[dreg:$0x7] =	wrdreg s30;
	s31 =	sadd.s32 $0xF9600, s14;
	s14 =	smax.u32 s15, $0x1  }
0x11: {  	s15 =	sshrl.u32 s16, $0x3;
	s16 =	simm.s32 $0x4;
	[dreg:$0x8] =	wrdreg s31  }
.LBB2_5:
0x12: {  	_ =	swait.ge [sflag:s22], $0x400  }
0x13: {  	[sflag:s22] =	ssyncset.done $0x0  }
0x14: {  	[sflag:s22] =	ssyncadd.s32 $0xFFFFFC00  }
0x15: {  	_ =	swait.ge [sflag:s22], $0x400  }
0x16: {  	[sflag:s22] =	ssyncset.done $0x0  }
0x17: {  	[sflag:s22] =	ssyncadd.s32 $0xFFFFFC00  }
0x18: {  	_ =	swait.ge [sflag:s22], $0x400  }
0x19: {  	[sflag:s22] =	ssyncset.done $0x0  }
0x1a: {  	[sflag:s22] =	ssyncadd.s32 $0xFFFFFC00  }
0x1b: {  	_ =	swait.ge [sflag:s22], $0x400  }
0x1c: {  	[sflag:s22] =	ssyncset.done $0x0  }
0x1d: {  	[sflag:s22] =	ssyncadd.s32 $0xFFFFFC00  }
0x1e: {  	_ =	swait.ge [sflag:s22], $0x400  }
0x1f: {  	[sflag:s22] =	ssyncset.done $0x0  }
0x20: {  	[sflag:s22] =	ssyncadd.s32 $0xFFFFFC00  }
0x21: {  	_ =	swait.ge [sflag:s22], $0x400  }
0x22: {  	[sflag:s22] =	ssyncset.done $0x0  }
0x23: {  	[sflag:s22] =	ssyncadd.s32 $0xFFFFFC00  }
0x24: {  	_ =	swait.ge [sflag:s22], $0x400  }
0x25: {  	[sflag:s22] =	ssyncset.done $0x0  }
0x26: {  	[sflag:s22] =	ssyncadd.s32 $0xFFFFFC00  }
0x27: {  	_ =	swait.ge [sflag:s22], $0x400  }
0x28: {  	[sflag:s22] =	ssyncset.done $0x0  }
0x29: {  	[sflag:s22] =	ssyncadd.s32 $0xFFFFFC00  }
0x2a: {  	_ =	swait.ge [sflag:s22], $0x400  }
0x2b: {  	[sflag:s22] =	ssyncset.done $0x0  }
0x2c: {  	[sflag:s22] =	ssyncadd.s32 $0xFFFFFC00  }
0x2d: {  	_ =	swait.ge [sflag:s22], $0x400  }
0x2e: {  	[sflag:s22] =	ssyncset.done $0x0  }
0x2f: {  	[sflag:s22] =	ssyncadd.s32 $0xFFFFFC00  }
0x30: {  	_ =	swait.ge [sflag:s22], $0x400  }
0x31: {  	[sflag:s22] =	ssyncset.done $0x0  }
0x32: {  	[sflag:s22] =	ssyncadd.s32 $0xFFFFFC00  }
0x33: {  	_ =	swait.ge [sflag:s22], $0x400  }
0x34: {  	[sflag:s22] =	ssyncset.done $0x0  }
0x35: {  	s23 =	sadd.s32 $0x1, s23;
	[sflag:s22] =	ssyncadd.s32 $0xFFFFFC00  }
0x36: {  	p0 =	sne.s32 s23, s14;
	[bflag:$0x0] =	sbarrier.arrive $0xFFFF  }
.Ltmp1:
0x37: {  	s0 =	rddreg [dreg:$0x8];
	(pc) =	sbr.rel @!p0 .LBB2_6-.Ltmp1, $4  }
0x38: {  	[hbm:s0], [sflag:s9] =	dma.local [spmem:s17], $0x1880  }
0x39: {  	_ =	swait.ge [sflag:s16], $0x1880  }
0x3a: {  	[sflag:s16] =	ssyncset.done $0x0  }
0x3b: {  	[sflag:s16] =	ssyncadd.s32 $0xFFFFE780  }
.LBB2_1:
0x3c: {  	s0 =	rddreg [dreg:$0x5]  }
0x3d: {  	[spmem:s15], [sflag:s9] =	dma.local [hbm:s0], $0x1880  }
0x3e: {  	_ =	swait.ge [sflag:s16], $0x1880  }
0x3f: {  	[sflag:s16] =	ssyncset.done $0x0  }
0x40: {  	[sflag:s16] =	ssyncadd.s32 $0xFFFFE780  }
0x41: {  	s29 =	rddreg [dreg:$0x1]  }
0x42: {  	[spmem:s17], [sflag:s9] =	dma.local [hbm:s29], $0x1880  }
0x43: {  	_ =	swait.ge [sflag:s16], $0x1880  }
0x44: {  	[sflag:s16] =	ssyncset.done $0x0  }
0x45: {  	[sflag:s16] =	ssyncadd.s32 $0xFFFFE780  }
.Ltmp2:
0x46: {  	[bflag:$0x0] =	sbarrier.arrive $0xFFFF;
	(pc) =	sbr.rel .LBB2_2-.Ltmp2, $4  }
0x47: {  	s30 =	rddreg [dreg:$0x6]  }
0x48: {  	[tilespmem:s5], [sflag:$0x1] =	stream.linear.gather [hbm4b:s30+s5], $0x600, $0x38;
	v63 =	vld [tilespmem:$0x0]  }
0x49: {  	s1 =	simm.s32 $0xC00;
	s25 =	simm.s32 $0x0;
	s31 =	rddreg [dreg:$0x7]  }
0x4a: {  	[tilespmem:s1], [sflag:$0x1] =	stream.linear.gather [hbm4b:s31+s5], $0x600, $0x38;
	v63 =	vld [tilespmem:$0x0]  }
.LBB2_4:
0x4b: {  	_ =	swait.ge [sflag:s19], $0x600  }
0x4c: {  	[sflag:s19] =	ssyncset.done $0x0  }
0x4d: {  	s25 =	smul.u32 $0xC000, s26;
	[sflag:s19] =	ssyncadd.s32 $0xFFFFFA00  }
0x4e: {  	_ =	swait.ge [sflag:s19], $0x600  }
0x4f: {  	s28 =	sshrl.u32 s25, $0x2;
	s25 =	smul.u32 $0x600, s26;
	[sflag:s19] =	ssyncset.done $0x0  }
0x50: {  	s26 =	sadd.s32 $0x1800, s28;
	[sflag:s19] =	ssyncadd.s32 $0xFFFFFA00  }
0x51: {  	[tilespmem:s26], [sflag:$0x2] =	stream.indirect.gather [spmem:s3], $0x8, s25, s20, $0xb8;
	v63 =	vld [tilespmem:$0x0]  }
0x52: {  	s29 =	sadd.s32 $0x1C00, s28;
	s30 =	sor.u32 $0x80, s25  }
0x53: {  	[tilespmem:s29], [sflag:$0x2] =	stream.indirect.gather [spmem:s3], $0x8, s30, s20, $0xb8;
	v63 =	vld [tilespmem:$0x0]  }
0x54: {  	s31 =	sor.u32 $0x100, s25;
	s30 =	sadd.s32 $0x2000, s28  }
0x55: {  	[tilespmem:s30], [sflag:$0x2] =	stream.indirect.gather [spmem:s3], $0x8, s31, s20, $0xb8;
	v63 =	vld [tilespmem:$0x0]  }
0x56: {  	s0 =	sor.u32 $0x180, s25;
	s31 =	sadd.s32 $0x2400, s28  }
0x57: {  	[tilespmem:s31], [sflag:$0x2] =	stream.indirect.gather [spmem:s3], $0x8, s0, s20, $0xb8;
	v63 =	vld [tilespmem:$0x0]  }
0x58: {  	s2 =	sadd.s32 $0x200, s25;
	s0 =	sadd.s32 $0x2800, s28  }
0x59: {  	[tilespmem:s0], [sflag:$0x2] =	stream.indirect.gather [spmem:s3], $0x8, s2, s20, $0xb8;
	v63 =	vld [tilespmem:$0x0]  }
0x5a: {  	s1 =	sadd.s32 $0x280, s25;
	s2 =	sadd.s32 $0x2C00, s28  }
0x5b: {  	[tilespmem:s2], [sflag:$0x2] =	stream.indirect.gather [spmem:s3], $0x8, s1, s20, $0xb8;
	v63 =	vld [tilespmem:$0x0]  }
0x5c: {  	s18 =	sadd.s32 $0x300, s25;
	s1 =	sadd.s32 $0x3000, s28  }
0x5d: {  	[tilespmem:s1], [sflag:$0x2] =	stream.indirect.gather [spmem:s3], $0x8, s18, s20, $0xb8;
	v63 =	vld [tilespmem:$0x0]  }
0x5e: {  	s8 =	sadd.s32 $0x380, s25;
	s18 =	sadd.s32 $0x3400, s28  }
0x5f: {  	[tilespmem:s18], [sflag:$0x2] =	stream.indirect.gather [spmem:s3], $0x8, s8, s20, $0xb8;
	v63 =	vld [tilespmem:$0x0]  }
0x60: {  	s11 =	sadd.s32 $0x400, s25;
	s8 =	sadd.s32 $0x3800, s28  }
0x61: {  	[tilespmem:s8], [sflag:$0x2] =	stream.indirect.gather [spmem:s3], $0x8, s11, s20, $0xb8;
	v63 =	vld [tilespmem:$0x0]  }
0x62: {  	s12 =	sadd.s32 $0x480, s25;
	s11 =	sadd.s32 $0x3C00, s28  }
0x63: {  	[tilespmem:s11], [sflag:$0x2] =	stream.indirect.gather [spmem:s3], $0x8, s12, s20, $0xb8;
	v63 =	vld [tilespmem:$0x0]  }
0x64: {  	s13 =	sadd.s32 $0x500, s25;
	s12 =	sor.u32 $0x4000, s28  }
0x65: {  	[tilespmem:s12], [sflag:$0x2] =	stream.indirect.gather [spmem:s3], $0x8, s13, s20, $0xb8;
	v63 =	vld [tilespmem:$0x0]  }
0x66: {  	s13 =	sor.u32 $0x4400, s28;
	s28 =	sadd.s32 $0x580, s25  }
0x67: {  	[tilespmem:s13], [sflag:$0x2] =	stream.indirect.gather [spmem:s3], $0x8, s28, s20, $0xb8;
	v63 =	vld [tilespmem:$0x0]  }
0x68: {  	_ =	swait.ge [sflag:s21], $0x400  }
0x69: {  	[sflag:s21] =	ssyncset.done $0x0  }
0x6a: {  	s28 =	sadd.s32 $0xC00, s25;
	[sflag:s21] =	ssyncadd.s32 $0xFFFFFC00  }
0x6b: {  	[spmem:s4] =	stream.indirect.scatter.add.f32 [tilespmem:s26], [sflag:$0x3], $0x8, s28, s20, $0xb8;
	v63 =	vld [tilespmem:$0x0]  }
0x6c: {  	_ =	swait.ge [sflag:s21], $0x400  }
0x6d: {  	[sflag:s21] =	ssyncset.done $0x0  }
0x6e: {  	s28 =	sadd.s32 $0xC80, s25;
	[sflag:s21] =	ssyncadd.s32 $0xFFFFFC00  }
0x6f: {  	[spmem:s4] =	stream.indirect.scatter.add.f32 [tilespmem:s29], [sflag:$0x3], $0x8, s28, s20, $0xb8;
	v63 =	vld [tilespmem:$0x0]  }
0x70: {  	_ =	swait.ge [sflag:s21], $0x400  }
0x71: {  	[sflag:s21] =	ssyncset.done $0x0  }
0x72: {  	s28 =	sadd.s32 $0xD00, s25;
	[sflag:s21] =	ssyncadd.s32 $0xFFFFFC00  }
0x73: {  	[spmem:s4] =	stream.indirect.scatter.add.f32 [tilespmem:s30], [sflag:$0x3], $0x8, s28, s20, $0xb8;
	v63 =	vld [tilespmem:$0x0]  }
0x74: {  	_ =	swait.ge [sflag:s21], $0x400  }
0x75: {  	[sflag:s21] =	ssyncset.done $0x0  }
0x76: {  	s29 =	sadd.s32 $0xD80, s25;
	[sflag:s21] =	ssyncadd.s32 $0xFFFFFC00  }
0x77: {  	[spmem:s4] =	stream.indirect.scatter.add.f32 [tilespmem:s31], [sflag:$0x3], $0x8, s29, s20, $0xb8;
	v63 =	vld [tilespmem:$0x0]  }
0x78: {  	_ =	swait.ge [sflag:s21], $0x400  }
0x79: {  	[sflag:s21] =	ssyncset.done $0x0  }
0x7a: {  	s30 =	sadd.s32 $0xE00, s25;
	[sflag:s21] =	ssyncadd.s32 $0xFFFFFC00  }
0x7b: {  	[spmem:s4] =	stream.indirect.scatter.add.f32 [tilespmem:s0], [sflag:$0x3], $0x8, s30, s20, $0xb8;
	v63 =	vld [tilespmem:$0x0]  }
0x7c: {  	_ =	swait.ge [sflag:s21], $0x400  }
0x7d: {  	[sflag:s21] =	ssyncset.done $0x0  }
0x7e: {  	s31 =	sadd.s32 $0xE80, s25;
	[sflag:s21] =	ssyncadd.s32 $0xFFFFFC00  }
0x7f: {  	[spmem:s4] =	stream.indirect.scatter.add.f32 [tilespmem:s2], [sflag:$0x3], $0x8, s31, s20, $0xb8;
	v63 =	vld [tilespmem:$0x0]  }
0x80: {  	_ =	swait.ge [sflag:s21], $0x400  }
0x81: {  	[sflag:s21] =	ssyncset.done $0x0  }
0x82: {  	s2 =	sadd.s32 $0xF00, s25;
	[sflag:s21] =	ssyncadd.s32 $0xFFFFFC00  }
0x83: {  	[spmem:s4] =	stream.indirect.scatter.add.f32 [tilespmem:s1], [sflag:$0x3], $0x8, s2, s20, $0xb8;
	v63 =	vld [tilespmem:$0x0]  }
0x84: {  	_ =	swait.ge [sflag:s21], $0x400  }
0x85: {  	[sflag:s21] =	ssyncset.done $0x0  }
0x86: {  	s26 =	sadd.s32 $0xF80, s25;
	[sflag:s21] =	ssyncadd.s32 $0xFFFFFC00  }
0x87: {  	[spmem:s4] =	stream.indirect.scatter.add.f32 [tilespmem:s18], [sflag:$0x3], $0x8, s26, s20, $0xb8;
	v63 =	vld [tilespmem:$0x0]  }
0x88: {  	_ =	swait.ge [sflag:s21], $0x400  }
0x89: {  	[sflag:s21] =	ssyncset.done $0x0  }
0x8a: {  	s28 =	sor.u32 $0x1000, s25;
	[sflag:s21] =	ssyncadd.s32 $0xFFFFFC00  }
0x8b: {  	[spmem:s4] =	stream.indirect.scatter.add.f32 [tilespmem:s8], [sflag:$0x3], $0x8, s28, s20, $0xb8;
	v63 =	vld [tilespmem:$0x0]  }
0x8c: {  	_ =	swait.ge [sflag:s21], $0x400  }
0x8d: {  	[sflag:s21] =	ssyncset.done $0x0  }
0x8e: {  	s29 =	sor.u32 $0x1080, s25;
	[sflag:s21] =	ssyncadd.s32 $0xFFFFFC00  }
0x8f: {  	[spmem:s4] =	stream.indirect.scatter.add.f32 [tilespmem:s11], [sflag:$0x3], $0x8, s29, s20, $0xb8;
	v63 =	vld [tilespmem:$0x0]  }
0x90: {  	_ =	swait.ge [sflag:s21], $0x400  }
0x91: {  	[sflag:s21] =	ssyncset.done $0x0  }
0x92: {  	p0 =	slt.u32 s24, $0x42;
	s30 =	sor.u32 $0x1100, s25;
	[sflag:s21] =	ssyncadd.s32 $0xFFFFFC00  }
0x93: {  	[spmem:s4] =	stream.indirect.scatter.add.f32 [tilespmem:s12], [sflag:$0x3], $0x8, s30, s20, $0xb8;
	v63 =	vld [tilespmem:$0x0]  }
.Ltmp3:
0x94: {  	_ = 	snop;
	(pc) =	sbr.rel @!p0 .LBB2_5-.Ltmp3, $4  }
0x95: {  	_ =	swait.ge [sflag:s21], $0x400  }
0x96: {  	[sflag:s21] =	ssyncset.done $0x0  }
0x97: {  	s31 =	sor.u32 $0x1180, s25;
	s25 =	smov.u32 s24;
	[sflag:s21] =	ssyncadd.s32 $0xFFFFFC00  }
0x98: {  	[spmem:s4] =	stream.indirect.scatter.add.f32 [tilespmem:s13], [sflag:$0x3], $0x8, s31, s20, $0xb8;
	v63 =	vld [tilespmem:$0x0]  }
.LBB2_2:
0x99: {  	p0 =	seq.s32 s25, $0x0  }
0x9a: {  	s24 =	simm.s32 @!p0 $0x3  }
0x9b: {  	_ =	swait.ge @!p0 [sflag:s24], $0x400  }
0x9c: {  	[sflag:s24] =	ssyncset.done @!p0 $0x0  }
0x9d: {  	[sflag:s24] =	ssyncadd.s32 @!p0 $0xFFFFFC00  }
0x9e: {  	_ =	swait.ge @!p0 [sflag:s24], $0x400  }
0x9f: {  	[sflag:s24] =	ssyncset.done @!p0 $0x0  }
0xa0: {  	[sflag:s24] =	ssyncadd.s32 @!p0 $0xFFFFFC00  }
0xa1: {  	_ =	swait.ge @!p0 [sflag:s24], $0x400  }
0xa2: {  	[sflag:s24] =	ssyncset.done @!p0 $0x0  }
0xa3: {  	[sflag:s24] =	ssyncadd.s32 @!p0 $0xFFFFFC00  }
0xa4: {  	_ =	swait.ge @!p0 [sflag:s24], $0x400  }
0xa5: {  	[sflag:s24] =	ssyncset.done @!p0 $0x0  }
0xa6: {  	[sflag:s24] =	ssyncadd.s32 @!p0 $0xFFFFFC00  }
0xa7: {  	_ =	swait.ge @!p0 [sflag:s24], $0x400  }
0xa8: {  	[sflag:s24] =	ssyncset.done @!p0 $0x0  }
0xa9: {  	[sflag:s24] =	ssyncadd.s32 @!p0 $0xFFFFFC00  }
0xaa: {  	_ =	swait.ge @!p0 [sflag:s24], $0x400  }
0xab: {  	[sflag:s24] =	ssyncset.done @!p0 $0x0  }
0xac: {  	[sflag:s24] =	ssyncadd.s32 @!p0 $0xFFFFFC00  }
0xad: {  	_ =	swait.ge @!p0 [sflag:s24], $0x400  }
0xae: {  	[sflag:s24] =	ssyncset.done @!p0 $0x0  }
0xaf: {  	[sflag:s24] =	ssyncadd.s32 @!p0 $0xFFFFFC00  }
0xb0: {  	_ =	swait.ge @!p0 [sflag:s24], $0x400  }
0xb1: {  	[sflag:s24] =	ssyncset.done @!p0 $0x0  }
0xb2: {  	[sflag:s24] =	ssyncadd.s32 @!p0 $0xFFFFFC00  }
0xb3: {  	_ =	swait.ge @!p0 [sflag:s24], $0x400  }
0xb4: {  	[sflag:s24] =	ssyncset.done @!p0 $0x0  }
0xb5: {  	[sflag:s24] =	ssyncadd.s32 @!p0 $0xFFFFFC00  }
0xb6: {  	_ =	swait.ge @!p0 [sflag:s24], $0x400  }
0xb7: {  	[sflag:s24] =	ssyncset.done @!p0 $0x0  }
0xb8: {  	p1 =	seq.s32 @!p0 s25, $0x41;
	[sflag:s24] =	ssyncadd.s32 @!p0 $0xFFFFFC00  }
0xb9: {  	p1 =	por p0, !p1;
	_ =	swait.ge @!p0 [sflag:s24], $0x400  }
.Ltmp4:
0xba: {  	[sflag:s24] =	ssyncset.done @!p0 $0x0;
	(pc) =	sbr.rel @!p1 .LBB2_4-.Ltmp4, $4  }
0xbb: {  	[sflag:s24] =	ssyncadd.s32 @!p0 $0xFFFFFC00  }
0xbc: {  	_ =	swait.ge @!p0 [sflag:s24], $0x400  }
0xbd: {  	[sflag:s24] =	ssyncset.done @!p0 $0x0  }
0xbe: {  	s26 =	sand.u32 $0x1, s25;
	[sflag:s24] =	ssyncadd.s32 @!p0 $0xFFFFFC00;
	s24 =	simm.s32 @!p0 $0x42  }
0xbf: {  	s24 =	sadd.s32 @!p0 $0x1, s25  }
0xc0: {  	s24 =	simm.s32 @p0 $0x1  }
0xc1: {  	s31 =	smul.u32 $0xC, s24;
	_ =	sdelay $0x1  }
0xc2: {  	s28 =	sxor.u32 $0x1, s26;
	s25 =	sadd.s32 s10, s31  }
0xc3: {  	s28 =	smul.u32 $0x600, s28;
	s25 =	sshll.u32 s25, $0x4  }
.Ltmp5:
0xc4: {  	s25 =	sand.u32 $0x1FFFFFC0, s25;
	(pc) =	sbr.rel .LBB2_4-.Ltmp5, $4  }
0xc5: {  	s29 =	sadd.s32 s6, s25  }
0xc6: {  	[tilespmem:s28], [sflag:$0x1] =	stream.linear.gather [hbm4b:s29+s5], $0x600, $0x38;
	v63 =	vld [tilespmem:$0x0]  }
0xc7: {  	s25 =	sadd.s32 s7, s25;
	s28 =	sadd.s32 $0xC00, s28  }
0xc8: {  	[tilespmem:s28], [sflag:$0x1] =	stream.linear.gather [hbm4b:s25+s5], $0x600, $0x38;
	v63 =	vld [tilespmem:$0x0]  }
.LBB2_6:
0xc9: {  	_ =	sfence.sel $0x180000  }
0xca: {  	[bflag:$0x0] =	sbarrier.arrive $0xFFFF  }
0xcb: {  	_ =	strace $0x9000004D  }
0xcc: {  	s0 =	stileid.u32;
	[bflag:$0x2] =	sbarrier.arrive $0xFFFF  }
0xcd: {  	p0 =	sne.s32 s0, $0x0;
	s0 =	rddreg [dreg:$0x4]  }
0xce: {  	s0 =	sadd.s32 @!p0 $0x100000, s0  }
0xcf: {  	[sflag:s0] =	ssyncadd.tile.s32 @!p0 $0x1;
	_ =	shalt  }
.Lfunc_end2:
_tile_overlayer_lowered:
.L_overlay_start_2:
0xd0: {  	(tag) =	ssettag $0x2  }
0xd1: {  	s0 =	rddreg [dreg:$0x0];
	s2 =	stileid.u32  }
0xd2: {  	s1 =	rddreg [dreg:$0x1];
	p0 =	sne.s32 s2, $0x0  }
0xd3: {  	s3 =	rddreg [dreg:$0x2];
	[bflag:$0x3] =	sbarrier.arrive $0xFFFF;
	s2 =	simm.s32 @!p0 $0x1C04  }
0xd4: {  	[timem:s3], [sflag:s2] =	dma.local @!p0 [hbm:s0], s1  }
0xd5: {  	s0 =	simm.s32 @!p0 $0x4  }
0xd6: {  	_ =	swait.ge @!p0 [sflag:s0], s1  }
0xd7: {  	s1 =	ssub.s32 @!p0 $0x0, s1;
	[sflag:s0] =	ssyncset.done @!p0 $0x0  }
0xd8: {  	[sflag:s0] =	ssyncadd.s32 @!p0 s1  }
0xd9: {  	[bflag:$0x3] =	sbarrier.arrive $0xFFFF  }
0xda: {  	_ =	shalt  }

// kernel: kernel.8.cloned.1.call-start
scs
__scs_entry_jumppad:
0x0: {  	(pc) =	sbr.rel $0x88, $3  }
0x1: {  	(tag) =	ssettag $0x0;
	lr =	simm.s32 $0x1  }
0x2: {  	[smem:$0x3F9B] =	sst lr;
	_ =	strace $0xD0000000  }
0x3: {  	_ = 	snop  }
0x4: {  	_ = 	snop  }
0x5: {  	_ = 	snop  }
0x6: {  	_ = 	snop  }
0x7: {  	_ = 	snop  }
__scs_overlays_trampoline_lowered:
0x8: {  	[smem:$0x3FAA] =	sst s0  }
0x9: {  	[smem:$0x3FAB] =	sst s1  }
0xa: {  	[smem:$0x3FAC] =	sst s2  }
0xb: {  	[smem:$0x3FAD] =	sst s3  }
0xc: {  	[smem:$0x3FAE] =	sst s4  }
0xd: {  	[smem:$0x3FAF] =	sst s5  }
0xe: {  	[smem:$0x3FB0] =	sst s6  }
0xf: {  	[smem:$0x3FB1] =	sst s7  }
0x10: {  	[smem:$0x3FB2] =	sst s8  }
0x11: {  	[smem:$0x3FB3] =	sst s9;
	s0 =	simm.s32 @!p0 $0x0  }
0x12: {  	s1 =	sld [smem:$0x3F99];
	s0 =	simm.s32 @p0 $0x1  }
0x13: {  	[smem:$0x3FB4] =	sst s0;
	s0 =	simm.s32 @!p1 $0x0  }
0x14: {  	s2 =	sld [smem:$0x3F98];
	s0 =	simm.s32 @p1 $0x1  }
0x15: {  	[smem:$0x3FB5] =	sst s0;
	s0 =	simm.s32 @!p2 $0x0  }
0x16: {  	s3 =	sld [smem:$0x3FDB];
	s0 =	simm.s32 @p2 $0x1  }
0x17: {  	s4 =	simm.s32 $0x1BF5;
	[smem:$0x3FB7] =	sst s0  }
0x18: {  	s0 =	sld [smem:$0x3F9A];
	_ =	swait.ge [sflag:s4], $0x0  }
0x19: {  	s7 =	sld [smem:$0x3F9B]  }
0x1a: {  	s8 =	sadd.s32 $0xFFFFE003, lr  }
0x1b: {  	s9 =	sadd.s32 $0xFFFFFEF7, lr;
	s5 =	simm.s32 $0xFFFFFFFF;
	p2 =	slt.u32 s8, $0xFFFFF086  }
0x1c: {  	p1 =	slt.u32 s9, $0xF7A;
	s5 =	simm.s32 @!p2 $0x0  }
0x1d: {  	s5 =	simm.s32 @p1 $0x1;
	p0 =	seq.s32 s7, s2  }
0x1e: {  	s7 =	smul.u32 @!p0 $0xF7A, s2;
	p2 =	seq.s32 @!p0 s5, $0x0  }
0x1f: {  	s9 =	smul.u32 $0xF7A, s1;
	s8 =	simm.s32 @!p0 $0x1BF5;
	p2 =	por !p2, p0  }
0x20: {  	[sflag:s8] =	ssyncset.s32 @!p0 $0xFFFFF086;
	s6 =	sadd.s32 @!p0 s3, s7;
	s7 =	simm.s32 @!p0 $0x108  }
0x21: {  	s3 =	sadd.s32 s3, s9;
	s6 =	sadd.s32 @!p0 $0x88, s6;
	s7 =	simm.s32 @p2 $0x1082  }
0x22: {  	[simem:s7], [sflag:s8] =	dma.local @!p0 [hbm:s6], $0xF7A  }
0x23: {  	s9 =	sor.u32 $0xD0000000, s2;
	s6 =	simm.s32 $0x108;
	_ =	swait.ge @!p0 [sflag:s8], $0x0  }
0x24: {  	s3 =	sadd.s32 $0x88, s3;
	s6 =	simm.s32 @!p1 $0x1082;
	[sflag:s4] =	ssyncset.s32 $0xFFFFF086  }
0x25: {  	[simem:s6], [sflag:s4] =	dma.local [hbm:s3], $0xF7A  }
0x26: {  	[smem:$0x3F9B] =	sst s1;
	(tag) =	ssettag s2;
	_ =	strace s9  }
0x27: {  	s1 =	sld [smem:$0x3FAB]  }
0x28: {  	s2 =	sld [smem:$0x3FAC]  }
0x29: {  	s4 =	sld [smem:$0x3FAE]  }
0x2a: {  	p0 =	seq.s32 s5, $0x0;
	s5 =	sld [smem:$0x3FAF]  }
0x2b: {  	s6 =	sld [smem:$0x3FB0]  }
0x2c: {  	s7 =	sld [smem:$0x3FB1]  }
0x2d: {  	s3 =	simm.s32 $0x108;
	s8 =	sld [smem:$0x3FB2]  }
0x2e: {  	s3 =	simm.s32 @!p0 $0x1082;
	s9 =	sld [smem:$0x3FB3]  }
0x2f: {  	lr =	sadd.s32 s0, s3;
	s0 =	sld [smem:$0x3FAA]  }
0x30: {  	s3 =	sld [smem:$0x3FAD]  }
0x31: {  	[smem:$0x3FB6] =	sst s10  }
0x32: {  	s10 =	sld [smem:$0x3FB4];
	_ =	sdelay $0x3  }
0x33: {  	p0 =	seq.s32 s10, $0x1;
	s10 =	sld [smem:$0x3FB6];
	_ =	sdelay $0x3  }
0x34: {  	[smem:$0x3FB6] =	sst s10  }
0x35: {  	s10 =	sld [smem:$0x3FB5];
	_ =	sdelay $0x3  }
0x36: {  	p1 =	seq.s32 s10, $0x1;
	s10 =	sld [smem:$0x3FB6];
	_ =	sdelay $0x3  }
0x37: {  	[smem:$0x3FB6] =	sst s10  }
0x38: {  	s10 =	sld [smem:$0x3FB7]  }
0x39: {  	_ = 	snop;
	(pc) =	sbr.ind lr, $3  }
0x3a: {  	_ = 	snop  }
0x3b: {  	_ = 	snop  }
0x3c: {  	p2 =	seq.s32 s10, $0x1;
	s10 =	sld [smem:$0x3FB6]  }
0x3d: {  	_ =	shalt  }
0x3e: {  	_ =	shalt  }
0x3f: {  	_ =	shalt  }
0x40: {  	_ =	shalt  }
0x41: {  	_ =	shalt  }
0x42: {  	_ =	shalt  }
0x43: {  	_ =	shalt  }
0x44: {  	_ =	shalt  }
0x45: {  	_ =	shalt  }
0x46: {  	_ =	shalt  }
0x47: {  	_ =	shalt  }
0x48: {  	_ =	shalt  }
0x49: {  	_ =	shalt  }
0x4a: {  	_ =	shalt  }
0x4b: {  	_ =	shalt  }
0x4c: {  	_ =	shalt  }
0x4d: {  	_ =	shalt  }
0x4e: {  	_ =	shalt  }
0x4f: {  	_ =	shalt  }
0x50: {  	_ =	shalt  }
0x51: {  	_ =	shalt  }
0x52: {  	_ =	shalt  }
0x53: {  	_ =	shalt  }
0x54: {  	_ =	shalt  }
0x55: {  	_ =	shalt  }
0x56: {  	_ =	shalt  }
0x57: {  	_ =	shalt  }
0x58: {  	_ =	shalt  }
0x59: {  	_ =	shalt  }
0x5a: {  	_ =	shalt  }
0x5b: {  	_ =	shalt  }
0x5c: {  	_ =	shalt  }
0x5d: {  	_ =	shalt  }
0x5e: {  	_ =	shalt  }
0x5f: {  	_ =	shalt  }
0x60: {  	_ =	shalt  }
0x61: {  	_ =	shalt  }
0x62: {  	_ =	shalt  }
0x63: {  	_ =	shalt  }
0x64: {  	_ =	shalt  }
0x65: {  	_ =	shalt  }
0x66: {  	_ =	shalt  }
0x67: {  	_ =	shalt  }
0x68: {  	_ =	shalt  }
0x69: {  	_ =	shalt  }
0x6a: {  	_ =	shalt  }
0x6b: {  	_ =	shalt  }
0x6c: {  	_ =	shalt  }
0x6d: {  	_ =	shalt  }
0x6e: {  	_ =	shalt  }
0x6f: {  	_ =	shalt  }
0x70: {  	_ =	shalt  }
0x71: {  	_ =	shalt  }
0x72: {  	_ =	shalt  }
0x73: {  	_ =	shalt  }
0x74: {  	_ =	shalt  }
0x75: {  	_ =	shalt  }
0x76: {  	_ =	shalt  }
0x77: {  	_ =	shalt  }
0x78: {  	_ =	shalt  }
0x79: {  	_ =	shalt  }
0x7a: {  	_ =	shalt  }
0x7b: {  	_ =	shalt  }
0x7c: {  	_ =	shalt  }
0x7d: {  	_ =	shalt  }
0x7e: {  	_ =	shalt  }
0x7f: {  	_ =	shalt  }
0x80: {  	_ =	shalt  }
0x81: {  	_ =	shalt  }
0x82: {  	_ =	shalt  }
0x83: {  	_ =	shalt  }
0x84: {  	_ =	shalt  }
0x85: {  	_ =	shalt  }
0x86: {  	_ =	shalt  }
0x87: {  	_ =	shalt  }
.Lfunc_end0:
.L_simem_size_0:
called_computation_lowered:
.L_overlay_start_0:
0x88: {  	s2 =	sld [smem:$0x3FD9]  }
0x89: {  	s3 =	sld [smem:$0x3FFE];
	_ =	sdelay $0x1  }
0x8a: {  	s1 =	srdreg.scid  }
0x8b: {  	s0 =	sand.u32 $0x1, s1  }
0x8c: {  	s17 =	sshll.u32 s0, $0xA;
	s2 =	sadd.s32 s3, s2  }
0x8d: {  	s2 =	sadd.s32 s2, s17  }
0x8e: {  	[smem:$0x3FC2] =	sst s2  }
0x8f: {  	_ = 	snop  }
0x90: {  	s2 =	sld [smem:$0x3FD0];
	(tm) =	ssettm $0x1  }
0x91: {  	s18 =	sld [smem:$0x3FFB];
	_ =	sdelay $0x3  }
0x92: {  	_ =	strace s18  }
0x93: {  	s3 =	sld [smem:$0x3FFC];
	_ =	sdelay $0x3  }
0x94: {  	_ =	strace s3  }
0x95: {  	s3 =	sld [smem:$0x3FFD];
	_ =	sdelay $0x3  }
0x96: {  	_ =	strace s3  }
0x97: {  	_ =	strace $0x8FFFFFFF  }
0x98: {  	s19 =	sld [smem:$0x3FDB];
	_ =	sdelay $0x1  }
0x99: {  	s4 =	simm.s32 $_scs_section_size  }
0x9a: {  	s5 =	simm.s32 $_size__tile_overlayer_lowered;
	s6 =	simm.s32 $_tile_overlayer_lowered  }
0x9b: {  	s22 =	simm.s32 $0x1BFF;
	s21 =	sshll.u32 s6, $0x1;
	s3 =	sadd.s32 s4, s19  }
0x9c: {  	s7 =	simm.s32 $0x0;
	s20 =	sshll.u32 s5, $0x1;
	s5 =	sadd.s32 s21, s3  }
0x9d: {  	[timem:s7], [sflag:s22] =	dma.local [hbm:s5], s20  }
0x9e: {  	_ =	swait.ge [sflag:s22], s20  }
0x9f: {  	s4 =	ssub.s32 $0x0, s20;
	[sflag:s22] =	ssyncset.done $0x0  }
0xa0: {  	[sflag:s22] =	ssyncadd.s32 s4;
	_ =	sdelay $0x1  }
0xa1: {  	s23 =	simm.s32 $0x1B8B  }
0xa2: {  	_ =	swait.ge [sflag:s23], $0x1  }
0xa3: {  	[sflag:s23] =	ssyncset.done $0x0  }
0xa4: {  	s25 =	simm.s32 $0x1B8E;
	s24 =	sld [smem:$0x3FFE];
	[sflag:s23] =	ssyncadd.s32 $0xFFFFFFFF  }
0xa5: {  	s26 =	simm.s32 $execute0_lowered;
	[smem:$0x3FD2] =	sst s25  }
0xa6: {  	s5 =	sshll.u32 s26, $0x1;
	_ =	strace $0x80000046;
	[dreg:$0x1] =	wrdreg $0xFFFFFFFF  }
0xa7: {  	s28 =	simm.s32 $_size_execute0_lowered;
	s3 =	sadd.s32 s3, s5;
	[dreg:$0x0] =	wrdreg $0x0  }
0xa8: {  	s5 =	sshll.u32 s28, $0x1;
	[dreg:$0x2] =	wrdreg s3  }
0xa9: {  	[dreg:$0x3] =	wrdreg s5  }
0xaa: {  	[dreg:$0x4] =	wrdreg $0xC0  }
0xab: {  	_ =	task [dreg:s7], $0x5FFFF  }
0xac: {  	[dreg:$0x1] =	wrdreg $0xFFFFFFFF  }
0xad: {  	[dreg:$0x0] =	wrdreg $0x60  }
0xae: {  	[dreg:$0x2] =	wrdreg s24  }
0xaf: {  	[dreg:$0x3] =	wrdreg s2  }
0xb0: {  	[dreg:$0x4] =	wrdreg $0x10000  }
0xb1: {  	[dreg:$0x5] =	wrdreg $0x9  }
0xb2: {  	_ =	task.clear_ibuf [dreg:s7], $0x6FFFF;
	_ =	strace $0x90000046  }
0xb3: {  	s29 =	simm.s32 $0x9;
	_ =	strace $0x80000048  }
0xb4: {  	_ =	swait.ge [sflag:s29], $0x1  }
0xb5: {  	[sflag:s29] =	ssyncadd.s32 $0xFFFFFFFF  }
0xb6: {  	_ =	strace $0x90000048  }
0xb7: {  	_ =	sfence  }
0xb8: {  	s30 =	sld [smem:$0x0];
	_ =	sdelay $0x2  }
0xb9: {  	s31 =	sshll.u32 s1, $0xD;
	s1 =	sshrl.u32 s1, $0x2  }
0xba: {  	s3 =	sand.u32 $0x4000, s31;
	s1 =	sadd.s32 s1, s30  }
0xbb: {  	s0 =	sor.u32 s3, s0;
	s1 =	sshll.u32 s1, $0x11  }
0xbc: {  	s0 =	sor.u32 s1, s0  }
0xbd: {  	s0 =	sadd.s32 $0x8F2B, s0  }
0xbe: {  	[sflag:s0] =	ssyncadd.remote.s32 $0x1  }
0xbf: {  	_ =	sfence.sel $0xFFFF  }
0xc0: {  	[dreg:$0x0] =	wrdreg $0xFFFFFFFF;
	(pc) =	sbr.abs _section_cstart, $3  }
0xc1: {  	[dreg:$0x1] =	wrdreg $0xFFFFFFFF  }
0xc2: {  	_ =	task.clear_ibuf [dreg:s7], $0x2FFFF;
	_ =	strace $0x9FFFFFFF  }
0xc3: {  	(tm) =	ssettm $0x7FFFFFFF  }
tec
execute0_lowered:
.L_overlay_start_1:
0x0: {  	(tag) =	ssettag $0x1  }
0x1: {  	s7 =	rddreg [dreg:$0x0]  }
0x2: {  	s2 =	rddreg [dreg:$0x1]  }
0x3: {  	s0 =	srdreg.scid;
	s3 =	rddreg [dreg:$0x2]  }
0x4: {  	s1 =	stileid.u32;
	s4 =	simm.s32 $0x0;
	s15 =	simm.s32 $0x1  }
0x5: {  	s16 =	simm.s32 $0x80;
	s8 =	sand.u32 $0x1, s0;
	s0 =	rddreg [dreg:$0x3]  }
0x6: {  	s17 =	simm.s32 $0x2;
	s18 =	simm.s32 $0x0;
	[smem:$0x7FF] =	sst s4  }
0x7: {  	s11 =	smul.u32 $0x31000, s1;
	s6 =	sadd.s32 $0x65400, s7;
	s5 =	sshll.u32 s8, $0x4  }
0x8: {  	s31 =	sshll.u32 s1, $0x6;
	_ =	strace $0x80000047;
	s9 =	sor.u32 s1, s5  }
0x9: {  	s30 =	ssub.s32 $0x2, s8;
	s5 =	sadd.s32 $0x2400, s7;
	s10 =	smul.u32 $0x1880, s9  }
.Ltmp0:
0xa: {  	s8 =	sshrl.u32 s30, $0x1;
	s11 =	sshrl.u32 s11, $0x2;
	(pc) =	sbr.rel .LBB2_1-.Ltmp0, $4  }
0xb: {  	s12 =	smul.u32 $0x3180, s9;
	s13 =	ssub.s32 s30, s8;
	s14 =	sadd.s32 s11, s3  }
0xc: {  	s11 =	simm.s32 $0xC00;
	s14 =	sshrl.u32 s14, $0x3;
	s10 =	sadd.s32 s10, s7  }
0xd: {  	s7 =	smul.u32 $0x318, s9;
	s8 =	sadd.s32 s5, s12;
	s12 =	simm.s32 $0x3  }
0xe: {  	s9 =	sadd.s32 $0x65600, s10;
	s10 =	smax.u32 s13, $0x1;
	s13 =	sor.u32 $0x1C03, s31  }
.LBB2_5:
0xf: {  	_ =	swait.ge [sflag:s17], $0x400  }
0x10: {  	[sflag:s17] =	ssyncset.done $0x0  }
0x11: {  	[sflag:s17] =	ssyncadd.s32 $0xFFFFFC00  }
0x12: {  	_ =	swait.ge [sflag:s17], $0x400  }
0x13: {  	[sflag:s17] =	ssyncset.done $0x0  }
0x14: {  	[sflag:s17] =	ssyncadd.s32 $0xFFFFFC00  }
0x15: {  	_ =	swait.ge [sflag:s17], $0x400  }
0x16: {  	[sflag:s17] =	ssyncset.done $0x0  }
0x17: {  	[sflag:s17] =	ssyncadd.s32 $0xFFFFFC00  }
0x18: {  	_ =	swait.ge [sflag:s17], $0x400  }
0x19: {  	[sflag:s17] =	ssyncset.done $0x0  }
0x1a: {  	[sflag:s17] =	ssyncadd.s32 $0xFFFFFC00  }
0x1b: {  	_ =	swait.ge [sflag:s17], $0x400  }
0x1c: {  	[sflag:s17] =	ssyncset.done $0x0  }
0x1d: {  	[sflag:s17] =	ssyncadd.s32 $0xFFFFFC00  }
0x1e: {  	_ =	swait.ge [sflag:s17], $0x400  }
0x1f: {  	[sflag:s17] =	ssyncset.done $0x0  }
0x20: {  	[sflag:s17] =	ssyncadd.s32 $0xFFFFFC00  }
0x21: {  	_ =	swait.ge [sflag:s17], $0x400  }
0x22: {  	[sflag:s17] =	ssyncset.done $0x0  }
0x23: {  	[sflag:s17] =	ssyncadd.s32 $0xFFFFFC00  }
0x24: {  	_ =	swait.ge [sflag:s17], $0x400  }
0x25: {  	[sflag:s17] =	ssyncset.done $0x0  }
0x26: {  	[sflag:s17] =	ssyncadd.s32 $0xFFFFFC00  }
0x27: {  	_ =	swait.ge [sflag:s17], $0x400  }
0x28: {  	[sflag:s17] =	ssyncset.done $0x0  }
0x29: {  	[sflag:s17] =	ssyncadd.s32 $0xFFFFFC00  }
0x2a: {  	_ =	swait.ge [sflag:s17], $0x400  }
0x2b: {  	[sflag:s17] =	ssyncset.done $0x0  }
0x2c: {  	[sflag:s17] =	ssyncadd.s32 $0xFFFFFC00  }
0x2d: {  	_ =	swait.ge [sflag:s17], $0x400  }
0x2e: {  	[sflag:s17] =	ssyncset.done $0x0  }
0x2f: {  	[sflag:s17] =	ssyncadd.s32 $0xFFFFFC00  }
0x30: {  	_ =	swait.ge [sflag:s17], $0x400  }
0x31: {  	s18 =	sadd.s32 $0x1, s18;
	[sflag:s17] =	ssyncset.done $0x0  }
0x32: {  	p0 =	sne.s32 s18, s10;
	[sflag:s17] =	ssyncadd.s32 $0xFFFFFC00  }
.Ltmp1:
0x33: {  	[bflag:$0x0] =	sbarrier.arrive $0xFFFF;
	(pc) =	sbr.rel @!p0 .LBB2_6-.Ltmp1, $4  }
0x34: {  	[hbm:s9], [sflag:s13] =	dma.local [spmem:s14], $0x1880  }
0x35: {  	_ =	swait.ge [sflag:s12], $0x1880  }
0x36: {  	[sflag:s12] =	ssyncset.done $0x0  }
0x37: {  	[sflag:s12] =	ssyncadd.s32 $0xFFFFE780  }
.LBB2_1:
0x38: {  	[tilespmem:s11], [sflag:$0x3] =	stream.linear.gather [hbm4b:s6+s4], $0x400, $0x38;
	[tilespmem:$0xD400] =	vst v63  }
0x39: {  	_ =	swait.ge [sflag:s12], $0x400  }
0x3a: {  	[sflag:s12] =	ssyncset.done $0x0  }
0x3b: {  	[sflag:s12] =	ssyncadd.s32 $0xFFFFFC00  }
0x3c: {  	[spmem:s14], [sflag:s13] =	dma.local [hbm:s2], $0x1880  }
.Ltmp2:
0x3d: {  	_ =	swait.ge [sflag:s12], $0x1880;
	(pc) =	sbr.rel .LBB2_2-.Ltmp2, $4  }
0x3e: {  	[sflag:s12] =	ssyncset.done $0x0  }
0x3f: {  	[sflag:s12] =	ssyncadd.s32 $0xFFFFE780  }
0x40: {  	s19 =	simm.s32 $0x0;
	[bflag:$0x0] =	sbarrier.arrive $0xFFFF  }
0x41: {  	[tilespmem:s4], [sflag:$0x1] =	stream.linear.gather [hbm4b:s8+s4], $0x600, $0x38;
	[tilespmem:$0xD400] =	vst v63  }
.LBB2_4:
0x42: {  	_ =	swait.ge [sflag:s15], $0x600;
	s19 =	smul.u32 $0x1800, s21  }
0x43: {  	[sflag:s15] =	ssyncset.done $0x0  }
0x44: {  	[sflag:s15] =	ssyncadd.s32 $0xFFFFFA00;
	s19 =	sshrl.u32 s19, $0x2  }
0x45: {  	[spmem:s3] =	stream.indirect.scatter.add.f32 [tilespmem:s11], [sflag:$0x2], $0x8, s19, s16, $0xb8;
	[tilespmem:$0xD400] =	vst v63  }
0x46: {  	s31 =	sor.u32 $0x80, s19  }
0x47: {  	[spmem:s3] =	stream.indirect.scatter.add.f32 [tilespmem:s11], [sflag:$0x2], $0x8, s31, s16, $0xb8;
	[tilespmem:$0xD400] =	vst v63  }
0x48: {  	s22 =	sor.u32 $0x100, s19  }
0x49: {  	[spmem:s3] =	stream.indirect.scatter.add.f32 [tilespmem:s11], [sflag:$0x2], $0x8, s22, s16, $0xb8;
	[tilespmem:$0xD400] =	vst v63  }
0x4a: {  	s23 =	sor.u32 $0x180, s19  }
0x4b: {  	[spmem:s3] =	stream.indirect.scatter.add.f32 [tilespmem:s11], [sflag:$0x2], $0x8, s23, s16, $0xb8;
	[tilespmem:$0xD400] =	vst v63  }
0x4c: {  	s24 =	sadd.s32 $0x200, s19  }
0x4d: {  	[spmem:s3] =	stream.indirect.scatter.add.f32 [tilespmem:s11], [sflag:$0x2], $0x8, s24, s16, $0xb8;
	[tilespmem:$0xD400] =	vst v63  }
0x4e: {  	s25 =	sadd.s32 $0x280, s19  }
0x4f: {  	[spmem:s3] =	stream.indirect.scatter.add.f32 [tilespmem:s11], [sflag:$0x2], $0x8, s25, s16, $0xb8;
	[tilespmem:$0xD400] =	vst v63  }
0x50: {  	s26 =	sadd.s32 $0x300, s19  }
0x51: {  	[spmem:s3] =	stream.indirect.scatter.add.f32 [tilespmem:s11], [sflag:$0x2], $0x8, s26, s16, $0xb8;
	[tilespmem:$0xD400] =	vst v63  }
0x52: {  	s28 =	sadd.s32 $0x380, s19  }
0x53: {  	[spmem:s3] =	stream.indirect.scatter.add.f32 [tilespmem:s11], [sflag:$0x2], $0x8, s28, s16, $0xb8;
	[tilespmem:$0xD400] =	vst v63  }
0x54: {  	s29 =	sadd.s32 $0x400, s19  }
0x55: {  	[spmem:s3] =	stream.indirect.scatter.add.f32 [tilespmem:s11], [sflag:$0x2], $0x8, s29, s16, $0xb8;
	[tilespmem:$0xD400] =	vst v63  }
0x56: {  	p0 =	slt.u32 s20, $0x42;
	s30 =	sadd.s32 $0x480, s19  }
0x57: {  	[spmem:s3] =	stream.indirect.scatter.add.f32 [tilespmem:s11], [sflag:$0x2], $0x8, s30, s16, $0xb8;
	[tilespmem:$0xD400] =	vst v63  }
.Ltmp3:
0x58: {  	s31 =	sadd.s32 $0x500, s19;
	(pc) =	sbr.rel @!p0 .LBB2_5-.Ltmp3, $4  }
0x59: {  	[spmem:s3] =	stream.indirect.scatter.add.f32 [tilespmem:s11], [sflag:$0x2], $0x8, s31, s16, $0xb8;
	[tilespmem:$0xD400] =	vst v63  }
0x5a: {  	s19 =	sadd.s32 $0x580, s19  }
0x5b: {  	[spmem:s3] =	stream.indirect.scatter.add.f32 [tilespmem:s11], [sflag:$0x2], $0x8, s19, s16, $0xb8;
	[tilespmem:$0xD400] =	vst v63  }
0x5c: {  	s19 =	smov.u32 s20  }
.LBB2_2:
0x5d: {  	p0 =	seq.s32 s19, $0x0  }
0x5e: {  	s20 =	simm.s32 @!p0 $0x2  }
0x5f: {  	_ =	swait.ge @!p0 [sflag:s20], $0x400  }
0x60: {  	[sflag:s20] =	ssyncset.done @!p0 $0x0  }
0x61: {  	[sflag:s20] =	ssyncadd.s32 @!p0 $0xFFFFFC00  }
0x62: {  	_ =	swait.ge @!p0 [sflag:s20], $0x400  }
0x63: {  	[sflag:s20] =	ssyncset.done @!p0 $0x0  }
0x64: {  	[sflag:s20] =	ssyncadd.s32 @!p0 $0xFFFFFC00  }
0x65: {  	_ =	swait.ge @!p0 [sflag:s20], $0x400  }
0x66: {  	[sflag:s20] =	ssyncset.done @!p0 $0x0  }
0x67: {  	[sflag:s20] =	ssyncadd.s32 @!p0 $0xFFFFFC00  }
0x68: {  	_ =	swait.ge @!p0 [sflag:s20], $0x400  }
0x69: {  	[sflag:s20] =	ssyncset.done @!p0 $0x0  }
0x6a: {  	[sflag:s20] =	ssyncadd.s32 @!p0 $0xFFFFFC00  }
0x6b: {  	_ =	swait.ge @!p0 [sflag:s20], $0x400  }
0x6c: {  	[sflag:s20] =	ssyncset.done @!p0 $0x0  }
0x6d: {  	[sflag:s20] =	ssyncadd.s32 @!p0 $0xFFFFFC00  }
0x6e: {  	_ =	swait.ge @!p0 [sflag:s20], $0x400  }
0x6f: {  	[sflag:s20] =	ssyncset.done @!p0 $0x0  }
0x70: {  	[sflag:s20] =	ssyncadd.s32 @!p0 $0xFFFFFC00  }
0x71: {  	_ =	swait.ge @!p0 [sflag:s20], $0x400  }
0x72: {  	[sflag:s20] =	ssyncset.done @!p0 $0x0  }
0x73: {  	[sflag:s20] =	ssyncadd.s32 @!p0 $0xFFFFFC00  }
0x74: {  	_ =	swait.ge @!p0 [sflag:s20], $0x400  }
0x75: {  	[sflag:s20] =	ssyncset.done @!p0 $0x0  }
0x76: {  	[sflag:s20] =	ssyncadd.s32 @!p0 $0xFFFFFC00  }
0x77: {  	_ =	swait.ge @!p0 [sflag:s20], $0x400  }
0x78: {  	[sflag:s20] =	ssyncset.done @!p0 $0x0  }
0x79: {  	[sflag:s20] =	ssyncadd.s32 @!p0 $0xFFFFFC00  }
0x7a: {  	_ =	swait.ge @!p0 [sflag:s20], $0x400  }
0x7b: {  	[sflag:s20] =	ssyncset.done @!p0 $0x0  }
0x7c: {  	p1 =	seq.s32 @!p0 s19, $0x41;
	[sflag:s20] =	ssyncadd.s32 @!p0 $0xFFFFFC00  }
0x7d: {  	p1 =	por p0, !p1;
	_ =	swait.ge @!p0 [sflag:s20], $0x400  }
.Ltmp4:
0x7e: {  	[sflag:s20] =	ssyncset.done @!p0 $0x0;
	(pc) =	sbr.rel @!p1 .LBB2_4-.Ltmp4, $4  }
0x7f: {  	[sflag:s20] =	ssyncadd.s32 @!p0 $0xFFFFFC00  }
0x80: {  	_ =	swait.ge @!p0 [sflag:s20], $0x400  }
0x81: {  	[sflag:s20] =	ssyncset.done @!p0 $0x0  }
0x82: {  	s21 =	sand.u32 $0x1, s19;
	[sflag:s20] =	ssyncadd.s32 @!p0 $0xFFFFFC00;
	s20 =	simm.s32 @!p0 $0x42  }
0x83: {  	s20 =	sadd.s32 @!p0 $0x1, s19  }
0x84: {  	s20 =	simm.s32 @p0 $0x1  }
0x85: {  	s31 =	smul.u32 $0xC, s20;
	_ =	sdelay $0x1  }
.Ltmp5:
0x86: {  	s22 =	sxor.u32 $0x1, s21;
	s19 =	sadd.s32 s7, s31;
	(pc) =	sbr.rel .LBB2_4-.Ltmp5, $4  }
0x87: {  	s22 =	smul.u32 $0x1800, s22;
	s19 =	sshll.u32 s19, $0x4  }
0x88: {  	s19 =	sand.u32 $0x1FFFFFC0, s19  }
0x89: {  	s22 =	sshrl.u32 s22, $0x2;
	s19 =	sadd.s32 s5, s19  }
0x8a: {  	[tilespmem:s22], [sflag:$0x1] =	stream.linear.gather [hbm4b:s19+s4], $0x600, $0x38;
	[tilespmem:$0xD400] =	vst v63  }
.LBB2_6:
0x8b: {  	_ =	sfence.sel $0x180000  }
0x8c: {  	[bflag:$0x0] =	sbarrier.arrive $0xFFFF  }
0x8d: {  	p0 =	sne.s32 s1, $0x0;
	_ =	strace $0x90000047  }
0x8e: {  	s0 =	sadd.s32 @!p0 $0x100000, s0;
	[bflag:$0x2] =	sbarrier.arrive $0xFFFF  }
0x8f: {  	[sflag:s0] =	ssyncadd.tile.s32 @!p0 $0x1;
	_ =	shalt  }
.Lfunc_end2:
_tile_overlayer_lowered:
.L_overlay_start_2:
0x90: {  	(tag) =	ssettag $0x2  }
0x91: {  	s0 =	rddreg [dreg:$0x0];
	s2 =	stileid.u32  }
0x92: {  	s1 =	rddreg [dreg:$0x1];
	p0 =	sne.s32 s2, $0x0  }
0x93: {  	s3 =	rddreg [dreg:$0x2];
	[bflag:$0x3] =	sbarrier.arrive $0xFFFF;
	s2 =	simm.s32 @!p0 $0x1C03  }
0x94: {  	[timem:s3], [sflag:s2] =	dma.local @!p0 [hbm:s0], s1  }
0x95: {  	s0 =	simm.s32 @!p0 $0x3  }
0x96: {  	_ =	swait.ge @!p0 [sflag:s0], s1  }
0x97: {  	s1 =	ssub.s32 @!p0 $0x0, s1;
	[sflag:s0] =	ssyncset.done @!p0 $0x0  }
0x98: {  	[sflag:s0] =	ssyncadd.s32 @!p0 s1  }
0x99: {  	[bflag:$0x3] =	sbarrier.arrive $0xFFFF  }
0x9a: {  	_ =	shalt  }

</sc_bundles>
